<compile_context>
chip_gen: v7x
topology: tpu7x:2x2x1
jax: 0.10.2.dev20260603
libtpu: 0.0.44.dev20260713+nightly
codegen_flags: <defaults>
</compile_context>

<pallas_src>
import functools

import jax
import jax.numpy as jnp
from jax import lax
from jax.experimental import pallas as pl
from jax.experimental.pallas import tpu as pltpu
from jax.experimental.pallas import tpu_sc as plsc

PATCH = 1024
HEADS = 16
HPAIRS = HEADS // 2
POS_BND = int((4 * PATCH) ** (1 / 3) * 2)
RPE_NUM = 2 * POS_BND + 1

B = 8
S = 512
N = B * S * S
NC, NS, L = 2, 16, 16
NW = NC * NS
PER_W = N // NW
BPR = 8
BPC = 256
BP = BPR * BPC
NBLK = PER_W // BP
NGRP = BP // L
GPR = BPC // L
Q_PER_B = (S * S) // PER_W
ROWS_W = PER_W // S

_T01_ROWS = RPE_NUM * RPE_NUM
STRIDE = HPAIRS + 1
_C01 = (POS_BND * RPE_NUM + POS_BND) * STRIDE
_C2B = POS_BND * (HPAIRS * L)


def _rpe_body(
    t01_hbm, t2_hbm, coord_hbm, out_hbm,
    t01_v, t2b_v, ca_v, cb_v, oa_v, ob_v,
    sem_ca, sem_cb, sem_oa, sem_ob,
):
    wid = lax.axis_index("c") * NS + lax.axis_index("s")
    b = wid // Q_PER_B
    q = wid % Q_PER_B

    def blk_rc(blk):
        return q * ROWS_W + (blk // 2) * BPR, (blk % 2) * BPC

    def coord_src(blk):
        r0, c0 = blk_rc(blk)
        return coord_hbm.at[b, :, pl.ds(r0, BPR), pl.ds(c0, BPC)]

    def out_dst(blk, hh):
        r0, c0 = blk_rc(blk)
        return out_hbm.at[b, pl.ds(hh * 8, 8), pl.ds(r0, BPR), pl.ds(c0, BPC)]

    pltpu.async_copy(coord_src(0), ca_v, sem_ca)
    pltpu.sync_copy(t01_hbm, t01_v)
    pltpu.sync_copy(t2_hbm, t2b_v)

    iota = lax.iota(jnp.int32, L)

    def do_half_block(blk, cv, ov, sem_o, hh):

        @pl.when(blk > 0)
        def _():
            pltpu.make_async_copy(ov, out_dst(blk - 1, hh), sem_o).wait()

        @plsc.parallel_loop(0, NGRP, unroll=8)
        def group_body(g):
            r = lax.shift_right_logical(g, 4)
            col = (g & (GPR - 1)) * L
            c0 = cv[0, r, pl.ds(col, L)]
            c1 = cv[1, r, pl.ds(col, L)]
            c2 = cv[2, r, pl.ds(col, L)]
            c0 = jnp.minimum(jnp.maximum(c0, -POS_BND), POS_BND)
            c1 = jnp.minimum(jnp.maximum(c1, -POS_BND), POS_BND)
            c2 = jnp.minimum(jnp.maximum(c2, -POS_BND), POS_BND)
            p01 = c0 * (RPE_NUM * STRIDE) + c1 * STRIDE + _C01
            p2 = c2 * (HPAIRS * L) + (_C2B + iota)
            for kk in range(HPAIRS // 2):
                k = hh * (HPAIRS // 2) + kk
                w01 = plsc.load_gather(t01_v, [p01 + k])
                w2 = plsc.load_gather(t2b_v, [p2 + (k * L)])
                s = plsc.bitcast(w01, jnp.bfloat16) + plsc.bitcast(w2, jnp.bfloat16)
                lo, hi = plsc.unpack(
                    s, format=plsc.PackFormat.INTERLEAVED,
                    preferred_element_type=jnp.float32,
                )
                ov[2 * kk, r, pl.ds(col, L)] = lo
                ov[2 * kk + 1, r, pl.ds(col, L)] = hi

        pltpu.async_copy(ov, out_dst(blk, hh), sem_o)

    def pair_body(i, _):
        for half, (cv, sem_c, cv_n, sem_cn) in enumerate(
            ((ca_v, sem_ca, cb_v, sem_cb), (cb_v, sem_cb, ca_v, sem_ca))
        ):
            blk = 2 * i + half
            pltpu.make_async_copy(coord_src(blk), cv, sem_c).wait()

            @pl.when(blk + 1 < NBLK)
            def _():
                pltpu.async_copy(coord_src(blk + 1), cv_n, sem_cn)

            do_half_block(blk, cv, oa_v, sem_oa, 0)
            do_half_block(blk, cv, ob_v, sem_ob, 1)
        return 0

    lax.fori_loop(0, NBLK // 2, pair_body, 0)

    pltpu.make_async_copy(oa_v, out_dst(NBLK - 1, 0), sem_oa).wait()
    pltpu.make_async_copy(ob_v, out_dst(NBLK - 1, 1), sem_ob).wait()


_rpe_call = functools.partial(
    pl.kernel,
    out_type=jax.ShapeDtypeStruct((B, HEADS, S, S), jnp.float32),
    mesh=plsc.VectorSubcoreMesh(
        core_axis_name="c", subcore_axis_name="s", num_cores=NC, num_subcores=NS
    ),
    scratch_types=[
        pltpu.VMEM((_T01_ROWS * STRIDE,), jnp.int32),
        pltpu.VMEM((RPE_NUM * HPAIRS * L,), jnp.int32),
        pltpu.VMEM((3, BPR, BPC), jnp.int32),
        pltpu.VMEM((3, BPR, BPC), jnp.int32),
        pltpu.VMEM((HEADS // 2, BPR, BPC), jnp.float32),
        pltpu.VMEM((HEADS // 2, BPR, BPC), jnp.float32),
        pltpu.SemaphoreType.DMA,
        pltpu.SemaphoreType.DMA,
        pltpu.SemaphoreType.DMA,
        pltpu.SemaphoreType.DMA,
    ],
    compiler_params=pltpu.CompilerParams(
        needs_layout_passes=False, use_tc_tiling_on_sc=True
    ),
)(_rpe_body)


def _pack_words(t):
    tb = t.astype(jnp.bfloat16).reshape(t.shape[0], HPAIRS, 2)
    return lax.bitcast_convert_type(tb, jnp.int32)


def kernel(coord, rpe_table):
    t0 = rpe_table[0:RPE_NUM]
    t1 = rpe_table[RPE_NUM : 2 * RPE_NUM]
    t2 = rpe_table[2 * RPE_NUM : 3 * RPE_NUM]
    t01 = t0[:, None, :] + t1[None, :, :]
    t01w = jnp.pad(_pack_words(t01.reshape(_T01_ROWS, HEADS)),
                   ((0, 0), (0, STRIDE - HPAIRS))).reshape(-1)
    t2w = jnp.broadcast_to(
        _pack_words(t2)[:, :, None], (RPE_NUM, HPAIRS, L)
    ).reshape(-1)
    return _rpe_call(t01w, t2w, jnp.transpose(coord, (0, 3, 1, 2)))

# --- scband reference (transcript-rebuilt; emitter-appended) ---
"""Pipeline reference for scband-rpe-824633721060 (READ-ONLY COPY).

The authoritative reference and input builder live on the scoring server;
editing this copy changes nothing except your own understanding.
"""

import jax, jax.numpy as jnp
import numpy as np

PATCH_SIZE = 1024
NUM_HEADS = 16
POS_BND = int((4 * PATCH_SIZE) ** (1 / 3) * 2)
RPE_NUM = 2 * POS_BND + 1


def setup_inputs(seed: int = 0) -> dict:
    key = jax.random.key(seed)
    k1, k2 = jax.random.split(key)
    coord = jax.random.randint(k1, (8, 512, 512, 3), 0, 64, dtype=jnp.int32)
    rpe_table = jax.random.truncated_normal(k2, -2.0, 2.0, (3 * RPE_NUM, NUM_HEADS), dtype=jnp.float32) * 0.02
    return {"coord": coord, "rpe_table": rpe_table}


def reference(coord, rpe_table):
    idx = jnp.clip(coord, -POS_BND, POS_BND) + POS_BND + jnp.arange(3, dtype=coord.dtype) * RPE_NUM
    out = jnp.take(rpe_table, idx.reshape(-1), axis=0)
    out = out.reshape(idx.shape + (NUM_HEADS,)).sum(axis=3)
    out = jnp.transpose(out, (0, 3, 1, 2))
    return out

if __name__ == "__main__":
    import jax
    _d = setup_inputs()
    print(jax.jit(kernel)(*tuple(_d.values())))

</pallas_src>

<mosaic_0001>
#map = affine_map<(d0, d1) -> (0)>
#map1 = affine_map<(d0, d1) -> (0, 0, 0, 0)>
module attributes {stable_mosaic.version = 14 : i64} {
  func.func @_rpe_body(%arg0: i32, %arg1: i32, %arg2: memref<35721xi32, #tpu.memory_space<hbm>>, %arg3: memref<8064xi32, #tpu.memory_space<hbm>>, %arg4: memref<8x3x512x512xi32, #tpu.memory_space<hbm>>, %arg5: memref<8x16x512x512xf32, #tpu.memory_space<hbm>>, %arg6: memref<35721xi32, #tpu.memory_space<vmem>>, %arg7: memref<8064xi32, #tpu.memory_space<vmem>>, %arg8: memref<3x8x256xi32, #tpu.memory_space<vmem>>, %arg9: memref<3x8x256xi32, #tpu.memory_space<vmem>>, %arg10: memref<8x8x256xf32, #tpu.memory_space<vmem>>, %arg11: memref<8x8x256xf32, #tpu.memory_space<vmem>>, %arg12: memref<!tpu.dma_semaphore, #tpu.memory_space<semaphore_mem>>, %arg13: memref<!tpu.dma_semaphore, #tpu.memory_space<semaphore_mem>>, %arg14: memref<!tpu.dma_semaphore, #tpu.memory_space<semaphore_mem>>, %arg15: memref<!tpu.dma_semaphore, #tpu.memory_space<semaphore_mem>>) attributes {dimension_semantics = [#tpu.dimension_semantics<core_parallel>, #tpu.dimension_semantics<subcore_parallel>], iteration_bounds = array<i64: 2, 16>, scalar_prefetch = 0 : i64, scratch_operands = 10 : i64, tpu.core_type = #tpu.core_type<sc_vector_subcore>, window_params = [{transform_indices = #map}, {transform_indices = #map}, {transform_indices = #map1}, {transform_indices = #map1}]} {
    %mul3A = arith.constant 16 : i32
    %mul3A_0 = arith.muli %arg0, %mul3A : i32
    %add3A = arith.addi %mul3A_0, %arg1 : i32
    %jit3A = arith.constant 4 : i32
    %div3A = arith.divsi %add3A, %jit3A : i32
    %sign3A = arith.constant 0 : i32
    %sign3A_1 = arith.cmpi sgt, %add3A, %sign3A : i32
    %sign3A_2 = arith.extui %sign3A_1 : i1 to i32
    %sign3A_3 = arith.constant 0 : i32
    %sign3A_4 = arith.cmpi slt, %add3A, %sign3A_3 : i32
    %sign3A_5 = arith.extui %sign3A_4 : i1 to i32
    %sign3A_6 = arith.subi %sign3A_2, %sign3A_5 : i32
    %sign3A_7 = arith.constant 0 : i32
    %sign3A_8 = arith.cmpi sgt, %jit3A, %sign3A_7 : i32
    %sign3A_9 = arith.extui %sign3A_8 : i1 to i32
    %sign3A_10 = arith.constant 0 : i32
    %sign3A_11 = arith.cmpi slt, %jit3A, %sign3A_10 : i32
    %sign3A_12 = arith.extui %sign3A_11 : i1 to i32
    %sign3A_13 = arith.subi %sign3A_9, %sign3A_12 : i32
    %ne3A = arith.cmpi ne, %sign3A_6, %sign3A_13 : i32
    %rem3A = arith.remsi %add3A, %jit3A : i32
    %ne3A_14 = arith.constant 0 : i32
    %ne3A_15 = arith.cmpi ne, %rem3A, %ne3A_14 : i32
    %and3A = arith.andi %ne3A, %ne3A_15 : i1
    %sub3A = arith.constant 1 : i32
    %sub3A_16 = arith.subi %div3A, %sub3A : i32
    %select_n3A = arith.select %and3A, %sub3A_16, %div3A : i32
    %jit3A_17 = arith.constant 4 : i32
    %eq3A = arith.constant 0 : i32
    %eq3A_18 = arith.cmpi eq, %jit3A_17, %eq3A : i32
    %jit3A_19 = arith.constant 1 : i32
    %select_n3A_20 = arith.select %eq3A_18, %jit3A_19, %jit3A_17 : i32
    %rem3A_21 = arith.remsi %add3A, %select_n3A_20 : i32
    %ne3A_22 = arith.constant 0 : i32
    %ne3A_23 = arith.cmpi ne, %rem3A_21, %ne3A_22 : i32
    %lt3A = arith.constant 0 : i32
    %lt3A_24 = arith.cmpi slt, %rem3A_21, %lt3A : i32
    %lt3A_25 = arith.constant 0 : i32
    %lt3A_26 = arith.cmpi slt, %select_n3A_20, %lt3A_25 : i32
    %ne3A_27 = arith.xori %lt3A_24, %lt3A_26 : i1
    %and3A_28 = arith.andi %ne3A_27, %ne3A_23 : i1
    %add3A_29 = arith.addi %rem3A_21, %select_n3A_20 : i32
    %select_n3A_30 = arith.select %and3A_28, %add3A_29, %rem3A_21 : i32
    %mul3A_31 = arith.constant 128 : i32
    %mul3A_32 = arith.muli %select_n3A_30, %mul3A_31 : i32
    %add3A_33 = arith.constant 0 : i32
    %add3A_34 = arith.addi %mul3A_32, %add3A_33 : i32
    %dma_start3A = arith.constant 0 : i32
    %dma_start3A_35 = arith.constant 0 : i32
    %dma_start3A_36 = tpu.memref_slice %arg4[%select_n3A, %dma_start3A, %add3A_34, %dma_start3A_35] : memref<8x3x512x512xi32, #tpu.memory_space<hbm>> -> memref<1x3x8x256xi32, #tpu.memory_space<hbm>>
    %dma_start3A_37 = tpu.memref_squeeze %dma_start3A_36 : memref<1x3x8x256xi32, #tpu.memory_space<hbm>> -> memref<3x8x256xi32, #tpu.memory_space<hbm>>
    %dma_start3A_38 = arith.constant 0 : i32
    %dma_start3A_39 = arith.constant 0 : i32
    %dma_start3A_40 = tpu.memref_slice %arg4[%select_n3A, %dma_start3A_38, %add3A_34, %dma_start3A_39] : memref<8x3x512x512xi32, #tpu.memory_space<hbm>> -> memref<1x3x8x256xi32, #tpu.memory_space<hbm>>
    %dma_start3A_41 = tpu.memref_squeeze %dma_start3A_40 : memref<1x3x8x256xi32, #tpu.memory_space<hbm>> -> memref<3x8x256xi32, #tpu.memory_space<hbm>>
    tpu.enqueue_dma source(%dma_start3A_41 : memref<3x8x256xi32, #tpu.memory_space<hbm>>) target(%arg8 : memref<3x8x256xi32, #tpu.memory_space<vmem>>) target_semaphore(%arg12 : memref<!tpu.dma_semaphore, #tpu.memory_space<semaphore_mem>>)
    "tpu.region"() ({
      %run_scoped3A = tpu.sem_alloc : memref<!tpu.dma_semaphore, #tpu.memory_space<semaphore_mem>>
      tpu.enqueue_dma source(%arg2 : memref<35721xi32, #tpu.memory_space<hbm>>) target(%arg6 : memref<35721xi32, #tpu.memory_space<vmem>>) target_semaphore(%run_scoped3A : memref<!tpu.dma_semaphore, #tpu.memory_space<semaphore_mem>>)
      tpu.wait_dma2 semaphore(%run_scoped3A : memref<!tpu.dma_semaphore, #tpu.memory_space<semaphore_mem>>) src(%arg2 : memref<35721xi32, #tpu.memory_space<hbm>>) dst(%arg6 : memref<35721xi32, #tpu.memory_space<vmem>>)
      tpu.yield
    }) : () -> ()
    "tpu.region"() ({
      %run_scoped3A = tpu.sem_alloc : memref<!tpu.dma_semaphore, #tpu.memory_space<semaphore_mem>>
      tpu.enqueue_dma source(%arg3 : memref<8064xi32, #tpu.memory_space<hbm>>) target(%arg7 : memref<8064xi32, #tpu.memory_space<vmem>>) target_semaphore(%run_scoped3A : memref<!tpu.dma_semaphore, #tpu.memory_space<semaphore_mem>>)
      tpu.wait_dma2 semaphore(%run_scoped3A : memref<!tpu.dma_semaphore, #tpu.memory_space<semaphore_mem>>) src(%arg3 : memref<8064xi32, #tpu.memory_space<hbm>>) dst(%arg7 : memref<8064xi32, #tpu.memory_space<vmem>>)
      tpu.yield
    }) : () -> ()
    %iota3A = tpu.iota {dimensions = array<i32: 0>} : vector<16xi32>
    %scan3A = arith.constant 0 : i32
    %scan3A_42 = arith.constant 0 : i32
    %scan3A_43 = arith.constant 16 : i32
    %scan3A_44 = arith.addi %scan3A_42, %scan3A_43 : i32
    %scan3A_45 = arith.constant 1 : i32
    %scan3A_46 = scf.for %scan3A_71 = %scan3A_42 to %scan3A_44 step %scan3A_45 iter_args(%scan3A_72 = %scan3A) -> (i32)  : i32 {
      %mul3A_73 = arith.constant 2 : i32
      %mul3A_74 = arith.muli %mul3A_73, %scan3A_71 : i32
      %add3A_75 = arith.constant 0 : i32
      %add3A_76 = arith.addi %mul3A_74, %add3A_75 : i32
      %mul3A_77 = arith.constant 128 : i32
      %mul3A_78 = arith.muli %select_n3A_30, %mul3A_77 : i32
      %jit3A_79 = arith.constant 2 : i32
      %div3A_80 = arith.divsi %add3A_76, %jit3A_79 : i32
      %sign3A_81 = arith.constant 0 : i32
      %sign3A_82 = arith.cmpi sgt, %add3A_76, %sign3A_81 : i32
      %sign3A_83 = arith.extui %sign3A_82 : i1 to i32
      %sign3A_84 = arith.constant 0 : i32
      %sign3A_85 = arith.cmpi slt, %add3A_76, %sign3A_84 : i32
      %sign3A_86 = arith.extui %sign3A_85 : i1 to i32
      %sign3A_87 = arith.subi %sign3A_83, %sign3A_86 : i32
      %sign3A_88 = arith.constant 0 : i32
      %sign3A_89 = arith.cmpi sgt, %jit3A_79, %sign3A_88 : i32
      %sign3A_90 = arith.extui %sign3A_89 : i1 to i32
      %sign3A_91 = arith.constant 0 : i32
      %sign3A_92 = arith.cmpi slt, %jit3A_79, %sign3A_91 : i32
      %sign3A_93 = arith.extui %sign3A_92 : i1 to i32
      %sign3A_94 = arith.subi %sign3A_90, %sign3A_93 : i32
      %ne3A_95 = arith.cmpi ne, %sign3A_87, %sign3A_94 : i32
      %rem3A_96 = arith.remsi %add3A_76, %jit3A_79 : i32
      %ne3A_97 = arith.constant 0 : i32
      %ne3A_98 = arith.cmpi ne, %rem3A_96, %ne3A_97 : i32
      %and3A_99 = arith.andi %ne3A_95, %ne3A_98 : i1
      %sub3A_100 = arith.constant 1 : i32
      %sub3A_101 = arith.subi %div3A_80, %sub3A_100 : i32
      %select_n3A_102 = arith.select %and3A_99, %sub3A_101, %div3A_80 : i32
      %mul3A_103 = arith.constant 8 : i32
      %mul3A_104 = arith.muli %select_n3A_102, %mul3A_103 : i32
      %add3A_105 = arith.addi %mul3A_78, %mul3A_104 : i32
      %jit3A_106 = arith.constant 2 : i32
      %eq3A_107 = arith.constant 0 : i32
      %eq3A_108 = arith.cmpi eq, %jit3A_106, %eq3A_107 : i32
      %jit3A_109 = arith.constant 1 : i32
      %select_n3A_110 = arith.select %eq3A_108, %jit3A_109, %jit3A_106 : i32
      %rem3A_111 = arith.remsi %add3A_76, %select_n3A_110 : i32
      %ne3A_112 = arith.constant 0 : i32
      %ne3A_113 = arith.cmpi ne, %rem3A_111, %ne3A_112 : i32
      %lt3A_114 = arith.constant 0 : i32
      %lt3A_115 = arith.cmpi slt, %rem3A_111, %lt3A_114 : i32
      %lt3A_116 = arith.constant 0 : i32
      %lt3A_117 = arith.cmpi slt, %select_n3A_110, %lt3A_116 : i32
      %ne3A_118 = arith.xori %lt3A_115, %lt3A_117 : i1
      %and3A_119 = arith.andi %ne3A_118, %ne3A_113 : i1
      %add3A_120 = arith.addi %rem3A_111, %select_n3A_110 : i32
      %select_n3A_121 = arith.select %and3A_119, %add3A_120, %rem3A_111 : i32
      %mul3A_122 = arith.constant 256 : i32
      %mul3A_123 = arith.muli %select_n3A_121, %mul3A_122 : i32
      %dma_wait3A_124 = arith.constant 0 : i32
      %dma_wait3A_125 = tpu.memref_slice %arg4[%select_n3A, %dma_wait3A_124, %add3A_105, %mul3A_123] : memref<8x3x512x512xi32, #tpu.memory_space<hbm>> -> memref<1x3x8x256xi32, #tpu.memory_space<hbm>>
      %dma_wait3A_126 = tpu.memref_squeeze %dma_wait3A_125 : memref<1x3x8x256xi32, #tpu.memory_space<hbm>> -> memref<3x8x256xi32, #tpu.memory_space<hbm>>
      %dma_wait3A_127 = arith.constant 0 : i32
      %dma_wait3A_128 = tpu.memref_slice %arg4[%select_n3A, %dma_wait3A_127, %add3A_105, %mul3A_123] : memref<8x3x512x512xi32, #tpu.memory_space<hbm>> -> memref<1x3x8x256xi32, #tpu.memory_space<hbm>>
      %dma_wait3A_129 = tpu.memref_squeeze %dma_wait3A_128 : memref<1x3x8x256xi32, #tpu.memory_space<hbm>> -> memref<3x8x256xi32, #tpu.memory_space<hbm>>
      tpu.wait_dma2 semaphore(%arg12 : memref<!tpu.dma_semaphore, #tpu.memory_space<semaphore_mem>>) src(%dma_wait3A_129 : memref<3x8x256xi32, #tpu.memory_space<hbm>>) dst(%arg8 : memref<3x8x256xi32, #tpu.memory_space<vmem>>)
      %add3A_130 = arith.constant 1 : i32
      %add3A_131 = arith.addi %add3A_76, %add3A_130 : i32
      %lt3A_132 = arith.constant 32 : i32
      %lt3A_133 = arith.cmpi slt, %add3A_131, %lt3A_132 : i32
      %convert_element_type3A = arith.extui %lt3A_133 : i1 to i32
      %cond3A = arith.constant 0 : i32
      %cond3A_134 = arith.cmpi ne, %convert_element_type3A, %cond3A : i32
      scf.if %cond3A_134 {
        %add3A_442 = arith.constant 1 : i32
        %add3A_443 = arith.addi %add3A_76, %add3A_442 : i32
        %mul3A_444 = arith.constant 128 : i32
        %mul3A_445 = arith.muli %select_n3A_30, %mul3A_444 : i32
        %jit3A_446 = arith.constant 2 : i32
        %div3A_447 = arith.divsi %add3A_443, %jit3A_446 : i32
        %sign3A_448 = arith.constant 0 : i32
        %sign3A_449 = arith.cmpi sgt, %add3A_443, %sign3A_448 : i32
        %sign3A_450 = arith.extui %sign3A_449 : i1 to i32
        %sign3A_451 = arith.constant 0 : i32
        %sign3A_452 = arith.cmpi slt, %add3A_443, %sign3A_451 : i32
        %sign3A_453 = arith.extui %sign3A_452 : i1 to i32
        %sign3A_454 = arith.subi %sign3A_450, %sign3A_453 : i32
        %sign3A_455 = arith.constant 0 : i32
        %sign3A_456 = arith.cmpi sgt, %jit3A_446, %sign3A_455 : i32
        %sign3A_457 = arith.extui %sign3A_456 : i1 to i32
        %sign3A_458 = arith.constant 0 : i32
        %sign3A_459 = arith.cmpi slt, %jit3A_446, %sign3A_458 : i32
        %sign3A_460 = arith.extui %sign3A_459 : i1 to i32
        %sign3A_461 = arith.subi %sign3A_457, %sign3A_460 : i32
        %ne3A_462 = arith.cmpi ne, %sign3A_454, %sign3A_461 : i32
        %rem3A_463 = arith.remsi %add3A_443, %jit3A_446 : i32
        %ne3A_464 = arith.constant 0 : i32
        %ne3A_465 = arith.cmpi ne, %rem3A_463, %ne3A_464 : i32
        %and3A_466 = arith.andi %ne3A_462, %ne3A_465 : i1
        %sub3A_467 = arith.constant 1 : i32
        %sub3A_468 = arith.subi %div3A_447, %sub3A_467 : i32
        %select_n3A_469 = arith.select %and3A_466, %sub3A_468, %div3A_447 : i32
        %mul3A_470 = arith.constant 8 : i32
        %mul3A_471 = arith.muli %select_n3A_469, %mul3A_470 : i32
        %add3A_472 = arith.addi %mul3A_445, %mul3A_471 : i32
        %jit3A_473 = arith.constant 2 : i32
        %eq3A_474 = arith.constant 0 : i32
        %eq3A_475 = arith.cmpi eq, %jit3A_473, %eq3A_474 : i32
        %jit3A_476 = arith.constant 1 : i32
        %select_n3A_477 = arith.select %eq3A_475, %jit3A_476, %jit3A_473 : i32
        %rem3A_478 = arith.remsi %add3A_443, %select_n3A_477 : i32
        %ne3A_479 = arith.constant 0 : i32
        %ne3A_480 = arith.cmpi ne, %rem3A_478, %ne3A_479 : i32
        %lt3A_481 = arith.constant 0 : i32
        %lt3A_482 = arith.cmpi slt, %rem3A_478, %lt3A_481 : i32
        %lt3A_483 = arith.constant 0 : i32
        %lt3A_484 = arith.cmpi slt, %select_n3A_477, %lt3A_483 : i32
        %ne3A_485 = arith.xori %lt3A_482, %lt3A_484 : i1
        %and3A_486 = arith.andi %ne3A_485, %ne3A_480 : i1
        %add3A_487 = arith.addi %rem3A_478, %select_n3A_477 : i32
        %select_n3A_488 = arith.select %and3A_486, %add3A_487, %rem3A_478 : i32
        %mul3A_489 = arith.constant 256 : i32
        %mul3A_490 = arith.muli %select_n3A_488, %mul3A_489 : i32
        %dma_start3A_491 = arith.constant 0 : i32
        %dma_start3A_492 = tpu.memref_slice %arg4[%select_n3A, %dma_start3A_491, %add3A_472, %mul3A_490] : memref<8x3x512x512xi32, #tpu.memory_space<hbm>> -> memref<1x3x8x256xi32, #tpu.memory_space<hbm>>
        %dma_start3A_493 = tpu.memref_squeeze %dma_start3A_492 : memref<1x3x8x256xi32, #tpu.memory_space<hbm>> -> memref<3x8x256xi32, #tpu.memory_space<hbm>>
        %dma_start3A_494 = arith.constant 0 : i32
        %dma_start3A_495 = tpu.memref_slice %arg4[%select_n3A, %dma_start3A_494, %add3A_472, %mul3A_490] : memref<8x3x512x512xi32, #tpu.memory_space<hbm>> -> memref<1x3x8x256xi32, #tpu.memory_space<hbm>>
        %dma_start3A_496 = tpu.memref_squeeze %dma_start3A_495 : memref<1x3x8x256xi32, #tpu.memory_space<hbm>> -> memref<3x8x256xi32, #tpu.memory_space<hbm>>
        tpu.enqueue_dma source(%dma_start3A_496 : memref<3x8x256xi32, #tpu.memory_space<hbm>>) target(%arg9 : memref<3x8x256xi32, #tpu.memory_space<vmem>>) target_semaphore(%arg13 : memref<!tpu.dma_semaphore, #tpu.memory_space<semaphore_mem>>)
      } else {
      }
      %gt3A = arith.constant 0 : i32
      %gt3A_135 = arith.cmpi sgt, %add3A_76, %gt3A : i32
      %convert_element_type3A_136 = arith.extui %gt3A_135 : i1 to i32
      %cond3A_137 = arith.constant 0 : i32
      %cond3A_138 = arith.cmpi ne, %convert_element_type3A_136, %cond3A_137 : i32
      scf.if %cond3A_138 {
        %sub3A_442 = arith.constant 1 : i32
        %sub3A_443 = arith.subi %add3A_76, %sub3A_442 : i32
        %mul3A_444 = arith.constant 128 : i32
        %mul3A_445 = arith.muli %select_n3A_30, %mul3A_444 : i32
        %jit3A_446 = arith.constant 2 : i32
        %div3A_447 = arith.divsi %sub3A_443, %jit3A_446 : i32
        %sign3A_448 = arith.constant 0 : i32
        %sign3A_449 = arith.cmpi sgt, %sub3A_443, %sign3A_448 : i32
        %sign3A_450 = arith.extui %sign3A_449 : i1 to i32
        %sign3A_451 = arith.constant 0 : i32
        %sign3A_452 = arith.cmpi slt, %sub3A_443, %sign3A_451 : i32
        %sign3A_453 = arith.extui %sign3A_452 : i1 to i32
        %sign3A_454 = arith.subi %sign3A_450, %sign3A_453 : i32
        %sign3A_455 = arith.constant 0 : i32
        %sign3A_456 = arith.cmpi sgt, %jit3A_446, %sign3A_455 : i32
        %sign3A_457 = arith.extui %sign3A_456 : i1 to i32
        %sign3A_458 = arith.constant 0 : i32
        %sign3A_459 = arith.cmpi slt, %jit3A_446, %sign3A_458 : i32
        %sign3A_460 = arith.extui %sign3A_459 : i1 to i32
        %sign3A_461 = arith.subi %sign3A_457, %sign3A_460 : i32
        %ne3A_462 = arith.cmpi ne, %sign3A_454, %sign3A_461 : i32
        %rem3A_463 = arith.remsi %sub3A_443, %jit3A_446 : i32
        %ne3A_464 = arith.constant 0 : i32
        %ne3A_465 = arith.cmpi ne, %rem3A_463, %ne3A_464 : i32
        %and3A_466 = arith.andi %ne3A_462, %ne3A_465 : i1
        %sub3A_467 = arith.constant 1 : i32
        %sub3A_468 = arith.subi %div3A_447, %sub3A_467 : i32
        %select_n3A_469 = arith.select %and3A_466, %sub3A_468, %div3A_447 : i32
        %mul3A_470 = arith.constant 8 : i32
        %mul3A_471 = arith.muli %select_n3A_469, %mul3A_470 : i32
        %add3A_472 = arith.addi %mul3A_445, %mul3A_471 : i32
        %jit3A_473 = arith.constant 2 : i32
        %eq3A_474 = arith.constant 0 : i32
        %eq3A_475 = arith.cmpi eq, %jit3A_473, %eq3A_474 : i32
        %jit3A_476 = arith.constant 1 : i32
        %select_n3A_477 = arith.select %eq3A_475, %jit3A_476, %jit3A_473 : i32
        %rem3A_478 = arith.remsi %sub3A_443, %select_n3A_477 : i32
        %ne3A_479 = arith.constant 0 : i32
        %ne3A_480 = arith.cmpi ne, %rem3A_478, %ne3A_479 : i32
        %lt3A_481 = arith.constant 0 : i32
        %lt3A_482 = arith.cmpi slt, %rem3A_478, %lt3A_481 : i32
        %lt3A_483 = arith.constant 0 : i32
        %lt3A_484 = arith.cmpi slt, %select_n3A_477, %lt3A_483 : i32
        %ne3A_485 = arith.xori %lt3A_482, %lt3A_484 : i1
        %and3A_486 = arith.andi %ne3A_485, %ne3A_480 : i1
        %add3A_487 = arith.addi %rem3A_478, %select_n3A_477 : i32
        %select_n3A_488 = arith.select %and3A_486, %add3A_487, %rem3A_478 : i32
        %mul3A_489 = arith.constant 256 : i32
        %mul3A_490 = arith.muli %select_n3A_488, %mul3A_489 : i32
        %dma_wait3A_491 = arith.constant 0 : i32
        %dma_wait3A_492 = tpu.memref_slice %arg5[%select_n3A, %dma_wait3A_491, %add3A_472, %mul3A_490] : memref<8x16x512x512xf32, #tpu.memory_space<hbm>> -> memref<1x8x8x256xf32, #tpu.memory_space<hbm>>
        %dma_wait3A_493 = tpu.memref_squeeze %dma_wait3A_492 : memref<1x8x8x256xf32, #tpu.memory_space<hbm>> -> memref<8x8x256xf32, #tpu.memory_space<hbm>>
        %dma_wait3A_494 = arith.constant 0 : i32
        %dma_wait3A_495 = tpu.memref_slice %arg5[%select_n3A, %dma_wait3A_494, %add3A_472, %mul3A_490] : memref<8x16x512x512xf32, #tpu.memory_space<hbm>> -> memref<1x8x8x256xf32, #tpu.memory_space<hbm>>
        %dma_wait3A_496 = tpu.memref_squeeze %dma_wait3A_495 : memref<1x8x8x256xf32, #tpu.memory_space<hbm>> -> memref<8x8x256xf32, #tpu.memory_space<hbm>>
        tpu.wait_dma2 semaphore(%arg14 : memref<!tpu.dma_semaphore, #tpu.memory_space<semaphore_mem>>) src(%arg10 : memref<8x8x256xf32, #tpu.memory_space<vmem>>) dst(%dma_wait3A_496 : memref<8x8x256xf32, #tpu.memory_space<hbm>>)
      } else {
      }
      %parallel_loop3A = arith.constant 0 : i32
      %parallel_loop3A_139 = arith.constant 128 : i32
      %parallel_loop3A_140 = arith.constant 1 : i32
      scf.for %parallel_loop3A_442 = %parallel_loop3A to %parallel_loop3A_139 step %parallel_loop3A_140  : i32 {
        %parallel_loop3A_443 = arith.constant 4 : i32
        %parallel_loop3A_444 = arith.shrui %parallel_loop3A_442, %parallel_loop3A_443 : i32
        %parallel_loop3A_445 = arith.constant 15 : i32
        %parallel_loop3A_446 = arith.andi %parallel_loop3A_442, %parallel_loop3A_445 : i32
        %parallel_loop3A_447 = arith.constant 16 : i32
        %parallel_loop3A_448 = arith.muli %parallel_loop3A_446, %parallel_loop3A_447 : i32
        %parallel_loop3A_449 = arith.constant 0 : i32
        %parallel_loop3A_450 = arith.index_cast %parallel_loop3A_449 : i32 to index
        %parallel_loop3A_451 = arith.index_cast %parallel_loop3A_444 : i32 to index
        %parallel_loop3A_452 = arith.index_cast %parallel_loop3A_448 : i32 to index
        %parallel_loop3A_453 = tpu.vector_load %arg8[%parallel_loop3A_450, %parallel_loop3A_451, %parallel_loop3A_452] {strides = array<i32>} : memref<3x8x256xi32, #tpu.memory_space<vmem>>, vector<16xi32>,
        %parallel_loop3A_454 = arith.constant 1 : i32
        %parallel_loop3A_455 = arith.index_cast %parallel_loop3A_454 : i32 to index
        %parallel_loop3A_456 = arith.index_cast %parallel_loop3A_444 : i32 to index
        %parallel_loop3A_457 = arith.index_cast %parallel_loop3A_448 : i32 to index
        %parallel_loop3A_458 = tpu.vector_load %arg8[%parallel_loop3A_455, %parallel_loop3A_456, %parallel_loop3A_457] {strides = array<i32>} : memref<3x8x256xi32, #tpu.memory_space<vmem>>, vector<16xi32>,
        %parallel_loop3A_459 = arith.constant 2 : i32
        %parallel_loop3A_460 = arith.index_cast %parallel_loop3A_459 : i32 to index
        %parallel_loop3A_461 = arith.index_cast %parallel_loop3A_444 : i32 to index
        %parallel_loop3A_462 = arith.index_cast %parallel_loop3A_448 : i32 to index
        %parallel_loop3A_463 = tpu.vector_load %arg8[%parallel_loop3A_460, %parallel_loop3A_461, %parallel_loop3A_462] {strides = array<i32>} : memref<3x8x256xi32, #tpu.memory_space<vmem>>, vector<16xi32>,
        %parallel_loop3A_464 = arith.constant -31 : i32
        %parallel_loop3A_465 = vector.broadcast %parallel_loop3A_464 : i32 to vector<16xi32>
        %parallel_loop3A_466 = arith.maxsi %parallel_loop3A_453, %parallel_loop3A_465 : vector<16xi32>
        %parallel_loop3A_467 = arith.constant 31 : i32
        %parallel_loop3A_468 = vector.broadcast %parallel_loop3A_467 : i32 to vector<16xi32>
        %parallel_loop3A_469 = arith.minsi %parallel_loop3A_466, %parallel_loop3A_468 : vector<16xi32>
        %parallel_loop3A_470 = arith.constant -31 : i32
        %parallel_loop3A_471 = vector.broadcast %parallel_loop3A_470 : i32 to vector<16xi32>
        %parallel_loop3A_472 = arith.maxsi %parallel_loop3A_458, %parallel_loop3A_471 : vector<16xi32>
        %parallel_loop3A_473 = arith.constant 31 : i32
        %parallel_loop3A_474 = vector.broadcast %parallel_loop3A_473 : i32 to vector<16xi32>
        %parallel_loop3A_475 = arith.minsi %parallel_loop3A_472, %parallel_loop3A_474 : vector<16xi32>
        %parallel_loop3A_476 = arith.constant -31 : i32
        %parallel_loop3A_477 = vector.broadcast %parallel_loop3A_476 : i32 to vector<16xi32>
        %parallel_loop3A_478 = arith.maxsi %parallel_loop3A_463, %parallel_loop3A_477 : vector<16xi32>
        %parallel_loop3A_479 = arith.constant 31 : i32
        %parallel_loop3A_480 = vector.broadcast %parallel_loop3A_479 : i32 to vector<16xi32>
        %parallel_loop3A_481 = arith.minsi %parallel_loop3A_478, %parallel_loop3A_480 : vector<16xi32>
        %parallel_loop3A_482 = arith.constant 567 : i32
        %parallel_loop3A_483 = vector.broadcast %parallel_loop3A_482 : i32 to vector<16xi32>
        %parallel_loop3A_484 = arith.muli %parallel_loop3A_469, %parallel_loop3A_483 : vector<16xi32>
        %parallel_loop3A_485 = arith.constant 9 : i32
        %parallel_loop3A_486 = vector.broadcast %parallel_loop3A_485 : i32 to vector<16xi32>
        %parallel_loop3A_487 = arith.muli %parallel_loop3A_475, %parallel_loop3A_486 : vector<16xi32>
        %parallel_loop3A_488 = arith.addi %parallel_loop3A_484, %parallel_loop3A_487 : vector<16xi32>
        %parallel_loop3A_489 = arith.constant 17856 : i32
        %parallel_loop3A_490 = vector.broadcast %parallel_loop3A_489 : i32 to vector<16xi32>
        %parallel_loop3A_491 = arith.addi %parallel_loop3A_488, %parallel_loop3A_490 : vector<16xi32>
        %parallel_loop3A_492 = arith.constant 128 : i32
        %parallel_loop3A_493 = vector.broadcast %parallel_loop3A_492 : i32 to vector<16xi32>
        %parallel_loop3A_494 = arith.muli %parallel_loop3A_481, %parallel_loop3A_493 : vector<16xi32>
        %parallel_loop3A_495 = arith.constant 3968 : i32
        %parallel_loop3A_496 = vector.broadcast %parallel_loop3A_495 : i32 to vector<16xi32>
        %parallel_loop3A_497 = arith.addi %parallel_loop3A_496, %iota3A : vector<16xi32>
        %parallel_loop3A_498 = arith.addi %parallel_loop3A_494, %parallel_loop3A_497 : vector<16xi32>
        %parallel_loop3A_499 = arith.constant 0 : i32
        %parallel_loop3A_500 = vector.broadcast %parallel_loop3A_499 : i32 to vector<16xi32>
        %parallel_loop3A_501 = arith.addi %parallel_loop3A_491, %parallel_loop3A_500 : vector<16xi32>
        %parallel_loop3A_502 = tpu.vector_load_idx %arg6[%parallel_loop3A_501] : memref<35721xi32, #tpu.memory_space<vmem>>[vector<16xi32>], vector<16xi32>,
        %parallel_loop3A_503 = arith.constant 0 : i32
        %parallel_loop3A_504 = vector.broadcast %parallel_loop3A_503 : i32 to vector<16xi32>
        %parallel_loop3A_505 = arith.addi %parallel_loop3A_498, %parallel_loop3A_504 : vector<16xi32>
        %parallel_loop3A_506 = tpu.vector_load_idx %arg7[%parallel_loop3A_505] : memref<8064xi32, #tpu.memory_space<vmem>>[vector<16xi32>], vector<16xi32>,
        %parallel_loop3A_507 = vector.bitcast %parallel_loop3A_502 : vector<16xi32> to vector<32xbf16>
        %parallel_loop3A_508 = vector.bitcast %parallel_loop3A_506 : vector<16xi32> to vector<32xbf16>
        %parallel_loop3A_509 = arith.addf %parallel_loop3A_507, %parallel_loop3A_508 : vector<32xbf16>
        %parallel_loop3A_510 = tpu.unpack_subelements %parallel_loop3A_509, 0 {pack_format = #tpu.pack_format<interleaved>} : vector<32xbf16> -> vector<16xf32>
        %parallel_loop3A_511 = tpu.unpack_subelements %parallel_loop3A_509, 1 {pack_format = #tpu.pack_format<interleaved>} : vector<32xbf16> -> vector<16xf32>
        %parallel_loop3A_512 = arith.constant 0 : i32
        %parallel_loop3A_513 = arith.index_cast %parallel_loop3A_512 : i32 to index
        %parallel_loop3A_514 = arith.index_cast %parallel_loop3A_444 : i32 to index
        %parallel_loop3A_515 = arith.index_cast %parallel_loop3A_448 : i32 to index
        %parallel_loop3A_516 = tpu.vector_load %arg10[%parallel_loop3A_513, %parallel_loop3A_514, %parallel_loop3A_515] {strides = array<i32>} : memref<8x8x256xf32, #tpu.memory_space<vmem>>, vector<16xf32>,
        tpu.vector_store %arg10[%parallel_loop3A_513, %parallel_loop3A_514, %parallel_loop3A_515], %parallel_loop3A_510 {strides = array<i32>} : memref<8x8x256xf32, #tpu.memory_space<vmem>>, vector<16xf32>,
        %parallel_loop3A_517 = arith.constant 1 : i32
        %parallel_loop3A_518 = arith.index_cast %parallel_loop3A_517 : i32 to index
        %parallel_loop3A_519 = arith.index_cast %parallel_loop3A_444 : i32 to index
        %parallel_loop3A_520 = arith.index_cast %parallel_loop3A_448 : i32 to index
        %parallel_loop3A_521 = tpu.vector_load %arg10[%parallel_loop3A_518, %parallel_loop3A_519, %parallel_loop3A_520] {strides = array<i32>} : memref<8x8x256xf32, #tpu.memory_space<vmem>>, vector<16xf32>,
        tpu.vector_store %arg10[%parallel_loop3A_518, %parallel_loop3A_519, %parallel_loop3A_520], %parallel_loop3A_511 {strides = array<i32>} : memref<8x8x256xf32, #tpu.memory_space<vmem>>, vector<16xf32>,
        %parallel_loop3A_522 = arith.constant 1 : i32
        %parallel_loop3A_523 = vector.broadcast %parallel_loop3A_522 : i32 to vector<16xi32>
        %parallel_loop3A_524 = arith.addi %parallel_loop3A_491, %parallel_loop3A_523 : vector<16xi32>
        %parallel_loop3A_525 = tpu.vector_load_idx %arg6[%parallel_loop3A_524] : memref<35721xi32, #tpu.memory_space<vmem>>[vector<16xi32>], vector<16xi32>,
        %parallel_loop3A_526 = arith.constant 16 : i32
        %parallel_loop3A_527 = vector.broadcast %parallel_loop3A_526 : i32 to vector<16xi32>
        %parallel_loop3A_528 = arith.addi %parallel_loop3A_498, %parallel_loop3A_527 : vector<16xi32>
        %parallel_loop3A_529 = tpu.vector_load_idx %arg7[%parallel_loop3A_528] : memref<8064xi32, #tpu.memory_space<vmem>>[vector<16xi32>], vector<16xi32>,
        %parallel_loop3A_530 = vector.bitcast %parallel_loop3A_525 : vector<16xi32> to vector<32xbf16>
        %parallel_loop3A_531 = vector.bitcast %parallel_loop3A_529 : vector<16xi32> to vector<32xbf16>
        %parallel_loop3A_532 = arith.addf %parallel_loop3A_530, %parallel_loop3A_531 : vector<32xbf16>
        %parallel_loop3A_533 = tpu.unpack_subelements %parallel_loop3A_532, 0 {pack_format = #tpu.pack_format<interleaved>} : vector<32xbf16> -> vector<16xf32>
        %parallel_loop3A_534 = tpu.unpack_subelements %parallel_loop3A_532, 1 {pack_format = #tpu.pack_format<interleaved>} : vector<32xbf16> -> vector<16xf32>
        %parallel_loop3A_535 = arith.constant 2 : i32
        %parallel_loop3A_536 = arith.index_cast %parallel_loop3A_535 : i32 to index
        %parallel_loop3A_537 = arith.index_cast %parallel_loop3A_444 : i32 to index
        %parallel_loop3A_538 = arith.index_cast %parallel_loop3A_448 : i32 to index
        %parallel_loop3A_539 = tpu.vector_load %arg10[%parallel_loop3A_536, %parallel_loop3A_537, %parallel_loop3A_538] {strides = array<i32>} : memref<8x8x256xf32, #tpu.memory_space<vmem>>, vector<16xf32>,
        tpu.vector_store %arg10[%parallel_loop3A_536, %parallel_loop3A_537, %parallel_loop3A_538], %parallel_loop3A_533 {strides = array<i32>} : memref<8x8x256xf32, #tpu.memory_space<vmem>>, vector<16xf32>,
        %parallel_loop3A_540 = arith.constant 3 : i32
        %parallel_loop3A_541 = arith.index_cast %parallel_loop3A_540 : i32 to index
        %parallel_loop3A_542 = arith.index_cast %parallel_loop3A_444 : i32 to index
        %parallel_loop3A_543 = arith.index_cast %parallel_loop3A_448 : i32 to index
        %parallel_loop3A_544 = tpu.vector_load %arg10[%parallel_loop3A_541, %parallel_loop3A_542, %parallel_loop3A_543] {strides = array<i32>} : memref<8x8x256xf32, #tpu.memory_space<vmem>>, vector<16xf32>,
        tpu.vector_store %arg10[%parallel_loop3A_541, %parallel_loop3A_542, %parallel_loop3A_543], %parallel_loop3A_534 {strides = array<i32>} : memref<8x8x256xf32, #tpu.memory_space<vmem>>, vector<16xf32>,
        %parallel_loop3A_545 = arith.constant 2 : i32
        %parallel_loop3A_546 = vector.broadcast %parallel_loop3A_545 : i32 to vector<16xi32>
        %parallel_loop3A_547 = arith.addi %parallel_loop3A_491, %parallel_loop3A_546 : vector<16xi32>
        %parallel_loop3A_548 = tpu.vector_load_idx %arg6[%parallel_loop3A_547] : memref<35721xi32, #tpu.memory_space<vmem>>[vector<16xi32>], vector<16xi32>,
        %parallel_loop3A_549 = arith.constant 32 : i32
        %parallel_loop3A_550 = vector.broadcast %parallel_loop3A_549 : i32 to vector<16xi32>
        %parallel_loop3A_551 = arith.addi %parallel_loop3A_498, %parallel_loop3A_550 : vector<16xi32>
        %parallel_loop3A_552 = tpu.vector_load_idx %arg7[%parallel_loop3A_551] : memref<8064xi32, #tpu.memory_space<vmem>>[vector<16xi32>], vector<16xi32>,
        %parallel_loop3A_553 = vector.bitcast %parallel_loop3A_548 : vector<16xi32> to vector<32xbf16>
        %parallel_loop3A_554 = vector.bitcast %parallel_loop3A_552 : vector<16xi32> to vector<32xbf16>
        %parallel_loop3A_555 = arith.addf %parallel_loop3A_553, %parallel_loop3A_554 : vector<32xbf16>
        %parallel_loop3A_556 = tpu.unpack_subelements %parallel_loop3A_555, 0 {pack_format = #tpu.pack_format<interleaved>} : vector<32xbf16> -> vector<16xf32>
        %parallel_loop3A_557 = tpu.unpack_subelements %parallel_loop3A_555, 1 {pack_format = #tpu.pack_format<interleaved>} : vector<32xbf16> -> vector<16xf32>
        %parallel_loop3A_558 = arith.constant 4 : i32
        %parallel_loop3A_559 = arith.index_cast %parallel_loop3A_558 : i32 to index
        %parallel_loop3A_560 = arith.index_cast %parallel_loop3A_444 : i32 to index
        %parallel_loop3A_561 = arith.index_cast %parallel_loop3A_448 : i32 to index
        %parallel_loop3A_562 = tpu.vector_load %arg10[%parallel_loop3A_559, %parallel_loop3A_560, %parallel_loop3A_561] {strides = array<i32>} : memref<8x8x256xf32, #tpu.memory_space<vmem>>, vector<16xf32>,
        tpu.vector_store %arg10[%parallel_loop3A_559, %parallel_loop3A_560, %parallel_loop3A_561], %parallel_loop3A_556 {strides = array<i32>} : memref<8x8x256xf32, #tpu.memory_space<vmem>>, vector<16xf32>,
        %parallel_loop3A_563 = arith.constant 5 : i32
        %parallel_loop3A_564 = arith.index_cast %parallel_loop3A_563 : i32 to index
        %parallel_loop3A_565 = arith.index_cast %parallel_loop3A_444 : i32 to index
        %parallel_loop3A_566 = arith.index_cast %parallel_loop3A_448 : i32 to index
        %parallel_loop3A_567 = tpu.vector_load %arg10[%parallel_loop3A_564, %parallel_loop3A_565, %parallel_loop3A_566] {strides = array<i32>} : memref<8x8x256xf32, #tpu.memory_space<vmem>>, vector<16xf32>,
        tpu.vector_store %arg10[%parallel_loop3A_564, %parallel_loop3A_565, %parallel_loop3A_566], %parallel_loop3A_557 {strides = array<i32>} : memref<8x8x256xf32, #tpu.memory_space<vmem>>, vector<16xf32>,
        %parallel_loop3A_568 = arith.constant 3 : i32
        %parallel_loop3A_569 = vector.broadcast %parallel_loop3A_568 : i32 to vector<16xi32>
        %parallel_loop3A_570 = arith.addi %parallel_loop3A_491, %parallel_loop3A_569 : vector<16xi32>
        %parallel_loop3A_571 = tpu.vector_load_idx %arg6[%parallel_loop3A_570] : memref<35721xi32, #tpu.memory_space<vmem>>[vector<16xi32>], vector<16xi32>,
        %parallel_loop3A_572 = arith.constant 48 : i32
        %parallel_loop3A_573 = vector.broadcast %parallel_loop3A_572 : i32 to vector<16xi32>
        %parallel_loop3A_574 = arith.addi %parallel_loop3A_498, %parallel_loop3A_573 : vector<16xi32>
        %parallel_loop3A_575 = tpu.vector_load_idx %arg7[%parallel_loop3A_574] : memref<8064xi32, #tpu.memory_space<vmem>>[vector<16xi32>], vector<16xi32>,
        %parallel_loop3A_576 = vector.bitcast %parallel_loop3A_571 : vector<16xi32> to vector<32xbf16>
        %parallel_loop3A_577 = vector.bitcast %parallel_loop3A_575 : vector<16xi32> to vector<32xbf16>
        %parallel_loop3A_578 = arith.addf %parallel_loop3A_576, %parallel_loop3A_577 : vector<32xbf16>
        %parallel_loop3A_579 = tpu.unpack_subelements %parallel_loop3A_578, 0 {pack_format = #tpu.pack_format<interleaved>} : vector<32xbf16> -> vector<16xf32>
        %parallel_loop3A_580 = tpu.unpack_subelements %parallel_loop3A_578, 1 {pack_format = #tpu.pack_format<interleaved>} : vector<32xbf16> -> vector<16xf32>
        %parallel_loop3A_581 = arith.constant 6 : i32
        %parallel_loop3A_582 = arith.index_cast %parallel_loop3A_581 : i32 to index
        %parallel_loop3A_583 = arith.index_cast %parallel_loop3A_444 : i32 to index
        %parallel_loop3A_584 = arith.index_cast %parallel_loop3A_448 : i32 to index
        %parallel_loop3A_585 = tpu.vector_load %arg10[%parallel_loop3A_582, %parallel_loop3A_583, %parallel_loop3A_584] {strides = array<i32>} : memref<8x8x256xf32, #tpu.memory_space<vmem>>, vector<16xf32>,
        tpu.vector_store %arg10[%parallel_loop3A_582, %parallel_loop3A_583, %parallel_loop3A_584], %parallel_loop3A_579 {strides = array<i32>} : memref<8x8x256xf32, #tpu.memory_space<vmem>>, vector<16xf32>,
        %parallel_loop3A_586 = arith.constant 7 : i32
        %parallel_loop3A_587 = arith.index_cast %parallel_loop3A_586 : i32 to index
        %parallel_loop3A_588 = arith.index_cast %parallel_loop3A_444 : i32 to index
        %parallel_loop3A_589 = arith.index_cast %parallel_loop3A_448 : i32 to index
        %parallel_loop3A_590 = tpu.vector_load %arg10[%parallel_loop3A_587, %parallel_loop3A_588, %parallel_loop3A_589] {strides = array<i32>} : memref<8x8x256xf32, #tpu.memory_space<vmem>>, vector<16xf32>,
        tpu.vector_store %arg10[%parallel_loop3A_587, %parallel_loop3A_588, %parallel_loop3A_589], %parallel_loop3A_580 {strides = array<i32>} : memref<8x8x256xf32, #tpu.memory_space<vmem>>, vector<16xf32>,
      } {sc.loop_unroll_factor = 8 : i64, sc.parallel_access}
      %mul3A_141 = arith.constant 128 : i32
      %mul3A_142 = arith.muli %select_n3A_30, %mul3A_141 : i32
      %jit3A_143 = arith.constant 2 : i32
      %div3A_144 = arith.divsi %add3A_76, %jit3A_143 : i32
      %sign3A_145 = arith.constant 0 : i32
      %sign3A_146 = arith.cmpi sgt, %add3A_76, %sign3A_145 : i32
      %sign3A_147 = arith.extui %sign3A_146 : i1 to i32
      %sign3A_148 = arith.constant 0 : i32
      %sign3A_149 = arith.cmpi slt, %add3A_76, %sign3A_148 : i32
      %sign3A_150 = arith.extui %sign3A_149 : i1 to i32
      %sign3A_151 = arith.subi %sign3A_147, %sign3A_150 : i32
      %sign3A_152 = arith.constant 0 : i32
      %sign3A_153 = arith.cmpi sgt, %jit3A_143, %sign3A_152 : i32
      %sign3A_154 = arith.extui %sign3A_153 : i1 to i32
      %sign3A_155 = arith.constant 0 : i32
      %sign3A_156 = arith.cmpi slt, %jit3A_143, %sign3A_155 : i32
      %sign3A_157 = arith.extui %sign3A_156 : i1 to i32
      %sign3A_158 = arith.subi %sign3A_154, %sign3A_157 : i32
      %ne3A_159 = arith.cmpi ne, %sign3A_151, %sign3A_158 : i32
      %rem3A_160 = arith.remsi %add3A_76, %jit3A_143 : i32
      %ne3A_161 = arith.constant 0 : i32
      %ne3A_162 = arith.cmpi ne, %rem3A_160, %ne3A_161 : i32
      %and3A_163 = arith.andi %ne3A_159, %ne3A_162 : i1
      %sub3A_164 = arith.constant 1 : i32
      %sub3A_165 = arith.subi %div3A_144, %sub3A_164 : i32
      %select_n3A_166 = arith.select %and3A_163, %sub3A_165, %div3A_144 : i32
      %mul3A_167 = arith.constant 8 : i32
      %mul3A_168 = arith.muli %select_n3A_166, %mul3A_167 : i32
      %add3A_169 = arith.addi %mul3A_142, %mul3A_168 : i32
      %jit3A_170 = arith.constant 2 : i32
      %eq3A_171 = arith.constant 0 : i32
      %eq3A_172 = arith.cmpi eq, %jit3A_170, %eq3A_171 : i32
      %jit3A_173 = arith.constant 1 : i32
      %select_n3A_174 = arith.select %eq3A_172, %jit3A_173, %jit3A_170 : i32
      %rem3A_175 = arith.remsi %add3A_76, %select_n3A_174 : i32
      %ne3A_176 = arith.constant 0 : i32
      %ne3A_177 = arith.cmpi ne, %rem3A_175, %ne3A_176 : i32
      %lt3A_178 = arith.constant 0 : i32
      %lt3A_179 = arith.cmpi slt, %rem3A_175, %lt3A_178 : i32
      %lt3A_180 = arith.constant 0 : i32
      %lt3A_181 = arith.cmpi slt, %select_n3A_174, %lt3A_180 : i32
      %ne3A_182 = arith.xori %lt3A_179, %lt3A_181 : i1
      %and3A_183 = arith.andi %ne3A_182, %ne3A_177 : i1
      %add3A_184 = arith.addi %rem3A_175, %select_n3A_174 : i32
      %select_n3A_185 = arith.select %and3A_183, %add3A_184, %rem3A_175 : i32
      %mul3A_186 = arith.constant 256 : i32
      %mul3A_187 = arith.muli %select_n3A_185, %mul3A_186 : i32
      %dma_start3A_188 = arith.constant 0 : i32
      %dma_start3A_189 = tpu.memref_slice %arg5[%select_n3A, %dma_start3A_188, %add3A_169, %mul3A_187] : memref<8x16x512x512xf32, #tpu.memory_space<hbm>> -> memref<1x8x8x256xf32, #tpu.memory_space<hbm>>
      %dma_start3A_190 = tpu.memref_squeeze %dma_start3A_189 : memref<1x8x8x256xf32, #tpu.memory_space<hbm>> -> memref<8x8x256xf32, #tpu.memory_space<hbm>>
      %dma_start3A_191 = arith.constant 0 : i32
      %dma_start3A_192 = tpu.memref_slice %arg5[%select_n3A, %dma_start3A_191, %add3A_169, %mul3A_187] : memref<8x16x512x512xf32, #tpu.memory_space<hbm>> -> memref<1x8x8x256xf32, #tpu.memory_space<hbm>>
      %dma_start3A_193 = tpu.memref_squeeze %dma_start3A_192 : memref<1x8x8x256xf32, #tpu.memory_space<hbm>> -> memref<8x8x256xf32, #tpu.memory_space<hbm>>
      tpu.enqueue_dma source(%arg10 : memref<8x8x256xf32, #tpu.memory_space<vmem>>) target(%dma_start3A_193 : memref<8x8x256xf32, #tpu.memory_space<hbm>>) target_semaphore(%arg14 : memref<!tpu.dma_semaphore, #tpu.memory_space<semaphore_mem>>)
      %gt3A_194 = arith.constant 0 : i32
      %gt3A_195 = arith.cmpi sgt, %add3A_76, %gt3A_194 : i32
      %convert_element_type3A_196 = arith.extui %gt3A_195 : i1 to i32
      %cond3A_197 = arith.constant 0 : i32
      %cond3A_198 = arith.cmpi ne, %convert_element_type3A_196, %cond3A_197 : i32
      scf.if %cond3A_198 {
        %sub3A_442 = arith.constant 1 : i32
        %sub3A_443 = arith.subi %add3A_76, %sub3A_442 : i32
        %mul3A_444 = arith.constant 128 : i32
        %mul3A_445 = arith.muli %select_n3A_30, %mul3A_444 : i32
        %jit3A_446 = arith.constant 2 : i32
        %div3A_447 = arith.divsi %sub3A_443, %jit3A_446 : i32
        %sign3A_448 = arith.constant 0 : i32
        %sign3A_449 = arith.cmpi sgt, %sub3A_443, %sign3A_448 : i32
        %sign3A_450 = arith.extui %sign3A_449 : i1 to i32
        %sign3A_451 = arith.constant 0 : i32
        %sign3A_452 = arith.cmpi slt, %sub3A_443, %sign3A_451 : i32
        %sign3A_453 = arith.extui %sign3A_452 : i1 to i32
        %sign3A_454 = arith.subi %sign3A_450, %sign3A_453 : i32
        %sign3A_455 = arith.constant 0 : i32
        %sign3A_456 = arith.cmpi sgt, %jit3A_446, %sign3A_455 : i32
        %sign3A_457 = arith.extui %sign3A_456 : i1 to i32
        %sign3A_458 = arith.constant 0 : i32
        %sign3A_459 = arith.cmpi slt, %jit3A_446, %sign3A_458 : i32
        %sign3A_460 = arith.extui %sign3A_459 : i1 to i32
        %sign3A_461 = arith.subi %sign3A_457, %sign3A_460 : i32
        %ne3A_462 = arith.cmpi ne, %sign3A_454, %sign3A_461 : i32
        %rem3A_463 = arith.remsi %sub3A_443, %jit3A_446 : i32
        %ne3A_464 = arith.constant 0 : i32
        %ne3A_465 = arith.cmpi ne, %rem3A_463, %ne3A_464 : i32
        %and3A_466 = arith.andi %ne3A_462, %ne3A_465 : i1
        %sub3A_467 = arith.constant 1 : i32
        %sub3A_468 = arith.subi %div3A_447, %sub3A_467 : i32
        %select_n3A_469 = arith.select %and3A_466, %sub3A_468, %div3A_447 : i32
        %mul3A_470 = arith.constant 8 : i32
        %mul3A_471 = arith.muli %select_n3A_469, %mul3A_470 : i32
        %add3A_472 = arith.addi %mul3A_445, %mul3A_471 : i32
        %jit3A_473 = arith.constant 2 : i32
        %eq3A_474 = arith.constant 0 : i32
        %eq3A_475 = arith.cmpi eq, %jit3A_473, %eq3A_474 : i32
        %jit3A_476 = arith.constant 1 : i32
        %select_n3A_477 = arith.select %eq3A_475, %jit3A_476, %jit3A_473 : i32
        %rem3A_478 = arith.remsi %sub3A_443, %select_n3A_477 : i32
        %ne3A_479 = arith.constant 0 : i32
        %ne3A_480 = arith.cmpi ne, %rem3A_478, %ne3A_479 : i32
        %lt3A_481 = arith.constant 0 : i32
        %lt3A_482 = arith.cmpi slt, %rem3A_478, %lt3A_481 : i32
        %lt3A_483 = arith.constant 0 : i32
        %lt3A_484 = arith.cmpi slt, %select_n3A_477, %lt3A_483 : i32
        %ne3A_485 = arith.xori %lt3A_482, %lt3A_484 : i1
        %and3A_486 = arith.andi %ne3A_485, %ne3A_480 : i1
        %add3A_487 = arith.addi %rem3A_478, %select_n3A_477 : i32
        %select_n3A_488 = arith.select %and3A_486, %add3A_487, %rem3A_478 : i32
        %mul3A_489 = arith.constant 256 : i32
        %mul3A_490 = arith.muli %select_n3A_488, %mul3A_489 : i32
        %dma_wait3A_491 = arith.constant 8 : i32
        %dma_wait3A_492 = tpu.memref_slice %arg5[%select_n3A, %dma_wait3A_491, %add3A_472, %mul3A_490] : memref<8x16x512x512xf32, #tpu.memory_space<hbm>> -> memref<1x8x8x256xf32, #tpu.memory_space<hbm>>
        %dma_wait3A_493 = tpu.memref_squeeze %dma_wait3A_492 : memref<1x8x8x256xf32, #tpu.memory_space<hbm>> -> memref<8x8x256xf32, #tpu.memory_space<hbm>>
        %dma_wait3A_494 = arith.constant 8 : i32
        %dma_wait3A_495 = tpu.memref_slice %arg5[%select_n3A, %dma_wait3A_494, %add3A_472, %mul3A_490] : memref<8x16x512x512xf32, #tpu.memory_space<hbm>> -> memref<1x8x8x256xf32, #tpu.memory_space<hbm>>
        %dma_wait3A_496 = tpu.memref_squeeze %dma_wait3A_495 : memref<1x8x8x256xf32, #tpu.memory_space<hbm>> -> memref<8x8x256xf32, #tpu.memory_space<hbm>>
        tpu.wait_dma2 semaphore(%arg15 : memref<!tpu.dma_semaphore, #tpu.memory_space<semaphore_mem>>) src(%arg11 : memref<8x8x256xf32, #tpu.memory_space<vmem>>) dst(%dma_wait3A_496 : memref<8x8x256xf32, #tpu.memory_space<hbm>>)
      } else {
      }
      %parallel_loop3A_199 = arith.constant 0 : i32
      %parallel_loop3A_200 = arith.constant 128 : i32
      %parallel_loop3A_201 = arith.constant 1 : i32
      scf.for %parallel_loop3A_442 = %parallel_loop3A_199 to %parallel_loop3A_200 step %parallel_loop3A_201  : i32 {
        %parallel_loop3A_443 = arith.constant 4 : i32
        %parallel_loop3A_444 = arith.shrui %parallel_loop3A_442, %parallel_loop3A_443 : i32
        %parallel_loop3A_445 = arith.constant 15 : i32
        %parallel_loop3A_446 = arith.andi %parallel_loop3A_442, %parallel_loop3A_445 : i32
        %parallel_loop3A_447 = arith.constant 16 : i32
        %parallel_loop3A_448 = arith.muli %parallel_loop3A_446, %parallel_loop3A_447 : i32
        %parallel_loop3A_449 = arith.constant 0 : i32
        %parallel_loop3A_450 = arith.index_cast %parallel_loop3A_449 : i32 to index
        %parallel_loop3A_451 = arith.index_cast %parallel_loop3A_444 : i32 to index
        %parallel_loop3A_452 = arith.index_cast %parallel_loop3A_448 : i32 to index
        %parallel_loop3A_453 = tpu.vector_load %arg8[%parallel_loop3A_450, %parallel_loop3A_451, %parallel_loop3A_452] {strides = array<i32>} : memref<3x8x256xi32, #tpu.memory_space<vmem>>, vector<16xi32>,
        %parallel_loop3A_454 = arith.constant 1 : i32
        %parallel_loop3A_455 = arith.index_cast %parallel_loop3A_454 : i32 to index
        %parallel_loop3A_456 = arith.index_cast %parallel_loop3A_444 : i32 to index
        %parallel_loop3A_457 = arith.index_cast %parallel_loop3A_448 : i32 to index
        %parallel_loop3A_458 = tpu.vector_load %arg8[%parallel_loop3A_455, %parallel_loop3A_456, %parallel_loop3A_457] {strides = array<i32>} : memref<3x8x256xi32, #tpu.memory_space<vmem>>, vector<16xi32>,
        %parallel_loop3A_459 = arith.constant 2 : i32
        %parallel_loop3A_460 = arith.index_cast %parallel_loop3A_459 : i32 to index
        %parallel_loop3A_461 = arith.index_cast %parallel_loop3A_444 : i32 to index
        %parallel_loop3A_462 = arith.index_cast %parallel_loop3A_448 : i32 to index
        %parallel_loop3A_463 = tpu.vector_load %arg8[%parallel_loop3A_460, %parallel_loop3A_461, %parallel_loop3A_462] {strides = array<i32>} : memref<3x8x256xi32, #tpu.memory_space<vmem>>, vector<16xi32>,
        %parallel_loop3A_464 = arith.constant -31 : i32
        %parallel_loop3A_465 = vector.broadcast %parallel_loop3A_464 : i32 to vector<16xi32>
        %parallel_loop3A_466 = arith.maxsi %parallel_loop3A_453, %parallel_loop3A_465 : vector<16xi32>
        %parallel_loop3A_467 = arith.constant 31 : i32
        %parallel_loop3A_468 = vector.broadcast %parallel_loop3A_467 : i32 to vector<16xi32>
        %parallel_loop3A_469 = arith.minsi %parallel_loop3A_466, %parallel_loop3A_468 : vector<16xi32>
        %parallel_loop3A_470 = arith.constant -31 : i32
        %parallel_loop3A_471 = vector.broadcast %parallel_loop3A_470 : i32 to vector<16xi32>
        %parallel_loop3A_472 = arith.maxsi %parallel_loop3A_458, %parallel_loop3A_471 : vector<16xi32>
        %parallel_loop3A_473 = arith.constant 31 : i32
        %parallel_loop3A_474 = vector.broadcast %parallel_loop3A_473 : i32 to vector<16xi32>
        %parallel_loop3A_475 = arith.minsi %parallel_loop3A_472, %parallel_loop3A_474 : vector<16xi32>
        %parallel_loop3A_476 = arith.constant -31 : i32
        %parallel_loop3A_477 = vector.broadcast %parallel_loop3A_476 : i32 to vector<16xi32>
        %parallel_loop3A_478 = arith.maxsi %parallel_loop3A_463, %parallel_loop3A_477 : vector<16xi32>
        %parallel_loop3A_479 = arith.constant 31 : i32
        %parallel_loop3A_480 = vector.broadcast %parallel_loop3A_479 : i32 to vector<16xi32>
        %parallel_loop3A_481 = arith.minsi %parallel_loop3A_478, %parallel_loop3A_480 : vector<16xi32>
        %parallel_loop3A_482 = arith.constant 567 : i32
        %parallel_loop3A_483 = vector.broadcast %parallel_loop3A_482 : i32 to vector<16xi32>
        %parallel_loop3A_484 = arith.muli %parallel_loop3A_469, %parallel_loop3A_483 : vector<16xi32>
        %parallel_loop3A_485 = arith.constant 9 : i32
        %parallel_loop3A_486 = vector.broadcast %parallel_loop3A_485 : i32 to vector<16xi32>
        %parallel_loop3A_487 = arith.muli %parallel_loop3A_475, %parallel_loop3A_486 : vector<16xi32>
        %parallel_loop3A_488 = arith.addi %parallel_loop3A_484, %parallel_loop3A_487 : vector<16xi32>
        %parallel_loop3A_489 = arith.constant 17856 : i32
        %parallel_loop3A_490 = vector.broadcast %parallel_loop3A_489 : i32 to vector<16xi32>
        %parallel_loop3A_491 = arith.addi %parallel_loop3A_488, %parallel_loop3A_490 : vector<16xi32>
        %parallel_loop3A_492 = arith.constant 128 : i32
        %parallel_loop3A_493 = vector.broadcast %parallel_loop3A_492 : i32 to vector<16xi32>
        %parallel_loop3A_494 = arith.muli %parallel_loop3A_481, %parallel_loop3A_493 : vector<16xi32>
        %parallel_loop3A_495 = arith.constant 3968 : i32
        %parallel_loop3A_496 = vector.broadcast %parallel_loop3A_495 : i32 to vector<16xi32>
        %parallel_loop3A_497 = arith.addi %parallel_loop3A_496, %iota3A : vector<16xi32>
        %parallel_loop3A_498 = arith.addi %parallel_loop3A_494, %parallel_loop3A_497 : vector<16xi32>
        %parallel_loop3A_499 = arith.constant 4 : i32
        %parallel_loop3A_500 = vector.broadcast %parallel_loop3A_499 : i32 to vector<16xi32>
        %parallel_loop3A_501 = arith.addi %parallel_loop3A_491, %parallel_loop3A_500 : vector<16xi32>
        %parallel_loop3A_502 = tpu.vector_load_idx %arg6[%parallel_loop3A_501] : memref<35721xi32, #tpu.memory_space<vmem>>[vector<16xi32>], vector<16xi32>,
        %parallel_loop3A_503 = arith.constant 64 : i32
        %parallel_loop3A_504 = vector.broadcast %parallel_loop3A_503 : i32 to vector<16xi32>
        %parallel_loop3A_505 = arith.addi %parallel_loop3A_498, %parallel_loop3A_504 : vector<16xi32>
        %parallel_loop3A_506 = tpu.vector_load_idx %arg7[%parallel_loop3A_505] : memref<8064xi32, #tpu.memory_space<vmem>>[vector<16xi32>], vector<16xi32>,
        %parallel_loop3A_507 = vector.bitcast %parallel_loop3A_502 : vector<16xi32> to vector<32xbf16>
        %parallel_loop3A_508 = vector.bitcast %parallel_loop3A_506 : vector<16xi32> to vector<32xbf16>
        %parallel_loop3A_509 = arith.addf %parallel_loop3A_507, %parallel_loop3A_508 : vector<32xbf16>
        %parallel_loop3A_510 = tpu.unpack_subelements %parallel_loop3A_509, 0 {pack_format = #tpu.pack_format<interleaved>} : vector<32xbf16> -> vector<16xf32>
        %parallel_loop3A_511 = tpu.unpack_subelements %parallel_loop3A_509, 1 {pack_format = #tpu.pack_format<interleaved>} : vector<32xbf16> -> vector<16xf32>
        %parallel_loop3A_512 = arith.constant 0 : i32
        %parallel_loop3A_513 = arith.index_cast %parallel_loop3A_512 : i32 to index
        %parallel_loop3A_514 = arith.index_cast %parallel_loop3A_444 : i32 to index
        %parallel_loop3A_515 = arith.index_cast %parallel_loop3A_448 : i32 to index
        %parallel_loop3A_516 = tpu.vector_load %arg11[%parallel_loop3A_513, %parallel_loop3A_514, %parallel_loop3A_515] {strides = array<i32>} : memref<8x8x256xf32, #tpu.memory_space<vmem>>, vector<16xf32>,
        tpu.vector_store %arg11[%parallel_loop3A_513, %parallel_loop3A_514, %parallel_loop3A_515], %parallel_loop3A_510 {strides = array<i32>} : memref<8x8x256xf32, #tpu.memory_space<vmem>>, vector<16xf32>,
        %parallel_loop3A_517 = arith.constant 1 : i32
        %parallel_loop3A_518 = arith.index_cast %parallel_loop3A_517 : i32 to index
        %parallel_loop3A_519 = arith.index_cast %parallel_loop3A_444 : i32 to index
        %parallel_loop3A_520 = arith.index_cast %parallel_loop3A_448 : i32 to index
        %parallel_loop3A_521 = tpu.vector_load %arg11[%parallel_loop3A_518, %parallel_loop3A_519, %parallel_loop3A_520] {strides = array<i32>} : memref<8x8x256xf32, #tpu.memory_space<vmem>>, vector<16xf32>,
        tpu.vector_store %arg11[%parallel_loop3A_518, %parallel_loop3A_519, %parallel_loop3A_520], %parallel_loop3A_511 {strides = array<i32>} : memref<8x8x256xf32, #tpu.memory_space<vmem>>, vector<16xf32>,
        %parallel_loop3A_522 = arith.constant 5 : i32
        %parallel_loop3A_523 = vector.broadcast %parallel_loop3A_522 : i32 to vector<16xi32>
        %parallel_loop3A_524 = arith.addi %parallel_loop3A_491, %parallel_loop3A_523 : vector<16xi32>
        %parallel_loop3A_525 = tpu.vector_load_idx %arg6[%parallel_loop3A_524] : memref<35721xi32, #tpu.memory_space<vmem>>[vector<16xi32>], vector<16xi32>,
        %parallel_loop3A_526 = arith.constant 80 : i32
        %parallel_loop3A_527 = vector.broadcast %parallel_loop3A_526 : i32 to vector<16xi32>
        %parallel_loop3A_528 = arith.addi %parallel_loop3A_498, %parallel_loop3A_527 : vector<16xi32>
        %parallel_loop3A_529 = tpu.vector_load_idx %arg7[%parallel_loop3A_528] : memref<8064xi32, #tpu.memory_space<vmem>>[vector<16xi32>], vector<16xi32>,
        %parallel_loop3A_530 = vector.bitcast %parallel_loop3A_525 : vector<16xi32> to vector<32xbf16>
        %parallel_loop3A_531 = vector.bitcast %parallel_loop3A_529 : vector<16xi32> to vector<32xbf16>
        %parallel_loop3A_532 = arith.addf %parallel_loop3A_530, %parallel_loop3A_531 : vector<32xbf16>
        %parallel_loop3A_533 = tpu.unpack_subelements %parallel_loop3A_532, 0 {pack_format = #tpu.pack_format<interleaved>} : vector<32xbf16> -> vector<16xf32>
        %parallel_loop3A_534 = tpu.unpack_subelements %parallel_loop3A_532, 1 {pack_format = #tpu.pack_format<interleaved>} : vector<32xbf16> -> vector<16xf32>
        %parallel_loop3A_535 = arith.constant 2 : i32
        %parallel_loop3A_536 = arith.index_cast %parallel_loop3A_535 : i32 to index
        %parallel_loop3A_537 = arith.index_cast %parallel_loop3A_444 : i32 to index
        %parallel_loop3A_538 = arith.index_cast %parallel_loop3A_448 : i32 to index
        %parallel_loop3A_539 = tpu.vector_load %arg11[%parallel_loop3A_536, %parallel_loop3A_537, %parallel_loop3A_538] {strides = array<i32>} : memref<8x8x256xf32, #tpu.memory_space<vmem>>, vector<16xf32>,
        tpu.vector_store %arg11[%parallel_loop3A_536, %parallel_loop3A_537, %parallel_loop3A_538], %parallel_loop3A_533 {strides = array<i32>} : memref<8x8x256xf32, #tpu.memory_space<vmem>>, vector<16xf32>,
        %parallel_loop3A_540 = arith.constant 3 : i32
        %parallel_loop3A_541 = arith.index_cast %parallel_loop3A_540 : i32 to index
        %parallel_loop3A_542 = arith.index_cast %parallel_loop3A_444 : i32 to index
        %parallel_loop3A_543 = arith.index_cast %parallel_loop3A_448 : i32 to index
        %parallel_loop3A_544 = tpu.vector_load %arg11[%parallel_loop3A_541, %parallel_loop3A_542, %parallel_loop3A_543] {strides = array<i32>} : memref<8x8x256xf32, #tpu.memory_space<vmem>>, vector<16xf32>,
        tpu.vector_store %arg11[%parallel_loop3A_541, %parallel_loop3A_542, %parallel_loop3A_543], %parallel_loop3A_534 {strides = array<i32>} : memref<8x8x256xf32, #tpu.memory_space<vmem>>, vector<16xf32>,
        %parallel_loop3A_545 = arith.constant 6 : i32
        %parallel_loop3A_546 = vector.broadcast %parallel_loop3A_545 : i32 to vector<16xi32>
        %parallel_loop3A_547 = arith.addi %parallel_loop3A_491, %parallel_loop3A_546 : vector<16xi32>
        %parallel_loop3A_548 = tpu.vector_load_idx %arg6[%parallel_loop3A_547] : memref<35721xi32, #tpu.memory_space<vmem>>[vector<16xi32>], vector<16xi32>,
        %parallel_loop3A_549 = arith.constant 96 : i32
        %parallel_loop3A_550 = vector.broadcast %parallel_loop3A_549 : i32 to vector<16xi32>
        %parallel_loop3A_551 = arith.addi %parallel_loop3A_498, %parallel_loop3A_550 : vector<16xi32>
        %parallel_loop3A_552 = tpu.vector_load_idx %arg7[%parallel_loop3A_551] : memref<8064xi32, #tpu.memory_space<vmem>>[vector<16xi32>], vector<16xi32>,
        %parallel_loop3A_553 = vector.bitcast %parallel_loop3A_548 : vector<16xi32> to vector<32xbf16>
        %parallel_loop3A_554 = vector.bitcast %parallel_loop3A_552 : vector<16xi32> to vector<32xbf16>
        %parallel_loop3A_555 = arith.addf %parallel_loop3A_553, %parallel_loop3A_554 : vector<32xbf16>
        %parallel_loop3A_556 = tpu.unpack_subelements %parallel_loop3A_555, 0 {pack_format = #tpu.pack_format<interleaved>} : vector<32xbf16> -> vector<16xf32>
        %parallel_loop3A_557 = tpu.unpack_subelements %parallel_loop3A_555, 1 {pack_format = #tpu.pack_format<interleaved>} : vector<32xbf16> -> vector<16xf32>
        %parallel_loop3A_558 = arith.constant 4 : i32
        %parallel_loop3A_559 = arith.index_cast %parallel_loop3A_558 : i32 to index
        %parallel_loop3A_560 = arith.index_cast %parallel_loop3A_444 : i32 to index
        %parallel_loop3A_561 = arith.index_cast %parallel_loop3A_448 : i32 to index
        %parallel_loop3A_562 = tpu.vector_load %arg11[%parallel_loop3A_559, %parallel_loop3A_560, %parallel_loop3A_561] {strides = array<i32>} : memref<8x8x256xf32, #tpu.memory_space<vmem>>, vector<16xf32>,
        tpu.vector_store %arg11[%parallel_loop3A_559, %parallel_loop3A_560, %parallel_loop3A_561], %parallel_loop3A_556 {strides = array<i32>} : memref<8x8x256xf32, #tpu.memory_space<vmem>>, vector<16xf32>,
        %parallel_loop3A_563 = arith.constant 5 : i32
        %parallel_loop3A_564 = arith.index_cast %parallel_loop3A_563 : i32 to index
        %parallel_loop3A_565 = arith.index_cast %parallel_loop3A_444 : i32 to index
        %parallel_loop3A_566 = arith.index_cast %parallel_loop3A_448 : i32 to index
        %parallel_loop3A_567 = tpu.vector_load %arg11[%parallel_loop3A_564, %parallel_loop3A_565, %parallel_loop3A_566] {strides = array<i32>} : memref<8x8x256xf32, #tpu.memory_space<vmem>>, vector<16xf32>,
        tpu.vector_store %arg11[%parallel_loop3A_564, %parallel_loop3A_565, %parallel_loop3A_566], %parallel_loop3A_557 {strides = array<i32>} : memref<8x8x256xf32, #tpu.memory_space<vmem>>, vector<16xf32>,
        %parallel_loop3A_568 = arith.constant 7 : i32
        %parallel_loop3A_569 = vector.broadcast %parallel_loop3A_568 : i32 to vector<16xi32>
        %parallel_loop3A_570 = arith.addi %parallel_loop3A_491, %parallel_loop3A_569 : vector<16xi32>
        %parallel_loop3A_571 = tpu.vector_load_idx %arg6[%parallel_loop3A_570] : memref<35721xi32, #tpu.memory_space<vmem>>[vector<16xi32>], vector<16xi32>,
        %parallel_loop3A_572 = arith.constant 112 : i32
        %parallel_loop3A_573 = vector.broadcast %parallel_loop3A_572 : i32 to vector<16xi32>
        %parallel_loop3A_574 = arith.addi %parallel_loop3A_498, %parallel_loop3A_573 : vector<16xi32>
        %parallel_loop3A_575 = tpu.vector_load_idx %arg7[%parallel_loop3A_574] : memref<8064xi32, #tpu.memory_space<vmem>>[vector<16xi32>], vector<16xi32>,
        %parallel_loop3A_576 = vector.bitcast %parallel_loop3A_571 : vector<16xi32> to vector<32xbf16>
        %parallel_loop3A_577 = vector.bitcast %parallel_loop3A_575 : vector<16xi32> to vector<32xbf16>
        %parallel_loop3A_578 = arith.addf %parallel_loop3A_576, %parallel_loop3A_577 : vector<32xbf16>
        %parallel_loop3A_579 = tpu.unpack_subelements %parallel_loop3A_578, 0 {pack_format = #tpu.pack_format<interleaved>} : vector<32xbf16> -> vector<16xf32>
        %parallel_loop3A_580 = tpu.unpack_subelements %parallel_loop3A_578, 1 {pack_format = #tpu.pack_format<interleaved>} : vector<32xbf16> -> vector<16xf32>
        %parallel_loop3A_581 = arith.constant 6 : i32
        %parallel_loop3A_582 = arith.index_cast %parallel_loop3A_581 : i32 to index
        %parallel_loop3A_583 = arith.index_cast %parallel_loop3A_444 : i32 to index
        %parallel_loop3A_584 = arith.index_cast %parallel_loop3A_448 : i32 to index
        %parallel_loop3A_585 = tpu.vector_load %arg11[%parallel_loop3A_582, %parallel_loop3A_583, %parallel_loop3A_584] {strides = array<i32>} : memref<8x8x256xf32, #tpu.memory_space<vmem>>, vector<16xf32>,
        tpu.vector_store %arg11[%parallel_loop3A_582, %parallel_loop3A_583, %parallel_loop3A_584], %parallel_loop3A_579 {strides = array<i32>} : memref<8x8x256xf32, #tpu.memory_space<vmem>>, vector<16xf32>,
        %parallel_loop3A_586 = arith.constant 7 : i32
        %parallel_loop3A_587 = arith.index_cast %parallel_loop3A_586 : i32 to index
        %parallel_loop3A_588 = arith.index_cast %parallel_loop3A_444 : i32 to index
        %parallel_loop3A_589 = arith.index_cast %parallel_loop3A_448 : i32 to index
        %parallel_loop3A_590 = tpu.vector_load %arg11[%parallel_loop3A_587, %parallel_loop3A_588, %parallel_loop3A_589] {strides = array<i32>} : memref<8x8x256xf32, #tpu.memory_space<vmem>>, vector<16xf32>,
        tpu.vector_store %arg11[%parallel_loop3A_587, %parallel_loop3A_588, %parallel_loop3A_589], %parallel_loop3A_580 {strides = array<i32>} : memref<8x8x256xf32, #tpu.memory_space<vmem>>, vector<16xf32>,
      } {sc.loop_unroll_factor = 8 : i64, sc.parallel_access}
      %mul3A_202 = arith.constant 128 : i32
      %mul3A_203 = arith.muli %select_n3A_30, %mul3A_202 : i32
      %jit3A_204 = arith.constant 2 : i32
      %div3A_205 = arith.divsi %add3A_76, %jit3A_204 : i32
      %sign3A_206 = arith.constant 0 : i32
      %sign3A_207 = arith.cmpi sgt, %add3A_76, %sign3A_206 : i32
      %sign3A_208 = arith.extui %sign3A_207 : i1 to i32
      %sign3A_209 = arith.constant 0 : i32
      %sign3A_210 = arith.cmpi slt, %add3A_76, %sign3A_209 : i32
      %sign3A_211 = arith.extui %sign3A_210 : i1 to i32
      %sign3A_212 = arith.subi %sign3A_208, %sign3A_211 : i32
      %sign3A_213 = arith.constant 0 : i32
      %sign3A_214 = arith.cmpi sgt, %jit3A_204, %sign3A_213 : i32
      %sign3A_215 = arith.extui %sign3A_214 : i1 to i32
      %sign3A_216 = arith.constant 0 : i32
      %sign3A_217 = arith.cmpi slt, %jit3A_204, %sign3A_216 : i32
      %sign3A_218 = arith.extui %sign3A_217 : i1 to i32
      %sign3A_219 = arith.subi %sign3A_215, %sign3A_218 : i32
      %ne3A_220 = arith.cmpi ne, %sign3A_212, %sign3A_219 : i32
      %rem3A_221 = arith.remsi %add3A_76, %jit3A_204 : i32
      %ne3A_222 = arith.constant 0 : i32
      %ne3A_223 = arith.cmpi ne, %rem3A_221, %ne3A_222 : i32
      %and3A_224 = arith.andi %ne3A_220, %ne3A_223 : i1
      %sub3A_225 = arith.constant 1 : i32
      %sub3A_226 = arith.subi %div3A_205, %sub3A_225 : i32
      %select_n3A_227 = arith.select %and3A_224, %sub3A_226, %div3A_205 : i32
      %mul3A_228 = arith.constant 8 : i32
      %mul3A_229 = arith.muli %select_n3A_227, %mul3A_228 : i32
      %add3A_230 = arith.addi %mul3A_203, %mul3A_229 : i32
      %jit3A_231 = arith.constant 2 : i32
      %eq3A_232 = arith.constant 0 : i32
      %eq3A_233 = arith.cmpi eq, %jit3A_231, %eq3A_232 : i32
      %jit3A_234 = arith.constant 1 : i32
      %select_n3A_235 = arith.select %eq3A_233, %jit3A_234, %jit3A_231 : i32
      %rem3A_236 = arith.remsi %add3A_76, %select_n3A_235 : i32
      %ne3A_237 = arith.constant 0 : i32
      %ne3A_238 = arith.cmpi ne, %rem3A_236, %ne3A_237 : i32
      %lt3A_239 = arith.constant 0 : i32
      %lt3A_240 = arith.cmpi slt, %rem3A_236, %lt3A_239 : i32
      %lt3A_241 = arith.constant 0 : i32
      %lt3A_242 = arith.cmpi slt, %select_n3A_235, %lt3A_241 : i32
      %ne3A_243 = arith.xori %lt3A_240, %lt3A_242 : i1
      %and3A_244 = arith.andi %ne3A_243, %ne3A_238 : i1
      %add3A_245 = arith.addi %rem3A_236, %select_n3A_235 : i32
      %select_n3A_246 = arith.select %and3A_244, %add3A_245, %rem3A_236 : i32
      %mul3A_247 = arith.constant 256 : i32
      %mul3A_248 = arith.muli %select_n3A_246, %mul3A_247 : i32
      %dma_start3A_249 = arith.constant 8 : i32
      %dma_start3A_250 = tpu.memref_slice %arg5[%select_n3A, %dma_start3A_249, %add3A_230, %mul3A_248] : memref<8x16x512x512xf32, #tpu.memory_space<hbm>> -> memref<1x8x8x256xf32, #tpu.memory_space<hbm>>
      %dma_start3A_251 = tpu.memref_squeeze %dma_start3A_250 : memref<1x8x8x256xf32, #tpu.memory_space<hbm>> -> memref<8x8x256xf32, #tpu.memory_space<hbm>>
      %dma_start3A_252 = arith.constant 8 : i32
      %dma_start3A_253 = tpu.memref_slice %arg5[%select_n3A, %dma_start3A_252, %add3A_230, %mul3A_248] : memref<8x16x512x512xf32, #tpu.memory_space<hbm>> -> memref<1x8x8x256xf32, #tpu.memory_space<hbm>>
      %dma_start3A_254 = tpu.memref_squeeze %dma_start3A_253 : memref<1x8x8x256xf32, #tpu.memory_space<hbm>> -> memref<8x8x256xf32, #tpu.memory_space<hbm>>
      tpu.enqueue_dma source(%arg11 : memref<8x8x256xf32, #tpu.memory_space<vmem>>) target(%dma_start3A_254 : memref<8x8x256xf32, #tpu.memory_space<hbm>>) target_semaphore(%arg15 : memref<!tpu.dma_semaphore, #tpu.memory_space<semaphore_mem>>)
      %mul3A_255 = arith.constant 2 : i32
      %mul3A_256 = arith.muli %mul3A_255, %scan3A_71 : i32
      %add3A_257 = arith.constant 1 : i32
      %add3A_258 = arith.addi %mul3A_256, %add3A_257 : i32
      %mul3A_259 = arith.constant 128 : i32
      %mul3A_260 = arith.muli %select_n3A_30, %mul3A_259 : i32
      %jit3A_261 = arith.constant 2 : i32
      %div3A_262 = arith.divsi %add3A_258, %jit3A_261 : i32
      %sign3A_263 = arith.constant 0 : i32
      %sign3A_264 = arith.cmpi sgt, %add3A_258, %sign3A_263 : i32
      %sign3A_265 = arith.extui %sign3A_264 : i1 to i32
      %sign3A_266 = arith.constant 0 : i32
      %sign3A_267 = arith.cmpi slt, %add3A_258, %sign3A_266 : i32
      %sign3A_268 = arith.extui %sign3A_267 : i1 to i32
      %sign3A_269 = arith.subi %sign3A_265, %sign3A_268 : i32
      %sign3A_270 = arith.constant 0 : i32
      %sign3A_271 = arith.cmpi sgt, %jit3A_261, %sign3A_270 : i32
      %sign3A_272 = arith.extui %sign3A_271 : i1 to i32
      %sign3A_273 = arith.constant 0 : i32
      %sign3A_274 = arith.cmpi slt, %jit3A_261, %sign3A_273 : i32
      %sign3A_275 = arith.extui %sign3A_274 : i1 to i32
      %sign3A_276 = arith.subi %sign3A_272, %sign3A_275 : i32
      %ne3A_277 = arith.cmpi ne, %sign3A_269, %sign3A_276 : i32
      %rem3A_278 = arith.remsi %add3A_258, %jit3A_261 : i32
      %ne3A_279 = arith.constant 0 : i32
      %ne3A_280 = arith.cmpi ne, %rem3A_278, %ne3A_279 : i32
      %and3A_281 = arith.andi %ne3A_277, %ne3A_280 : i1
      %sub3A_282 = arith.constant 1 : i32
      %sub3A_283 = arith.subi %div3A_262, %sub3A_282 : i32
      %select_n3A_284 = arith.select %and3A_281, %sub3A_283, %div3A_262 : i32
      %mul3A_285 = arith.constant 8 : i32
      %mul3A_286 = arith.muli %select_n3A_284, %mul3A_285 : i32
      %add3A_287 = arith.addi %mul3A_260, %mul3A_286 : i32
      %jit3A_288 = arith.constant 2 : i32
      %eq3A_289 = arith.constant 0 : i32
      %eq3A_290 = arith.cmpi eq, %jit3A_288, %eq3A_289 : i32
      %jit3A_291 = arith.constant 1 : i32
      %select_n3A_292 = arith.select %eq3A_290, %jit3A_291, %jit3A_288 : i32
      %rem3A_293 = arith.remsi %add3A_258, %select_n3A_292 : i32
      %ne3A_294 = arith.constant 0 : i32
      %ne3A_295 = arith.cmpi ne, %rem3A_293, %ne3A_294 : i32
      %lt3A_296 = arith.constant 0 : i32
      %lt3A_297 = arith.cmpi slt, %rem3A_293, %lt3A_296 : i32
      %lt3A_298 = arith.constant 0 : i32
      %lt3A_299 = arith.cmpi slt, %select_n3A_292, %lt3A_298 : i32
      %ne3A_300 = arith.xori %lt3A_297, %lt3A_299 : i1
      %and3A_301 = arith.andi %ne3A_300, %ne3A_295 : i1
      %add3A_302 = arith.addi %rem3A_293, %select_n3A_292 : i32
      %select_n3A_303 = arith.select %and3A_301, %add3A_302, %rem3A_293 : i32
      %mul3A_304 = arith.constant 256 : i32
      %mul3A_305 = arith.muli %select_n3A_303, %mul3A_304 : i32
      %dma_wait3A_306 = arith.constant 0 : i32
      %dma_wait3A_307 = tpu.memref_slice %arg4[%select_n3A, %dma_wait3A_306, %add3A_287, %mul3A_305] : memref<8x3x512x512xi32, #tpu.memory_space<hbm>> -> memref<1x3x8x256xi32, #tpu.memory_space<hbm>>
      %dma_wait3A_308 = tpu.memref_squeeze %dma_wait3A_307 : memref<1x3x8x256xi32, #tpu.memory_space<hbm>> -> memref<3x8x256xi32, #tpu.memory_space<hbm>>
      %dma_wait3A_309 = arith.constant 0 : i32
      %dma_wait3A_310 = tpu.memref_slice %arg4[%select_n3A, %dma_wait3A_309, %add3A_287, %mul3A_305] : memref<8x3x512x512xi32, #tpu.memory_space<hbm>> -> memref<1x3x8x256xi32, #tpu.memory_space<hbm>>
      %dma_wait3A_311 = tpu.memref_squeeze %dma_wait3A_310 : memref<1x3x8x256xi32, #tpu.memory_space<hbm>> -> memref<3x8x256xi32, #tpu.memory_space<hbm>>
      tpu.wait_dma2 semaphore(%arg13 : memref<!tpu.dma_semaphore, #tpu.memory_space<semaphore_mem>>) src(%dma_wait3A_311 : memref<3x8x256xi32, #tpu.memory_space<hbm>>) dst(%arg9 : memref<3x8x256xi32, #tpu.memory_space<vmem>>)
      %add3A_312 = arith.constant 1 : i32
      %add3A_313 = arith.addi %add3A_258, %add3A_312 : i32
      %lt3A_314 = arith.constant 32 : i32
      %lt3A_315 = arith.cmpi slt, %add3A_313, %lt3A_314 : i32
      %convert_element_type3A_316 = arith.extui %lt3A_315 : i1 to i32
      %cond3A_317 = arith.constant 0 : i32
      %cond3A_318 = arith.cmpi ne, %convert_element_type3A_316, %cond3A_317 : i32
      scf.if %cond3A_318 {
        %add3A_442 = arith.constant 1 : i32
        %add3A_443 = arith.addi %add3A_258, %add3A_442 : i32
        %mul3A_444 = arith.constant 128 : i32
        %mul3A_445 = arith.muli %select_n3A_30, %mul3A_444 : i32
        %jit3A_446 = arith.constant 2 : i32
        %div3A_447 = arith.divsi %add3A_443, %jit3A_446 : i32
        %sign3A_448 = arith.constant 0 : i32
        %sign3A_449 = arith.cmpi sgt, %add3A_443, %sign3A_448 : i32
        %sign3A_450 = arith.extui %sign3A_449 : i1 to i32
        %sign3A_451 = arith.constant 0 : i32
        %sign3A_452 = arith.cmpi slt, %add3A_443, %sign3A_451 : i32
        %sign3A_453 = arith.extui %sign3A_452 : i1 to i32
        %sign3A_454 = arith.subi %sign3A_450, %sign3A_453 : i32
        %sign3A_455 = arith.constant 0 : i32
        %sign3A_456 = arith.cmpi sgt, %jit3A_446, %sign3A_455 : i32
        %sign3A_457 = arith.extui %sign3A_456 : i1 to i32
        %sign3A_458 = arith.constant 0 : i32
        %sign3A_459 = arith.cmpi slt, %jit3A_446, %sign3A_458 : i32
        %sign3A_460 = arith.extui %sign3A_459 : i1 to i32
        %sign3A_461 = arith.subi %sign3A_457, %sign3A_460 : i32
        %ne3A_462 = arith.cmpi ne, %sign3A_454, %sign3A_461 : i32
        %rem3A_463 = arith.remsi %add3A_443, %jit3A_446 : i32
        %ne3A_464 = arith.constant 0 : i32
        %ne3A_465 = arith.cmpi ne, %rem3A_463, %ne3A_464 : i32
        %and3A_466 = arith.andi %ne3A_462, %ne3A_465 : i1
        %sub3A_467 = arith.constant 1 : i32
        %sub3A_468 = arith.subi %div3A_447, %sub3A_467 : i32
        %select_n3A_469 = arith.select %and3A_466, %sub3A_468, %div3A_447 : i32
        %mul3A_470 = arith.constant 8 : i32
        %mul3A_471 = arith.muli %select_n3A_469, %mul3A_470 : i32
        %add3A_472 = arith.addi %mul3A_445, %mul3A_471 : i32
        %jit3A_473 = arith.constant 2 : i32
        %eq3A_474 = arith.constant 0 : i32
        %eq3A_475 = arith.cmpi eq, %jit3A_473, %eq3A_474 : i32
        %jit3A_476 = arith.constant 1 : i32
        %select_n3A_477 = arith.select %eq3A_475, %jit3A_476, %jit3A_473 : i32
        %rem3A_478 = arith.remsi %add3A_443, %select_n3A_477 : i32
        %ne3A_479 = arith.constant 0 : i32
        %ne3A_480 = arith.cmpi ne, %rem3A_478, %ne3A_479 : i32
        %lt3A_481 = arith.constant 0 : i32
        %lt3A_482 = arith.cmpi slt, %rem3A_478, %lt3A_481 : i32
        %lt3A_483 = arith.constant 0 : i32
        %lt3A_484 = arith.cmpi slt, %select_n3A_477, %lt3A_483 : i32
        %ne3A_485 = arith.xori %lt3A_482, %lt3A_484 : i1
        %and3A_486 = arith.andi %ne3A_485, %ne3A_480 : i1
        %add3A_487 = arith.addi %rem3A_478, %select_n3A_477 : i32
        %select_n3A_488 = arith.select %and3A_486, %add3A_487, %rem3A_478 : i32
        %mul3A_489 = arith.constant 256 : i32
        %mul3A_490 = arith.muli %select_n3A_488, %mul3A_489 : i32
        %dma_start3A_491 = arith.constant 0 : i32
        %dma_start3A_492 = tpu.memref_slice %arg4[%select_n3A, %dma_start3A_491, %add3A_472, %mul3A_490] : memref<8x3x512x512xi32, #tpu.memory_space<hbm>> -> memref<1x3x8x256xi32, #tpu.memory_space<hbm>>
        %dma_start3A_493 = tpu.memref_squeeze %dma_start3A_492 : memref<1x3x8x256xi32, #tpu.memory_space<hbm>> -> memref<3x8x256xi32, #tpu.memory_space<hbm>>
        %dma_start3A_494 = arith.constant 0 : i32
        %dma_start3A_495 = tpu.memref_slice %arg4[%select_n3A, %dma_start3A_494, %add3A_472, %mul3A_490] : memref<8x3x512x512xi32, #tpu.memory_space<hbm>> -> memref<1x3x8x256xi32, #tpu.memory_space<hbm>>
        %dma_start3A_496 = tpu.memref_squeeze %dma_start3A_495 : memref<1x3x8x256xi32, #tpu.memory_space<hbm>> -> memref<3x8x256xi32, #tpu.memory_space<hbm>>
        tpu.enqueue_dma source(%dma_start3A_496 : memref<3x8x256xi32, #tpu.memory_space<hbm>>) target(%arg8 : memref<3x8x256xi32, #tpu.memory_space<vmem>>) target_semaphore(%arg12 : memref<!tpu.dma_semaphore, #tpu.memory_space<semaphore_mem>>)
      } else {
      }
      %gt3A_319 = arith.constant 0 : i32
      %gt3A_320 = arith.cmpi sgt, %add3A_258, %gt3A_319 : i32
      %convert_element_type3A_321 = arith.extui %gt3A_320 : i1 to i32
      %cond3A_322 = arith.constant 0 : i32
      %cond3A_323 = arith.cmpi ne, %convert_element_type3A_321, %cond3A_322 : i32
      scf.if %cond3A_323 {
        %sub3A_442 = arith.constant 1 : i32
        %sub3A_443 = arith.subi %add3A_258, %sub3A_442 : i32
        %mul3A_444 = arith.constant 128 : i32
        %mul3A_445 = arith.muli %select_n3A_30, %mul3A_444 : i32
        %jit3A_446 = arith.constant 2 : i32
        %div3A_447 = arith.divsi %sub3A_443, %jit3A_446 : i32
        %sign3A_448 = arith.constant 0 : i32
        %sign3A_449 = arith.cmpi sgt, %sub3A_443, %sign3A_448 : i32
        %sign3A_450 = arith.extui %sign3A_449 : i1 to i32
        %sign3A_451 = arith.constant 0 : i32
        %sign3A_452 = arith.cmpi slt, %sub3A_443, %sign3A_451 : i32
        %sign3A_453 = arith.extui %sign3A_452 : i1 to i32
        %sign3A_454 = arith.subi %sign3A_450, %sign3A_453 : i32
        %sign3A_455 = arith.constant 0 : i32
        %sign3A_456 = arith.cmpi sgt, %jit3A_446, %sign3A_455 : i32
        %sign3A_457 = arith.extui %sign3A_456 : i1 to i32
        %sign3A_458 = arith.constant 0 : i32
        %sign3A_459 = arith.cmpi slt, %jit3A_446, %sign3A_458 : i32
        %sign3A_460 = arith.extui %sign3A_459 : i1 to i32
        %sign3A_461 = arith.subi %sign3A_457, %sign3A_460 : i32
        %ne3A_462 = arith.cmpi ne, %sign3A_454, %sign3A_461 : i32
        %rem3A_463 = arith.remsi %sub3A_443, %jit3A_446 : i32
        %ne3A_464 = arith.constant 0 : i32
        %ne3A_465 = arith.cmpi ne, %rem3A_463, %ne3A_464 : i32
        %and3A_466 = arith.andi %ne3A_462, %ne3A_465 : i1
        %sub3A_467 = arith.constant 1 : i32
        %sub3A_468 = arith.subi %div3A_447, %sub3A_467 : i32
        %select_n3A_469 = arith.select %and3A_466, %sub3A_468, %div3A_447 : i32
        %mul3A_470 = arith.constant 8 : i32
        %mul3A_471 = arith.muli %select_n3A_469, %mul3A_470 : i32
        %add3A_472 = arith.addi %mul3A_445, %mul3A_471 : i32
        %jit3A_473 = arith.constant 2 : i32
        %eq3A_474 = arith.constant 0 : i32
        %eq3A_475 = arith.cmpi eq, %jit3A_473, %eq3A_474 : i32
        %jit3A_476 = arith.constant 1 : i32
        %select_n3A_477 = arith.select %eq3A_475, %jit3A_476, %jit3A_473 : i32
        %rem3A_478 = arith.remsi %sub3A_443, %select_n3A_477 : i32
        %ne3A_479 = arith.constant 0 : i32
        %ne3A_480 = arith.cmpi ne, %rem3A_478, %ne3A_479 : i32
        %lt3A_481 = arith.constant 0 : i32
        %lt3A_482 = arith.cmpi slt, %rem3A_478, %lt3A_481 : i32
        %lt3A_483 = arith.constant 0 : i32
        %lt3A_484 = arith.cmpi slt, %select_n3A_477, %lt3A_483 : i32
        %ne3A_485 = arith.xori %lt3A_482, %lt3A_484 : i1
        %and3A_486 = arith.andi %ne3A_485, %ne3A_480 : i1
        %add3A_487 = arith.addi %rem3A_478, %select_n3A_477 : i32
        %select_n3A_488 = arith.select %and3A_486, %add3A_487, %rem3A_478 : i32
        %mul3A_489 = arith.constant 256 : i32
        %mul3A_490 = arith.muli %select_n3A_488, %mul3A_489 : i32
        %dma_wait3A_491 = arith.constant 0 : i32
        %dma_wait3A_492 = tpu.memref_slice %arg5[%select_n3A, %dma_wait3A_491, %add3A_472, %mul3A_490] : memref<8x16x512x512xf32, #tpu.memory_space<hbm>> -> memref<1x8x8x256xf32, #tpu.memory_space<hbm>>
        %dma_wait3A_493 = tpu.memref_squeeze %dma_wait3A_492 : memref<1x8x8x256xf32, #tpu.memory_space<hbm>> -> memref<8x8x256xf32, #tpu.memory_space<hbm>>
        %dma_wait3A_494 = arith.constant 0 : i32
        %dma_wait3A_495 = tpu.memref_slice %arg5[%select_n3A, %dma_wait3A_494, %add3A_472, %mul3A_490] : memref<8x16x512x512xf32, #tpu.memory_space<hbm>> -> memref<1x8x8x256xf32, #tpu.memory_space<hbm>>
        %dma_wait3A_496 = tpu.memref_squeeze %dma_wait3A_495 : memref<1x8x8x256xf32, #tpu.memory_space<hbm>> -> memref<8x8x256xf32, #tpu.memory_space<hbm>>
        tpu.wait_dma2 semaphore(%arg14 : memref<!tpu.dma_semaphore, #tpu.memory_space<semaphore_mem>>) src(%arg10 : memref<8x8x256xf32, #tpu.memory_space<vmem>>) dst(%dma_wait3A_496 : memref<8x8x256xf32, #tpu.memory_space<hbm>>)
      } else {
      }
      %parallel_loop3A_324 = arith.constant 0 : i32
      %parallel_loop3A_325 = arith.constant 128 : i32
      %parallel_loop3A_326 = arith.constant 1 : i32
      scf.for %parallel_loop3A_442 = %parallel_loop3A_324 to %parallel_loop3A_325 step %parallel_loop3A_326  : i32 {
        %parallel_loop3A_443 = arith.constant 4 : i32
        %parallel_loop3A_444 = arith.shrui %parallel_loop3A_442, %parallel_loop3A_443 : i32
        %parallel_loop3A_445 = arith.constant 15 : i32
        %parallel_loop3A_446 = arith.andi %parallel_loop3A_442, %parallel_loop3A_445 : i32
        %parallel_loop3A_447 = arith.constant 16 : i32
        %parallel_loop3A_448 = arith.muli %parallel_loop3A_446, %parallel_loop3A_447 : i32
        %parallel_loop3A_449 = arith.constant 0 : i32
        %parallel_loop3A_450 = arith.index_cast %parallel_loop3A_449 : i32 to index
        %parallel_loop3A_451 = arith.index_cast %parallel_loop3A_444 : i32 to index
        %parallel_loop3A_452 = arith.index_cast %parallel_loop3A_448 : i32 to index
        %parallel_loop3A_453 = tpu.vector_load %arg9[%parallel_loop3A_450, %parallel_loop3A_451, %parallel_loop3A_452] {strides = array<i32>} : memref<3x8x256xi32, #tpu.memory_space<vmem>>, vector<16xi32>,
        %parallel_loop3A_454 = arith.constant 1 : i32
        %parallel_loop3A_455 = arith.index_cast %parallel_loop3A_454 : i32 to index
        %parallel_loop3A_456 = arith.index_cast %parallel_loop3A_444 : i32 to index
        %parallel_loop3A_457 = arith.index_cast %parallel_loop3A_448 : i32 to index
        %parallel_loop3A_458 = tpu.vector_load %arg9[%parallel_loop3A_455, %parallel_loop3A_456, %parallel_loop3A_457] {strides = array<i32>} : memref<3x8x256xi32, #tpu.memory_space<vmem>>, vector<16xi32>,
        %parallel_loop3A_459 = arith.constant 2 : i32
        %parallel_loop3A_460 = arith.index_cast %parallel_loop3A_459 : i32 to index
        %parallel_loop3A_461 = arith.index_cast %parallel_loop3A_444 : i32 to index
        %parallel_loop3A_462 = arith.index_cast %parallel_loop3A_448 : i32 to index
        %parallel_loop3A_463 = tpu.vector_load %arg9[%parallel_loop3A_460, %parallel_loop3A_461, %parallel_loop3A_462] {strides = array<i32>} : memref<3x8x256xi32, #tpu.memory_space<vmem>>, vector<16xi32>,
        %parallel_loop3A_464 = arith.constant -31 : i32
        %parallel_loop3A_465 = vector.broadcast %parallel_loop3A_464 : i32 to vector<16xi32>
        %parallel_loop3A_466 = arith.maxsi %parallel_loop3A_453, %parallel_loop3A_465 : vector<16xi32>
        %parallel_loop3A_467 = arith.constant 31 : i32
        %parallel_loop3A_468 = vector.broadcast %parallel_loop3A_467 : i32 to vector<16xi32>
        %parallel_loop3A_469 = arith.minsi %parallel_loop3A_466, %parallel_loop3A_468 : vector<16xi32>
        %parallel_loop3A_470 = arith.constant -31 : i32
        %parallel_loop3A_471 = vector.broadcast %parallel_loop3A_470 : i32 to vector<16xi32>
        %parallel_loop3A_472 = arith.maxsi %parallel_loop3A_458, %parallel_loop3A_471 : vector<16xi32>
        %parallel_loop3A_473 = arith.constant 31 : i32
        %parallel_loop3A_474 = vector.broadcast %parallel_loop3A_473 : i32 to vector<16xi32>
        %parallel_loop3A_475 = arith.minsi %parallel_loop3A_472, %parallel_loop3A_474 : vector<16xi32>
        %parallel_loop3A_476 = arith.constant -31 : i32
        %parallel_loop3A_477 = vector.broadcast %parallel_loop3A_476 : i32 to vector<16xi32>
        %parallel_loop3A_478 = arith.maxsi %parallel_loop3A_463, %parallel_loop3A_477 : vector<16xi32>
        %parallel_loop3A_479 = arith.constant 31 : i32
        %parallel_loop3A_480 = vector.broadcast %parallel_loop3A_479 : i32 to vector<16xi32>
        %parallel_loop3A_481 = arith.minsi %parallel_loop3A_478, %parallel_loop3A_480 : vector<16xi32>
        %parallel_loop3A_482 = arith.constant 567 : i32
        %parallel_loop3A_483 = vector.broadcast %parallel_loop3A_482 : i32 to vector<16xi32>
        %parallel_loop3A_484 = arith.muli %parallel_loop3A_469, %parallel_loop3A_483 : vector<16xi32>
        %parallel_loop3A_485 = arith.constant 9 : i32
        %parallel_loop3A_486 = vector.broadcast %parallel_loop3A_485 : i32 to vector<16xi32>
        %parallel_loop3A_487 = arith.muli %parallel_loop3A_475, %parallel_loop3A_486 : vector<16xi32>
        %parallel_loop3A_488 = arith.addi %parallel_loop3A_484, %parallel_loop3A_487 : vector<16xi32>
        %parallel_loop3A_489 = arith.constant 17856 : i32
        %parallel_loop3A_490 = vector.broadcast %parallel_loop3A_489 : i32 to vector<16xi32>
        %parallel_loop3A_491 = arith.addi %parallel_loop3A_488, %parallel_loop3A_490 : vector<16xi32>
        %parallel_loop3A_492 = arith.constant 128 : i32
        %parallel_loop3A_493 = vector.broadcast %parallel_loop3A_492 : i32 to vector<16xi32>
        %parallel_loop3A_494 = arith.muli %parallel_loop3A_481, %parallel_loop3A_493 : vector<16xi32>
        %parallel_loop3A_495 = arith.constant 3968 : i32
        %parallel_loop3A_496 = vector.broadcast %parallel_loop3A_495 : i32 to vector<16xi32>
        %parallel_loop3A_497 = arith.addi %parallel_loop3A_496, %iota3A : vector<16xi32>
        %parallel_loop3A_498 = arith.addi %parallel_loop3A_494, %parallel_loop3A_497 : vector<16xi32>
        %parallel_loop3A_499 = arith.constant 0 : i32
        %parallel_loop3A_500 = vector.broadcast %parallel_loop3A_499 : i32 to vector<16xi32>
        %parallel_loop3A_501 = arith.addi %parallel_loop3A_491, %parallel_loop3A_500 : vector<16xi32>
        %parallel_loop3A_502 = tpu.vector_load_idx %arg6[%parallel_loop3A_501] : memref<35721xi32, #tpu.memory_space<vmem>>[vector<16xi32>], vector<16xi32>,
        %parallel_loop3A_503 = arith.constant 0 : i32
        %parallel_loop3A_504 = vector.broadcast %parallel_loop3A_503 : i32 to vector<16xi32>
        %parallel_loop3A_505 = arith.addi %parallel_loop3A_498, %parallel_loop3A_504 : vector<16xi32>
        %parallel_loop3A_506 = tpu.vector_load_idx %arg7[%parallel_loop3A_505] : memref<8064xi32, #tpu.memory_space<vmem>>[vector<16xi32>], vector<16xi32>,
        %parallel_loop3A_507 = vector.bitcast %parallel_loop3A_502 : vector<16xi32> to vector<32xbf16>
        %parallel_loop3A_508 = vector.bitcast %parallel_loop3A_506 : vector<16xi32> to vector<32xbf16>
        %parallel_loop3A_509 = arith.addf %parallel_loop3A_507, %parallel_loop3A_508 : vector<32xbf16>
        %parallel_loop3A_510 = tpu.unpack_subelements %parallel_loop3A_509, 0 {pack_format = #tpu.pack_format<interleaved>} : vector<32xbf16> -> vector<16xf32>
        %parallel_loop3A_511 = tpu.unpack_subelements %parallel_loop3A_509, 1 {pack_format = #tpu.pack_format<interleaved>} : vector<32xbf16> -> vector<16xf32>
        %parallel_loop3A_512 = arith.constant 0 : i32
        %parallel_loop3A_513 = arith.index_cast %parallel_loop3A_512 : i32 to index
        %parallel_loop3A_514 = arith.index_cast %parallel_loop3A_444 : i32 to index
        %parallel_loop3A_515 = arith.index_cast %parallel_loop3A_448 : i32 to index
        %parallel_loop3A_516 = tpu.vector_load %arg10[%parallel_loop3A_513, %parallel_loop3A_514, %parallel_loop3A_515] {strides = array<i32>} : memref<8x8x256xf32, #tpu.memory_space<vmem>>, vector<16xf32>,
        tpu.vector_store %arg10[%parallel_loop3A_513, %parallel_loop3A_514, %parallel_loop3A_515], %parallel_loop3A_510 {strides = array<i32>} : memref<8x8x256xf32, #tpu.memory_space<vmem>>, vector<16xf32>,
        %parallel_loop3A_517 = arith.constant 1 : i32
        %parallel_loop3A_518 = arith.index_cast %parallel_loop3A_517 : i32 to index
        %parallel_loop3A_519 = arith.index_cast %parallel_loop3A_444 : i32 to index
        %parallel_loop3A_520 = arith.index_cast %parallel_loop3A_448 : i32 to index
        %parallel_loop3A_521 = tpu.vector_load %arg10[%parallel_loop3A_518, %parallel_loop3A_519, %parallel_loop3A_520] {strides = array<i32>} : memref<8x8x256xf32, #tpu.memory_space<vmem>>, vector<16xf32>,
        tpu.vector_store %arg10[%parallel_loop3A_518, %parallel_loop3A_519, %parallel_loop3A_520], %parallel_loop3A_511 {strides = array<i32>} : memref<8x8x256xf32, #tpu.memory_space<vmem>>, vector<16xf32>,
        %parallel_loop3A_522 = arith.constant 1 : i32
        %parallel_loop3A_523 = vector.broadcast %parallel_loop3A_522 : i32 to vector<16xi32>
        %parallel_loop3A_524 = arith.addi %parallel_loop3A_491, %parallel_loop3A_523 : vector<16xi32>
        %parallel_loop3A_525 = tpu.vector_load_idx %arg6[%parallel_loop3A_524] : memref<35721xi32, #tpu.memory_space<vmem>>[vector<16xi32>], vector<16xi32>,
        %parallel_loop3A_526 = arith.constant 16 : i32
        %parallel_loop3A_527 = vector.broadcast %parallel_loop3A_526 : i32 to vector<16xi32>
        %parallel_loop3A_528 = arith.addi %parallel_loop3A_498, %parallel_loop3A_527 : vector<16xi32>
        %parallel_loop3A_529 = tpu.vector_load_idx %arg7[%parallel_loop3A_528] : memref<8064xi32, #tpu.memory_space<vmem>>[vector<16xi32>], vector<16xi32>,
        %parallel_loop3A_530 = vector.bitcast %parallel_loop3A_525 : vector<16xi32> to vector<32xbf16>
        %parallel_loop3A_531 = vector.bitcast %parallel_loop3A_529 : vector<16xi32> to vector<32xbf16>
        %parallel_loop3A_532 = arith.addf %parallel_loop3A_530, %parallel_loop3A_531 : vector<32xbf16>
        %parallel_loop3A_533 = tpu.unpack_subelements %parallel_loop3A_532, 0 {pack_format = #tpu.pack_format<interleaved>} : vector<32xbf16> -> vector<16xf32>
        %parallel_loop3A_534 = tpu.unpack_subelements %parallel_loop3A_532, 1 {pack_format = #tpu.pack_format<interleaved>} : vector<32xbf16> -> vector<16xf32>
        %parallel_loop3A_535 = arith.constant 2 : i32
        %parallel_loop3A_536 = arith.index_cast %parallel_loop3A_535 : i32 to index
        %parallel_loop3A_537 = arith.index_cast %parallel_loop3A_444 : i32 to index
        %parallel_loop3A_538 = arith.index_cast %parallel_loop3A_448 : i32 to index
        %parallel_loop3A_539 = tpu.vector_load %arg10[%parallel_loop3A_536, %parallel_loop3A_537, %parallel_loop3A_538] {strides = array<i32>} : memref<8x8x256xf32, #tpu.memory_space<vmem>>, vector<16xf32>,
        tpu.vector_store %arg10[%parallel_loop3A_536, %parallel_loop3A_537, %parallel_loop3A_538], %parallel_loop3A_533 {strides = array<i32>} : memref<8x8x256xf32, #tpu.memory_space<vmem>>, vector<16xf32>,
        %parallel_loop3A_540 = arith.constant 3 : i32
        %parallel_loop3A_541 = arith.index_cast %parallel_loop3A_540 : i32 to index
        %parallel_loop3A_542 = arith.index_cast %parallel_loop3A_444 : i32 to index
        %parallel_loop3A_543 = arith.index_cast %parallel_loop3A_448 : i32 to index
        %parallel_loop3A_544 = tpu.vector_load %arg10[%parallel_loop3A_541, %parallel_loop3A_542, %parallel_loop3A_543] {strides = array<i32>} : memref<8x8x256xf32, #tpu.memory_space<vmem>>, vector<16xf32>,
        tpu.vector_store %arg10[%parallel_loop3A_541, %parallel_loop3A_542, %parallel_loop3A_543], %parallel_loop3A_534 {strides = array<i32>} : memref<8x8x256xf32, #tpu.memory_space<vmem>>, vector<16xf32>,
        %parallel_loop3A_545 = arith.constant 2 : i32
        %parallel_loop3A_546 = vector.broadcast %parallel_loop3A_545 : i32 to vector<16xi32>
        %parallel_loop3A_547 = arith.addi %parallel_loop3A_491, %parallel_loop3A_546 : vector<16xi32>
        %parallel_loop3A_548 = tpu.vector_load_idx %arg6[%parallel_loop3A_547] : memref<35721xi32, #tpu.memory_space<vmem>>[vector<16xi32>], vector<16xi32>,
        %parallel_loop3A_549 = arith.constant 32 : i32
        %parallel_loop3A_550 = vector.broadcast %parallel_loop3A_549 : i32 to vector<16xi32>
        %parallel_loop3A_551 = arith.addi %parallel_loop3A_498, %parallel_loop3A_550 : vector<16xi32>
        %parallel_loop3A_552 = tpu.vector_load_idx %arg7[%parallel_loop3A_551] : memref<8064xi32, #tpu.memory_space<vmem>>[vector<16xi32>], vector<16xi32>,
        %parallel_loop3A_553 = vector.bitcast %parallel_loop3A_548 : vector<16xi32> to vector<32xbf16>
        %parallel_loop3A_554 = vector.bitcast %parallel_loop3A_552 : vector<16xi32> to vector<32xbf16>
        %parallel_loop3A_555 = arith.addf %parallel_loop3A_553, %parallel_loop3A_554 : vector<32xbf16>
        %parallel_loop3A_556 = tpu.unpack_subelements %parallel_loop3A_555, 0 {pack_format = #tpu.pack_format<interleaved>} : vector<32xbf16> -> vector<16xf32>
        %parallel_loop3A_557 = tpu.unpack_subelements %parallel_loop3A_555, 1 {pack_format = #tpu.pack_format<interleaved>} : vector<32xbf16> -> vector<16xf32>
        %parallel_loop3A_558 = arith.constant 4 : i32
        %parallel_loop3A_559 = arith.index_cast %parallel_loop3A_558 : i32 to index
        %parallel_loop3A_560 = arith.index_cast %parallel_loop3A_444 : i32 to index
        %parallel_loop3A_561 = arith.index_cast %parallel_loop3A_448 : i32 to index
        %parallel_loop3A_562 = tpu.vector_load %arg10[%parallel_loop3A_559, %parallel_loop3A_560, %parallel_loop3A_561] {strides = array<i32>} : memref<8x8x256xf32, #tpu.memory_space<vmem>>, vector<16xf32>,
        tpu.vector_store %arg10[%parallel_loop3A_559, %parallel_loop3A_560, %parallel_loop3A_561], %parallel_loop3A_556 {strides = array<i32>} : memref<8x8x256xf32, #tpu.memory_space<vmem>>, vector<16xf32>,
        %parallel_loop3A_563 = arith.constant 5 : i32
        %parallel_loop3A_564 = arith.index_cast %parallel_loop3A_563 : i32 to index
        %parallel_loop3A_565 = arith.index_cast %parallel_loop3A_444 : i32 to index
        %parallel_loop3A_566 = arith.index_cast %parallel_loop3A_448 : i32 to index
        %parallel_loop3A_567 = tpu.vector_load %arg10[%parallel_loop3A_564, %parallel_loop3A_565, %parallel_loop3A_566] {strides = array<i32>} : memref<8x8x256xf32, #tpu.memory_space<vmem>>, vector<16xf32>,
        tpu.vector_store %arg10[%parallel_loop3A_564, %parallel_loop3A_565, %parallel_loop3A_566], %parallel_loop3A_557 {strides = array<i32>} : memref<8x8x256xf32, #tpu.memory_space<vmem>>, vector<16xf32>,
        %parallel_loop3A_568 = arith.constant 3 : i32
        %parallel_loop3A_569 = vector.broadcast %parallel_loop3A_568 : i32 to vector<16xi32>
        %parallel_loop3A_570 = arith.addi %parallel_loop3A_491, %parallel_loop3A_569 : vector<16xi32>
        %parallel_loop3A_571 = tpu.vector_load_idx %arg6[%parallel_loop3A_570] : memref<35721xi32, #tpu.memory_space<vmem>>[vector<16xi32>], vector<16xi32>,
        %parallel_loop3A_572 = arith.constant 48 : i32
        %parallel_loop3A_573 = vector.broadcast %parallel_loop3A_572 : i32 to vector<16xi32>
        %parallel_loop3A_574 = arith.addi %parallel_loop3A_498, %parallel_loop3A_573 : vector<16xi32>
        %parallel_loop3A_575 = tpu.vector_load_idx %arg7[%parallel_loop3A_574] : memref<8064xi32, #tpu.memory_space<vmem>>[vector<16xi32>], vector<16xi32>,
        %parallel_loop3A_576 = vector.bitcast %parallel_loop3A_571 : vector<16xi32> to vector<32xbf16>
        %parallel_loop3A_577 = vector.bitcast %parallel_loop3A_575 : vector<16xi32> to vector<32xbf16>
        %parallel_loop3A_578 = arith.addf %parallel_loop3A_576, %parallel_loop3A_577 : vector<32xbf16>
        %parallel_loop3A_579 = tpu.unpack_subelements %parallel_loop3A_578, 0 {pack_format = #tpu.pack_format<interleaved>} : vector<32xbf16> -> vector<16xf32>
        %parallel_loop3A_580 = tpu.unpack_subelements %parallel_loop3A_578, 1 {pack_format = #tpu.pack_format<interleaved>} : vector<32xbf16> -> vector<16xf32>
        %parallel_loop3A_581 = arith.constant 6 : i32
        %parallel_loop3A_582 = arith.index_cast %parallel_loop3A_581 : i32 to index
        %parallel_loop3A_583 = arith.index_cast %parallel_loop3A_444 : i32 to index
        %parallel_loop3A_584 = arith.index_cast %parallel_loop3A_448 : i32 to index
        %parallel_loop3A_585 = tpu.vector_load %arg10[%parallel_loop3A_582, %parallel_loop3A_583, %parallel_loop3A_584] {strides = array<i32>} : memref<8x8x256xf32, #tpu.memory_space<vmem>>, vector<16xf32>,
        tpu.vector_store %arg10[%parallel_loop3A_582, %parallel_loop3A_583, %parallel_loop3A_584], %parallel_loop3A_579 {strides = array<i32>} : memref<8x8x256xf32, #tpu.memory_space<vmem>>, vector<16xf32>,
        %parallel_loop3A_586 = arith.constant 7 : i32
        %parallel_loop3A_587 = arith.index_cast %parallel_loop3A_586 : i32 to index
        %parallel_loop3A_588 = arith.index_cast %parallel_loop3A_444 : i32 to index
        %parallel_loop3A_589 = arith.index_cast %parallel_loop3A_448 : i32 to index
        %parallel_loop3A_590 = tpu.vector_load %arg10[%parallel_loop3A_587, %parallel_loop3A_588, %parallel_loop3A_589] {strides = array<i32>} : memref<8x8x256xf32, #tpu.memory_space<vmem>>, vector<16xf32>,
        tpu.vector_store %arg10[%parallel_loop3A_587, %parallel_loop3A_588, %parallel_loop3A_589], %parallel_loop3A_580 {strides = array<i32>} : memref<8x8x256xf32, #tpu.memory_space<vmem>>, vector<16xf32>,
      } {sc.loop_unroll_factor = 8 : i64, sc.parallel_access}
      %mul3A_327 = arith.constant 128 : i32
      %mul3A_328 = arith.muli %select_n3A_30, %mul3A_327 : i32
      %jit3A_329 = arith.constant 2 : i32
      %div3A_330 = arith.divsi %add3A_258, %jit3A_329 : i32
      %sign3A_331 = arith.constant 0 : i32
      %sign3A_332 = arith.cmpi sgt, %add3A_258, %sign3A_331 : i32
      %sign3A_333 = arith.extui %sign3A_332 : i1 to i32
      %sign3A_334 = arith.constant 0 : i32
      %sign3A_335 = arith.cmpi slt, %add3A_258, %sign3A_334 : i32
      %sign3A_336 = arith.extui %sign3A_335 : i1 to i32
      %sign3A_337 = arith.subi %sign3A_333, %sign3A_336 : i32
      %sign3A_338 = arith.constant 0 : i32
      %sign3A_339 = arith.cmpi sgt, %jit3A_329, %sign3A_338 : i32
      %sign3A_340 = arith.extui %sign3A_339 : i1 to i32
      %sign3A_341 = arith.constant 0 : i32
      %sign3A_342 = arith.cmpi slt, %jit3A_329, %sign3A_341 : i32
      %sign3A_343 = arith.extui %sign3A_342 : i1 to i32
      %sign3A_344 = arith.subi %sign3A_340, %sign3A_343 : i32
      %ne3A_345 = arith.cmpi ne, %sign3A_337, %sign3A_344 : i32
      %rem3A_346 = arith.remsi %add3A_258, %jit3A_329 : i32
      %ne3A_347 = arith.constant 0 : i32
      %ne3A_348 = arith.cmpi ne, %rem3A_346, %ne3A_347 : i32
      %and3A_349 = arith.andi %ne3A_345, %ne3A_348 : i1
      %sub3A_350 = arith.constant 1 : i32
      %sub3A_351 = arith.subi %div3A_330, %sub3A_350 : i32
      %select_n3A_352 = arith.select %and3A_349, %sub3A_351, %div3A_330 : i32
      %mul3A_353 = arith.constant 8 : i32
      %mul3A_354 = arith.muli %select_n3A_352, %mul3A_353 : i32
      %add3A_355 = arith.addi %mul3A_328, %mul3A_354 : i32
      %jit3A_356 = arith.constant 2 : i32
      %eq3A_357 = arith.constant 0 : i32
      %eq3A_358 = arith.cmpi eq, %jit3A_356, %eq3A_357 : i32
      %jit3A_359 = arith.constant 1 : i32
      %select_n3A_360 = arith.select %eq3A_358, %jit3A_359, %jit3A_356 : i32
      %rem3A_361 = arith.remsi %add3A_258, %select_n3A_360 : i32
      %ne3A_362 = arith.constant 0 : i32
      %ne3A_363 = arith.cmpi ne, %rem3A_361, %ne3A_362 : i32
      %lt3A_364 = arith.constant 0 : i32
      %lt3A_365 = arith.cmpi slt, %rem3A_361, %lt3A_364 : i32
      %lt3A_366 = arith.constant 0 : i32
      %lt3A_367 = arith.cmpi slt, %select_n3A_360, %lt3A_366 : i32
      %ne3A_368 = arith.xori %lt3A_365, %lt3A_367 : i1
      %and3A_369 = arith.andi %ne3A_368, %ne3A_363 : i1
      %add3A_370 = arith.addi %rem3A_361, %select_n3A_360 : i32
      %select_n3A_371 = arith.select %and3A_369, %add3A_370, %rem3A_361 : i32
      %mul3A_372 = arith.constant 256 : i32
      %mul3A_373 = arith.muli %select_n3A_371, %mul3A_372 : i32
      %dma_start3A_374 = arith.constant 0 : i32
      %dma_start3A_375 = tpu.memref_slice %arg5[%select_n3A, %dma_start3A_374, %add3A_355, %mul3A_373] : memref<8x16x512x512xf32, #tpu.memory_space<hbm>> -> memref<1x8x8x256xf32, #tpu.memory_space<hbm>>
      %dma_start3A_376 = tpu.memref_squeeze %dma_start3A_375 : memref<1x8x8x256xf32, #tpu.memory_space<hbm>> -> memref<8x8x256xf32, #tpu.memory_space<hbm>>
      %dma_start3A_377 = arith.constant 0 : i32
      %dma_start3A_378 = tpu.memref_slice %arg5[%select_n3A, %dma_start3A_377, %add3A_355, %mul3A_373] : memref<8x16x512x512xf32, #tpu.memory_space<hbm>> -> memref<1x8x8x256xf32, #tpu.memory_space<hbm>>
      %dma_start3A_379 = tpu.memref_squeeze %dma_start3A_378 : memref<1x8x8x256xf32, #tpu.memory_space<hbm>> -> memref<8x8x256xf32, #tpu.memory_space<hbm>>
      tpu.enqueue_dma source(%arg10 : memref<8x8x256xf32, #tpu.memory_space<vmem>>) target(%dma_start3A_379 : memref<8x8x256xf32, #tpu.memory_space<hbm>>) target_semaphore(%arg14 : memref<!tpu.dma_semaphore, #tpu.memory_space<semaphore_mem>>)
      %gt3A_380 = arith.constant 0 : i32
      %gt3A_381 = arith.cmpi sgt, %add3A_258, %gt3A_380 : i32
      %convert_element_type3A_382 = arith.extui %gt3A_381 : i1 to i32
      %cond3A_383 = arith.constant 0 : i32
      %cond3A_384 = arith.cmpi ne, %convert_element_type3A_382, %cond3A_383 : i32
      scf.if %cond3A_384 {
        %sub3A_442 = arith.constant 1 : i32
        %sub3A_443 = arith.subi %add3A_258, %sub3A_442 : i32
        %mul3A_444 = arith.constant 128 : i32
        %mul3A_445 = arith.muli %select_n3A_30, %mul3A_444 : i32
        %jit3A_446 = arith.constant 2 : i32
        %div3A_447 = arith.divsi %sub3A_443, %jit3A_446 : i32
        %sign3A_448 = arith.constant 0 : i32
        %sign3A_449 = arith.cmpi sgt, %sub3A_443, %sign3A_448 : i32
        %sign3A_450 = arith.extui %sign3A_449 : i1 to i32
        %sign3A_451 = arith.constant 0 : i32
        %sign3A_452 = arith.cmpi slt, %sub3A_443, %sign3A_451 : i32
        %sign3A_453 = arith.extui %sign3A_452 : i1 to i32
        %sign3A_454 = arith.subi %sign3A_450, %sign3A_453 : i32
        %sign3A_455 = arith.constant 0 : i32
        %sign3A_456 = arith.cmpi sgt, %jit3A_446, %sign3A_455 : i32
        %sign3A_457 = arith.extui %sign3A_456 : i1 to i32
        %sign3A_458 = arith.constant 0 : i32
        %sign3A_459 = arith.cmpi slt, %jit3A_446, %sign3A_458 : i32
        %sign3A_460 = arith.extui %sign3A_459 : i1 to i32
        %sign3A_461 = arith.subi %sign3A_457, %sign3A_460 : i32
        %ne3A_462 = arith.cmpi ne, %sign3A_454, %sign3A_461 : i32
        %rem3A_463 = arith.remsi %sub3A_443, %jit3A_446 : i32
        %ne3A_464 = arith.constant 0 : i32
        %ne3A_465 = arith.cmpi ne, %rem3A_463, %ne3A_464 : i32
        %and3A_466 = arith.andi %ne3A_462, %ne3A_465 : i1
        %sub3A_467 = arith.constant 1 : i32
        %sub3A_468 = arith.subi %div3A_447, %sub3A_467 : i32
        %select_n3A_469 = arith.select %and3A_466, %sub3A_468, %div3A_447 : i32
        %mul3A_470 = arith.constant 8 : i32
        %mul3A_471 = arith.muli %select_n3A_469, %mul3A_470 : i32
        %add3A_472 = arith.addi %mul3A_445, %mul3A_471 : i32
        %jit3A_473 = arith.constant 2 : i32
        %eq3A_474 = arith.constant 0 : i32
        %eq3A_475 = arith.cmpi eq, %jit3A_473, %eq3A_474 : i32
        %jit3A_476 = arith.constant 1 : i32
        %select_n3A_477 = arith.select %eq3A_475, %jit3A_476, %jit3A_473 : i32
        %rem3A_478 = arith.remsi %sub3A_443, %select_n3A_477 : i32
        %ne3A_479 = arith.constant 0 : i32
        %ne3A_480 = arith.cmpi ne, %rem3A_478, %ne3A_479 : i32
        %lt3A_481 = arith.constant 0 : i32
        %lt3A_482 = arith.cmpi slt, %rem3A_478, %lt3A_481 : i32
        %lt3A_483 = arith.constant 0 : i32
        %lt3A_484 = arith.cmpi slt, %select_n3A_477, %lt3A_483 : i32
        %ne3A_485 = arith.xori %lt3A_482, %lt3A_484 : i1
        %and3A_486 = arith.andi %ne3A_485, %ne3A_480 : i1
        %add3A_487 = arith.addi %rem3A_478, %select_n3A_477 : i32
        %select_n3A_488 = arith.select %and3A_486, %add3A_487, %rem3A_478 : i32
        %mul3A_489 = arith.constant 256 : i32
        %mul3A_490 = arith.muli %select_n3A_488, %mul3A_489 : i32
        %dma_wait3A_491 = arith.constant 8 : i32
        %dma_wait3A_492 = tpu.memref_slice %arg5[%select_n3A, %dma_wait3A_491, %add3A_472, %mul3A_490] : memref<8x16x512x512xf32, #tpu.memory_space<hbm>> -> memref<1x8x8x256xf32, #tpu.memory_space<hbm>>
        %dma_wait3A_493 = tpu.memref_squeeze %dma_wait3A_492 : memref<1x8x8x256xf32, #tpu.memory_space<hbm>> -> memref<8x8x256xf32, #tpu.memory_space<hbm>>
        %dma_wait3A_494 = arith.constant 8 : i32
        %dma_wait3A_495 = tpu.memref_slice %arg5[%select_n3A, %dma_wait3A_494, %add3A_472, %mul3A_490] : memref<8x16x512x512xf32, #tpu.memory_space<hbm>> -> memref<1x8x8x256xf32, #tpu.memory_space<hbm>>
        %dma_wait3A_496 = tpu.memref_squeeze %dma_wait3A_495 : memref<1x8x8x256xf32, #tpu.memory_space<hbm>> -> memref<8x8x256xf32, #tpu.memory_space<hbm>>
        tpu.wait_dma2 semaphore(%arg15 : memref<!tpu.dma_semaphore, #tpu.memory_space<semaphore_mem>>) src(%arg11 : memref<8x8x256xf32, #tpu.memory_space<vmem>>) dst(%dma_wait3A_496 : memref<8x8x256xf32, #tpu.memory_space<hbm>>)
      } else {
      }
      %parallel_loop3A_385 = arith.constant 0 : i32
      %parallel_loop3A_386 = arith.constant 128 : i32
      %parallel_loop3A_387 = arith.constant 1 : i32
      scf.for %parallel_loop3A_442 = %parallel_loop3A_385 to %parallel_loop3A_386 step %parallel_loop3A_387  : i32 {
        %parallel_loop3A_443 = arith.constant 4 : i32
        %parallel_loop3A_444 = arith.shrui %parallel_loop3A_442, %parallel_loop3A_443 : i32
        %parallel_loop3A_445 = arith.constant 15 : i32
        %parallel_loop3A_446 = arith.andi %parallel_loop3A_442, %parallel_loop3A_445 : i32
        %parallel_loop3A_447 = arith.constant 16 : i32
        %parallel_loop3A_448 = arith.muli %parallel_loop3A_446, %parallel_loop3A_447 : i32
        %parallel_loop3A_449 = arith.constant 0 : i32
        %parallel_loop3A_450 = arith.index_cast %parallel_loop3A_449 : i32 to index
        %parallel_loop3A_451 = arith.index_cast %parallel_loop3A_444 : i32 to index
        %parallel_loop3A_452 = arith.index_cast %parallel_loop3A_448 : i32 to index
        %parallel_loop3A_453 = tpu.vector_load %arg9[%parallel_loop3A_450, %parallel_loop3A_451, %parallel_loop3A_452] {strides = array<i32>} : memref<3x8x256xi32, #tpu.memory_space<vmem>>, vector<16xi32>,
        %parallel_loop3A_454 = arith.constant 1 : i32
        %parallel_loop3A_455 = arith.index_cast %parallel_loop3A_454 : i32 to index
        %parallel_loop3A_456 = arith.index_cast %parallel_loop3A_444 : i32 to index
        %parallel_loop3A_457 = arith.index_cast %parallel_loop3A_448 : i32 to index
        %parallel_loop3A_458 = tpu.vector_load %arg9[%parallel_loop3A_455, %parallel_loop3A_456, %parallel_loop3A_457] {strides = array<i32>} : memref<3x8x256xi32, #tpu.memory_space<vmem>>, vector<16xi32>,
        %parallel_loop3A_459 = arith.constant 2 : i32
        %parallel_loop3A_460 = arith.index_cast %parallel_loop3A_459 : i32 to index
        %parallel_loop3A_461 = arith.index_cast %parallel_loop3A_444 : i32 to index
        %parallel_loop3A_462 = arith.index_cast %parallel_loop3A_448 : i32 to index
        %parallel_loop3A_463 = tpu.vector_load %arg9[%parallel_loop3A_460, %parallel_loop3A_461, %parallel_loop3A_462] {strides = array<i32>} : memref<3x8x256xi32, #tpu.memory_space<vmem>>, vector<16xi32>,
        %parallel_loop3A_464 = arith.constant -31 : i32
        %parallel_loop3A_465 = vector.broadcast %parallel_loop3A_464 : i32 to vector<16xi32>
        %parallel_loop3A_466 = arith.maxsi %parallel_loop3A_453, %parallel_loop3A_465 : vector<16xi32>
        %parallel_loop3A_467 = arith.constant 31 : i32
        %parallel_loop3A_468 = vector.broadcast %parallel_loop3A_467 : i32 to vector<16xi32>
        %parallel_loop3A_469 = arith.minsi %parallel_loop3A_466, %parallel_loop3A_468 : vector<16xi32>
        %parallel_loop3A_470 = arith.constant -31 : i32
        %parallel_loop3A_471 = vector.broadcast %parallel_loop3A_470 : i32 to vector<16xi32>
        %parallel_loop3A_472 = arith.maxsi %parallel_loop3A_458, %parallel_loop3A_471 : vector<16xi32>
        %parallel_loop3A_473 = arith.constant 31 : i32
        %parallel_loop3A_474 = vector.broadcast %parallel_loop3A_473 : i32 to vector<16xi32>
        %parallel_loop3A_475 = arith.minsi %parallel_loop3A_472, %parallel_loop3A_474 : vector<16xi32>
        %parallel_loop3A_476 = arith.constant -31 : i32
        %parallel_loop3A_477 = vector.broadcast %parallel_loop3A_476 : i32 to vector<16xi32>
        %parallel_loop3A_478 = arith.maxsi %parallel_loop3A_463, %parallel_loop3A_477 : vector<16xi32>
        %parallel_loop3A_479 = arith.constant 31 : i32
        %parallel_loop3A_480 = vector.broadcast %parallel_loop3A_479 : i32 to vector<16xi32>
        %parallel_loop3A_481 = arith.minsi %parallel_loop3A_478, %parallel_loop3A_480 : vector<16xi32>
        %parallel_loop3A_482 = arith.constant 567 : i32
        %parallel_loop3A_483 = vector.broadcast %parallel_loop3A_482 : i32 to vector<16xi32>
        %parallel_loop3A_484 = arith.muli %parallel_loop3A_469, %parallel_loop3A_483 : vector<16xi32>
        %parallel_loop3A_485 = arith.constant 9 : i32
        %parallel_loop3A_486 = vector.broadcast %parallel_loop3A_485 : i32 to vector<16xi32>
        %parallel_loop3A_487 = arith.muli %parallel_loop3A_475, %parallel_loop3A_486 : vector<16xi32>
        %parallel_loop3A_488 = arith.addi %parallel_loop3A_484, %parallel_loop3A_487 : vector<16xi32>
        %parallel_loop3A_489 = arith.constant 17856 : i32
        %parallel_loop3A_490 = vector.broadcast %parallel_loop3A_489 : i32 to vector<16xi32>
        %parallel_loop3A_491 = arith.addi %parallel_loop3A_488, %parallel_loop3A_490 : vector<16xi32>
        %parallel_loop3A_492 = arith.constant 128 : i32
        %parallel_loop3A_493 = vector.broadcast %parallel_loop3A_492 : i32 to vector<16xi32>
        %parallel_loop3A_494 = arith.muli %parallel_loop3A_481, %parallel_loop3A_493 : vector<16xi32>
        %parallel_loop3A_495 = arith.constant 3968 : i32
        %parallel_loop3A_496 = vector.broadcast %parallel_loop3A_495 : i32 to vector<16xi32>
        %parallel_loop3A_497 = arith.addi %parallel_loop3A_496, %iota3A : vector<16xi32>
        %parallel_loop3A_498 = arith.addi %parallel_loop3A_494, %parallel_loop3A_497 : vector<16xi32>
        %parallel_loop3A_499 = arith.constant 4 : i32
        %parallel_loop3A_500 = vector.broadcast %parallel_loop3A_499 : i32 to vector<16xi32>
        %parallel_loop3A_501 = arith.addi %parallel_loop3A_491, %parallel_loop3A_500 : vector<16xi32>
        %parallel_loop3A_502 = tpu.vector_load_idx %arg6[%parallel_loop3A_501] : memref<35721xi32, #tpu.memory_space<vmem>>[vector<16xi32>], vector<16xi32>,
        %parallel_loop3A_503 = arith.constant 64 : i32
        %parallel_loop3A_504 = vector.broadcast %parallel_loop3A_503 : i32 to vector<16xi32>
        %parallel_loop3A_505 = arith.addi %parallel_loop3A_498, %parallel_loop3A_504 : vector<16xi32>
        %parallel_loop3A_506 = tpu.vector_load_idx %arg7[%parallel_loop3A_505] : memref<8064xi32, #tpu.memory_space<vmem>>[vector<16xi32>], vector<16xi32>,
        %parallel_loop3A_507 = vector.bitcast %parallel_loop3A_502 : vector<16xi32> to vector<32xbf16>
        %parallel_loop3A_508 = vector.bitcast %parallel_loop3A_506 : vector<16xi32> to vector<32xbf16>
        %parallel_loop3A_509 = arith.addf %parallel_loop3A_507, %parallel_loop3A_508 : vector<32xbf16>
        %parallel_loop3A_510 = tpu.unpack_subelements %parallel_loop3A_509, 0 {pack_format = #tpu.pack_format<interleaved>} : vector<32xbf16> -> vector<16xf32>
        %parallel_loop3A_511 = tpu.unpack_subelements %parallel_loop3A_509, 1 {pack_format = #tpu.pack_format<interleaved>} : vector<32xbf16> -> vector<16xf32>
        %parallel_loop3A_512 = arith.constant 0 : i32
        %parallel_loop3A_513 = arith.index_cast %parallel_loop3A_512 : i32 to index
        %parallel_loop3A_514 = arith.index_cast %parallel_loop3A_444 : i32 to index
        %parallel_loop3A_515 = arith.index_cast %parallel_loop3A_448 : i32 to index
        %parallel_loop3A_516 = tpu.vector_load %arg11[%parallel_loop3A_513, %parallel_loop3A_514, %parallel_loop3A_515] {strides = array<i32>} : memref<8x8x256xf32, #tpu.memory_space<vmem>>, vector<16xf32>,
        tpu.vector_store %arg11[%parallel_loop3A_513, %parallel_loop3A_514, %parallel_loop3A_515], %parallel_loop3A_510 {strides = array<i32>} : memref<8x8x256xf32, #tpu.memory_space<vmem>>, vector<16xf32>,
        %parallel_loop3A_517 = arith.constant 1 : i32
        %parallel_loop3A_518 = arith.index_cast %parallel_loop3A_517 : i32 to index
        %parallel_loop3A_519 = arith.index_cast %parallel_loop3A_444 : i32 to index
        %parallel_loop3A_520 = arith.index_cast %parallel_loop3A_448 : i32 to index
        %parallel_loop3A_521 = tpu.vector_load %arg11[%parallel_loop3A_518, %parallel_loop3A_519, %parallel_loop3A_520] {strides = array<i32>} : memref<8x8x256xf32, #tpu.memory_space<vmem>>, vector<16xf32>,
        tpu.vector_store %arg11[%parallel_loop3A_518, %parallel_loop3A_519, %parallel_loop3A_520], %parallel_loop3A_511 {strides = array<i32>} : memref<8x8x256xf32, #tpu.memory_space<vmem>>, vector<16xf32>,
        %parallel_loop3A_522 = arith.constant 5 : i32
        %parallel_loop3A_523 = vector.broadcast %parallel_loop3A_522 : i32 to vector<16xi32>
        %parallel_loop3A_524 = arith.addi %parallel_loop3A_491, %parallel_loop3A_523 : vector<16xi32>
        %parallel_loop3A_525 = tpu.vector_load_idx %arg6[%parallel_loop3A_524] : memref<35721xi32, #tpu.memory_space<vmem>>[vector<16xi32>], vector<16xi32>,
        %parallel_loop3A_526 = arith.constant 80 : i32
        %parallel_loop3A_527 = vector.broadcast %parallel_loop3A_526 : i32 to vector<16xi32>
        %parallel_loop3A_528 = arith.addi %parallel_loop3A_498, %parallel_loop3A_527 : vector<16xi32>
        %parallel_loop3A_529 = tpu.vector_load_idx %arg7[%parallel_loop3A_528] : memref<8064xi32, #tpu.memory_space<vmem>>[vector<16xi32>], vector<16xi32>,
        %parallel_loop3A_530 = vector.bitcast %parallel_loop3A_525 : vector<16xi32> to vector<32xbf16>
        %parallel_loop3A_531 = vector.bitcast %parallel_loop3A_529 : vector<16xi32> to vector<32xbf16>
        %parallel_loop3A_532 = arith.addf %parallel_loop3A_530, %parallel_loop3A_531 : vector<32xbf16>
        %parallel_loop3A_533 = tpu.unpack_subelements %parallel_loop3A_532, 0 {pack_format = #tpu.pack_format<interleaved>} : vector<32xbf16> -> vector<16xf32>
        %parallel_loop3A_534 = tpu.unpack_subelements %parallel_loop3A_532, 1 {pack_format = #tpu.pack_format<interleaved>} : vector<32xbf16> -> vector<16xf32>
        %parallel_loop3A_535 = arith.constant 2 : i32
        %parallel_loop3A_536 = arith.index_cast %parallel_loop3A_535 : i32 to index
        %parallel_loop3A_537 = arith.index_cast %parallel_loop3A_444 : i32 to index
        %parallel_loop3A_538 = arith.index_cast %parallel_loop3A_448 : i32 to index
        %parallel_loop3A_539 = tpu.vector_load %arg11[%parallel_loop3A_536, %parallel_loop3A_537, %parallel_loop3A_538] {strides = array<i32>} : memref<8x8x256xf32, #tpu.memory_space<vmem>>, vector<16xf32>,
        tpu.vector_store %arg11[%parallel_loop3A_536, %parallel_loop3A_537, %parallel_loop3A_538], %parallel_loop3A_533 {strides = array<i32>} : memref<8x8x256xf32, #tpu.memory_space<vmem>>, vector<16xf32>,
        %parallel_loop3A_540 = arith.constant 3 : i32
        %parallel_loop3A_541 = arith.index_cast %parallel_loop3A_540 : i32 to index
        %parallel_loop3A_542 = arith.index_cast %parallel_loop3A_444 : i32 to index
        %parallel_loop3A_543 = arith.index_cast %parallel_loop3A_448 : i32 to index
        %parallel_loop3A_544 = tpu.vector_load %arg11[%parallel_loop3A_541, %parallel_loop3A_542, %parallel_loop3A_543] {strides = array<i32>} : memref<8x8x256xf32, #tpu.memory_space<vmem>>, vector<16xf32>,
        tpu.vector_store %arg11[%parallel_loop3A_541, %parallel_loop3A_542, %parallel_loop3A_543], %parallel_loop3A_534 {strides = array<i32>} : memref<8x8x256xf32, #tpu.memory_space<vmem>>, vector<16xf32>,
        %parallel_loop3A_545 = arith.constant 6 : i32
        %parallel_loop3A_546 = vector.broadcast %parallel_loop3A_545 : i32 to vector<16xi32>
        %parallel_loop3A_547 = arith.addi %parallel_loop3A_491, %parallel_loop3A_546 : vector<16xi32>
        %parallel_loop3A_548 = tpu.vector_load_idx %arg6[%parallel_loop3A_547] : memref<35721xi32, #tpu.memory_space<vmem>>[vector<16xi32>], vector<16xi32>,
        %parallel_loop3A_549 = arith.constant 96 : i32
        %parallel_loop3A_550 = vector.broadcast %parallel_loop3A_549 : i32 to vector<16xi32>
        %parallel_loop3A_551 = arith.addi %parallel_loop3A_498, %parallel_loop3A_550 : vector<16xi32>
        %parallel_loop3A_552 = tpu.vector_load_idx %arg7[%parallel_loop3A_551] : memref<8064xi32, #tpu.memory_space<vmem>>[vector<16xi32>], vector<16xi32>,
        %parallel_loop3A_553 = vector.bitcast %parallel_loop3A_548 : vector<16xi32> to vector<32xbf16>
        %parallel_loop3A_554 = vector.bitcast %parallel_loop3A_552 : vector<16xi32> to vector<32xbf16>
        %parallel_loop3A_555 = arith.addf %parallel_loop3A_553, %parallel_loop3A_554 : vector<32xbf16>
        %parallel_loop3A_556 = tpu.unpack_subelements %parallel_loop3A_555, 0 {pack_format = #tpu.pack_format<interleaved>} : vector<32xbf16> -> vector<16xf32>
        %parallel_loop3A_557 = tpu.unpack_subelements %parallel_loop3A_555, 1 {pack_format = #tpu.pack_format<interleaved>} : vector<32xbf16> -> vector<16xf32>
        %parallel_loop3A_558 = arith.constant 4 : i32
        %parallel_loop3A_559 = arith.index_cast %parallel_loop3A_558 : i32 to index
        %parallel_loop3A_560 = arith.index_cast %parallel_loop3A_444 : i32 to index
        %parallel_loop3A_561 = arith.index_cast %parallel_loop3A_448 : i32 to index
        %parallel_loop3A_562 = tpu.vector_load %arg11[%parallel_loop3A_559, %parallel_loop3A_560, %parallel_loop3A_561] {strides = array<i32>} : memref<8x8x256xf32, #tpu.memory_space<vmem>>, vector<16xf32>,
        tpu.vector_store %arg11[%parallel_loop3A_559, %parallel_loop3A_560, %parallel_loop3A_561], %parallel_loop3A_556 {strides = array<i32>} : memref<8x8x256xf32, #tpu.memory_space<vmem>>, vector<16xf32>,
        %parallel_loop3A_563 = arith.constant 5 : i32
        %parallel_loop3A_564 = arith.index_cast %parallel_loop3A_563 : i32 to index
        %parallel_loop3A_565 = arith.index_cast %parallel_loop3A_444 : i32 to index
        %parallel_loop3A_566 = arith.index_cast %parallel_loop3A_448 : i32 to index
        %parallel_loop3A_567 = tpu.vector_load %arg11[%parallel_loop3A_564, %parallel_loop3A_565, %parallel_loop3A_566] {strides = array<i32>} : memref<8x8x256xf32, #tpu.memory_space<vmem>>, vector<16xf32>,
        tpu.vector_store %arg11[%parallel_loop3A_564, %parallel_loop3A_565, %parallel_loop3A_566], %parallel_loop3A_557 {strides = array<i32>} : memref<8x8x256xf32, #tpu.memory_space<vmem>>, vector<16xf32>,
        %parallel_loop3A_568 = arith.constant 7 : i32
        %parallel_loop3A_569 = vector.broadcast %parallel_loop3A_568 : i32 to vector<16xi32>
        %parallel_loop3A_570 = arith.addi %parallel_loop3A_491, %parallel_loop3A_569 : vector<16xi32>
        %parallel_loop3A_571 = tpu.vector_load_idx %arg6[%parallel_loop3A_570] : memref<35721xi32, #tpu.memory_space<vmem>>[vector<16xi32>], vector<16xi32>,
        %parallel_loop3A_572 = arith.constant 112 : i32
        %parallel_loop3A_573 = vector.broadcast %parallel_loop3A_572 : i32 to vector<16xi32>
        %parallel_loop3A_574 = arith.addi %parallel_loop3A_498, %parallel_loop3A_573 : vector<16xi32>
        %parallel_loop3A_575 = tpu.vector_load_idx %arg7[%parallel_loop3A_574] : memref<8064xi32, #tpu.memory_space<vmem>>[vector<16xi32>], vector<16xi32>,
        %parallel_loop3A_576 = vector.bitcast %parallel_loop3A_571 : vector<16xi32> to vector<32xbf16>
        %parallel_loop3A_577 = vector.bitcast %parallel_loop3A_575 : vector<16xi32> to vector<32xbf16>
        %parallel_loop3A_578 = arith.addf %parallel_loop3A_576, %parallel_loop3A_577 : vector<32xbf16>
        %parallel_loop3A_579 = tpu.unpack_subelements %parallel_loop3A_578, 0 {pack_format = #tpu.pack_format<interleaved>} : vector<32xbf16> -> vector<16xf32>
        %parallel_loop3A_580 = tpu.unpack_subelements %parallel_loop3A_578, 1 {pack_format = #tpu.pack_format<interleaved>} : vector<32xbf16> -> vector<16xf32>
        %parallel_loop3A_581 = arith.constant 6 : i32
        %parallel_loop3A_582 = arith.index_cast %parallel_loop3A_581 : i32 to index
        %parallel_loop3A_583 = arith.index_cast %parallel_loop3A_444 : i32 to index
        %parallel_loop3A_584 = arith.index_cast %parallel_loop3A_448 : i32 to index
        %parallel_loop3A_585 = tpu.vector_load %arg11[%parallel_loop3A_582, %parallel_loop3A_583, %parallel_loop3A_584] {strides = array<i32>} : memref<8x8x256xf32, #tpu.memory_space<vmem>>, vector<16xf32>,
        tpu.vector_store %arg11[%parallel_loop3A_582, %parallel_loop3A_583, %parallel_loop3A_584], %parallel_loop3A_579 {strides = array<i32>} : memref<8x8x256xf32, #tpu.memory_space<vmem>>, vector<16xf32>,
        %parallel_loop3A_586 = arith.constant 7 : i32
        %parallel_loop3A_587 = arith.index_cast %parallel_loop3A_586 : i32 to index
        %parallel_loop3A_588 = arith.index_cast %parallel_loop3A_444 : i32 to index
        %parallel_loop3A_589 = arith.index_cast %parallel_loop3A_448 : i32 to index
        %parallel_loop3A_590 = tpu.vector_load %arg11[%parallel_loop3A_587, %parallel_loop3A_588, %parallel_loop3A_589] {strides = array<i32>} : memref<8x8x256xf32, #tpu.memory_space<vmem>>, vector<16xf32>,
        tpu.vector_store %arg11[%parallel_loop3A_587, %parallel_loop3A_588, %parallel_loop3A_589], %parallel_loop3A_580 {strides = array<i32>} : memref<8x8x256xf32, #tpu.memory_space<vmem>>, vector<16xf32>,
      } {sc.loop_unroll_factor = 8 : i64, sc.parallel_access}
      %mul3A_388 = arith.constant 128 : i32
      %mul3A_389 = arith.muli %select_n3A_30, %mul3A_388 : i32
      %jit3A_390 = arith.constant 2 : i32
      %div3A_391 = arith.divsi %add3A_258, %jit3A_390 : i32
      %sign3A_392 = arith.constant 0 : i32
      %sign3A_393 = arith.cmpi sgt, %add3A_258, %sign3A_392 : i32
      %sign3A_394 = arith.extui %sign3A_393 : i1 to i32
      %sign3A_395 = arith.constant 0 : i32
      %sign3A_396 = arith.cmpi slt, %add3A_258, %sign3A_395 : i32
      %sign3A_397 = arith.extui %sign3A_396 : i1 to i32
      %sign3A_398 = arith.subi %sign3A_394, %sign3A_397 : i32
      %sign3A_399 = arith.constant 0 : i32
      %sign3A_400 = arith.cmpi sgt, %jit3A_390, %sign3A_399 : i32
      %sign3A_401 = arith.extui %sign3A_400 : i1 to i32
      %sign3A_402 = arith.constant 0 : i32
      %sign3A_403 = arith.cmpi slt, %jit3A_390, %sign3A_402 : i32
      %sign3A_404 = arith.extui %sign3A_403 : i1 to i32
      %sign3A_405 = arith.subi %sign3A_401, %sign3A_404 : i32
      %ne3A_406 = arith.cmpi ne, %sign3A_398, %sign3A_405 : i32
      %rem3A_407 = arith.remsi %add3A_258, %jit3A_390 : i32
      %ne3A_408 = arith.constant 0 : i32
      %ne3A_409 = arith.cmpi ne, %rem3A_407, %ne3A_408 : i32
      %and3A_410 = arith.andi %ne3A_406, %ne3A_409 : i1
      %sub3A_411 = arith.constant 1 : i32
      %sub3A_412 = arith.subi %div3A_391, %sub3A_411 : i32
      %select_n3A_413 = arith.select %and3A_410, %sub3A_412, %div3A_391 : i32
      %mul3A_414 = arith.constant 8 : i32
      %mul3A_415 = arith.muli %select_n3A_413, %mul3A_414 : i32
      %add3A_416 = arith.addi %mul3A_389, %mul3A_415 : i32
      %jit3A_417 = arith.constant 2 : i32
      %eq3A_418 = arith.constant 0 : i32
      %eq3A_419 = arith.cmpi eq, %jit3A_417, %eq3A_418 : i32
      %jit3A_420 = arith.constant 1 : i32
      %select_n3A_421 = arith.select %eq3A_419, %jit3A_420, %jit3A_417 : i32
      %rem3A_422 = arith.remsi %add3A_258, %select_n3A_421 : i32
      %ne3A_423 = arith.constant 0 : i32
      %ne3A_424 = arith.cmpi ne, %rem3A_422, %ne3A_423 : i32
      %lt3A_425 = arith.constant 0 : i32
      %lt3A_426 = arith.cmpi slt, %rem3A_422, %lt3A_425 : i32
      %lt3A_427 = arith.constant 0 : i32
      %lt3A_428 = arith.cmpi slt, %select_n3A_421, %lt3A_427 : i32
      %ne3A_429 = arith.xori %lt3A_426, %lt3A_428 : i1
      %and3A_430 = arith.andi %ne3A_429, %ne3A_424 : i1
      %add3A_431 = arith.addi %rem3A_422, %select_n3A_421 : i32
      %select_n3A_432 = arith.select %and3A_430, %add3A_431, %rem3A_422 : i32
      %mul3A_433 = arith.constant 256 : i32
      %mul3A_434 = arith.muli %select_n3A_432, %mul3A_433 : i32
      %dma_start3A_435 = arith.constant 8 : i32
      %dma_start3A_436 = tpu.memref_slice %arg5[%select_n3A, %dma_start3A_435, %add3A_416, %mul3A_434] : memref<8x16x512x512xf32, #tpu.memory_space<hbm>> -> memref<1x8x8x256xf32, #tpu.memory_space<hbm>>
      %dma_start3A_437 = tpu.memref_squeeze %dma_start3A_436 : memref<1x8x8x256xf32, #tpu.memory_space<hbm>> -> memref<8x8x256xf32, #tpu.memory_space<hbm>>
      %dma_start3A_438 = arith.constant 8 : i32
      %dma_start3A_439 = tpu.memref_slice %arg5[%select_n3A, %dma_start3A_438, %add3A_416, %mul3A_434] : memref<8x16x512x512xf32, #tpu.memory_space<hbm>> -> memref<1x8x8x256xf32, #tpu.memory_space<hbm>>
      %dma_start3A_440 = tpu.memref_squeeze %dma_start3A_439 : memref<1x8x8x256xf32, #tpu.memory_space<hbm>> -> memref<8x8x256xf32, #tpu.memory_space<hbm>>
      tpu.enqueue_dma source(%arg11 : memref<8x8x256xf32, #tpu.memory_space<vmem>>) target(%dma_start3A_440 : memref<8x8x256xf32, #tpu.memory_space<hbm>>) target_semaphore(%arg15 : memref<!tpu.dma_semaphore, #tpu.memory_space<semaphore_mem>>)
      %scan3A_441 = arith.constant 0 : i32
      scf.yield %scan3A_441 : i32
    }
    %scan3A_47 = arith.constant 16 : i32
    %mul3A_48 = arith.constant 128 : i32
    %mul3A_49 = arith.muli %select_n3A_30, %mul3A_48 : i32
    %add3A_50 = arith.constant 120 : i32
    %add3A_51 = arith.addi %mul3A_49, %add3A_50 : i32
    %dma_wait3A = arith.constant 0 : i32
    %dma_wait3A_52 = arith.constant 256 : i32
    %dma_wait3A_53 = tpu.memref_slice %arg5[%select_n3A, %dma_wait3A, %add3A_51, %dma_wait3A_52] : memref<8x16x512x512xf32, #tpu.memory_space<hbm>> -> memref<1x8x8x256xf32, #tpu.memory_space<hbm>>
    %dma_wait3A_54 = tpu.memref_squeeze %dma_wait3A_53 : memref<1x8x8x256xf32, #tpu.memory_space<hbm>> -> memref<8x8x256xf32, #tpu.memory_space<hbm>>
    %dma_wait3A_55 = arith.constant 0 : i32
    %dma_wait3A_56 = arith.constant 256 : i32
    %dma_wait3A_57 = tpu.memref_slice %arg5[%select_n3A, %dma_wait3A_55, %add3A_51, %dma_wait3A_56] : memref<8x16x512x512xf32, #tpu.memory_space<hbm>> -> memref<1x8x8x256xf32, #tpu.memory_space<hbm>>
    %dma_wait3A_58 = tpu.memref_squeeze %dma_wait3A_57 : memref<1x8x8x256xf32, #tpu.memory_space<hbm>> -> memref<8x8x256xf32, #tpu.memory_space<hbm>>
    tpu.wait_dma2 semaphore(%arg14 : memref<!tpu.dma_semaphore, #tpu.memory_space<semaphore_mem>>) src(%arg10 : memref<8x8x256xf32, #tpu.memory_space<vmem>>) dst(%dma_wait3A_58 : memref<8x8x256xf32, #tpu.memory_space<hbm>>)
    %mul3A_59 = arith.constant 128 : i32
    %mul3A_60 = arith.muli %select_n3A_30, %mul3A_59 : i32
    %add3A_61 = arith.constant 120 : i32
    %add3A_62 = arith.addi %mul3A_60, %add3A_61 : i32
    %dma_wait3A_63 = arith.constant 8 : i32
    %dma_wait3A_64 = arith.constant 256 : i32
    %dma_wait3A_65 = tpu.memref_slice %arg5[%select_n3A, %dma_wait3A_63, %add3A_62, %dma_wait3A_64] : memref<8x16x512x512xf32, #tpu.memory_space<hbm>> -> memref<1x8x8x256xf32, #tpu.memory_space<hbm>>
    %dma_wait3A_66 = tpu.memref_squeeze %dma_wait3A_65 : memref<1x8x8x256xf32, #tpu.memory_space<hbm>> -> memref<8x8x256xf32, #tpu.memory_space<hbm>>
    %dma_wait3A_67 = arith.constant 8 : i32
    %dma_wait3A_68 = arith.constant 256 : i32
    %dma_wait3A_69 = tpu.memref_slice %arg5[%select_n3A, %dma_wait3A_67, %add3A_62, %dma_wait3A_68] : memref<8x16x512x512xf32, #tpu.memory_space<hbm>> -> memref<1x8x8x256xf32, #tpu.memory_space<hbm>>
    %dma_wait3A_70 = tpu.memref_squeeze %dma_wait3A_69 : memref<1x8x8x256xf32, #tpu.memory_space<hbm>> -> memref<8x8x256xf32, #tpu.memory_space<hbm>>
    tpu.wait_dma2 semaphore(%arg15 : memref<!tpu.dma_semaphore, #tpu.memory_space<semaphore_mem>>) src(%arg11 : memref<8x8x256xf32, #tpu.memory_space<vmem>>) dst(%dma_wait3A_70 : memref<8x8x256xf32, #tpu.memory_space<hbm>>)
    return
  }
}

</mosaic_0001>

<sc_bundles>
// kernel: kernel.3.cloned.1.call-start
scs
__scs_entry_jumppad:
0x0: {  	(pc) =	sbr.rel $0x88, $3  }
0x1: {  	(tag) =	ssettag $0x0;
	lr =	simm.s32 $0x1  }
0x2: {  	[smem:$0x3F9F] =	sst lr;
	_ =	strace $0xD0000000  }
0x3: {  	_ = 	snop  }
0x4: {  	_ = 	snop  }
0x5: {  	_ = 	snop  }
0x6: {  	_ = 	snop  }
0x7: {  	_ = 	snop  }
__scs_overlays_trampoline_lowered:
0x8: {  	[smem:$0x3FAE] =	sst s0  }
0x9: {  	[smem:$0x3FAF] =	sst s1  }
0xa: {  	[smem:$0x3FB0] =	sst s2  }
0xb: {  	[smem:$0x3FB1] =	sst s3  }
0xc: {  	[smem:$0x3FB2] =	sst s4  }
0xd: {  	[smem:$0x3FB3] =	sst s5  }
0xe: {  	[smem:$0x3FB4] =	sst s6  }
0xf: {  	[smem:$0x3FB5] =	sst s7  }
0x10: {  	[smem:$0x3FB6] =	sst s8  }
0x11: {  	[smem:$0x3FB7] =	sst s9;
	s0 =	simm.s32 @!p0 $0x0  }
0x12: {  	s1 =	sld [smem:$0x3F9D];
	s0 =	simm.s32 @p0 $0x1  }
0x13: {  	[smem:$0x3FB8] =	sst s0;
	s0 =	simm.s32 @!p1 $0x0  }
0x14: {  	s2 =	sld [smem:$0x3F9C];
	s0 =	simm.s32 @p1 $0x1  }
0x15: {  	[smem:$0x3FB9] =	sst s0;
	s0 =	simm.s32 @!p2 $0x0  }
0x16: {  	s3 =	sld [smem:$0x3FDB];
	s0 =	simm.s32 @p2 $0x1  }
0x17: {  	s4 =	simm.s32 $0x1BF5;
	[smem:$0x3FBB] =	sst s0  }
0x18: {  	s0 =	sld [smem:$0x3F9E];
	_ =	swait.ge [sflag:s4], $0x0  }
0x19: {  	s7 =	sld [smem:$0x3F9F]  }
0x1a: {  	s8 =	sadd.s32 $0xFFFFE003, lr  }
0x1b: {  	s9 =	sadd.s32 $0xFFFFFEF7, lr;
	s5 =	simm.s32 $0xFFFFFFFF;
	p2 =	slt.u32 s8, $0xFFFFF086  }
0x1c: {  	p1 =	slt.u32 s9, $0xF7A;
	s5 =	simm.s32 @!p2 $0x0  }
0x1d: {  	s5 =	simm.s32 @p1 $0x1;
	p0 =	seq.s32 s7, s2  }
0x1e: {  	s7 =	smul.u32 @!p0 $0xF7A, s2;
	p2 =	seq.s32 @!p0 s5, $0x0  }
0x1f: {  	s9 =	smul.u32 $0xF7A, s1;
	s8 =	simm.s32 @!p0 $0x1BF5;
	p2 =	por !p2, p0  }
0x20: {  	[sflag:s8] =	ssyncset.s32 @!p0 $0xFFFFF086;
	s6 =	sadd.s32 @!p0 s3, s7;
	s7 =	simm.s32 @!p0 $0x108  }
0x21: {  	s3 =	sadd.s32 s3, s9;
	s6 =	sadd.s32 @!p0 $0x88, s6;
	s7 =	simm.s32 @p2 $0x1082  }
0x22: {  	[simem:s7], [sflag:s8] =	dma.local @!p0 [hbm:s6], $0xF7A  }
0x23: {  	s9 =	sor.u32 $0xD0000000, s2;
	s6 =	simm.s32 $0x108;
	_ =	swait.ge @!p0 [sflag:s8], $0x0  }
0x24: {  	s3 =	sadd.s32 $0x88, s3;
	s6 =	simm.s32 @!p1 $0x1082;
	[sflag:s4] =	ssyncset.s32 $0xFFFFF086  }
0x25: {  	[simem:s6], [sflag:s4] =	dma.local [hbm:s3], $0xF7A  }
0x26: {  	[smem:$0x3F9F] =	sst s1;
	(tag) =	ssettag s2;
	_ =	strace s9  }
0x27: {  	s1 =	sld [smem:$0x3FAF]  }
0x28: {  	s2 =	sld [smem:$0x3FB0]  }
0x29: {  	s4 =	sld [smem:$0x3FB2]  }
0x2a: {  	p0 =	seq.s32 s5, $0x0;
	s5 =	sld [smem:$0x3FB3]  }
0x2b: {  	s6 =	sld [smem:$0x3FB4]  }
0x2c: {  	s7 =	sld [smem:$0x3FB5]  }
0x2d: {  	s3 =	simm.s32 $0x108;
	s8 =	sld [smem:$0x3FB6]  }
0x2e: {  	s3 =	simm.s32 @!p0 $0x1082;
	s9 =	sld [smem:$0x3FB7]  }
0x2f: {  	lr =	sadd.s32 s0, s3;
	s0 =	sld [smem:$0x3FAE]  }
0x30: {  	s3 =	sld [smem:$0x3FB1]  }
0x31: {  	[smem:$0x3FBA] =	sst s10  }
0x32: {  	s10 =	sld [smem:$0x3FB8];
	_ =	sdelay $0x3  }
0x33: {  	p0 =	seq.s32 s10, $0x1;
	s10 =	sld [smem:$0x3FBA];
	_ =	sdelay $0x3  }
0x34: {  	[smem:$0x3FBA] =	sst s10  }
0x35: {  	s10 =	sld [smem:$0x3FB9];
	_ =	sdelay $0x3  }
0x36: {  	p1 =	seq.s32 s10, $0x1;
	s10 =	sld [smem:$0x3FBA];
	_ =	sdelay $0x3  }
0x37: {  	[smem:$0x3FBA] =	sst s10  }
0x38: {  	s10 =	sld [smem:$0x3FBB]  }
0x39: {  	_ = 	snop;
	(pc) =	sbr.ind lr, $3  }
0x3a: {  	_ = 	snop  }
0x3b: {  	_ = 	snop  }
0x3c: {  	p2 =	seq.s32 s10, $0x1;
	s10 =	sld [smem:$0x3FBA]  }
0x3d: {  	_ =	shalt  }
0x3e: {  	_ =	shalt  }
0x3f: {  	_ =	shalt  }
0x40: {  	_ =	shalt  }
0x41: {  	_ =	shalt  }
0x42: {  	_ =	shalt  }
0x43: {  	_ =	shalt  }
0x44: {  	_ =	shalt  }
0x45: {  	_ =	shalt  }
0x46: {  	_ =	shalt  }
0x47: {  	_ =	shalt  }
0x48: {  	_ =	shalt  }
0x49: {  	_ =	shalt  }
0x4a: {  	_ =	shalt  }
0x4b: {  	_ =	shalt  }
0x4c: {  	_ =	shalt  }
0x4d: {  	_ =	shalt  }
0x4e: {  	_ =	shalt  }
0x4f: {  	_ =	shalt  }
0x50: {  	_ =	shalt  }
0x51: {  	_ =	shalt  }
0x52: {  	_ =	shalt  }
0x53: {  	_ =	shalt  }
0x54: {  	_ =	shalt  }
0x55: {  	_ =	shalt  }
0x56: {  	_ =	shalt  }
0x57: {  	_ =	shalt  }
0x58: {  	_ =	shalt  }
0x59: {  	_ =	shalt  }
0x5a: {  	_ =	shalt  }
0x5b: {  	_ =	shalt  }
0x5c: {  	_ =	shalt  }
0x5d: {  	_ =	shalt  }
0x5e: {  	_ =	shalt  }
0x5f: {  	_ =	shalt  }
0x60: {  	_ =	shalt  }
0x61: {  	_ =	shalt  }
0x62: {  	_ =	shalt  }
0x63: {  	_ =	shalt  }
0x64: {  	_ =	shalt  }
0x65: {  	_ =	shalt  }
0x66: {  	_ =	shalt  }
0x67: {  	_ =	shalt  }
0x68: {  	_ =	shalt  }
0x69: {  	_ =	shalt  }
0x6a: {  	_ =	shalt  }
0x6b: {  	_ =	shalt  }
0x6c: {  	_ =	shalt  }
0x6d: {  	_ =	shalt  }
0x6e: {  	_ =	shalt  }
0x6f: {  	_ =	shalt  }
0x70: {  	_ =	shalt  }
0x71: {  	_ =	shalt  }
0x72: {  	_ =	shalt  }
0x73: {  	_ =	shalt  }
0x74: {  	_ =	shalt  }
0x75: {  	_ =	shalt  }
0x76: {  	_ =	shalt  }
0x77: {  	_ =	shalt  }
0x78: {  	_ =	shalt  }
0x79: {  	_ =	shalt  }
0x7a: {  	_ =	shalt  }
0x7b: {  	_ =	shalt  }
0x7c: {  	_ =	shalt  }
0x7d: {  	_ =	shalt  }
0x7e: {  	_ =	shalt  }
0x7f: {  	_ =	shalt  }
0x80: {  	_ =	shalt  }
0x81: {  	_ =	shalt  }
0x82: {  	_ =	shalt  }
0x83: {  	_ =	shalt  }
0x84: {  	_ =	shalt  }
0x85: {  	_ =	shalt  }
0x86: {  	_ =	shalt  }
0x87: {  	_ =	shalt  }
.Lfunc_end0:
.L_simem_size_0:
called_computation_lowered:
.L_overlay_start_0:
0x88: {  	s2 =	sld [smem:$0x3FD9]  }
0x89: {  	s3 =	sld [smem:$0x3FFE];
	_ =	sdelay $0x1  }
0x8a: {  	s1 =	srdreg.scid  }
0x8b: {  	s0 =	sand.u32 $0x1, s1  }
0x8c: {  	s17 =	sshll.u32 s0, $0xA;
	s2 =	sadd.s32 s3, s2  }
0x8d: {  	s2 =	sadd.s32 s2, s17  }
0x8e: {  	[smem:$0x3FC6] =	sst s2  }
0x8f: {  	_ = 	snop  }
0x90: {  	s2 =	sld [smem:$0x3FC9]  }
0x91: {  	s18 =	sld [smem:$0x3FD0];
	(tm) =	ssettm $0x1  }
0x92: {  	s4 =	sld [smem:$0x3FFB];
	_ =	sdelay $0x3  }
0x93: {  	_ =	strace s4  }
0x94: {  	s4 =	sld [smem:$0x3FFC];
	_ =	sdelay $0x3  }
0x95: {  	_ =	strace s4  }
0x96: {  	s4 =	sld [smem:$0x3FFD];
	_ =	sdelay $0x3  }
0x97: {  	_ =	strace s4  }
0x98: {  	_ =	strace $0x8FFFFFFF  }
0x99: {  	s19 =	sld [smem:$0x3FDB];
	_ =	sdelay $0x1  }
0x9a: {  	s5 =	simm.s32 $_scs_section_size  }
0x9b: {  	s6 =	simm.s32 $_size__tile_overlayer_lowered;
	s7 =	simm.s32 $_tile_overlayer_lowered  }
0x9c: {  	s22 =	simm.s32 $0x1BFF;
	s21 =	sshll.u32 s7, $0x1;
	s4 =	sadd.s32 s5, s19  }
0x9d: {  	s8 =	simm.s32 $0x0;
	s20 =	sshll.u32 s6, $0x1;
	s6 =	sadd.s32 s21, s4  }
0x9e: {  	[timem:s8], [sflag:s22] =	dma.local [hbm:s6], s20  }
0x9f: {  	_ =	swait.ge [sflag:s22], s20  }
0xa0: {  	s5 =	ssub.s32 $0x0, s20;
	[sflag:s22] =	ssyncset.done $0x0  }
0xa1: {  	[sflag:s22] =	ssyncadd.s32 s5;
	_ =	sdelay $0x1  }
0xa2: {  	s23 =	simm.s32 $0x1B8B  }
0xa3: {  	_ =	swait.ge [sflag:s23], $0x1  }
0xa4: {  	[sflag:s23] =	ssyncset.done $0x0  }
0xa5: {  	s25 =	simm.s32 $0x1B8E;
	s24 =	sld [smem:$0x3FFE];
	[sflag:s23] =	ssyncadd.s32 $0xFFFFFFFF  }
0xa6: {  	s26 =	simm.s32 $execute0_lowered;
	[smem:$0x3FD2] =	sst s25  }
0xa7: {  	s6 =	sshll.u32 s26, $0x1;
	_ =	strace $0x80000046;
	[dreg:$0x1] =	wrdreg $0xFFFFFFFF  }
0xa8: {  	s28 =	simm.s32 $_size_execute0_lowered;
	s4 =	sadd.s32 s4, s6;
	[dreg:$0x0] =	wrdreg $0x0  }
0xa9: {  	s6 =	sshll.u32 s28, $0x1;
	[dreg:$0x2] =	wrdreg s4  }
0xaa: {  	[dreg:$0x3] =	wrdreg s6  }
0xab: {  	[dreg:$0x4] =	wrdreg $0xC0  }
0xac: {  	_ =	task [dreg:s8], $0x5FFFF  }
0xad: {  	[dreg:$0x1] =	wrdreg $0xFFFFFFFF  }
0xae: {  	[dreg:$0x0] =	wrdreg $0x60  }
0xaf: {  	[dreg:$0x2] =	wrdreg s24  }
0xb0: {  	[dreg:$0x3] =	wrdreg s2  }
0xb1: {  	[dreg:$0x4] =	wrdreg s18  }
0xb2: {  	[dreg:$0x5] =	wrdreg $0x9  }
0xb3: {  	_ =	task.clear_ibuf [dreg:s8], $0x6FFFF;
	_ =	strace $0x90000046  }
0xb4: {  	s29 =	simm.s32 $0x9;
	_ =	strace $0x80000048  }
0xb5: {  	_ =	swait.ge [sflag:s29], $0x1  }
0xb6: {  	[sflag:s29] =	ssyncadd.s32 $0xFFFFFFFF  }
0xb7: {  	_ =	strace $0x90000048  }
0xb8: {  	_ =	sfence  }
0xb9: {  	s30 =	sld [smem:$0x0];
	_ =	sdelay $0x2  }
0xba: {  	s31 =	sshll.u32 s1, $0xD;
	s1 =	sshrl.u32 s1, $0x2  }
0xbb: {  	s3 =	sand.u32 $0x4000, s31;
	s1 =	sadd.s32 s1, s30  }
0xbc: {  	s0 =	sor.u32 s3, s0;
	s1 =	sshll.u32 s1, $0x11  }
0xbd: {  	s0 =	sor.u32 s1, s0  }
0xbe: {  	s0 =	sadd.s32 $0x8F2B, s0  }
0xbf: {  	[sflag:s0] =	ssyncadd.remote.s32 $0x1  }
0xc0: {  	_ =	sfence.sel $0xFFFF  }
0xc1: {  	[dreg:$0x0] =	wrdreg $0xFFFFFFFF;
	(pc) =	sbr.abs _section_cstart, $3  }
0xc2: {  	[dreg:$0x1] =	wrdreg $0xFFFFFFFF  }
0xc3: {  	_ =	task.clear_ibuf [dreg:s8], $0x2FFFF;
	_ =	strace $0x9FFFFFFF  }
0xc4: {  	(tm) =	ssettm $0x7FFFFFFF  }
0xc5: {  	_ =	shalt  }
tec
execute0_lowered:
.L_overlay_start_1:
0x0: {  	(tag) =	ssettag $0x1  }
0x1: {  	s0 =	srdreg.scid;
	s4 =	rddreg [dreg:$0x0]  }
0x2: {  	s2 =	stileid.u32;
	s6 =	rddreg [dreg:$0x1]  }
0x3: {  	s3 =	simm.s32 $0x1;
	s7 =	rddreg [dreg:$0x2];
	s5 =	simm.s32 $0x0  }
0x4: {  	s9 =	simm.s32 $0x1;
	s18 =	simm.s32 $0x800;
	s19 =	simm.s32 $0x40000  }
0x5: {  	s28 =	simm.s32 $0x3;
	s0 =	sand.u32 $0x1, s0;
	[smem:$0x7FF] =	sst s5  }
0x6: {  	s4 =	sadd.s32 $0x400, s4;
	s23 =	sadd.s32 $0x100, s6;
	s24 =	sadd.s32 $0x40000, s7  }
0x7: {  	s30 =	sadd.s32 $0x100, s7;
	s1 =	sshll.u32 s0, $0x4;
	_ =	strace $0x80000047  }
0x8: {  	[dreg:$0x5] =	wrdreg s4;
	s1 =	sor.u32 s2, s1;
	s2 =	sand.u32 $0x3, s2  }
0x9: {  	[dreg:$0x7] =	wrdreg s23;
	p0 =	seq.s32 s1, $0x0;
	p1 =	sne.s32 s2, $0x0  }
0xa: {  	s31 =	sadd.s32 $0x40100, s7;
	[dreg:$0x9] =	wrdreg s24;
	p0 =	por !p1, !p0  }
0xb: {  	v2 =	vlaneseq.u32;
	s0 =	ssub.s32 $0x2, s0;
	[dreg:$0xb] =	wrdreg s30;
	p0 =	por !p0, !p0  }
0xc: {  	v0 =	vor.u32 $0x30, v2;
	s21 =	sshrl.u32 s0, $0x1;
	s1 =	sshrl.u32 s1, $0x2;
	s3 =	simm.s32 @!p0 $0x0  }
0xd: {  	v1 =	vor.u32 $0xF80, v2;
	[dreg:$0xc] =	wrdreg s31;
	[tilespmem:$0x1FF90] =	vst v0;
	s0 =	ssub.s32 s0, s21;
	s1 =	ssub.s32 s1, s3  }
0xe: {  	v5 =	vor.u32 $0xFA0, v2;
	[tilespmem:$0x1FFA0] =	vst v1;
	s8 =	sshll.u32 s2, $0x10;
	s0 =	smax.u32 s0, $0x1;
	s3 =	smul.u32 $0xC0000, s1  }
0xf: {  	s29 =	simm.s32 $0x4;
	v3 =	vor.u32 $0xF90, v2;
	v51 =	vor.u32 $0x20, v2;
	[tilespmem:$0x1FFD0] =	vst v5;
	s25 =	smov.u32 s8;
	[dreg:$0xd] =	wrdreg s0  }
0x10: {  	v4 =	vor.u32 $0x10, v2;
	v7 =	vor.u32 $0xFB0, v2;
	[tilespmem:$0x1FFE0] =	vst v51;
	s1 =	sshll.u32 s1, $0x16;
	[dreg:$0x4] =	wrdreg s3;
	s3 =	sor.u32 s8, s3  }
0x11: {  	[tilespmem:$0x1FFF0] =	vst v7;
	v0 =	vmov v3;
	[dreg:$0x8] =	wrdreg s1;
	s22 =	sshrl.u32 s3, $0x3;
	s26 =	sor.u32 $0x1000, s3  }
0x12: {  	v3 =	vmov v4;
	[tilespmem:$0x1FFB0] =	vst v0;
	s1 =	simm.s32 $0x0;
	s2 =	sadd.s32 s6, s22;
	[dreg:$0xa] =	wrdreg s26  }
0x13: {  	v4 =	vmov v5;
	[tilespmem:$0x1FFC0] =	vst v3;
	s22 =	simm.s32 $0x8C00;
	s26 =	simm.s32 $0x2;
	[dreg:$0x6] =	wrdreg s2  }
.LBB2_1:
0x14: {  	[dreg:$0xe] =	wrdreg s1  }
0x15: {  	s0 =	rddreg [dreg:$0x6];
	s21 =	simm.s32 $0xAB80  }
0x16: {  	[tilespmem:s21], [sflag:$0x1] =	stream.strided.gather [hbm4b:s0+s18], $0x1800, s19, s18, $0x38;
	[tilespmem:$0x15B80] =	vst v63  }
0x17: {  	s23 =	rddreg [dreg:$0x5];
	s24 =	simm.s32 $0x5  }
0x18: {  	[tilespmem:s5], [sflag:$0x5] =	stream.linear.gather [hbm4b:s23+s5], $0x8C00, $0x38;
	[tilespmem:$0x15B80] =	vst v63  }
0x19: {  	_ =	swait.ge [sflag:s24], $0x8C00  }
0x1a: {  	[sflag:s24] =	ssyncset.done $0x0  }
0x1b: {  	[sflag:s24] =	ssyncadd.s32 $0xFFFF7400  }
0x1c: {  	s30 =	rddreg [dreg:$0x0]  }
0x1d: {  	[tilespmem:s22], [sflag:$0x5] =	stream.linear.gather [hbm4b:s30+s5], $0x1F80, $0x38;
	[tilespmem:$0x15B80] =	vst v63  }
0x1e: {  	_ =	swait.ge [sflag:s24], $0x1F80  }
0x1f: {  	[sflag:s24] =	ssyncset.done $0x0  }
0x20: {  	s31 =	simm.s32 $0x0;
	[sflag:s24] =	ssyncadd.s32 $0xFFFFE080  }
.LBB2_2:
0x21: {  	s0 =	sshll.u32 s31, $0xC;
	_ =	swait.ge [sflag:s9], $0x1800  }
0x22: {  	s2 =	sor.u32 s25, s0;
	s1 =	rddreg [dreg:$0x4]  }
0x23: {  	s1 =	sor.u32 s1, s2  }
0x24: {  	[sflag:s9] =	ssyncset.done $0x0;
	s3 =	rddreg [dreg:$0x7];
	s1 =	sshrl.u32 s1, $0x3  }
0x25: {  	s20 =	simm.s32 $0xC380;
	[sflag:s9] =	ssyncadd.s32 $0xFFFFE800;
	s1 =	sadd.s32 s1, s3  }
0x26: {  	[tilespmem:s20], [sflag:$0x2] =	stream.strided.gather [hbm4b:s1+s18], $0x1800, s19, s18, $0x38;
	[tilespmem:$0x15B80] =	vst v63  }
0x27: {  	p0 =	seq.s32 s31, $0x0;
	p1 =	por $0x0, $0x0;
	s1 =	simm.s32 $0x1  }
0x28: {  	s3 =	simm.s32 @!p0 $0x3;
	s1 =	simm.s32 @!p1 $0x0  }
0x29: {  	_ =	swait.ge @!p0 [sflag:s3], $0x4000;
	s1 =	sshll.u32 s1, $0xA  }
0x2a: {  	[sflag:s3] =	ssyncset.done @!p0 $0x0;
	s6 =	sadd.s32 $0x0, s1  }
0x2b: {  	[sflag:s3] =	ssyncadd.s32 @!p0 $0xFFFFC000;
	s15 =	sor.u32 $0x70, s6  }
0x2c: {  	s1 =	sor.u32 $0x870, s6;
	v8 =	vld [tilespmem:s15+$0xAB80]  }
0x2d: {  	s14 =	sor.u32 $0x1070, s6;
	v9 =	vld [tilespmem:s1+$0xAB80]  }
0x2e: {  	s13 =	sor.u32 $0x40, s6;
	v10 =	vld [tilespmem:s14+$0xAB80]  }
0x2f: {  	s12 =	sor.u32 $0x840, s6;
	v11 =	vld [tilespmem:s13+$0xAB80]  }
0x30: {  	s4 =	sor.u32 $0x1040, s6;
	v12 =	vld [tilespmem:s12+$0xAB80]  }
0x31: {  	s10 =	sor.u32 $0x50, s6;
	v13 =	vld [tilespmem:s4+$0xAB80]  }
0x32: {  	s7 =	sor.u32 $0x850, s6;
	v14 =	vld [tilespmem:s10+$0xAB80]  }
0x33: {  	s21 =	sor.u32 $0x1050, s6;
	v15 =	vld [tilespmem:s7+$0xAB80];
	vm0 =	vgt.s32 v8, $0xFFFFFFE1;
	vm1 =	vgt.s32 v9, $0xFFFFFFE1  }
0x34: {  	s8 =	sor.u32 $0x60, s6;
	v16 =	vld [tilespmem:s21+$0xAB80];
	vm6 =	vgt.s32 v10, $0xFFFFFFE1;
	v8 =	vnsel vm0, $0xFFFFFFE1, v8;
	v9 =	vnsel vm1, $0xFFFFFFE1, v9  }
0x35: {  	s11 =	sor.u32 $0x860, s6;
	v17 =	vld [tilespmem:s8+$0xAB80];
	v10 =	vnsel vm6, $0xFFFFFFE1, v10;
	vm7 =	vlt.s32 v8, $0x1F;
	vm2 =	vlt.s32 v9, $0x1F  }
0x36: {  	s6 =	sor.u32 $0x1060, s6;
	v18 =	vld [tilespmem:s11+$0xAB80];
	vm0 =	vlt.s32 v10, $0x1F;
	v8 =	vnsel vm7, $0x1F, v8;
	v9 =	vnsel vm2, $0x1F, v9  }
0x37: {  	v19 =	vld [tilespmem:s6+$0xAB80];
	v10 =	vnsel vm0, $0x1F, v10;
	v8 =	vmul.u32 $0x237, v8;
	v9 =	vmul.u32 $0x9, v9  }
0x38: {  	vm8 =	vgt.s32 v11, $0xFFFFFFE1;
	vm9 =	vgt.s32 v12, $0xFFFFFFE1;
	v23 =	vshll.u32 v10, $0x7  }
0x39: {  	vm10 =	vgt.s32 v13, $0xFFFFFFE1;
	v21 =	vadd.s32 v8, v9;
	v8 =	vadd.s32 v1, v23  }
0x3a: {  	vm3 =	vgt.s32 v14, $0xFFFFFFE1;
	v9 =	vadd.s32 $0x45C0, v21;
	v8 =	vand.u32 $0xFFFFFF80, v8  }
0x3b: {  	vm4 =	vgt.s32 v15, $0xFFFFFFE1;
	vm5 =	vgt.s32 v16, $0xFFFFFFE1;
	v8 =	vor.u32 v2, v8  }
0x3c: {  	vm11 =	vgt.s32 v17, $0xFFFFFFE1;
	vm12 =	vgt.s32 v19, $0xFFFFFFE1;
	vm6 =	vgt.s32 v18, $0xFFFFFFE1  }
0x3d: {  	v10 =	vnsel vm8, $0xFFFFFFE1, v11;
	v11 =	vnsel vm9, $0xFFFFFFE1, v12;
	v12 =	vnsel vm10, $0xFFFFFFE1, v13  }
0x3e: {  	v13 =	vnsel vm3, $0xFFFFFFE1, v14;
	v14 =	vnsel vm4, $0xFFFFFFE1, v15;
	v15 =	vnsel vm5, $0xFFFFFFE1, v16  }
0x3f: {  	v16 =	vnsel vm11, $0xFFFFFFE1, v17;
	v17 =	vnsel vm6, $0xFFFFFFE1, v18;
	v18 =	vnsel vm12, $0xFFFFFFE1, v19;
	v9 =	vld.idx.msk [tilespmem:v9+s5+$0x0], $0xffff  }
0x40: {  	vm13 =	vlt.s32 v10, $0x1F;
	vm14 =	vlt.s32 v11, $0x1F;
	vm2 =	vlt.s32 v12, $0x1F;
	v8 =	vld.idx.msk [tilespmem:v8+s22+$0x0], $0xffff  }
0x41: {  	vm3 =	vlt.s32 v13, $0x1F;
	vm4 =	vlt.s32 v14, $0x1F;
	vm5 =	vlt.s32 v15, $0x1F  }
0x42: {  	vm15 =	vlt.s32 v16, $0x1F;
	vm7 =	vlt.s32 v17, $0x1F;
	vm8 =	vlt.s32 v18, $0x1F  }
0x43: {  	v19 =	vadd.s32 v0, v23;
	v10 =	vnsel vm13, $0x1F, v10;
	v11 =	vnsel vm14, $0x1F, v11  }
0x44: {  	v12 =	vnsel vm2, $0x1F, v12;
	v13 =	vnsel vm3, $0x1F, v13;
	v14 =	vnsel vm4, $0x1F, v14  }
0x45: {  	v19 =	vand.u32 $0xFFFFFF80, v19;
	v8 =	vadd.bf16 v8, v9;
	v9 =	vadd.s32 $0x45C1, v21  }
0x46: {  	v15 =	vnsel vm5, $0x1F, v15;
	v10 =	vmul.u32 $0x237, v10;
	v19 =	vor.u32 v3, v19  }
0x47: {  	v11 =	vmul.u32 $0x9, v11;
	v29 =	vshll.u32 v12, $0x7;
	v12 =	vunpack.i.l.bf16.f32 v8  }
0x48: {  	v13 =	vmul.u32 $0x237, v13;
	v14 =	vmul.u32 $0x9, v14;
	v20 =	vunpack.i.u.bf16.f32 v8;
	[tilespmem:s15+$0xDB80] =	vst v12  }
0x49: {  	s23 =	simm.s32 $0x0;
	v16 =	vnsel vm15, $0x1F, v16;
	v17 =	vnsel vm7, $0x1F, v17;
	v18 =	vnsel vm8, $0x1F, v18;
	[tilespmem:s1+$0xDB80] =	vst v20  }
0x4a: {  	s24 =	sand.u32 $0x400, s23;
	v24 =	vshll.u32 v18, $0x7;
	v10 =	vadd.s32 v10, v11;
	v11 =	vadd.s32 v13, v14;
	s1 =	sand.u32 $0x380, s23;
	v18 =	vld.idx.msk [tilespmem:v9+s5+$0x0], $0xffff  }
0x4b: {  	v31 =	vadd.s32 $0x45C2, v21;
	v30 =	vadd.s32 $0x45C0, v11;
	v33 =	vadd.s32 $0x45C1, v10;
	v22 =	vld.idx.msk [tilespmem:v19+s22+$0x0], $0xffff;
	s1 =	sor.u32 s1, s24  }
0x4c: {  	v28 =	vadd.s32 $0x45C1, v11;
	v21 =	vadd.s32 $0x45C3, v21;
	v8 =	vshll.u32 v15, $0x7;
	v35 =	vld [tilespmem:s1+$0xAB80]  }
0x4d: {  	v15 =	vmul.u32 $0x9, v17;
	v12 =	vmul.u32 $0x237, v16;
	v16 =	vadd.s32 v1, v29;
	v37 =	vld [tilespmem:s1+$0xB380]  }
0x4e: {  	v17 =	vadd.s32 v1, v8;
	v16 =	vand.u32 $0xFFFFFF80, v16;
	v20 =	vadd.s32 v1, v24;
	v38 =	vld [tilespmem:s1+$0xBB80]  }
0x4f: {  	v13 =	vand.u32 $0xFFFFFF80, v17;
	v17 =	vadd.s32 v4, v23;
	v23 =	vadd.s32 v7, v23;
	v39 =	vld [tilespmem:s1+$0xAB90]  }
0x50: {  	v9 =	vadd.s32 v12, v15;
	v12 =	vadd.s32 $0x45C0, v10;
	v14 =	vor.u32 v2, v16;
	v53 =	vld [tilespmem:s1+$0xB390]  }
0x51: {  	v15 =	vand.u32 $0xFFFFFF80, v20;
	v20 =	vor.u32 v2, v13;
	v13 =	vadd.s32 v0, v29;
	v41 =	vld [tilespmem:s1+$0xBB90]  }
0x52: {  	v16 =	vadd.s32 v0, v8;
	v17 =	vand.u32 $0xFFFFFF80, v17;
	v23 =	vand.u32 $0xFFFFFF80, v23;
	v42 =	vld [tilespmem:s1+$0xABA0]  }
0x53: {  	v19 =	vadd.s32 $0x45C0, v9;
	v13 =	vand.u32 $0xFFFFFF80, v13;
	v16 =	vand.u32 $0xFFFFFF80, v16;
	v54 =	vld [tilespmem:s1+$0xB3A0]  }
0x54: {  	v26 =	vadd.s32 $0x45C1, v9;
	v43 =	vld [tilespmem:s1+$0xBBA0];
	v34 =	vor.u32 v3, v13;
	v13 =	vadd.s32 v4, v29  }
0x55: {  	v45 =	vld [tilespmem:s1+$0xABB0];
	v27 =	vor.u32 v3, v16;
	v16 =	vadd.s32 v4, v24;
	v13 =	vand.u32 $0xFFFFFF80, v13  }
0x56: {  	v46 =	vld [tilespmem:s1+$0xB3B0];
	v16 =	vand.u32 $0xFFFFFF80, v16;
	v18 =	vadd.bf16 v22, v18;
	v22 =	vor.u32 v2, v15  }
0x57: {  	v15 =	vor.u32 v51, v17;
	v17 =	vadd.s32 v0, v24;
	v24 =	vadd.s32 v7, v24  }
0x58: {  	v17 =	vand.u32 $0xFFFFFF80, v17;
	vm5 =	vgt.s32 v35, $0xFFFFFFE1;
	vm6 =	vgt.s32 v37, $0xFFFFFFE1  }
0x59: {  	vm7 =	vgt.s32 v38, $0xFFFFFFE1;
	vm8 =	vgt.s32 v39, $0xFFFFFFE1;
	vm9 =	vgt.s32 v53, $0xFFFFFFE1  }
0x5a: {  	v47 =	vld [tilespmem:s1+$0xBBB0];
	vm10 =	vgt.s32 v41, $0xFFFFFFE1;
	vm11 =	vgt.s32 v42, $0xFFFFFFE1;
	vm12 =	vgt.s32 v54, $0xFFFFFFE1  }
0x5b: {  	vm13 =	vgt.s32 v43, $0xFFFFFFE1;
	vm14 =	vgt.s32 v45, $0xFFFFFFE1;
	vm15 =	vgt.s32 v46, $0xFFFFFFE1  }
0x5c: {  	v32 =	vld.idx.msk [tilespmem:v14+s22+$0x0], $0xffff;
	v25 =	vunpack.i.l.bf16.f32 v18;
	v14 =	vunpack.i.u.bf16.f32 v18;
	v37 =	vnsel vm6, $0xFFFFFFE1, v37  }
0x5d: {  	v38 =	vnsel vm7, $0xFFFFFFE1, v38;
	v39 =	vnsel vm8, $0xFFFFFFE1, v39;
	v41 =	vnsel vm10, $0xFFFFFFE1, v41  }
0x5e: {  	v42 =	vnsel vm11, $0xFFFFFFE1, v42;
	v43 =	vnsel vm13, $0xFFFFFFE1, v43;
	v45 =	vnsel vm14, $0xFFFFFFE1, v45  }
0x5f: {  	v12 =	vld.idx.msk [tilespmem:v12+s5+$0x0], $0xffff;
	v46 =	vnsel vm15, $0xFFFFFFE1, v46;
	vm15 =	vgt.s32 v47, $0xFFFFFFE1;
	vm2 =	vlt.s32 v37, $0x1F  }
0x60: {  	vm3 =	vlt.s32 v38, $0x1F;
	vm1 =	vlt.s32 v39, $0x1F;
	vm4 =	vlt.s32 v41, $0x1F  }
0x61: {  	[tilespmem:s14+$0xDB80] =	vst v25;
	vm14 =	vlt.s32 v43, $0x1F;
	vm10 =	vlt.s32 v46, $0x1F;
	v47 =	vnsel vm15, $0xFFFFFFE1, v47  }
0x62: {  	[tilespmem:s1+$0xF3F0] =	vst v14;
	v37 =	vnsel vm2, $0x1F, v37;
	v38 =	vnsel vm3, $0x1F, v38;
	v39 =	vnsel vm1, $0x1F, v39  }
0x63: {  	v41 =	vnsel vm4, $0x1F, v41;
	v43 =	vnsel vm14, $0x1F, v43;
	v55 =	vnsel vm10, $0x1F, v46;
	v31 =	vld.idx.msk [tilespmem:v31+s5+$0x0], $0xffff  }
0x64: {  	v36 =	vld.idx.msk [tilespmem:v15+s22+$0x0], $0xffff;
	v32 =	vadd.bf16 v32, v12;
	v12 =	vor.u32 v51, v16;
	v16 =	vadd.s32 v7, v29  }
0x65: {  	v29 =	vnsel vm5, $0xFFFFFFE1, v35;
	v6 =	vld [tilespmem:$0x1FF90];
	v35 =	vnsel vm9, $0xFFFFFFE1, v53;
	vm9 =	vlt.s32 v45, $0x1F  }
0x66: {  	v37 =	vmul.u32 $0x9, v37;
	v57 =	vmul.u32 $0x237, v39;
	v62 =	vmul.u32 $0x9, v55  }
0x67: {  	vm0 =	vlt.s32 v29, $0x1F;
	vm5 =	vlt.s32 v35, $0x1F;
	v45 =	vnsel vm9, $0x1F, v45  }
0x68: {  	v40 =	vunpack.i.u.bf16.f32 v32;
	v32 =	vunpack.i.l.bf16.f32 v32;
	v29 =	vnsel vm0, $0x1F, v29  }
0x69: {  	vm0 =	vlt.s32 v47, $0x1F;
	v35 =	vnsel vm5, $0x1F, v35;
	v48 =	vmul.u32 $0x237, v29  }
0x6a: {  	v56 =	vnsel vm0, $0x1F, v47;
	v31 =	vadd.bf16 v36, v31;
	v23 =	vor.u32 v6, v23  }
0x6b: {  	v47 =	vld.idx.msk [tilespmem:v30+s5+$0x0], $0xffff;
	v35 =	vmul.u32 $0x9, v35;
	v30 =	vshll.u32 v43, $0x7;
	v36 =	vnsel vm12, $0xFFFFFFE1, v54  }
0x6c: {  	vm12 =	vlt.s32 v42, $0x1F;
	vm13 =	vlt.s32 v36, $0x1F;
	v44 =	vunpack.i.l.bf16.f32 v31  }
0x6d: {  	s20 =	sadd.s32 $0xDB80, s1;
	v42 =	vnsel vm12, $0x1F, v42;
	v31 =	vunpack.i.u.bf16.f32 v31;
	v36 =	vnsel vm13, $0x1F, v36;
	[tilespmem:s1+$0xFBF0] =	vst v44  }
0x6e: {  	v61 =	vld.idx.msk [tilespmem:v22+s22+$0x0], $0xffff;
	v52 =	vadd.s32 v1, v30;
	v58 =	vmul.u32 $0x237, v42;
	v36 =	vmul.u32 $0x9, v36;
	[tilespmem:s20+$0x2870] =	vst v31  }
0x6f: {  	v29 =	vshll.u32 v41, $0x7;
	v54 =	vand.u32 $0xFFFFFF80, v52;
	v42 =	vld.idx.msk [tilespmem:v23+s22+$0x0], $0xffff;
	v23 =	vadd.s32 v48, v37  }
0x70: {  	v31 =	vshll.u32 v38, $0x7;
	v39 =	vld.idx.msk [tilespmem:v21+s5+$0x0], $0xffff;
	v22 =	vadd.s32 v58, v36;
	v60 =	vadd.s32 $0x45C0, v23  }
0x71: {  	[tilespmem:s13+$0xDB80] =	vst v32;
	v21 =	vadd.s32 v1, v31;
	v37 =	vld.idx.msk [tilespmem:v20+s22+$0x0], $0xffff;
	v20 =	vmul.u32 $0x237, v45;
	v55 =	vadd.s32 $0x45C0, v22  }
0x72: {  	[tilespmem:s12+$0xDB80] =	vst v40;
	v45 =	vld.idx.msk [tilespmem:v19+s5+$0x0], $0xffff;
	v59 =	vand.u32 $0xFFFFFF80, v21;
	v21 =	vadd.s32 v57, v35;
	v57 =	vor.u32 v2, v54  }
0x73: {  	v32 =	vshll.u32 v56, $0x7;
	v33 =	vld.idx.msk [tilespmem:v33+s5+$0x0], $0xffff;
	v19 =	vadd.s32 v1, v29;
	v35 =	vor.u32 v2, v59  }
0x74: {  	v34 =	vld.idx.msk [tilespmem:v34+s22+$0x0], $0xffff;
	v56 =	vadd.s32 v1, v32;
	v19 =	vand.u32 $0xFFFFFF80, v19;
	v63 =	vadd.s32 $0x45C0, v21  }
0x75: {  	v14 =	vadd.s32 v4, v8;
	v53 =	vor.u32 v2, v19;
	v59 =	vand.u32 $0xFFFFFF80, v56;
	v58 =	vld.idx.msk [tilespmem:v60+s5+$0x0], $0xffff  }
0x76: {  	v19 =	vadd.s32 v20, v62;
	v20 =	vadd.bf16 v42, v39;
	v39 =	vor.u32 v2, v59;
	v46 =	vld.idx.msk [tilespmem:v55+s5+$0x0], $0xffff  }
0x77: {  	v24 =	vand.u32 $0xFFFFFF80, v24;
	v14 =	vand.u32 $0xFFFFFF80, v14;
	v38 =	vadd.bf16 v61, v45;
	v40 =	vld.idx.msk [tilespmem:v57+s22+$0x0], $0xffff  }
0x78: {  	v25 =	vor.u32 v3, v17;
	v17 =	vor.u32 v51, v13;
	v14 =	vor.u32 v51, v14;
	v35 =	vld.idx.msk [tilespmem:v35+s22+$0x0], $0xffff  }
0x79: {  	v60 =	vadd.s32 $0x45C0, v19;
	v44 =	vld.idx.msk [tilespmem:v63+s5+$0x0], $0xffff;
	v52 =	vunpack.i.u.bf16.f32 v38;
	v38 =	vunpack.i.l.bf16.f32 v38  }
0x7a: {  	v18 =	vadd.s32 $0x45C2, v10;
	v49 =	vadd.s32 v0, v32;
	v37 =	vadd.bf16 v37, v47;
	v36 =	vld.idx.msk [tilespmem:v53+s22+$0x0], $0xffff;
	[tilespmem:s8+$0xDB80] =	vst v38  }
0x7b: {  	v13 =	vadd.s32 $0x45C2, v9;
	v62 =	vadd.s32 v0, v29;
	v61 =	vadd.s32 v0, v31;
	[tilespmem:s11+$0xDB80] =	vst v52;
	v39 =	vld.idx.msk [tilespmem:v39+s22+$0x0], $0xffff  }
0x7c: {  	v50 =	vunpack.i.u.bf16.f32 v37;
	v37 =	vunpack.i.l.bf16.f32 v37;
	v26 =	vld.idx.msk [tilespmem:v26+s5+$0x0], $0xffff;
	v40 =	vadd.bf16 v40, v46  }
0x7d: {  	v56 =	vadd.s32 $0x45C1, v21;
	v59 =	vadd.s32 $0x45C1, v22;
	v45 =	vand.u32 $0xFFFFFF80, v61;
	[tilespmem:s10+$0xDB80] =	vst v37;
	v25 =	vld.idx.msk [tilespmem:v25+s22+$0x0], $0xffff  }
0x7e: {  	v53 =	vadd.s32 $0x45C1, v23;
	[tilespmem:s7+$0xDB80] =	vst v50;
	v42 =	vld.idx.msk [tilespmem:v60+s5+$0x0], $0xffff;
	v35 =	vadd.bf16 v35, v58;
	v50 =	vunpack.i.l.bf16.f32 v40  }
0x7f: {  	v63 =	vadd.s32 v0, v30;
	v45 =	vor.u32 v3, v45;
	v40 =	vunpack.i.u.bf16.f32 v40;
	[tilespmem:s1+$0xDBA0] =	vst v50  }
0x80: {  	v54 =	vand.u32 $0xFFFFFF80, v63;
	v28 =	vld.idx.msk [tilespmem:v28+s5+$0x0], $0xffff;
	v36 =	vadd.bf16 v36, v44;
	v57 =	vunpack.i.l.bf16.f32 v35;
	[tilespmem:s1+$0xE3A0] =	vst v40  }
0x81: {  	v47 =	vand.u32 $0xFFFFFF80, v62;
	v27 =	vld.idx.msk [tilespmem:v27+s22+$0x0], $0xffff;
	v60 =	vor.u32 v3, v54;
	v35 =	vunpack.i.u.bf16.f32 v35;
	[tilespmem:s1+$0xDB80] =	vst v57  }
0x82: {  	v58 =	vor.u32 v3, v47;
	v61 =	vunpack.i.l.bf16.f32 v36;
	[tilespmem:s1+$0xE380] =	vst v35;
	v47 =	vld.idx.msk [tilespmem:v59+s5+$0x0], $0xffff;
	v25 =	vadd.bf16 v25, v26  }
0x83: {  	p1 =	por !p1, !p1;
	s3 =	simm.s32 $0x1;
	v33 =	vadd.bf16 v34, v33;
	v36 =	vunpack.i.u.bf16.f32 v36;
	[tilespmem:s1+$0xDB90] =	vst v61;
	v48 =	vld.idx.msk [tilespmem:v53+s5+$0x0], $0xffff;
	v52 =	vadd.bf16 v39, v42  }
0x84: {  	s3 =	simm.s32 @!p1 $0x0;
	v62 =	vadd.s32 $0x45C1, v19;
	v55 =	vand.u32 $0xFFFFFF80, v49;
	[tilespmem:s1+$0xE390] =	vst v36;
	v34 =	vld.idx.msk [tilespmem:v45+s22+$0x0], $0xffff;
	v50 =	vunpack.i.l.bf16.f32 v25  }
0x85: {  	s3 =	sshll.u32 s3, $0xA;
	v16 =	vand.u32 $0xFFFFFF80, v16;
	v63 =	vor.u32 v3, v55;
	v38 =	vld.idx.msk [tilespmem:v56+s5+$0x0], $0xffff;
	v57 =	vunpack.i.l.bf16.f32 v52;
	[tilespmem:s6+$0xDB80] =	vst v50  }
0x86: {  	s3 =	sadd.s32 $0x40, s3;
	v27 =	vadd.bf16 v27, v28;
	v56 =	vadd.s32 v4, v32;
	v28 =	vld.idx.msk [tilespmem:v60+s22+$0x0], $0xffff;
	v36 =	vunpack.i.u.bf16.f32 v52;
	[tilespmem:s1+$0xDBB0] =	vst v57  }
0x87: {  	v43 =	vadd.s32 v7, v8;
	s10 =	sor.u32 $0x70, s3;
	v44 =	vld.idx.msk [tilespmem:v58+s22+$0x0], $0xffff;
	v61 =	vand.u32 $0xFFFFFF80, v56;
	v25 =	vunpack.i.u.bf16.f32 v25;
	[tilespmem:s1+$0xE3B0] =	vst v36  }
0x88: {  	v58 =	vunpack.i.u.bf16.f32 v33;
	v33 =	vunpack.i.l.bf16.f32 v33;
	[tilespmem:s1+$0xF3E0] =	vst v25;
	v25 =	vor.u32 v51, v61;
	v61 =	vld [tilespmem:s10+$0xAB80]  }
0x89: {  	v15 =	vadd.s32 $0x45C2, v11;
	v16 =	vor.u32 v6, v16;
	v8 =	vor.u32 v6, v24;
	[tilespmem:s4+$0xDB80] =	vst v33;
	v37 =	vld.idx.msk [tilespmem:v62+s5+$0x0], $0xffff  }
0x8a: {  	v49 =	vadd.s32 $0x45C2, v22;
	v55 =	vadd.s32 v4, v30;
	v54 =	vadd.s32 v4, v29;
	[tilespmem:s1+$0xF3C0] =	vst v58;
	v26 =	vld.idx.msk [tilespmem:v63+s22+$0x0], $0xffff  }
0x8b: {  	v5 =	vunpack.i.u.bf16.f32 v20;
	v59 =	vand.u32 $0xFFFFFF80, v54;
	v35 =	vand.u32 $0xFFFFFF80, v55;
	v18 =	vld.idx.msk [tilespmem:v18+s5+$0x0], $0xffff  }
0x8c: {  	v53 =	vadd.s32 v4, v31;
	v60 =	vadd.s32 $0x45C2, v23;
	v40 =	vor.u32 v51, v59;
	v17 =	vld.idx.msk [tilespmem:v17+s22+$0x0], $0xffff  }
0x8d: {  	v39 =	vand.u32 $0xFFFFFF80, v53;
	v62 =	vunpack.i.l.bf16.f32 v27;
	v54 =	vld.idx.msk [tilespmem:v13+s5+$0x0], $0xffff;
	v34 =	vadd.bf16 v34, v48  }
0x8e: {  	s11 =	sor.u32 $0x870, s3;
	v31 =	vadd.s32 v7, v31;
	v39 =	vor.u32 v51, v39;
	v27 =	vunpack.i.u.bf16.f32 v27;
	v55 =	vld.idx.msk [tilespmem:v12+s22+$0x0], $0xffff;
	[tilespmem:s21+$0xDB80] =	vst v62  }
0x8f: {  	v63 =	vadd.s32 $0x45C2, v21;
	v62 =	vld [tilespmem:s11+$0xAB80];
	[tilespmem:s1+$0xF3D0] =	vst v27;
	v38 =	vadd.bf16 v44, v38;
	v53 =	vunpack.i.l.bf16.f32 v34  }
0x90: {  	v32 =	vadd.s32 v7, v32;
	v59 =	vadd.s32 $0x45C3, v10;
	v15 =	vld.idx.msk [tilespmem:v15+s5+$0x0], $0xffff;
	v34 =	vunpack.i.u.bf16.f32 v34;
	[tilespmem:s1+$0xEB80] =	vst v53  }
0x91: {  	v13 =	vadd.s32 v7, v29;
	v29 =	vadd.s32 v7, v30;
	v14 =	vld.idx.msk [tilespmem:v14+s22+$0x0], $0xffff;
	v30 =	vunpack.i.l.bf16.f32 v38;
	[tilespmem:s1+$0xF380] =	vst v34  }
0x92: {  	v31 =	vand.u32 $0xFFFFFF80, v31;
	v28 =	vadd.bf16 v28, v47;
	v38 =	vunpack.i.u.bf16.f32 v38;
	[tilespmem:s1+$0xEB90] =	vst v30;
	v30 =	vld.idx.msk [tilespmem:v60+s5+$0x0], $0xffff  }
0x93: {  	v32 =	vand.u32 $0xFFFFFF80, v32;
	v52 =	vadd.s32 $0x45C2, v19;
	v12 =	vand.u32 $0xFFFFFF80, v43;
	[tilespmem:s1+$0xF390] =	vst v38;
	v56 =	vld.idx.msk [tilespmem:v39+s22+$0x0], $0xffff  }
0x94: {  	v60 =	vadd.s32 $0x45C3, v11;
	v11 =	vunpack.i.u.bf16.f32 v28;
	v28 =	vunpack.i.l.bf16.f32 v28;
	v58 =	vld.idx.msk [tilespmem:v63+s5+$0x0], $0xffff;
	[tilespmem:$0x1FF60] =	vst v8  }
0x95: {  	s13 =	sor.u32 $0x1070, s3;
	v13 =	vand.u32 $0xFFFFFF80, v13;
	v57 =	vand.u32 $0xFFFFFF80, v29;
	v26 =	vadd.bf16 v26, v37;
	[tilespmem:s1+$0xEBA0] =	vst v28  }
0x96: {  	v12 =	vor.u32 v6, v12;
	v29 =	vadd.s32 $0x45C3, v9;
	v8 =	vor.u32 v6, v31;
	v9 =	vld [tilespmem:s13+$0xAB80];
	[tilespmem:s1+$0xF3A0] =	vst v11  }
0x97: {  	v27 =	vor.u32 v51, v35;
	v17 =	vadd.bf16 v17, v18;
	v24 =	vunpack.i.l.bf16.f32 v26;
	v28 =	vld.idx.msk [tilespmem:v40+s22+$0x0], $0xffff;
	[tilespmem:$0x1FF70] =	vst v8  }
0x98: {  	vm6 =	vgt.s32 v61, $0xFFFFFFE1;
	v18 =	vunpack.i.u.bf16.f32 v26;
	v14 =	vadd.bf16 v14, v15;
	[tilespmem:s1+$0xEBB0] =	vst v24  }
0x99: {  	vm7 =	vgt.s32 v62, $0xFFFFFFE1;
	v24 =	vunpack.i.u.bf16.f32 v17;
	v17 =	vunpack.i.l.bf16.f32 v17;
	[tilespmem:s1+$0xF3B0] =	vst v18  }
0x9a: {  	v15 =	vadd.s32 $0x45C3, v23;
	v8 =	vor.u32 v6, v57;
	v23 =	vld.idx.msk [tilespmem:v49+s5+$0x0], $0xffff;
	v18 =	vunpack.i.u.bf16.f32 v14;
	[tilespmem:s1+$0xFBC0] =	vst v17  }
0x9b: {  	s14 =	sor.u32 $0x40, s3;
	v14 =	vunpack.i.l.bf16.f32 v14;
	v17 =	vnsel vm6, $0xFFFFFFE1, v61;
	[tilespmem:s20+$0x2840] =	vst v24;
	v24 =	vld.idx.msk [tilespmem:v25+s22+$0x0], $0xffff;
	v25 =	vnsel vm7, $0xFFFFFFE1, v62  }
0x9c: {  	v50 =	vld [tilespmem:s14+$0xAB80];
	[tilespmem:s1+$0xFBD0] =	vst v14;
	vm9 =	vlt.s32 v17, $0x1F;
	vm8 =	vgt.s32 v9, $0xFFFFFFE1;
	vm10 =	vlt.s32 v25, $0x1F  }
0x9d: {  	v26 =	vld.idx.msk [tilespmem:v27+s22+$0x0], $0xffff;
	[tilespmem:s20+$0x2850] =	vst v18;
	v14 =	vnsel vm9, $0x1F, v17;
	v18 =	vadd.s32 $0x45C3, v21;
	v17 =	vor.u32 v6, v13  }
0x9e: {  	v63 =	vld.idx.msk [tilespmem:v16+s22+$0x0], $0xffff;
	v28 =	vadd.bf16 v28, v58;
	v9 =	vnsel vm8, $0xFFFFFFE1, v9;
	v16 =	vnsel vm10, $0x1F, v25  }
0x9f: {  	v14 =	vmul.u32 $0x237, v14;
	v49 =	vld.idx.msk [tilespmem:v12+s22+$0x0], $0xffff;
	v12 =	vadd.s32 $0x45C3, v22;
	v22 =	vadd.bf16 v55, v54  }
0xa0: {  	v27 =	vld.idx.msk [tilespmem:v52+s5+$0x0], $0xffff;
	v25 =	vadd.bf16 v56, v30;
	vm0 =	vlt.s32 v9, $0x1F;
	v16 =	vmul.u32 $0x9, v16  }
0xa1: {  	v31 =	vld.idx.msk [tilespmem:v59+s5+$0x0], $0xffff;
	v33 =	vunpack.i.l.bf16.f32 v28;
	vm11 =	vgt.s32 v50, $0xFFFFFFE1;
	v9 =	vnsel vm0, $0x1F, v9  }
0xa2: {  	s7 =	sor.u32 $0x840, s3;
	v48 =	vld.idx.msk [tilespmem:v60+s5+$0x0], $0xffff;
	[tilespmem:$0x1FF80] =	vst v8;
	v38 =	vunpack.i.u.bf16.f32 v22;
	v39 =	vunpack.i.l.bf16.f32 v22;
	v35 =	vunpack.i.l.bf16.f32 v25  }
0xa3: {  	s4 =	sor.u32 $0x1040, s3;
	v52 =	vld [tilespmem:s7+$0xAB80];
	v22 =	vadd.bf16 v26, v23;
	v60 =	vnsel vm11, $0xFFFFFFE1, v50;
	v40 =	vshll.u32 v9, $0x7  }
0xa4: {  	s21 =	sor.u32 $0x50, s3;
	v30 =	vld [tilespmem:s4+$0xAB80];
	v41 =	vadd.s32 v14, v16;
	v16 =	vadd.s32 $0x45C3, v19;
	v14 =	vor.u32 v6, v32  }
0xa5: {  	s12 =	sor.u32 $0x850, s3;
	v53 =	vld [tilespmem:s21+$0xAB80];
	v32 =	vunpack.i.u.bf16.f32 v25;
	v19 =	vunpack.i.u.bf16.f32 v28;
	v23 =	vadd.bf16 v24, v27  }
0xa6: {  	s6 =	sor.u32 $0x1050, s3;
	v54 =	vld [tilespmem:s12+$0xAB80];
	vm9 =	vlt.s32 v60, $0x1F;
	v9 =	vadd.s32 v1, v40;
	v21 =	vadd.s32 $0x45C0, v41  }
0xa7: {  	s23 =	sor.u32 $0x60, s3;
	v55 =	vld [tilespmem:s6+$0xAB80];
	v28 =	vadd.bf16 v63, v31;
	v25 =	vunpack.i.u.bf16.f32 v22;
	v9 =	vand.u32 $0xFFFFFF80, v9  }
0xa8: {  	v57 =	vld [tilespmem:s23+$0xAB80];
	v27 =	vunpack.i.l.bf16.f32 v22;
	v58 =	vadd.s32 $0x45C1, v41;
	v9 =	vor.u32 v2, v9  }
0xa9: {  	s24 =	sor.u32 $0x860, s3;
	s3 =	sor.u32 $0x1060, s3;
	v43 =	vnsel vm9, $0x1F, v60;
	v11 =	vadd.s32 v7, v40;
	v24 =	vunpack.i.u.bf16.f32 v23  }
0xaa: {  	v59 =	vld [tilespmem:s3+$0xAB80];
	v26 =	vunpack.i.l.bf16.f32 v23;
	v13 =	vadd.bf16 v49, v48;
	v23 =	vadd.s32 v0, v40  }
0xab: {  	v11 =	vand.u32 $0xFFFFFF80, v11;
	v22 =	vunpack.i.l.bf16.f32 v28;
	vm12 =	vgt.s32 v52, $0xFFFFFFE1  }
0xac: {  	vm13 =	vgt.s32 v30, $0xFFFFFFE1;
	vm2 =	vgt.s32 v53, $0xFFFFFFE1;
	vm1 =	vgt.s32 v54, $0xFFFFFFE1;
	v31 =	vld.idx.msk [tilespmem:v21+s5+$0x0], $0xffff  }
0xad: {  	vm14 =	vgt.s32 v55, $0xFFFFFFE1;
	v23 =	vand.u32 $0xFFFFFF80, v23;
	vm15 =	vgt.s32 v57, $0xFFFFFFE1;
	v56 =	vld.idx.msk [tilespmem:v9+s22+$0x0], $0xffff  }
0xae: {  	v11 =	vor.u32 v6, v11;
	v23 =	vor.u32 v3, v23;
	v61 =	vnsel vm12, $0xFFFFFFE1, v52  }
0xaf: {  	v30 =	vnsel vm13, $0xFFFFFFE1, v30;
	vm13 =	vgt.s32 v59, $0xFFFFFFE1;
	v36 =	vnsel vm2, $0xFFFFFFE1, v53  }
0xb0: {  	v53 =	vnsel vm14, $0xFFFFFFE1, v55;
	v37 =	vnsel vm15, $0xFFFFFFE1, v57;
	v21 =	vunpack.i.u.bf16.f32 v28;
	v28 =	vld [tilespmem:s24+$0xAB80]  }
0xb1: {  	v55 =	vadd.s32 $0x45C2, v41;
	vm10 =	vlt.s32 v61, $0x1F;
	vm11 =	vlt.s32 v30, $0x1F  }
0xb2: {  	v42 =	vnsel vm13, $0xFFFFFFE1, v59;
	vm14 =	vlt.s32 v36, $0x1F;
	v31 =	vadd.bf16 v56, v31  }
0xb3: {  	vm15 =	vlt.s32 v53, $0x1F;
	vm3 =	vlt.s32 v37, $0x1F;
	v44 =	vnsel vm10, $0x1F, v61  }
0xb4: {  	v30 =	vnsel vm11, $0x1F, v30;
	vm5 =	vlt.s32 v42, $0x1F;
	v62 =	vunpack.i.l.bf16.f32 v31  }
0xb5: {  	v36 =	vnsel vm14, $0x1F, v36;
	vm12 =	vgt.s32 v28, $0xFFFFFFE1;
	v31 =	vunpack.i.u.bf16.f32 v31;
	[tilespmem:s10+$0xDB80] =	vst v62  }
0xb6: {  	s8 =	simm.s32 $0x40;
	v46 =	vnsel vm15, $0x1F, v53;
	v34 =	vshll.u32 v30, $0x7;
	v28 =	vnsel vm12, $0xFFFFFFE1, v28;
	s10 =	simm.s32 $0x400;
	[tilespmem:s11+$0xDB80] =	vst v31  }
0xb7: {  	s17 =	sand.u32 $0x380, s8;
	v63 =	vmul.u32 $0x9, v44;
	v49 =	vadd.s32 v1, v34;
	vm4 =	vlt.s32 v28, $0x1F;
	s16 =	sand.u32 $0x400, s10;
	v48 =	vld.idx.msk [tilespmem:v58+s5+$0x0], $0xffff  }
0xb8: {  	v50 =	vand.u32 $0xFFFFFF80, v49;
	v28 =	vnsel vm4, $0x1F, v28;
	v31 =	vmul.u32 $0x237, v43;
	v30 =	vld.idx.msk [tilespmem:v23+s22+$0x0], $0xffff;
	s17 =	sor.u32 s17, s16  }
0xb9: {  	v57 =	vnsel vm5, $0x1F, v42;
	v28 =	vmul.u32 $0x9, v28;
	v43 =	vor.u32 v2, v50;
	v50 =	vld [tilespmem:s17+$0xB380]  }
0xba: {  	v58 =	vmul.u32 $0x237, v36;
	v36 =	vshll.u32 v46, $0x7;
	v23 =	vadd.s32 v31, v63;
	v53 =	vld [tilespmem:s17+$0xBB80]  }
0xbb: {  	v31 =	vnsel vm1, $0xFFFFFFE1, v54;
	v54 =	vadd.s32 v4, v40;
	v61 =	vadd.s32 v1, v36;
	v49 =	vld [tilespmem:s17+$0xAB90]  }
0xbc: {  	v40 =	vadd.s32 $0x45C3, v41;
	v47 =	vand.u32 $0xFFFFFF80, v54;
	v62 =	vand.u32 $0xFFFFFF80, v61;
	v61 =	vld [tilespmem:s17+$0xB3A0]  }
0xbd: {  	v52 =	vadd.s32 $0x45C0, v23;
	vm1 =	vlt.s32 v31, $0x1F;
	v47 =	vor.u32 v51, v47  }
0xbe: {  	v31 =	vnsel vm1, $0x1F, v31;
	v44 =	vor.u32 v2, v62;
	v62 =	vld [tilespmem:s17+$0xB3B0];
	v30 =	vadd.bf16 v30, v48  }
0xbf: {  	v59 =	vmul.u32 $0x9, v31;
	vm5 =	vgt.s32 v50, $0xFFFFFFE1;
	vm6 =	vgt.s32 v53, $0xFFFFFFE1  }
0xc0: {  	vm7 =	vgt.s32 v49, $0xFFFFFFE1;
	v56 =	vunpack.i.l.bf16.f32 v30;
	v30 =	vunpack.i.u.bf16.f32 v30  }
0xc1: {  	v50 =	vnsel vm5, $0xFFFFFFE1, v50;
	v53 =	vnsel vm6, $0xFFFFFFE1, v53;
	vm11 =	vgt.s32 v61, $0xFFFFFFE1  }
0xc2: {  	v48 =	vld [tilespmem:s17+$0xAB80];
	v49 =	vnsel vm7, $0xFFFFFFE1, v49;
	[tilespmem:s13+$0xDB80] =	vst v56;
	v56 =	vadd.s32 v0, v36;
	v61 =	vnsel vm11, $0xFFFFFFE1, v61  }
0xc3: {  	vm14 =	vgt.s32 v62, $0xFFFFFFE1;
	vm5 =	vlt.s32 v53, $0x1F;
	vm6 =	vlt.s32 v49, $0x1F  }
0xc4: {  	[tilespmem:s17+$0xF3F0] =	vst v30;
	v30 =	vnsel vm3, $0x1F, v37;
	v37 =	vshll.u32 v57, $0x7;
	v56 =	vand.u32 $0xFFFFFF80, v56  }
0xc5: {  	v62 =	vnsel vm14, $0xFFFFFFE1, v62;
	v53 =	vnsel vm5, $0x1F, v53;
	v49 =	vnsel vm6, $0x1F, v49  }
0xc6: {  	v45 =	vld.idx.msk [tilespmem:v52+s5+$0x0], $0xffff;
	vm11 =	vlt.s32 v61, $0x1F;
	v60 =	vmul.u32 $0x237, v30;
	v52 =	vadd.s32 v1, v37  }
0xc7: {  	v42 =	vld.idx.msk [tilespmem:v55+s5+$0x0], $0xffff;
	v30 =	vadd.s32 v58, v59;
	v55 =	vadd.s32 v0, v34;
	vm4 =	vgt.s32 v48, $0xFFFFFFE1  }
0xc8: {  	v43 =	vld.idx.msk [tilespmem:v43+s22+$0x0], $0xffff;
	v61 =	vnsel vm11, $0x1F, v61;
	vm14 =	vlt.s32 v62, $0x1F;
	v56 =	vor.u32 v3, v56  }
0xc9: {  	v57 =	vld [tilespmem:s17+$0xBB90];
	v49 =	vmul.u32 $0x237, v49;
	v63 =	vand.u32 $0xFFFFFF80, v52;
	v51 =	vadd.s32 $0x45C0, v30  }
0xca: {  	v47 =	vld.idx.msk [tilespmem:v47+s22+$0x0], $0xffff;
	v55 =	vand.u32 $0xFFFFFF80, v55;
	v48 =	vnsel vm4, $0xFFFFFFE1, v48;
	vm4 =	vlt.s32 v50, $0x1F  }
0xcb: {  	v59 =	vld [tilespmem:s17+$0xABA0];
	v9 =	vadd.s32 $0x45C1, v30;
	v62 =	vnsel vm14, $0x1F, v62;
	v28 =	vadd.s32 v60, v28  }
0xcc: {  	v52 =	vld [tilespmem:s17+$0xB390];
	v58 =	vor.u32 v2, v63;
	v60 =	vadd.s32 v0, v37;
	v55 =	vor.u32 v3, v55  }
0xcd: {  	v43 =	vadd.bf16 v43, v45;
	v45 =	vld [tilespmem:s17+$0xBBA0];
	vm15 =	vlt.s32 v48, $0x1F;
	v50 =	vnsel vm4, $0x1F, v50  }
0xce: {  	v63 =	vld [tilespmem:s17+$0xBBB0];
	v54 =	vadd.s32 $0x45C0, v28;
	v46 =	vand.u32 $0xFFFFFF80, v60;
	v60 =	vadd.s32 $0x45C1, v23  }
0xcf: {  	v44 =	vld.idx.msk [tilespmem:v44+s22+$0x0], $0xffff;
	v48 =	vnsel vm15, $0x1F, v48;
	v50 =	vmul.u32 $0x9, v50;
	vm9 =	vgt.s32 v57, $0xFFFFFFE1  }
0xd0: {  	v8 =	vunpack.i.u.bf16.f32 v43;
	v43 =	vunpack.i.l.bf16.f32 v43;
	v48 =	vmul.u32 $0x237, v48;
	v51 =	vld.idx.msk [tilespmem:v51+s5+$0x0], $0xffff  }
0xd1: {  	v42 =	vadd.bf16 v47, v42;
	vm10 =	vgt.s32 v59, $0xFFFFFFE1;
	v57 =	vnsel vm9, $0xFFFFFFE1, v57  }
0xd2: {  	vm8 =	vgt.s32 v52, $0xFFFFFFE1;
	v59 =	vnsel vm10, $0xFFFFFFE1, v59;
	vm9 =	vlt.s32 v57, $0x1F  }
0xd3: {  	v52 =	vnsel vm8, $0xFFFFFFE1, v52;
	vm12 =	vgt.s32 v45, $0xFFFFFFE1;
	vm7 =	vgt.s32 v63, $0xFFFFFFE1  }
0xd4: {  	v47 =	vld [tilespmem:s17+$0xABB0];
	vm10 =	vlt.s32 v59, $0x1F;
	v57 =	vnsel vm9, $0x1F, v57;
	v10 =	vunpack.i.u.bf16.f32 v42  }
0xd5: {  	[tilespmem:s14+$0xDB80] =	vst v43;
	v45 =	vnsel vm12, $0xFFFFFFE1, v45;
	v63 =	vnsel vm7, $0xFFFFFFE1, v63;
	v44 =	vadd.bf16 v44, v51  }
0xd6: {  	[tilespmem:s7+$0xDB80] =	vst v8;
	v8 =	vld.idx.msk [tilespmem:v58+s22+$0x0], $0xffff;
	vm8 =	vlt.s32 v52, $0x1F;
	v59 =	vnsel vm10, $0x1F, v59;
	v41 =	vshll.u32 v57, $0x7  }
0xd7: {  	v55 =	vld.idx.msk [tilespmem:v55+s22+$0x0], $0xffff;
	v57 =	vmul.u32 $0x9, v61;
	v52 =	vnsel vm8, $0x1F, v52;
	v61 =	vunpack.i.l.bf16.f32 v44  }
0xd8: {  	v58 =	vld.idx.msk [tilespmem:v60+s5+$0x0], $0xffff;
	vm12 =	vlt.s32 v45, $0x1F;
	vm15 =	vlt.s32 v63, $0x1F;
	v44 =	vunpack.i.u.bf16.f32 v44;
	[tilespmem:s21+$0xDB80] =	vst v61  }
0xd9: {  	vm13 =	vgt.s32 v47, $0xFFFFFFE1;
	v45 =	vnsel vm12, $0x1F, v45;
	v61 =	vmul.u32 $0x9, v62;
	v62 =	vld [tilespmem:$0x1FFE0];
	[tilespmem:s12+$0xDB80] =	vst v44  }
0xda: {  	v63 =	vnsel vm15, $0x1F, v63;
	v52 =	vmul.u32 $0x9, v52;
	v51 =	vunpack.i.l.bf16.f32 v42;
	[tilespmem:s1+$0xFBE0] =	vst v39  }
0xdb: {  	v47 =	vnsel vm13, $0xFFFFFFE1, v47;
	v42 =	vshll.u32 v53, $0x7;
	v53 =	vld.idx.msk [tilespmem:v54+s5+$0x0], $0xffff;
	v54 =	vmul.u32 $0x237, v59;
	[tilespmem:s17+$0xFBF0] =	vst v51  }
0xdc: {  	v43 =	vshll.u32 v45, $0x7;
	v45 =	vshll.u32 v63, $0x7;
	vm13 =	vlt.s32 v47, $0x1F;
	[tilespmem:s20+$0x3870] =	vst v5  }
0xdd: {  	v63 =	vadd.s32 v1, v41;
	v60 =	vadd.s32 v1, v42;
	v47 =	vnsel vm13, $0x1F, v47;
	[tilespmem:s1+$0xFB80] =	vst v35  }
0xde: {  	v55 =	vadd.bf16 v55, v58;
	v59 =	vmul.u32 $0x237, v47;
	v47 =	vadd.s32 v48, v50;
	[tilespmem:s1+$0x10380] =	vst v32;
	v9 =	vld.idx.msk [tilespmem:v9+s5+$0x0], $0xffff  }
0xdf: {  	v50 =	vand.u32 $0xFFFFFF80, v60;
	s21 =	sadd.s32 $0xDB80, s17;
	v39 =	vadd.s32 v49, v52;
	v49 =	vadd.s32 $0x45C0, v47;
	v52 =	vld.idx.msk [tilespmem:v56+s22+$0x0], $0xffff;
	[tilespmem:s20+$0x2860] =	vst v38  }
0xe0: {  	v48 =	vadd.s32 v1, v43;
	v60 =	vand.u32 $0xFFFFFF80, v63;
	v50 =	vor.u32 v2, v50;
	[tilespmem:s21+$0x2870] =	vst v10;
	v44 =	vld.idx.msk [tilespmem:v29+s5+$0x0], $0xffff  }
0xe1: {  	[tilespmem:s1+$0xFB90] =	vst v33;
	v38 =	vadd.s32 v54, v57;
	v51 =	vadd.s32 $0x45C0, v39;
	v8 =	vadd.bf16 v8, v53;
	v40 =	vld.idx.msk [tilespmem:v40+s5+$0x0], $0xffff  }
0xe2: {  	[tilespmem:s20+$0x2810] =	vst v19;
	v29 =	vadd.s32 v59, v61;
	v61 =	vor.u32 v2, v60;
	v11 =	vld.idx.msk [tilespmem:v11+s22+$0x0], $0xffff  }
0xe3: {  	[tilespmem:s1+$0xFBA0] =	vst v27;
	v10 =	vand.u32 $0xFFFFFF80, v48;
	v63 =	vadd.s32 $0x45C0, v38;
	v18 =	vld.idx.msk [tilespmem:v18+s5+$0x0], $0xffff;
	v57 =	vunpack.i.l.bf16.f32 v8  }
0xe4: {  	v56 =	vadd.s32 v1, v45;
	v10 =	vor.u32 v2, v10;
	v8 =	vunpack.i.u.bf16.f32 v8;
	[tilespmem:s23+$0xDB80] =	vst v57;
	v49 =	vld.idx.msk [tilespmem:v49+s5+$0x0], $0xffff  }
0xe5: {  	[tilespmem:s24+$0xDB80] =	vst v8;
	v8 =	vand.u32 $0xFFFFFF80, v56;
	v50 =	vld.idx.msk [tilespmem:v50+s22+$0x0], $0xffff;
	v9 =	vadd.bf16 v52, v9;
	v52 =	vadd.s32 $0x45C0, v29  }
0xe6: {  	v46 =	vor.u32 v3, v46;
	v58 =	vunpack.i.l.bf16.f32 v55;
	[tilespmem:s1+$0xFBB0] =	vst v26;
	v8 =	vor.u32 v2, v8;
	v51 =	vld.idx.msk [tilespmem:v51+s5+$0x0], $0xffff  }
0xe7: {  	[tilespmem:s4+$0xDB80] =	vst v58;
	v58 =	vadd.s32 v0, v42;
	v33 =	vadd.s32 $0x45C1, v39;
	v60 =	vadd.s32 v4, v34;
	v48 =	vld.idx.msk [tilespmem:v61+s22+$0x0], $0xffff  }
0xe8: {  	[tilespmem:s20+$0x2820] =	vst v25;
	v54 =	vand.u32 $0xFFFFFF80, v60;
	v60 =	vadd.s32 v0, v43;
	v56 =	vadd.s32 $0x45C1, v28;
	v53 =	vld.idx.msk [tilespmem:v63+s5+$0x0], $0xffff  }
0xe9: {  	[tilespmem:s20+$0x2830] =	vst v24;
	v10 =	vld.idx.msk [tilespmem:v10+s22+$0x0], $0xffff;
	v61 =	vand.u32 $0xFFFFFF80, v58;
	v19 =	vadd.bf16 v11, v40;
	v11 =	vunpack.i.u.bf16.f32 v55  }
0xea: {  	v59 =	vunpack.i.l.bf16.f32 v9;
	v35 =	vor.u32 v3, v61;
	[tilespmem:s17+$0xF3C0] =	vst v11;
	v49 =	vadd.bf16 v50, v49;
	v52 =	vld.idx.msk [tilespmem:v52+s5+$0x0], $0xffff  }
0xeb: {  	v9 =	vunpack.i.u.bf16.f32 v9;
	[tilespmem:s6+$0xDB80] =	vst v59;
	v59 =	vadd.s32 v0, v41;
	v50 =	vadd.s32 $0x45C1, v47;
	v8 =	vld.idx.msk [tilespmem:v8+s22+$0x0], $0xffff  }
0xec: {  	v17 =	vld.idx.msk [tilespmem:v17+s22+$0x0], $0xffff;
	v63 =	vand.u32 $0xFFFFFF80, v59;
	[tilespmem:s17+$0xF3D0] =	vst v9;
	v48 =	vadd.bf16 v48, v51;
	v59 =	vunpack.i.l.bf16.f32 v49  }
0xed: {  	v46 =	vld.idx.msk [tilespmem:v46+s22+$0x0], $0xffff;
	v61 =	vand.u32 $0xFFFFFF80, v60;
	v58 =	vor.u32 v3, v63;
	v49 =	vunpack.i.u.bf16.f32 v49;
	[tilespmem:s17+$0xDB80] =	vst v59  }
0xee: {  	v56 =	vld.idx.msk [tilespmem:v56+s5+$0x0], $0xffff;
	v10 =	vadd.bf16 v10, v53;
	v51 =	vor.u32 v3, v61;
	[tilespmem:s17+$0xE380] =	vst v49;
	v63 =	vunpack.i.l.bf16.f32 v48  }
0xef: {  	v61 =	vadd.s32 $0x45C2, v23;
	v48 =	vunpack.i.u.bf16.f32 v48;
	v35 =	vld.idx.msk [tilespmem:v35+s22+$0x0], $0xffff;
	[tilespmem:s17+$0xDB90] =	vst v63  }
0xf0: {  	v59 =	vunpack.i.l.bf16.f32 v10;
	v50 =	vld.idx.msk [tilespmem:v50+s5+$0x0], $0xffff;
	[tilespmem:s17+$0xE390] =	vst v48;
	v8 =	vadd.bf16 v8, v52  }
0xf1: {  	v32 =	vadd.s32 v0, v45;
	v49 =	vadd.s32 $0x45C1, v38;
	v10 =	vunpack.i.u.bf16.f32 v10;
	[tilespmem:s17+$0xDBA0] =	vst v59;
	v33 =	vld.idx.msk [tilespmem:v33+s5+$0x0], $0xffff  }
0xf2: {  	v32 =	vand.u32 $0xFFFFFF80, v32;
	v53 =	vadd.s32 $0x45C1, v29;
	[tilespmem:s17+$0xE3A0] =	vst v10;
	v58 =	vld.idx.msk [tilespmem:v58+s22+$0x0], $0xffff;
	v10 =	vunpack.i.l.bf16.f32 v8  }
0xf3: {  	v32 =	vor.u32 v3, v32;
	v57 =	vadd.s32 v4, v36;
	v51 =	vld.idx.msk [tilespmem:v51+s22+$0x0], $0xffff;
	v8 =	vunpack.i.u.bf16.f32 v8;
	[tilespmem:s17+$0xDBB0] =	vst v10  }
0xf4: {  	v57 =	vand.u32 $0xFFFFFF80, v57;
	v63 =	vor.u32 v62, v54;
	v59 =	vld.idx.msk [tilespmem:v61+s5+$0x0], $0xffff;
	[tilespmem:s17+$0xE3B0] =	vst v8  }
0xf5: {  	v54 =	vor.u32 v62, v57;
	v2 =	vld [tilespmem:$0x1FF60]  }
0xf6: {  	v49 =	vld.idx.msk [tilespmem:v49+s5+$0x0], $0xffff  }
0xf7: {  	v20 =	vunpack.i.l.bf16.f32 v20;
	v27 =	vadd.s32 v4, v42;
	v8 =	vadd.s32 $0x45C2, v30;
	v40 =	vld.idx.msk [tilespmem:v53+s5+$0x0], $0xffff  }
0xf8: {  	v31 =	vunpack.i.u.bf16.f32 v13;
	v27 =	vand.u32 $0xFFFFFF80, v27;
	v34 =	vadd.s32 v7, v34;
	v11 =	vld.idx.msk [tilespmem:v32+s22+$0x0], $0xffff  }
0xf9: {  	v36 =	vadd.s32 v7, v36;
	v60 =	vadd.s32 v4, v37;
	v57 =	vadd.bf16 v46, v56;
	v52 =	vld.idx.msk [tilespmem:v63+s22+$0x0], $0xffff  }
0xfa: {  	v27 =	vor.u32 v62, v27;
	v10 =	vand.u32 $0xFFFFFF80, v60;
	v53 =	vadd.s32 $0x45C2, v28;
	v54 =	vld.idx.msk [tilespmem:v54+s22+$0x0], $0xffff  }
0xfb: {  	v56 =	vunpack.i.l.bf16.f32 v57;
	v10 =	vor.u32 v62, v10;
	v49 =	vadd.bf16 v51, v49;
	v51 =	vld.idx.msk [tilespmem:v15+s5+$0x0], $0xffff  }
0xfc: {  	v55 =	vadd.s32 $0x45C2, v39;
	v9 =	vadd.s32 v4, v43;
	[tilespmem:s3+$0xDB80] =	vst v56;
	v32 =	vunpack.i.u.bf16.f32 v57;
	v8 =	vld.idx.msk [tilespmem:v8+s5+$0x0], $0xffff  }
0xfd: {  	v17 =	vadd.bf16 v17, v18;
	v37 =	vadd.s32 v7, v37;
	v9 =	vand.u32 $0xFFFFFF80, v9;
	[tilespmem:s17+$0xF3E0] =	vst v32;
	v24 =	vld.idx.msk [tilespmem:v2+s22+$0x0], $0xffff  }
0xfe: {  	v61 =	vadd.s32 v4, v45;
	v25 =	vadd.bf16 v35, v50;
	v63 =	vadd.s32 $0x45C2, v47;
	v2 =	vld [tilespmem:$0x1FF70]  }
0xff: {  	v9 =	vor.u32 v62, v9;
	v15 =	vand.u32 $0xFFFFFF80, v61;
	v40 =	vadd.bf16 v11, v40;
	v11 =	vld.idx.msk [tilespmem:v53+s5+$0x0], $0xffff;
	[tilespmem:s20+$0x3040] =	vst v22  }
0x100: {  	v48 =	vunpack.i.u.bf16.f32 v19;
	v57 =	vor.u32 v62, v15;
	v15 =	vunpack.i.u.bf16.f32 v25;
	v10 =	vld.idx.msk [tilespmem:v10+s22+$0x0], $0xffff;
	[tilespmem:s20+$0x3840] =	vst v21  }
0x101: {  	v60 =	vadd.s32 v4, v41;
	[tilespmem:s17+$0xF380] =	vst v15;
	v53 =	vadd.bf16 v54, v8;
	v8 =	vunpack.i.l.bf16.f32 v25  }
0x102: {  	v46 =	vadd.s32 $0x45C2, v38;
	v26 =	vand.u32 $0xFFFFFF80, v60;
	v33 =	vadd.bf16 v58, v33;
	[tilespmem:s17+$0xEB80] =	vst v8  }
0x103: {  	v26 =	vor.u32 v62, v26;
	v58 =	vand.u32 $0xFFFFFF80, v36;
	[tilespmem:s20+$0x3850] =	vst v31;
	v25 =	vadd.s32 v7, v43;
	v60 =	vld.idx.msk [tilespmem:v63+s5+$0x0], $0xffff  }
0x104: {  	v22 =	vadd.bf16 v52, v59;
	[tilespmem:s20+$0x3070] =	vst v20;
	v8 =	vadd.s32 v7, v42;
	v43 =	vand.u32 $0xFFFFFF80, v25;
	v25 =	vld.idx.msk [tilespmem:v27+s22+$0x0], $0xffff  }
0x105: {  	[tilespmem:s21+$0x3870] =	vst v48;
	v61 =	vadd.bf16 v10, v11;
	v10 =	vunpack.i.l.bf16.f32 v33;
	v59 =	vand.u32 $0xFFFFFF80, v8;
	v8 =	vld.idx.msk [tilespmem:v12+s5+$0x0], $0xffff  }
0x106: {  	v32 =	vor.u32 v6, v58;
	v52 =	vadd.s32 $0x45C2, v29;
	v15 =	vand.u32 $0xFFFFFF80, v34;
	[tilespmem:s17+$0xEB90] =	vst v10;
	v35 =	vld.idx.msk [tilespmem:v2+s22+$0x0], $0xffff  }
0x107: {  	v21 =	vadd.s32 v7, v41;
	v31 =	vadd.s32 v7, v45;
	v11 =	vunpack.i.u.bf16.f32 v33;
	v2 =	vld [tilespmem:$0x1FF80]  }
0x108: {  	v20 =	vand.u32 $0xFFFFFF80, v37;
	v21 =	vand.u32 $0xFFFFFF80, v21;
	v12 =	vunpack.i.l.bf16.f32 v49;
	[tilespmem:s17+$0xF390] =	vst v11;
	v11 =	vld.idx.msk [tilespmem:v16+s5+$0x0], $0xffff  }
0x109: {  	v45 =	vand.u32 $0xFFFFFF80, v31;
	v31 =	vadd.s32 $0x45C3, v30;
	[tilespmem:s17+$0xEBA0] =	vst v12;
	v12 =	vld.idx.msk [tilespmem:v14+s22+$0x0], $0xffff;
	v14 =	vunpack.i.u.bf16.f32 v49  }
0x10a: {  	v30 =	vadd.s32 $0x45C3, v28;
	v28 =	vadd.s32 $0x45C3, v47;
	[tilespmem:s17+$0xF3A0] =	vst v14;
	v14 =	vunpack.i.l.bf16.f32 v40;
	v41 =	vld.idx.msk [tilespmem:v55+s5+$0x0], $0xffff  }
0x10b: {  	v33 =	vor.u32 v6, v15;
	v63 =	vadd.s32 $0x45C3, v23;
	[tilespmem:s17+$0xEBB0] =	vst v14;
	v14 =	vunpack.i.u.bf16.f32 v40;
	v40 =	vld.idx.msk [tilespmem:v26+s22+$0x0], $0xffff  }
0x10c: {  	v27 =	vor.u32 v6, v20;
	v23 =	vadd.s32 $0x45C3, v39;
	v20 =	vor.u32 v6, v45;
	v37 =	vld.idx.msk [tilespmem:v9+s22+$0x0], $0xffff;
	[tilespmem:s17+$0xF3B0] =	vst v14  }
0x10d: {  	v39 =	vunpack.i.l.bf16.f32 v61;
	v15 =	vadd.bf16 v24, v44;
	v14 =	vunpack.i.l.bf16.f32 v22;
	v34 =	vld.idx.msk [tilespmem:v52+s5+$0x0], $0xffff  }
0x10e: {  	v24 =	vadd.s32 $0x45C3, v38;
	v42 =	vadd.bf16 v25, v60;
	[tilespmem:s17+$0xFBC0] =	vst v14;
	v14 =	vunpack.i.u.bf16.f32 v22;
	v36 =	vld.idx.msk [tilespmem:v57+s22+$0x0], $0xffff  }
0x10f: {  	v25 =	vor.u32 v6, v59;
	v9 =	vunpack.i.l.bf16.f32 v53;
	v16 =	vadd.bf16 v35, v51;
	v35 =	vld.idx.msk [tilespmem:v46+s5+$0x0], $0xffff;
	[tilespmem:s21+$0x2840] =	vst v14  }
0x110: {  	v26 =	vor.u32 v6, v21;
	[tilespmem:s17+$0xFBD0] =	vst v9;
	v9 =	vunpack.i.u.bf16.f32 v53;
	v22 =	vadd.s32 $0x45C3, v29;
	v29 =	vld.idx.msk [tilespmem:v63+s5+$0x0], $0xffff  }
0x111: {  	s30 =	simm.s32 $0x8;
	p1 =	por !p1, !p1;
	v38 =	vunpack.i.u.bf16.f32 v61;
	v21 =	vor.u32 v6, v43;
	[tilespmem:s21+$0x2850] =	vst v9;
	v14 =	vunpack.i.l.bf16.f32 v13;
	v10 =	vld.idx.msk [tilespmem:v2+s22+$0x0], $0xffff;
	v2 =	vmovc v1  }
.LBB2_3:
0x112: {  	s3 =	simm.s32 $0x1  }
0x113: {  	v33 =	vld.idx.msk [tilespmem:v33+s22+$0x0], $0xffff;
	s3 =	simm.s32 @!p1 $0x0  }
0x114: {  	[tilespmem:s17+$0xFBE0] =	vst v39;
	v31 =	vld.idx.msk [tilespmem:v31+s5+$0x0], $0xffff;
	s8 =	sadd.s32 $0x40, s8;
	s3 =	sshll.u32 s3, $0xA  }
0x115: {  	[tilespmem:s21+$0x2860] =	vst v38;
	v32 =	vld.idx.msk [tilespmem:v32+s22+$0x0], $0xffff;
	v9 =	vunpack.i.u.bf16.f32 v42;
	s3 =	sadd.s32 s3, s8  }
0x116: {  	[tilespmem:s17+$0x10380] =	vst v9;
	v9 =	vld.idx.msk [tilespmem:v30+s5+$0x0], $0xffff;
	s16 =	sor.u32 $0x70, s3  }
0x117: {  	v30 =	vunpack.i.l.bf16.f32 v19;
	s24 =	sor.u32 $0x870, s3;
	v19 =	vld [tilespmem:s16+$0xAB80]  }
0x118: {  	v8 =	vadd.bf16 v10, v8;
	s14 =	sor.u32 $0x40, s3;
	v47 =	vld [tilespmem:s24+$0xAB80]  }
0x119: {  	v10 =	vadd.bf16 v12, v11;
	v13 =	vunpack.i.l.bf16.f32 v42;
	s13 =	sor.u32 $0x840, s3;
	v50 =	vld [tilespmem:s14+$0xAB80]  }
0x11a: {  	v51 =	vunpack.i.u.bf16.f32 v8;
	v52 =	vunpack.i.l.bf16.f32 v8;
	v18 =	vadd.bf16 v40, v41;
	s12 =	sor.u32 $0x60, s3;
	v8 =	vld [tilespmem:s13+$0xAB80]  }
0x11b: {  	v1 =	vlaneseq.u32;
	v11 =	vunpack.i.u.bf16.f32 v15;
	v15 =	vunpack.i.l.bf16.f32 v15;
	[tilespmem:s17+$0xFB80] =	vst v13;
	s6 =	sor.u32 $0x860, s3;
	v56 =	vld [tilespmem:s12+$0xAB80]  }
0x11c: {  	s7 =	sor.u32 $0x50, s3;
	v43 =	vld [tilespmem:s6+$0xAB80];
	[tilespmem:s20+$0x3060] =	vst v15;
	v12 =	vunpack.i.u.bf16.f32 v18;
	v13 =	vunpack.i.l.bf16.f32 v18;
	v18 =	vadd.bf16 v37, v35  }
0x11d: {  	v63 =	vunpack.i.u.bf16.f32 v16;
	v48 =	vunpack.i.u.bf16.f32 v17;
	v49 =	vunpack.i.l.bf16.f32 v17;
	s23 =	sor.u32 $0x1040, s3;
	s4 =	sor.u32 $0x1050, s3;
	v54 =	vld [tilespmem:s7+$0xAB80];
	[tilespmem:s17+$0xFB90] =	vst v13  }
0x11e: {  	v34 =	vadd.bf16 v36, v34;
	s11 =	sor.u32 $0x850, s3;
	s15 =	sor.u32 $0x1070, s3;
	s3 =	sor.u32 $0x1060, s3;
	v55 =	vld [tilespmem:s4+$0xAB80];
	[tilespmem:s21+$0x2810] =	vst v12;
	v13 =	vunpack.i.u.bf16.f32 v18;
	v18 =	vunpack.i.l.bf16.f32 v18  }
0x11f: {  	v53 =	vunpack.i.u.bf16.f32 v10;
	v10 =	vunpack.i.l.bf16.f32 v10;
	v29 =	vadd.bf16 v33, v29;
	v44 =	vld [tilespmem:s3+$0xAB80];
	[tilespmem:s17+$0xFBA0] =	vst v18  }
0x120: {  	v17 =	vunpack.i.u.bf16.f32 v34;
	v12 =	vunpack.i.l.bf16.f32 v16;
	v16 =	vld [tilespmem:s15+$0xAB80];
	v18 =	vunpack.i.l.bf16.f32 v34;
	[tilespmem:s21+$0x2820] =	vst v13  }
0x121: {  	v13 =	vadd.bf16 v32, v31;
	[tilespmem:s17+$0xFBB0] =	vst v18;
	v18 =	vunpack.i.u.bf16.f32 v29;
	v29 =	vunpack.i.l.bf16.f32 v29  }
0x122: {  	vm0 =	vgt.s32 v19, $0xFFFFFFE1;
	vm1 =	vgt.s32 v47, $0xFFFFFFE1;
	vm8 =	vgt.s32 v50, $0xFFFFFFE1  }
0x123: {  	[tilespmem:s20+$0x3860] =	vst v11;
	vm9 =	vgt.s32 v8, $0xFFFFFFE1;
	vm3 =	vgt.s32 v54, $0xFFFFFFE1;
	vm5 =	vgt.s32 v55, $0xFFFFFFE1  }
0x124: {  	[tilespmem:s21+$0x2830] =	vst v17;
	v15 =	vld.idx.msk [tilespmem:v27+s22+$0x0], $0xffff;
	vm11 =	vgt.s32 v56, $0xFFFFFFE1;
	v17 =	vunpack.i.u.bf16.f32 v13;
	v19 =	vnsel vm0, $0xFFFFFFE1, v19  }
0x125: {  	v31 =	vld [tilespmem:s23+$0xAB80];
	[tilespmem:s21+$0x3040] =	vst v29;
	v36 =	vnsel vm1, $0xFFFFFFE1, v47;
	vm12 =	vgt.s32 v44, $0xFFFFFFE1;
	vm6 =	vgt.s32 v16, $0xFFFFFFE1  }
0x126: {  	[tilespmem:s21+$0x3840] =	vst v18;
	vm7 =	vlt.s32 v19, $0x1F;
	vm2 =	vlt.s32 v36, $0x1F;
	v16 =	vnsel vm6, $0xFFFFFFE1, v16  }
0x127: {  	v29 =	vld [tilespmem:s11+$0xAB80];
	[tilespmem:s20+$0x3050] =	vst v14;
	v14 =	vnsel vm7, $0x1F, v19;
	v18 =	vnsel vm2, $0x1F, v36;
	vm0 =	vlt.s32 v16, $0x1F  }
0x128: {  	[tilespmem:s21+$0x3850] =	vst v17;
	v14 =	vmul.u32 $0x237, v14;
	v17 =	vmul.u32 $0x9, v18;
	v16 =	vnsel vm0, $0x1F, v16  }
0x129: {  	v15 =	vadd.bf16 v15, v9;
	vm6 =	vgt.s32 v43, $0xFFFFFFE1;
	v57 =	vshll.u32 v16, $0x7  }
0x12a: {  	vm10 =	vgt.s32 v31, $0xFFFFFFE1;
	v19 =	vadd.s32 v14, v17;
	v14 =	vld.idx.msk [tilespmem:v28+s5+$0x0], $0xffff;
	v11 =	vadd.s32 v2, v57  }
0x12b: {  	[tilespmem:s21+$0x3070] =	vst v30;
	v30 =	vnsel vm6, $0xFFFFFFE1, v43;
	v17 =	vld.idx.msk [tilespmem:v23+s5+$0x0], $0xffff;
	v27 =	vadd.s32 $0x45C0, v19;
	v11 =	vand.u32 $0xFFFFFF80, v11  }
0x12c: {  	vm7 =	vlt.s32 v30, $0x1F;
	[tilespmem:s1+$0x10B80] =	vst v12;
	v23 =	vnsel vm9, $0xFFFFFFE1, v8;
	v8 =	vld.idx.msk [tilespmem:v24+s5+$0x0], $0xffff;
	v11 =	vor.u32 v1, v11  }
0x12d: {  	vm4 =	vgt.s32 v29, $0xFFFFFFE1;
	v12 =	vnsel vm8, $0xFFFFFFE1, v50;
	[tilespmem:s20+$0x3010] =	vst v49;
	v24 =	vnsel vm11, $0xFFFFFFE1, v56;
	v16 =	vld.idx.msk [tilespmem:v25+s22+$0x0], $0xffff  }
0x12e: {  	v25 =	vnsel vm10, $0xFFFFFFE1, v31;
	v18 =	vld.idx.msk [tilespmem:v26+s22+$0x0], $0xffff;
	v26 =	vnsel vm3, $0xFFFFFFE1, v54;
	v28 =	vnsel vm4, $0xFFFFFFE1, v29  }
0x12f: {  	[tilespmem:s20+$0x3030] =	vst v10;
	v29 =	vnsel vm5, $0xFFFFFFE1, v55;
	v31 =	vnsel vm12, $0xFFFFFFE1, v44;
	vm13 =	vlt.s32 v12, $0x1F  }
0x130: {  	[tilespmem:s20+$0x3020] =	vst v52;
	vm14 =	vlt.s32 v23, $0x1F;
	vm15 =	vlt.s32 v24, $0x1F;
	v36 =	vadd.s32 v7, v57;
	v27 =	vld.idx.msk [tilespmem:v27+s5+$0x0], $0xffff  }
0x131: {  	[tilespmem:s20+$0x3820] =	vst v51;
	vm2 =	vlt.s32 v25, $0x1F;
	vm3 =	vlt.s32 v26, $0x1F;
	vm4 =	vlt.s32 v28, $0x1F;
	v58 =	vld.idx.msk [tilespmem:v11+s22+$0x0], $0xffff  }
0x132: {  	[tilespmem:s20+$0x3830] =	vst v53;
	v10 =	vld.idx.msk [tilespmem:v21+s22+$0x0], $0xffff;
	vm5 =	vlt.s32 v29, $0x1F;
	vm8 =	vlt.s32 v31, $0x1F;
	v21 =	vnsel vm13, $0x1F, v12  }
0x133: {  	v12 =	vld.idx.msk [tilespmem:v20+s22+$0x0], $0xffff;
	v20 =	vnsel vm3, $0x1F, v26;
	v26 =	vnsel vm5, $0x1F, v29;
	v29 =	vadd.s32 v0, v57  }
0x134: {  	v24 =	vnsel vm15, $0x1F, v24;
	v36 =	vand.u32 $0xFFFFFF80, v36;
	v29 =	vand.u32 $0xFFFFFF80, v29  }
0x135: {  	v11 =	vld.idx.msk [tilespmem:v22+s5+$0x0], $0xffff;
	v22 =	vnsel vm14, $0x1F, v23;
	v23 =	vnsel vm2, $0x1F, v25;
	v25 =	vnsel vm4, $0x1F, v28  }
0x136: {  	v28 =	vnsel vm7, $0x1F, v30;
	v30 =	vadd.s32 $0x45C1, v19;
	v27 =	vadd.bf16 v58, v27  }
0x137: {  	v21 =	vmul.u32 $0x237, v21;
	v31 =	vnsel vm8, $0x1F, v31;
	v29 =	vor.u32 v3, v29  }
0x138: {  	v36 =	vor.u32 v6, v36;
	v59 =	vshll.u32 v23, $0x7;
	v23 =	vunpack.i.l.bf16.f32 v27  }
0x139: {  	v61 =	vshll.u32 v31, $0x7;
	v31 =	vadd.s32 v4, v57;
	v27 =	vunpack.i.u.bf16.f32 v27;
	[tilespmem:s16+$0xDB80] =	vst v23  }
0x13a: {  	s10 =	sadd.s32 $0x400, s10;
	v20 =	vmul.u32 $0x237, v20;
	v60 =	vshll.u32 v26, $0x7;
	v31 =	vand.u32 $0xFFFFFF80, v31;
	[tilespmem:s24+$0xDB80] =	vst v27  }
0x13b: {  	[tilespmem:s20+$0x3810] =	vst v48;
	s20 =	smov.u32 s21;
	s21 =	sand.u32 $0x400, s10;
	v31 =	vor.u32 v62, v31;
	v23 =	vmul.u32 $0x237, v24;
	v24 =	vmul.u32 $0x9, v28;
	s24 =	sand.u32 $0x380, s8;
	v28 =	vld.idx.msk [tilespmem:v30+s5+$0x0], $0xffff  }
0x13c: {  	[tilespmem:s1+$0x11380] =	vst v63;
	s1 =	smov.u32 s17;
	v16 =	vadd.bf16 v16, v14;
	v22 =	vmul.u32 $0x9, v22;
	v25 =	vmul.u32 $0x9, v25;
	v29 =	vld.idx.msk [tilespmem:v29+s22+$0x0], $0xffff;
	s17 =	sor.u32 s24, s21  }
0x13d: {  	v17 =	vadd.bf16 v18, v17;
	v14 =	vunpack.i.l.bf16.f32 v13;
	v26 =	vadd.s32 v2, v59;
	v46 =	vld [tilespmem:s17+$0xAB80]  }
0x13e: {  	v21 =	vadd.s32 v21, v22;
	v26 =	vand.u32 $0xFFFFFF80, v26;
	v22 =	vadd.s32 v20, v25;
	v49 =	vld [tilespmem:s17+$0xB380]  }
0x13f: {  	v44 =	vadd.s32 $0x45C1, v21;
	v27 =	vadd.s32 v2, v60;
	v30 =	vadd.s32 v2, v61;
	v50 =	vld [tilespmem:s17+$0xBB80]  }
0x140: {  	v25 =	vand.u32 $0xFFFFFF80, v27;
	v20 =	vadd.s32 v23, v24;
	v23 =	vadd.s32 $0x45C0, v21;
	v51 =	vld [tilespmem:s17+$0xAB90]  }
0x141: {  	v24 =	vor.u32 v1, v26;
	v27 =	vadd.s32 $0x45C0, v22;
	v26 =	vand.u32 $0xFFFFFF80, v30;
	v63 =	vld [tilespmem:s17+$0xB390]  }
0x142: {  	v42 =	vor.u32 v1, v25;
	v43 =	vadd.s32 $0x45C0, v20;
	v25 =	vadd.s32 v0, v59;
	v52 =	vld [tilespmem:s17+$0xBB90]  }
0x143: {  	v30 =	vadd.s32 v0, v60;
	v57 =	vld [tilespmem:s17+$0xABA0];
	v37 =	vor.u32 v1, v26;
	v26 =	vadd.s32 v0, v61  }
0x144: {  	v54 =	vld [tilespmem:s17+$0xABB0];
	v25 =	vand.u32 $0xFFFFFF80, v25;
	v30 =	vand.u32 $0xFFFFFF80, v30;
	v26 =	vand.u32 $0xFFFFFF80, v26  }
0x145: {  	v45 =	vor.u32 v3, v25;
	v33 =	vor.u32 v3, v30;
	v32 =	vor.u32 v3, v26  }
0x146: {  	v26 =	vadd.s32 v4, v60;
	v28 =	vadd.bf16 v29, v28;
	v29 =	vadd.s32 $0x45C2, v19  }
0x147: {  	v19 =	vadd.s32 $0x45C3, v19;
	vm5 =	vgt.s32 v46, $0xFFFFFFE1;
	vm6 =	vgt.s32 v49, $0xFFFFFFE1  }
0x148: {  	vm7 =	vgt.s32 v50, $0xFFFFFFE1;
	vm8 =	vgt.s32 v51, $0xFFFFFFE1;
	vm9 =	vgt.s32 v63, $0xFFFFFFE1  }
0x149: {  	v23 =	vld.idx.msk [tilespmem:v23+s5+$0x0], $0xffff;
	vm10 =	vgt.s32 v52, $0xFFFFFFE1;
	vm11 =	vgt.s32 v57, $0xFFFFFFE1;
	vm14 =	vgt.s32 v54, $0xFFFFFFE1  }
0x14a: {  	v40 =	vld.idx.msk [tilespmem:v27+s5+$0x0], $0xffff;
	v25 =	vunpack.i.l.bf16.f32 v28;
	v27 =	vunpack.i.u.bf16.f32 v28;
	v38 =	vnsel vm5, $0xFFFFFFE1, v46  }
0x14b: {  	v24 =	vld.idx.msk [tilespmem:v24+s22+$0x0], $0xffff;
	v50 =	vnsel vm7, $0xFFFFFFE1, v50;
	v51 =	vnsel vm8, $0xFFFFFFE1, v51;
	v39 =	vnsel vm9, $0xFFFFFFE1, v63;
	[tilespmem:s15+$0xDB80] =	vst v25  }
0x14c: {  	v55 =	vld.idx.msk [tilespmem:v42+s22+$0x0], $0xffff;
	v41 =	vnsel vm11, $0xFFFFFFE1, v57;
	v42 =	vnsel vm14, $0xFFFFFFE1, v54;
	v25 =	vadd.s32 v4, v59;
	[tilespmem:s17+$0xF3F0] =	vst v27  }
0x14d: {  	vm0 =	vlt.s32 v38, $0x1F;
	vm2 =	vlt.s32 v50, $0x1F;
	vm3 =	vlt.s32 v51, $0x1F;
	v47 =	vld.idx.msk [tilespmem:v29+s5+$0x0], $0xffff  }
0x14e: {  	v25 =	vand.u32 $0xFFFFFF80, v25;
	v27 =	vadd.s32 v4, v61;
	v29 =	vand.u32 $0xFFFFFF80, v26;
	v48 =	vld.idx.msk [tilespmem:v31+s22+$0x0], $0xffff  }
0x14f: {  	v30 =	vand.u32 $0xFFFFFF80, v27;
	v27 =	vor.u32 v62, v25;
	v31 =	vadd.s32 v7, v59;
	v59 =	vld [tilespmem:s17+$0xB3A0]  }
0x150: {  	v25 =	vor.u32 v62, v29;
	v29 =	vadd.bf16 v24, v23;
	v23 =	vor.u32 v62, v30;
	v62 =	vld [tilespmem:s17+$0xB3B0]  }
0x151: {  	vm4 =	vlt.s32 v39, $0x1F;
	v30 =	vadd.s32 v7, v60;
	v60 =	vnsel vm6, $0xFFFFFFE1, v49  }
0x152: {  	v63 =	vld [tilespmem:s17+$0xBBB0];
	vm9 =	vlt.s32 v42, $0x1F;
	v39 =	vnsel vm4, $0x1F, v39;
	vm1 =	vlt.s32 v60, $0x1F  }
0x153: {  	v56 =	vunpack.i.u.bf16.f32 v29;
	v29 =	vunpack.i.l.bf16.f32 v29;
	v60 =	vnsel vm1, $0x1F, v60  }
0x154: {  	[tilespmem:s14+$0xDB80] =	vst v29;
	v29 =	vadd.s32 v7, v61;
	v58 =	vadd.bf16 v48, v47;
	vm12 =	vgt.s32 v59, $0xFFFFFFE1  }
0x155: {  	v61 =	vld [tilespmem:s17+$0xBBA0];
	v47 =	vnsel vm12, $0xFFFFFFE1, v59;
	vm15 =	vgt.s32 v62, $0xFFFFFFE1;
	vm12 =	vlt.s32 v41, $0x1F  }
0x156: {  	v59 =	vnsel vm0, $0x1F, v38;
	v53 =	vunpack.i.l.bf16.f32 v58;
	v46 =	vunpack.i.u.bf16.f32 v58  }
0x157: {  	s21 =	sadd.s32 $0xDB80, s17;
	v54 =	vld.idx.msk [tilespmem:v43+s5+$0x0], $0xffff;
	v43 =	vnsel vm15, $0xFFFFFFE1, v62;
	vm15 =	vgt.s32 v63, $0xFFFFFFE1;
	v41 =	vnsel vm12, $0x1F, v41  }
0x158: {  	v58 =	vnsel vm9, $0x1F, v42;
	[tilespmem:s21+$0x2870] =	vst v46;
	v46 =	vnsel vm10, $0xFFFFFFE1, v52;
	vm10 =	vlt.s32 v43, $0x1F  }
0x159: {  	[tilespmem:s17+$0xFBF0] =	vst v53;
	v53 =	vld.idx.msk [tilespmem:v37+s22+$0x0], $0xffff;
	v62 =	vnsel vm15, $0xFFFFFFE1, v63;
	v63 =	vnsel vm3, $0x1F, v51;
	v37 =	vmul.u32 $0x237, v59  }
0x15a: {  	vm13 =	vgt.s32 v61, $0xFFFFFFE1;
	vm6 =	vlt.s32 v46, $0x1F;
	vm0 =	vlt.s32 v62, $0x1F  }
0x15b: {  	v19 =	vld.idx.msk [tilespmem:v19+s5+$0x0], $0xffff;
	v59 =	vnsel vm10, $0x1F, v43;
	v38 =	vmul.u32 $0x237, v63;
	v49 =	vnsel vm13, $0xFFFFFFE1, v61  }
0x15c: {  	v36 =	vld.idx.msk [tilespmem:v36+s22+$0x0], $0xffff;
	vm13 =	vlt.s32 v47, $0x1F;
	v61 =	vnsel vm2, $0x1F, v50;
	v46 =	vnsel vm6, $0x1F, v46  }
0x15d: {  	[tilespmem:s13+$0xDB80] =	vst v56;
	v52 =	vnsel vm0, $0x1F, v62;
	v51 =	vmul.u32 $0x9, v59;
	vm14 =	vlt.s32 v49, $0x1F  }
0x15e: {  	v56 =	vld.idx.msk [tilespmem:v44+s5+$0x0], $0xffff;
	v47 =	vnsel vm13, $0x1F, v47;
	v44 =	vshll.u32 v61, $0x7;
	v42 =	vshll.u32 v46, $0x7  }
0x15f: {  	v61 =	vmul.u32 $0x237, v41;
	v41 =	vshll.u32 v52, $0x7;
	v49 =	vnsel vm14, $0x1F, v49  }
0x160: {  	v47 =	vmul.u32 $0x9, v47;
	v62 =	vadd.s32 v2, v44;
	v63 =	vadd.s32 v2, v42  }
0x161: {  	v43 =	vshll.u32 v49, $0x7;
	v19 =	vadd.bf16 v36, v19;
	v36 =	vmul.u32 $0x9, v60  }
0x162: {  	v49 =	vmul.u32 $0x237, v58;
	v58 =	vadd.s32 v2, v41;
	v50 =	vand.u32 $0xFFFFFF80, v62  }
0x163: {  	v60 =	vmul.u32 $0x9, v39;
	v50 =	vor.u32 v1, v50;
	v39 =	vadd.s32 v37, v36  }
0x164: {  	v45 =	vld.idx.msk [tilespmem:v45+s22+$0x0], $0xffff;
	v59 =	vand.u32 $0xFFFFFF80, v63;
	v37 =	vadd.s32 v61, v47;
	v61 =	vadd.s32 $0x45C0, v39  }
0x165: {  	v35 =	vadd.s32 $0x45C1, v22;
	v62 =	vand.u32 $0xFFFFFF80, v58;
	v48 =	vor.u32 v1, v59  }
0x166: {  	v38 =	vadd.s32 v38, v60;
	v36 =	vadd.s32 v49, v51;
	v49 =	vor.u32 v1, v62  }
0x167: {  	v34 =	vadd.s32 $0x45C1, v20;
	v28 =	vadd.s32 $0x45C2, v21;
	v51 =	vadd.s32 $0x45C0, v38  }
0x168: {  	v40 =	vadd.bf16 v55, v40;
	v57 =	vunpack.i.u.bf16.f32 v19;
	v52 =	vadd.s32 $0x45C0, v37;
	v50 =	vld.idx.msk [tilespmem:v50+s22+$0x0], $0xffff  }
0x169: {  	v26 =	vadd.s32 $0x45C2, v22;
	v45 =	vadd.bf16 v45, v56;
	[tilespmem:s21+$0x3870] =	vst v57;
	v57 =	vadd.s32 v2, v43;
	v47 =	vld.idx.msk [tilespmem:v61+s5+$0x0], $0xffff  }
0x16a: {  	v53 =	vadd.bf16 v53, v54;
	v60 =	vand.u32 $0xFFFFFF80, v57;
	v57 =	vadd.s32 $0x45C0, v36;
	v48 =	vld.idx.msk [tilespmem:v48+s22+$0x0], $0xffff  }
0x16b: {  	v46 =	vor.u32 v1, v60;
	v60 =	vunpack.i.u.bf16.f32 v40;
	v40 =	vunpack.i.l.bf16.f32 v40;
	v49 =	vld.idx.msk [tilespmem:v49+s22+$0x0], $0xffff  }
0x16c: {  	v24 =	vadd.s32 $0x45C2, v20;
	v55 =	vadd.s32 v0, v42;
	v56 =	vadd.s32 v4, v44;
	[tilespmem:s7+$0xDB80] =	vst v40;
	v51 =	vld.idx.msk [tilespmem:v51+s5+$0x0], $0xffff  }
0x16d: {  	v54 =	vadd.s32 v0, v44;
	v55 =	vand.u32 $0xFFFFFF80, v55;
	v40 =	vunpack.i.u.bf16.f32 v53;
	[tilespmem:s11+$0xDB80] =	vst v60;
	v52 =	vld.idx.msk [tilespmem:v52+s5+$0x0], $0xffff  }
0x16e: {  	v53 =	vunpack.i.l.bf16.f32 v53;
	v60 =	vadd.s32 $0x45C1, v39;
	v35 =	vld.idx.msk [tilespmem:v35+s5+$0x0], $0xffff;
	v47 =	vadd.bf16 v50, v47  }
0x16f: {  	v58 =	vadd.s32 v0, v43;
	v59 =	vadd.s32 v0, v41;
	v54 =	vand.u32 $0xFFFFFF80, v54;
	[tilespmem:s12+$0xDB80] =	vst v53;
	v33 =	vld.idx.msk [tilespmem:v33+s22+$0x0], $0xffff  }
0x170: {  	v63 =	vadd.s32 v4, v43;
	[tilespmem:s6+$0xDB80] =	vst v40;
	v57 =	vld.idx.msk [tilespmem:v57+s5+$0x0], $0xffff;
	v1 =	vunpack.i.u.bf16.f32 v47;
	v47 =	vunpack.i.l.bf16.f32 v47  }
0x171: {  	v58 =	vand.u32 $0xFFFFFF80, v58;
	v59 =	vand.u32 $0xFFFFFF80, v59;
	v54 =	vor.u32 v3, v54;
	v40 =	vld.idx.msk [tilespmem:v46+s22+$0x0], $0xffff;
	[tilespmem:s17+$0xDB80] =	vst v47  }
0x172: {  	v5 =	vmovc v4;
	v58 =	vor.u32 v3, v58;
	v59 =	vor.u32 v3, v59;
	v47 =	vand.u32 $0xFFFFFF80, v63;
	[tilespmem:s17+$0xE380] =	vst v1;
	v63 =	vld [tilespmem:$0x1FFE0]  }
0x173: {  	v62 =	vadd.s32 v4, v42;
	v53 =	vor.u32 v3, v55;
	v48 =	vadd.bf16 v48, v51;
	v51 =	vld.idx.msk [tilespmem:v60+s5+$0x0], $0xffff  }
0x174: {  	v50 =	vadd.s32 v4, v41;
	v4 =	vmovc v3;
	v3 =	vmovc v0;
	v0 =	vunpack.i.u.bf16.f32 v45;
	v45 =	vunpack.i.l.bf16.f32 v45;
	v60 =	vld [tilespmem:$0x1FFE0]  }
0x175: {  	v31 =	vand.u32 $0xFFFFFF80, v31;
	v56 =	vand.u32 $0xFFFFFF80, v56;
	v61 =	vadd.s32 $0x45C1, v38;
	v34 =	vld.idx.msk [tilespmem:v34+s5+$0x0], $0xffff;
	[tilespmem:s23+$0xDB80] =	vst v45  }
0x176: {  	v32 =	vld.idx.msk [tilespmem:v32+s22+$0x0], $0xffff;
	v40 =	vadd.bf16 v40, v52;
	[tilespmem:s17+$0xF3C0] =	vst v0;
	v1 =	vunpack.i.u.bf16.f32 v48;
	v48 =	vunpack.i.l.bf16.f32 v48  }
0x177: {  	v62 =	vand.u32 $0xFFFFFF80, v62;
	v55 =	vadd.s32 $0x45C1, v37;
	v46 =	vadd.s32 $0x45C1, v36;
	v28 =	vld.idx.msk [tilespmem:v28+s5+$0x0], $0xffff;
	[tilespmem:s17+$0xDB90] =	vst v48  }
0x178: {  	v49 =	vadd.bf16 v49, v57;
	v54 =	vld.idx.msk [tilespmem:v54+s22+$0x0], $0xffff;
	[tilespmem:s17+$0xE390] =	vst v1;
	v1 =	vunpack.i.u.bf16.f32 v40;
	v40 =	vunpack.i.l.bf16.f32 v40  }
0x179: {  	v33 =	vadd.bf16 v33, v35;
	[tilespmem:s17+$0xDBA0] =	vst v40;
	v52 =	vor.u32 v63, v56;
	v56 =	vor.u32 v60, v62;
	v62 =	vld [tilespmem:$0x1FFE0]  }
0x17a: {  	v41 =	vadd.s32 v7, v41;
	v57 =	vld.idx.msk [tilespmem:v61+s5+$0x0], $0xffff;
	[tilespmem:s17+$0xE3A0] =	vst v1;
	v1 =	vunpack.i.u.bf16.f32 v49;
	v49 =	vunpack.i.l.bf16.f32 v49  }
0x17b: {  	v50 =	vand.u32 $0xFFFFFF80, v50;
	v32 =	vadd.bf16 v32, v34;
	v34 =	vadd.s32 v7, v42;
	[tilespmem:s17+$0xDBB0] =	vst v49;
	v63 =	vld.idx.msk [tilespmem:v53+s22+$0x0], $0xffff  }
0x17c: {  	[tilespmem:s17+$0xE3B0] =	vst v1;
	v1 =	vunpack.i.u.bf16.f32 v33;
	v33 =	vunpack.i.l.bf16.f32 v33;
	v53 =	vadd.s32 v7, v44;
	v44 =	vld.idx.msk [tilespmem:v55+s5+$0x0], $0xffff  }
0x17d: {  	v0 =	vand.u32 $0xFFFFFF80, v30;
	[tilespmem:s4+$0xDB80] =	vst v33;
	v55 =	vadd.s32 v7, v43;
	v43 =	vld.idx.msk [tilespmem:v46+s5+$0x0], $0xffff;
	v30 =	vadd.bf16 v54, v51  }
0x17e: {  	v45 =	vadd.s32 $0x45C2, v39;
	v34 =	vand.u32 $0xFFFFFF80, v34;
	[tilespmem:s17+$0xF3D0] =	vst v1;
	v49 =	vor.u32 v62, v50;
	v50 =	vld.idx.msk [tilespmem:v58+s22+$0x0], $0xffff  }
0x17f: {  	v1 =	vand.u32 $0xFFFFFF80, v29;
	v26 =	vld.idx.msk [tilespmem:v26+s5+$0x0], $0xffff;
	v29 =	vunpack.i.u.bf16.f32 v30;
	v30 =	vunpack.i.l.bf16.f32 v30  }
0x180: {  	v48 =	vadd.s32 $0x45C2, v38;
	v61 =	vadd.s32 $0x45C2, v36;
	v33 =	vor.u32 v6, v31;
	[tilespmem:s17+$0xEB80] =	vst v30;
	v58 =	vld.idx.msk [tilespmem:v59+s22+$0x0], $0xffff  }
0x181: {  	[tilespmem:s17+$0xF380] =	vst v29;
	v40 =	vadd.bf16 v63, v57;
	v63 =	vld.idx.msk [tilespmem:v27+s22+$0x0], $0xffff;
	v59 =	vunpack.i.u.bf16.f32 v32;
	v32 =	vunpack.i.l.bf16.f32 v32  }
0x182: {  	v31 =	vadd.s32 $0x45C3, v22;
	v60 =	vadd.s32 $0x45C2, v37;
	v35 =	vand.u32 $0xFFFFFF80, v53;
	v57 =	vld.idx.msk [tilespmem:v25+s22+$0x0], $0xffff;
	[tilespmem:s3+$0xDB80] =	vst v32  }
0x183: {  	v42 =	vand.u32 $0xFFFFFF80, v55;
	v45 =	vld.idx.msk [tilespmem:v45+s5+$0x0], $0xffff;
	v30 =	vunpack.i.l.bf16.f32 v40;
	[tilespmem:s17+$0xF3E0] =	vst v59;
	v55 =	vadd.bf16 v50, v44  }
0x184: {  	v53 =	vand.u32 $0xFFFFFF80, v41;
	v27 =	vunpack.i.u.bf16.f32 v40;
	v32 =	vor.u32 v6, v0;
	v0 =	vld.idx.msk [tilespmem:v52+s22+$0x0], $0xffff;
	[tilespmem:s17+$0xEB90] =	vst v30  }
0x185: {  	v29 =	vadd.s32 $0x45C3, v21;
	[tilespmem:s17+$0xF390] =	vst v27;
	v22 =	vld.idx.msk [tilespmem:v24+s5+$0x0], $0xffff;
	v25 =	vadd.bf16 v58, v43;
	v24 =	vunpack.i.l.bf16.f32 v55  }
0x186: {  	v47 =	vor.u32 v62, v47;
	v30 =	vadd.s32 $0x45C3, v20;
	v58 =	vld.idx.msk [tilespmem:v23+s22+$0x0], $0xffff;
	v21 =	vunpack.i.u.bf16.f32 v55;
	[tilespmem:s17+$0xEBA0] =	vst v24  }
0x187: {  	s30 =	sadd.s32 $0x8, s30;
	v27 =	vor.u32 v6, v1;
	v41 =	vld.idx.msk [tilespmem:v48+s5+$0x0], $0xffff;
	v20 =	vunpack.i.l.bf16.f32 v25;
	v24 =	vadd.bf16 v63, v28;
	[tilespmem:s17+$0xF3A0] =	vst v21  }
0x188: {  	p2 =	slt.u32 s30, $0x78;
	v40 =	vld.idx.msk [tilespmem:v56+s22+$0x0], $0xffff;
	v1 =	vunpack.i.u.bf16.f32 v25;
	v25 =	vor.u32 v6, v35;
	v28 =	vadd.s32 $0x45C3, v39;
	[tilespmem:s17+$0xEBB0] =	vst v20  }
.Ltmp0:
0x189: {  	v63 =	vadd.bf16 v57, v26;
	v26 =	vor.u32 v6, v34;
	[tilespmem:s17+$0xF3B0] =	vst v1;
	v35 =	vld.idx.msk [tilespmem:v60+s5+$0x0], $0xffff;
	v20 =	vunpack.i.l.bf16.f32 v24;
	(pc) =	sbr.rel @p2 .LBB2_3-.Ltmp0, $4  }
0x18a: {  	v21 =	vor.u32 v6, v42;
	v42 =	vadd.bf16 v0, v45;
	v34 =	vld.idx.msk [tilespmem:v61+s5+$0x0], $0xffff;
	v59 =	vunpack.i.u.bf16.f32 v24;
	[tilespmem:s17+$0xFBC0] =	vst v20  }
0x18b: {  	v24 =	vadd.s32 $0x45C3, v37;
	v37 =	vld.idx.msk [tilespmem:v47+s22+$0x0], $0xffff;
	v39 =	vunpack.i.l.bf16.f32 v63;
	v43 =	vadd.bf16 v58, v22;
	[tilespmem:s21+$0x2840] =	vst v59  }
0x18c: {  	v23 =	vadd.s32 $0x45C3, v38;
	v0 =	vmovc v3;
	v3 =	vmovc v4;
	v1 =	vunpack.i.u.bf16.f32 v63;
	v22 =	vadd.s32 $0x45C3, v36;
	v36 =	vld.idx.msk [tilespmem:v49+s22+$0x0], $0xffff;
	[tilespmem:s17+$0xFBD0] =	vst v39  }
0x18d: {  	p1 =	por !p1, !p1;
	v4 =	vmovc v5;
	v20 =	vor.u32 v6, v53;
	[tilespmem:s21+$0x2850] =	vst v1;
	v38 =	vunpack.i.u.bf16.f32 v43;
	v39 =	vunpack.i.l.bf16.f32 v43;
	v29 =	vld.idx.msk [tilespmem:v29+s5+$0x0], $0xffff  }
0x18e: {  	[tilespmem:s17+$0xFBE0] =	vst v39  }
0x18f: {  	[tilespmem:s20+$0x3050] =	vst v14  }
0x190: {  	v0 =	vunpack.i.l.bf16.f32 v42;
	[tilespmem:s21+$0x2860] =	vst v38  }
0x191: {  	v9 =	vunpack.i.u.bf16.f32 v42;
	[tilespmem:s17+$0xFB80] =	vst v0  }
0x192: {  	v39 =	vunpack.i.u.bf16.f32 v15;
	[tilespmem:s17+$0x10380] =	vst v9  }
0x193: {  	v1 =	vadd.bf16 v40, v41;
	v40 =	vunpack.i.l.bf16.f32 v16;
	[tilespmem:s20+$0x3860] =	vst v39  }
0x194: {  	v41 =	vadd.bf16 v10, v8;
	v8 =	vunpack.i.l.bf16.f32 v17;
	[tilespmem:s1+$0x10B80] =	vst v40  }
0x195: {  	[tilespmem:s20+$0x3010] =	vst v8;
	v61 =	vunpack.i.l.bf16.f32 v1  }
0x196: {  	v8 =	vadd.bf16 v12, v11;
	v11 =	vunpack.i.l.bf16.f32 v41;
	[tilespmem:s17+$0xFB90] =	vst v61  }
0x197: {  	v1 =	vunpack.i.u.bf16.f32 v1;
	[tilespmem:s20+$0x3020] =	vst v11  }
0x198: {  	v62 =	vld.idx.msk [tilespmem:v32+s22+$0x0], $0xffff;
	v18 =	vadd.bf16 v37, v35;
	v11 =	vunpack.i.l.bf16.f32 v8;
	[tilespmem:s21+$0x2810] =	vst v1  }
0x199: {  	v9 =	vld.idx.msk [tilespmem:v31+s5+$0x0], $0xffff;
	v42 =	vunpack.i.u.bf16.f32 v8;
	[tilespmem:s20+$0x3030] =	vst v11  }
0x19a: {  	v13 =	vld.idx.msk [tilespmem:v33+s22+$0x0], $0xffff;
	v31 =	vunpack.i.l.bf16.f32 v18;
	[tilespmem:s20+$0x3830] =	vst v42  }
0x19b: {  	v63 =	vadd.bf16 v36, v34;
	v1 =	vunpack.i.u.bf16.f32 v41;
	[tilespmem:s17+$0xFBA0] =	vst v31  }
0x19c: {  	v35 =	vunpack.i.u.bf16.f32 v18;
	[tilespmem:s20+$0x3820] =	vst v1  }
0x19d: {  	v18 =	vunpack.i.l.bf16.f32 v63;
	[tilespmem:s21+$0x2820] =	vst v35  }
0x19e: {  	[tilespmem:s17+$0xFBB0] =	vst v18;
	v0 =	vadd.bf16 v62, v9;
	v9 =	vunpack.i.l.bf16.f32 v15  }
0x19f: {  	v10 =	vld.idx.msk [tilespmem:v27+s22+$0x0], $0xffff;
	v13 =	vadd.bf16 v13, v29;
	[tilespmem:s20+$0x3060] =	vst v9;
	v9 =	vunpack.i.l.bf16.f32 v19  }
0x1a0: {  	v36 =	vunpack.i.u.bf16.f32 v63;
	[tilespmem:s21+$0x3070] =	vst v9;
	v9 =	vld.idx.msk [tilespmem:v30+s5+$0x0], $0xffff  }
0x1a1: {  	v14 =	vld.idx.msk [tilespmem:v28+s5+$0x0], $0xffff;
	v18 =	vunpack.i.l.bf16.f32 v13;
	[tilespmem:s21+$0x2830] =	vst v36  }
0x1a2: {  	v12 =	vld.idx.msk [tilespmem:v25+s22+$0x0], $0xffff;
	v37 =	vunpack.i.u.bf16.f32 v13;
	v13 =	vunpack.i.u.bf16.f32 v16;
	[tilespmem:s21+$0x3040] =	vst v18  }
0x1a3: {  	v15 =	vld.idx.msk [tilespmem:v26+s22+$0x0], $0xffff;
	[tilespmem:s1+$0x11380] =	vst v13;
	v13 =	vunpack.i.u.bf16.f32 v17  }
0x1a4: {  	[tilespmem:s20+$0x3810] =	vst v13;
	v13 =	vld.idx.msk [tilespmem:v23+s5+$0x0], $0xffff  }
0x1a5: {  	v8 =	vld.idx.msk [tilespmem:v24+s5+$0x0], $0xffff;
	[tilespmem:s21+$0x3840] =	vst v37;
	v38 =	vunpack.i.u.bf16.f32 v0;
	v9 =	vadd.bf16 v10, v9  }
0x1a6: {  	v0 =	vunpack.i.l.bf16.f32 v0;
	[tilespmem:s21+$0x3850] =	vst v38;
	v10 =	vld.idx.msk [tilespmem:v21+s22+$0x0], $0xffff  }
0x1a7: {  	v11 =	vadd.bf16 v12, v14;
	[tilespmem:s21+$0x3050] =	vst v0;
	v12 =	vunpack.i.l.bf16.f32 v9  }
0x1a8: {  	v9 =	vunpack.i.u.bf16.f32 v9;
	[tilespmem:s21+$0x3060] =	vst v12  }
0x1a9: {  	v43 =	vld.idx.msk [tilespmem:v22+s5+$0x0], $0xffff;
	v12 =	vadd.bf16 v15, v13;
	v13 =	vunpack.i.l.bf16.f32 v11;
	[tilespmem:s21+$0x3860] =	vst v9  }
0x1aa: {  	v44 =	vld.idx.msk [tilespmem:v20+s22+$0x0], $0xffff;
	v9 =	vunpack.i.u.bf16.f32 v11;
	[tilespmem:s17+$0x10B80] =	vst v13  }
0x1ab: {  	[tilespmem:s17+$0x11380] =	vst v9;
	v8 =	vadd.bf16 v10, v8;
	v10 =	vunpack.i.l.bf16.f32 v12  }
0x1ac: {  	v9 =	vunpack.i.u.bf16.f32 v12;
	[tilespmem:s21+$0x3010] =	vst v10  }
0x1ad: {  	[tilespmem:s21+$0x3810] =	vst v9;
	v45 =	vunpack.i.l.bf16.f32 v8  }
0x1ae: {  	v8 =	vunpack.i.u.bf16.f32 v8;
	[tilespmem:s21+$0x3020] =	vst v45  }
0x1af: {  	v0 =	vadd.bf16 v44, v43;
	[tilespmem:s21+$0x3820] =	vst v8  }
0x1b0: {  	s1 =	rddreg [dreg:$0x8]  }
0x1b1: {  	v46 =	vunpack.i.l.bf16.f32 v0;
	s1 =	sadd.s32 s1, s2  }
0x1b2: {  	s20 =	rddreg [dreg:$0x2];
	v0 =	vunpack.i.u.bf16.f32 v0;
	[tilespmem:s21+$0x3030] =	vst v46;
	s2 =	sshrl.u32 s1, $0x3  }
0x1b3: {  	s3 =	simm.s32 $0xDB80;
	[tilespmem:s21+$0x3830] =	vst v0;
	s1 =	sadd.s32 s20, s2  }
0x1b4: {  	[hbm4b:s1+s18] =	stream.strided.scatter [tilespmem:s3], [sflag:$0x3], $0x4000, s19, s18, $0x38;
	[tilespmem:$0x15B80] =	vst v63  }
0x1b5: {  	p1 =	por $0x0, $0x0;
	s1 =	simm.s32 $0x1  }
0x1b6: {  	s3 =	simm.s32 @!p0 $0x4;
	s1 =	simm.s32 @!p1 $0x0  }
0x1b7: {  	_ =	swait.ge @!p0 [sflag:s3], $0x4000;
	s1 =	sshll.u32 s1, $0xA  }
0x1b8: {  	[sflag:s3] =	ssyncset.done @!p0 $0x0;
	s6 =	sadd.s32 $0x0, s1  }
0x1b9: {  	[sflag:s3] =	ssyncadd.s32 @!p0 $0xFFFFC000;
	s15 =	sor.u32 $0x70, s6  }
0x1ba: {  	s1 =	sor.u32 $0x870, s6;
	v47 =	vld [tilespmem:s15+$0xAB80]  }
0x1bb: {  	s14 =	sor.u32 $0x1070, s6;
	v48 =	vld [tilespmem:s1+$0xAB80]  }
0x1bc: {  	s12 =	sor.u32 $0x40, s6;
	v8 =	vld [tilespmem:s14+$0xAB80]  }
0x1bd: {  	s10 =	sor.u32 $0x840, s6;
	v10 =	vld [tilespmem:s12+$0xAB80]  }
0x1be: {  	s21 =	sor.u32 $0x1040, s6;
	v11 =	vld [tilespmem:s10+$0xAB80]  }
0x1bf: {  	v2 =	vlaneseq.u32;
	s7 =	sor.u32 $0x50, s6;
	v12 =	vld [tilespmem:s21+$0xAB80]  }
0x1c0: {  	v6 =	vor.u32 $0xFC0, v2;
	s8 =	sor.u32 $0x850, s6;
	v13 =	vld [tilespmem:s7+$0xAB80]  }
0x1c1: {  	v7 =	vor.u32 $0x40, v2;
	s4 =	sor.u32 $0x1050, s6;
	v14 =	vld [tilespmem:s8+$0xAB80];
	vm0 =	vgt.s32 v47, $0xFFFFFFE1;
	vm1 =	vgt.s32 v48, $0xFFFFFFE1  }
0x1c2: {  	s11 =	sor.u32 $0x60, s6;
	v15 =	vld [tilespmem:s4+$0xAB80];
	vm10 =	vgt.s32 v8, $0xFFFFFFE1;
	v0 =	vnsel vm0, $0xFFFFFFE1, v47;
	v1 =	vnsel vm1, $0xFFFFFFE1, v48  }
0x1c3: {  	s13 =	sor.u32 $0x860, s6;
	v16 =	vld [tilespmem:s11+$0xAB80];
	v8 =	vnsel vm10, $0xFFFFFFE1, v8;
	vm11 =	vlt.s32 v0, $0x1F;
	vm2 =	vlt.s32 v1, $0x1F  }
0x1c4: {  	s6 =	sor.u32 $0x1060, s6;
	v17 =	vld [tilespmem:s13+$0xAB80];
	vm0 =	vlt.s32 v8, $0x1F;
	v0 =	vnsel vm11, $0x1F, v0;
	v1 =	vnsel vm2, $0x1F, v1  }
0x1c5: {  	v19 =	vld [tilespmem:s6+$0xAB80];
	v9 =	vnsel vm0, $0x1F, v8;
	v0 =	vmul.u32 $0x237, v0;
	v1 =	vmul.u32 $0x9, v1  }
0x1c6: {  	vm12 =	vgt.s32 v10, $0xFFFFFFE1;
	vm13 =	vgt.s32 v11, $0xFFFFFFE1;
	v20 =	vshll.u32 v9, $0x7  }
0x1c7: {  	vm14 =	vgt.s32 v12, $0xFFFFFFE1;
	v49 =	vadd.s32 v6, v20;
	v18 =	vadd.s32 v0, v1  }
0x1c8: {  	vm3 =	vgt.s32 v13, $0xFFFFFFE1;
	v0 =	vand.u32 $0xFFFFFF80, v49;
	v1 =	vadd.s32 $0x45C4, v18  }
0x1c9: {  	vm4 =	vgt.s32 v14, $0xFFFFFFE1;
	vm5 =	vgt.s32 v15, $0xFFFFFFE1;
	v0 =	vor.u32 v7, v0  }
0x1ca: {  	vm6 =	vgt.s32 v16, $0xFFFFFFE1;
	vm15 =	vgt.s32 v17, $0xFFFFFFE1;
	vm7 =	vgt.s32 v19, $0xFFFFFFE1  }
0x1cb: {  	v10 =	vnsel vm12, $0xFFFFFFE1, v10;
	v11 =	vnsel vm13, $0xFFFFFFE1, v11;
	v12 =	vnsel vm14, $0xFFFFFFE1, v12  }
0x1cc: {  	v13 =	vnsel vm3, $0xFFFFFFE1, v13;
	v14 =	vnsel vm4, $0xFFFFFFE1, v14;
	v15 =	vnsel vm5, $0xFFFFFFE1, v15  }
0x1cd: {  	v16 =	vnsel vm6, $0xFFFFFFE1, v16;
	v17 =	vnsel vm15, $0xFFFFFFE1, v17;
	v19 =	vnsel vm7, $0xFFFFFFE1, v19;
	v1 =	vld.idx.msk [tilespmem:v1+s5+$0x0], $0xffff  }
0x1ce: {  	vm9 =	vlt.s32 v10, $0x1F;
	vm10 =	vlt.s32 v11, $0x1F;
	vm3 =	vlt.s32 v13, $0x1F;
	v0 =	vld.idx.msk [tilespmem:v0+s22+$0x0], $0xffff  }
0x1cf: {  	vm4 =	vlt.s32 v14, $0x1F;
	vm5 =	vlt.s32 v15, $0x1F;
	vm6 =	vlt.s32 v16, $0x1F  }
0x1d0: {  	vm7 =	vlt.s32 v19, $0x1F;
	vm2 =	vlt.s32 v12, $0x1F;
	v21 =	vnsel vm9, $0x1F, v10  }
0x1d1: {  	vm11 =	vlt.s32 v17, $0x1F;
	v8 =	vor.u32 $0xFD0, v2;
	v22 =	vnsel vm10, $0x1F, v11  }
0x1d2: {  	v13 =	vnsel vm3, $0x1F, v13;
	v9 =	vor.u32 $0x50, v2;
	v23 =	vadd.s32 v8, v20  }
0x1d3: {  	v23 =	vand.u32 $0xFFFFFF80, v23;
	v50 =	vadd.s32 $0x45C5, v18;
	v0 =	vadd.bf16 v0, v1  }
0x1d4: {  	v14 =	vnsel vm4, $0x1F, v14;
	v15 =	vnsel vm5, $0x1F, v15;
	v23 =	vor.u32 v9, v23  }
0x1d5: {  	v16 =	vnsel vm6, $0x1F, v16;
	v19 =	vnsel vm7, $0x1F, v19;
	v24 =	vunpack.i.l.bf16.f32 v0  }
0x1d6: {  	v10 =	vor.u32 $0xFE0, v2;
	v12 =	vnsel vm2, $0x1F, v12;
	v0 =	vunpack.i.u.bf16.f32 v0;
	[tilespmem:s15+$0x11B80] =	vst v24  }
0x1d7: {  	s23 =	simm.s32 $0x0;
	v11 =	vor.u32 $0x60, v2;
	v25 =	vmul.u32 $0x237, v21;
	v21 =	vshll.u32 v12, $0x7;
	[tilespmem:s1+$0x11B80] =	vst v0  }
0x1d8: {  	s24 =	sand.u32 $0x400, s23;
	v17 =	vnsel vm11, $0x1F, v17;
	v51 =	vmul.u32 $0x9, v14;
	v14 =	vadd.s32 v6, v21;
	s1 =	sand.u32 $0x380, s23;
	v1 =	vld.idx.msk [tilespmem:v50+s5+$0x0], $0xffff  }
0x1d9: {  	v19 =	vshll.u32 v19, $0x7;
	v12 =	vmul.u32 $0x237, v13;
	v14 =	vand.u32 $0xFFFFFF80, v14;
	v26 =	vld.idx.msk [tilespmem:v23+s22+$0x0], $0xffff;
	s1 =	sor.u32 s1, s24  }
0x1da: {  	v13 =	vmul.u32 $0x237, v16;
	v40 =	vor.u32 v7, v14;
	v14 =	vadd.s32 v10, v20;
	v53 =	vld [tilespmem:s1+$0xAB80]  }
0x1db: {  	v27 =	vadd.s32 $0x45C6, v18;
	v18 =	vadd.s32 $0x45C7, v18;
	v14 =	vand.u32 $0xFFFFFF80, v14;
	v54 =	vld [tilespmem:s1+$0xB380]  }
0x1dc: {  	v14 =	vor.u32 v11, v14;
	v24 =	vmul.u32 $0x9, v22;
	v22 =	vshll.u32 v15, $0x7;
	v57 =	vld [tilespmem:s1+$0xBB80]  }
0x1dd: {  	v15 =	vmul.u32 $0x9, v17;
	v17 =	vadd.s32 v12, v51;
	v12 =	vor.u32 $0xFF0, v2;
	v58 =	vld [tilespmem:s1+$0xAB90]  }
0x1de: {  	v16 =	vadd.s32 v6, v22;
	v29 =	vadd.s32 v8, v22;
	v35 =	vadd.s32 $0x45C5, v17;
	v43 =	vld [tilespmem:s1+$0xB390]  }
0x1df: {  	v20 =	vadd.s32 v12, v20;
	v23 =	vadd.s32 v25, v24;
	v24 =	vadd.s32 v6, v19;
	v44 =	vld [tilespmem:s1+$0xBB90]  }
0x1e0: {  	v52 =	vand.u32 $0xFFFFFF80, v16;
	v16 =	vadd.s32 v13, v15;
	v29 =	vand.u32 $0xFFFFFF80, v29;
	v45 =	vld [tilespmem:s1+$0xABA0]  }
0x1e1: {  	v13 =	vor.u32 $0x70, v2;
	v20 =	vand.u32 $0xFFFFFF80, v20;
	v25 =	vadd.s32 $0x45C4, v23;
	v46 =	vld [tilespmem:s1+$0xB3A0]  }
0x1e2: {  	v15 =	vand.u32 $0xFFFFFF80, v24;
	v24 =	vadd.s32 $0x45C4, v17;
	v0 =	vor.u32 v7, v52;
	v59 =	vld [tilespmem:s1+$0xBBA0]  }
0x1e3: {  	v41 =	vadd.s32 $0x45C4, v16;
	v39 =	vadd.s32 $0x45C5, v23;
	v33 =	vor.u32 v9, v29;
	v47 =	vld [tilespmem:s1+$0xABB0]  }
0x1e4: {  	v1 =	vadd.bf16 v26, v1;
	v26 =	vor.u32 v7, v15;
	v15 =	vadd.s32 v8, v21  }
0x1e5: {  	v20 =	vor.u32 v13, v20;
	v15 =	vand.u32 $0xFFFFFF80, v15;
	vm12 =	vgt.s32 v53, $0xFFFFFFE1  }
0x1e6: {  	vm13 =	vgt.s32 v54, $0xFFFFFFE1;
	vm14 =	vgt.s32 v57, $0xFFFFFFE1;
	vm15 =	vgt.s32 v58, $0xFFFFFFE1  }
0x1e7: {  	vm6 =	vgt.s32 v43, $0xFFFFFFE1;
	vm7 =	vgt.s32 v44, $0xFFFFFFE1;
	vm8 =	vgt.s32 v45, $0xFFFFFFE1  }
0x1e8: {  	v49 =	vld [tilespmem:s1+$0xB3B0];
	vm9 =	vgt.s32 v46, $0xFFFFFFE1;
	vm10 =	vgt.s32 v59, $0xFFFFFFE1;
	vm11 =	vgt.s32 v47, $0xFFFFFFE1  }
0x1e9: {  	v28 =	vunpack.i.l.bf16.f32 v1;
	v1 =	vunpack.i.u.bf16.f32 v1;
	v37 =	vor.u32 v9, v15  }
0x1ea: {  	v15 =	vadd.s32 v10, v21;
	v34 =	vnsel vm12, $0xFFFFFFE1, v53;
	v36 =	vnsel vm13, $0xFFFFFFE1, v54  }
0x1eb: {  	v42 =	vnsel vm15, $0xFFFFFFE1, v58;
	v43 =	vnsel vm6, $0xFFFFFFE1, v43;
	v44 =	vnsel vm7, $0xFFFFFFE1, v44  }
0x1ec: {  	v61 =	vnsel vm9, $0xFFFFFFE1, v46;
	v38 =	vnsel vm10, $0xFFFFFFE1, v59;
	v62 =	vnsel vm11, $0xFFFFFFE1, v47  }
0x1ed: {  	vm12 =	vgt.s32 v49, $0xFFFFFFE1;
	v21 =	vadd.s32 v12, v21;
	[tilespmem:s14+$0x11B80] =	vst v28;
	v28 =	vadd.s32 v8, v19  }
0x1ee: {  	v60 =	vld [tilespmem:s1+$0xBBB0];
	v30 =	vand.u32 $0xFFFFFF80, v15;
	v15 =	vadd.s32 v10, v19;
	vm0 =	vlt.s32 v34, $0x1F  }
0x1ef: {  	s20 =	sadd.s32 $0x11B80, s1;
	vm1 =	vlt.s32 v36, $0x1F;
	vm4 =	vlt.s32 v42, $0x1F;
	vm5 =	vlt.s32 v43, $0x1F  }
0x1f0: {  	vm6 =	vlt.s32 v44, $0x1F;
	v63 =	vnsel vm12, $0xFFFFFFE1, v49;
	vm9 =	vlt.s32 v38, $0x1F;
	[tilespmem:s20+$0x1870] =	vst v1  }
0x1f1: {  	vm15 =	vlt.s32 v62, $0x1F;
	v19 =	vadd.s32 v12, v19;
	v21 =	vand.u32 $0xFFFFFF80, v21;
	v27 =	vld.idx.msk [tilespmem:v27+s5+$0x0], $0xffff  }
0x1f2: {  	v55 =	vand.u32 $0xFFFFFF80, v28;
	v28 =	vand.u32 $0xFFFFFF80, v15;
	v1 =	vnsel vm14, $0xFFFFFFE1, v57;
	v56 =	vld.idx.msk [tilespmem:v14+s22+$0x0], $0xffff  }
0x1f3: {  	vm14 =	vgt.s32 v60, $0xFFFFFFE1;
	vm10 =	vlt.s32 v63, $0x1F;
	v34 =	vnsel vm0, $0x1F, v34  }
0x1f4: {  	v36 =	vnsel vm1, $0x1F, v36;
	v52 =	vnsel vm5, $0x1F, v43;
	v53 =	vnsel vm6, $0x1F, v44  }
0x1f5: {  	v46 =	vnsel vm15, $0x1F, v62;
	v30 =	vor.u32 v11, v30;
	v21 =	vor.u32 v13, v21  }
0x1f6: {  	v31 =	vor.u32 v9, v55;
	v14 =	vadd.s32 v10, v22;
	vm3 =	vlt.s32 v1, $0x1F  }
0x1f7: {  	v55 =	vnsel vm9, $0x1F, v38;
	v50 =	vmul.u32 $0x9, v36;
	v27 =	vadd.bf16 v56, v27  }
0x1f8: {  	v36 =	vshll.u32 v53, $0x7;
	v28 =	vor.u32 v11, v28;
	v1 =	vnsel vm3, $0x1F, v1  }
0x1f9: {  	v22 =	vadd.s32 v12, v22;
	v38 =	vshll.u32 v1, $0x7;
	v48 =	vunpack.i.l.bf16.f32 v27  }
0x1fa: {  	v44 =	vld.idx.msk [tilespmem:v25+s5+$0x0], $0xffff;
	v29 =	vand.u32 $0xFFFFFF80, v14;
	v25 =	vadd.s32 v6, v38;
	v27 =	vunpack.i.u.bf16.f32 v27;
	[tilespmem:s20+$0x2070] =	vst v48  }
0x1fb: {  	v56 =	vmul.u32 $0x237, v34;
	v34 =	vshll.u32 v55, $0x7;
	[tilespmem:s20+$0x2870] =	vst v27;
	v27 =	vnsel vm8, $0xFFFFFFE1, v45  }
0x1fc: {  	vm8 =	vlt.s32 v61, $0x1F;
	v48 =	vnsel vm14, $0xFFFFFFE1, v60;
	v60 =	vand.u32 $0xFFFFFF80, v25;
	v18 =	vld.idx.msk [tilespmem:v18+s5+$0x0], $0xffff  }
0x1fd: {  	v20 =	vld.idx.msk [tilespmem:v20+s22+$0x0], $0xffff;
	vm13 =	vlt.s32 v27, $0x1F;
	vm11 =	vlt.s32 v48, $0x1F;
	v54 =	vnsel vm8, $0x1F, v61  }
0x1fe: {  	v45 =	vld.idx.msk [tilespmem:v40+s22+$0x0], $0xffff;
	v61 =	vor.u32 v7, v60;
	v27 =	vnsel vm13, $0x1F, v27;
	v59 =	vmul.u32 $0x9, v54  }
0x1ff: {  	v58 =	vmul.u32 $0x237, v27;
	v27 =	vadd.s32 v56, v50;
	v50 =	vld.idx.msk [tilespmem:v24+s5+$0x0], $0xffff;
	v24 =	vadd.s32 v6, v36  }
0x200: {  	v51 =	vadd.s32 v6, v34;
	v48 =	vnsel vm11, $0x1F, v48;
	v62 =	vand.u32 $0xFFFFFF80, v24  }
0x201: {  	v49 =	vadd.s32 $0x45C4, v27;
	v24 =	vadd.s32 v58, v59;
	v56 =	vor.u32 v7, v62  }
0x202: {  	v0 =	vld.idx.msk [tilespmem:v0+s22+$0x0], $0xffff;
	v58 =	vand.u32 $0xFFFFFF80, v51;
	v18 =	vadd.bf16 v20, v18;
	v20 =	vnsel vm4, $0x1F, v42  }
0x203: {  	v41 =	vld.idx.msk [tilespmem:v41+s5+$0x0], $0xffff;
	v44 =	vadd.bf16 v45, v44;
	v57 =	vmul.u32 $0x237, v20;
	v20 =	vmul.u32 $0x9, v52  }
0x204: {  	v40 =	vshll.u32 v48, $0x7;
	v59 =	vadd.s32 $0x45C4, v24;
	v60 =	vor.u32 v7, v58;
	v1 =	vld.idx.msk [tilespmem:v61+s22+$0x0], $0xffff  }
0x205: {  	v55 =	vunpack.i.u.bf16.f32 v44;
	v44 =	vunpack.i.l.bf16.f32 v44;
	v25 =	vadd.s32 v57, v20;
	v57 =	vld.idx.msk [tilespmem:v26+s22+$0x0], $0xffff  }
0x206: {  	v47 =	vnsel vm10, $0x1F, v63;
	v29 =	vor.u32 v11, v29;
	v54 =	vadd.s32 v8, v40;
	[tilespmem:s12+$0x11B80] =	vst v44;
	v48 =	vld.idx.msk [tilespmem:v49+s5+$0x0], $0xffff  }
0x207: {  	v46 =	vmul.u32 $0x237, v46;
	v61 =	vadd.s32 v8, v38;
	v0 =	vadd.bf16 v0, v50;
	[tilespmem:s10+$0x11B80] =	vst v55;
	v42 =	vld.idx.msk [tilespmem:v56+s22+$0x0], $0xffff  }
0x208: {  	v52 =	vadd.s32 v6, v40;
	v20 =	vmul.u32 $0x9, v47;
	v63 =	vadd.s32 $0x45C4, v25;
	v37 =	vld.idx.msk [tilespmem:v37+s22+$0x0], $0xffff  }
0x209: {  	v52 =	vand.u32 $0xFFFFFF80, v52;
	v56 =	vunpack.i.u.bf16.f32 v0;
	v0 =	vunpack.i.l.bf16.f32 v0;
	v51 =	vld.idx.msk [tilespmem:v59+s5+$0x0], $0xffff  }
0x20a: {  	v32 =	vadd.s32 $0x45C5, v16;
	v52 =	vor.u32 v7, v52;
	v26 =	vadd.s32 v46, v20;
	v46 =	vld.idx.msk [tilespmem:v60+s22+$0x0], $0xffff;
	[tilespmem:s7+$0x11B80] =	vst v0  }
0x20b: {  	v47 =	vand.u32 $0xFFFFFF80, v61;
	v0 =	vld.idx.msk [tilespmem:v39+s5+$0x0], $0xffff;
	v53 =	vadd.s32 $0x45C4, v26;
	[tilespmem:s8+$0x11B80] =	vst v56;
	v41 =	vadd.bf16 v57, v41  }
0x20c: {  	v61 =	vadd.s32 $0x45C5, v27;
	v47 =	vor.u32 v9, v47;
	v35 =	vld.idx.msk [tilespmem:v35+s5+$0x0], $0xffff;
	v1 =	vadd.bf16 v1, v48  }
0x20d: {  	v45 =	vld.idx.msk [tilespmem:v63+s5+$0x0], $0xffff;
	v63 =	vadd.s32 v8, v34;
	v60 =	vunpack.i.u.bf16.f32 v41;
	v41 =	vunpack.i.l.bf16.f32 v41  }
0x20e: {  	v62 =	vadd.s32 v8, v36;
	v33 =	vld.idx.msk [tilespmem:v33+s22+$0x0], $0xffff;
	v43 =	vand.u32 $0xFFFFFF80, v63;
	v63 =	vunpack.i.l.bf16.f32 v1;
	[tilespmem:s11+$0x11B80] =	vst v41  }
0x20f: {  	v58 =	vadd.s32 v10, v36;
	v52 =	vld.idx.msk [tilespmem:v52+s22+$0x0], $0xffff;
	v1 =	vunpack.i.u.bf16.f32 v1;
	v46 =	vadd.bf16 v46, v51;
	[tilespmem:s1+$0x11B80] =	vst v63  }
0x210: {  	v50 =	vand.u32 $0xFFFFFF80, v62;
	v62 =	vadd.s32 v10, v38;
	v0 =	vadd.bf16 v37, v0;
	v53 =	vld.idx.msk [tilespmem:v53+s5+$0x0], $0xffff;
	[tilespmem:s1+$0x12380] =	vst v1  }
0x211: {  	v57 =	vand.u32 $0xFFFFFF80, v62;
	v43 =	vor.u32 v9, v43;
	[tilespmem:s13+$0x11B80] =	vst v60;
	v1 =	vld.idx.msk [tilespmem:v61+s5+$0x0], $0xffff;
	v62 =	vunpack.i.l.bf16.f32 v46  }
0x212: {  	v44 =	vand.u32 $0xFFFFFF80, v58;
	v49 =	vadd.s32 $0x45C6, v23;
	v47 =	vld.idx.msk [tilespmem:v47+s22+$0x0], $0xffff;
	v56 =	vunpack.i.l.bf16.f32 v0;
	[tilespmem:s1+$0x11BA0] =	vst v62  }
0x213: {  	v48 =	vadd.s32 $0x45C5, v24;
	v33 =	vadd.bf16 v33, v35;
	v0 =	vunpack.i.u.bf16.f32 v0;
	v32 =	vld.idx.msk [tilespmem:v32+s5+$0x0], $0xffff;
	[tilespmem:s21+$0x11B80] =	vst v56  }
0x214: {  	v50 =	vor.u32 v9, v50;
	v46 =	vunpack.i.u.bf16.f32 v46;
	v31 =	vld.idx.msk [tilespmem:v31+s22+$0x0], $0xffff;
	v42 =	vadd.bf16 v42, v45;
	[tilespmem:s20+$0x1840] =	vst v0  }
0x215: {  	v39 =	vadd.s32 $0x45C5, v25;
	v61 =	vadd.s32 v10, v40;
	[tilespmem:s1+$0x123A0] =	vst v46;
	v58 =	vunpack.i.l.bf16.f32 v33;
	v30 =	vld.idx.msk [tilespmem:v30+s22+$0x0], $0xffff  }
0x216: {  	v46 =	vadd.s32 $0x45C6, v17;
	v33 =	vunpack.i.u.bf16.f32 v33;
	[tilespmem:s4+$0x11B80] =	vst v58;
	v59 =	vunpack.i.l.bf16.f32 v42;
	v35 =	vld.idx.msk [tilespmem:v43+s22+$0x0], $0xffff  }
0x217: {  	v42 =	vunpack.i.u.bf16.f32 v42;
	v52 =	vadd.bf16 v52, v53;
	v53 =	vand.u32 $0xFFFFFF80, v61;
	v61 =	vld.idx.msk [tilespmem:v49+s5+$0x0], $0xffff;
	[tilespmem:s20+$0x1850] =	vst v33  }
0x218: {  	v22 =	vand.u32 $0xFFFFFF80, v22;
	v54 =	vand.u32 $0xFFFFFF80, v54;
	v41 =	vadd.s32 $0x45C5, v26;
	[tilespmem:s1+$0x12390] =	vst v42;
	v42 =	vld.idx.msk [tilespmem:v48+s5+$0x0], $0xffff  }
0x219: {  	v19 =	vand.u32 $0xFFFFFF80, v19;
	v22 =	vor.u32 v13, v22;
	v45 =	vor.u32 v9, v54;
	[tilespmem:s1+$0x11B90] =	vst v59;
	v29 =	vld.idx.msk [tilespmem:v29+s22+$0x0], $0xffff  }
0x21a: {  	v43 =	vadd.s32 $0x45C6, v27;
	v1 =	vadd.bf16 v47, v1;
	v39 =	vld.idx.msk [tilespmem:v39+s5+$0x0], $0xffff;
	v63 =	vunpack.i.l.bf16.f32 v52  }
0x21b: {  	p0 =	por !p1, !p1;
	s3 =	simm.s32 $0x1;
	v3 =	vadd.s32 $0x45C7, v27;
	v36 =	vadd.s32 v12, v36;
	v37 =	vld.idx.msk [tilespmem:v50+s22+$0x0], $0xffff;
	v55 =	vunpack.i.u.bf16.f32 v52;
	[tilespmem:s1+$0x11BB0] =	vst v63  }
0x21c: {  	s3 =	simm.s32 @!p0 $0x0;
	v36 =	vand.u32 $0xFFFFFF80, v36;
	v2 =	vunpack.i.u.bf16.f32 v18;
	v54 =	vld.idx.msk [tilespmem:v46+s5+$0x0], $0xffff;
	[tilespmem:s1+$0x123B0] =	vst v55;
	v55 =	vunpack.i.l.bf16.f32 v1  }
0x21d: {  	s3 =	sshll.u32 s3, $0xA;
	v48 =	vadd.s32 $0x45C6, v16;
	v31 =	vadd.bf16 v31, v32;
	v1 =	vunpack.i.u.bf16.f32 v1;
	v41 =	vld.idx.msk [tilespmem:v41+s5+$0x0], $0xffff;
	[tilespmem:s1+$0x12B80] =	vst v55  }
0x21e: {  	s16 =	sadd.s32 $0x40, s3;
	v38 =	vadd.s32 v12, v38;
	v44 =	vor.u32 v11, v44;
	v23 =	vadd.s32 $0x45C7, v23;
	v59 =	vld.idx.msk [tilespmem:v45+s22+$0x0], $0xffff;
	[tilespmem:s1+$0x13380] =	vst v1  }
0x21f: {  	v15 =	vadd.s32 $0x45C7, v26;
	v57 =	vor.u32 v11, v57;
	s21 =	sor.u32 $0x870, s16;
	v62 =	vunpack.i.l.bf16.f32 v31;
	v1 =	vld.idx.msk [tilespmem:v43+s5+$0x0], $0xffff  }
0x220: {  	s15 =	sor.u32 $0x1070, s16;
	v60 =	vadd.s32 v10, v34;
	v31 =	vunpack.i.u.bf16.f32 v31;
	[tilespmem:s6+$0x11B80] =	vst v62;
	v0 =	vadd.bf16 v30, v61;
	v30 =	vld [tilespmem:s21+$0xAB80]  }
0x221: {  	v34 =	vadd.s32 v12, v34;
	v51 =	vand.u32 $0xFFFFFF80, v60;
	v49 =	vadd.s32 $0x45C6, v24;
	v61 =	vld [tilespmem:s15+$0xAB80];
	[tilespmem:s20+$0x1860] =	vst v31  }
0x222: {  	v35 =	vadd.bf16 v35, v42;
	v31 =	vld.idx.msk [tilespmem:v48+s5+$0x0], $0xffff;
	v62 =	vunpack.i.u.bf16.f32 v0;
	v0 =	vunpack.i.l.bf16.f32 v0  }
0x223: {  	v60 =	vadd.s32 $0x45C6, v25;
	v34 =	vand.u32 $0xFFFFFF80, v34;
	v63 =	vor.u32 v11, v51;
	v28 =	vld.idx.msk [tilespmem:v28+s22+$0x0], $0xffff;
	[tilespmem:s20+$0x2040] =	vst v0  }
0x224: {  	s17 =	sor.u32 $0x70, s16;
	v37 =	vadd.bf16 v37, v39;
	v39 =	vld.idx.msk [tilespmem:v57+s22+$0x0], $0xffff;
	v42 =	vunpack.i.u.bf16.f32 v35;
	v35 =	vunpack.i.l.bf16.f32 v35;
	[tilespmem:s20+$0x2840] =	vst v62  }
0x225: {  	v17 =	vadd.s32 $0x45C7, v17;
	v14 =	vor.u32 v13, v34;
	v32 =	vadd.bf16 v59, v41;
	v59 =	vld [tilespmem:s17+$0xAB80];
	[tilespmem:s1+$0x12BA0] =	vst v35  }
0x226: {  	v58 =	vadd.s32 v12, v40;
	v29 =	vadd.bf16 v29, v54;
	v56 =	vunpack.i.l.bf16.f32 v37;
	v0 =	vld.idx.msk [tilespmem:v21+s22+$0x0], $0xffff;
	[tilespmem:s20+$0x1820] =	vst v42  }
0x227: {  	v16 =	vadd.s32 $0x45C7, v16;
	v50 =	vadd.s32 $0x45C6, v26;
	v37 =	vunpack.i.u.bf16.f32 v37;
	[tilespmem:s1+$0x12B90] =	vst v56;
	v33 =	vld.idx.msk [tilespmem:v49+s5+$0x0], $0xffff  }
0x228: {  	v46 =	vor.u32 v11, v53;
	v57 =	vand.u32 $0xFFFFFF80, v38;
	v54 =	vunpack.i.u.bf16.f32 v29;
	[tilespmem:s20+$0x1810] =	vst v37;
	v63 =	vld.idx.msk [tilespmem:v63+s22+$0x0], $0xffff  }
0x229: {  	vm8 =	vgt.s32 v30, $0xFFFFFFE1;
	[tilespmem:s20+$0x2850] =	vst v54;
	v52 =	vld.idx.msk [tilespmem:v60+s5+$0x0], $0xffff;
	v60 =	vunpack.i.u.bf16.f32 v32;
	v32 =	vunpack.i.l.bf16.f32 v32  }
0x22a: {  	v49 =	vld.idx.msk [tilespmem:v23+s5+$0x0], $0xffff;
	v28 =	vadd.bf16 v28, v31;
	v31 =	vor.u32 v13, v19;
	v19 =	vunpack.i.l.bf16.f32 v29;
	[tilespmem:s1+$0x12BB0] =	vst v32  }
0x22b: {  	v38 =	vand.u32 $0xFFFFFF80, v58;
	vm9 =	vgt.s32 v61, $0xFFFFFFE1;
	v23 =	vnsel vm8, $0xFFFFFFE1, v30;
	v53 =	vld.idx.msk [tilespmem:v44+s22+$0x0], $0xffff;
	[tilespmem:s20+$0x2050] =	vst v19  }
0x22c: {  	[tilespmem:s20+$0x1830] =	vst v60;
	v55 =	vunpack.i.u.bf16.f32 v28;
	v28 =	vunpack.i.l.bf16.f32 v28;
	vm7 =	vgt.s32 v59, $0xFFFFFFE1;
	v30 =	vld.idx.msk [tilespmem:v22+s22+$0x0], $0xffff  }
0x22d: {  	v56 =	vor.u32 v13, v57;
	v57 =	vor.u32 v13, v36;
	v29 =	vld.idx.msk [tilespmem:v50+s5+$0x0], $0xffff;
	v19 =	vnsel vm7, $0xFFFFFFE1, v59;
	[tilespmem:s20+$0x2060] =	vst v28  }
0x22e: {  	v21 =	vnsel vm9, $0xFFFFFFE1, v61;
	vm11 =	vlt.s32 v23, $0x1F;
	v32 =	vld.idx.msk [tilespmem:v46+s22+$0x0], $0xffff;
	[tilespmem:s20+$0x2860] =	vst v55;
	vm10 =	vlt.s32 v19, $0x1F  }
0x22f: {  	vm0 =	vlt.s32 v21, $0x1F;
	v28 =	vld.idx.msk [tilespmem:v17+s5+$0x0], $0xffff;
	[tilespmem:$0x1FED0] =	vst v3;
	v17 =	vnsel vm10, $0x1F, v19;
	v19 =	vnsel vm11, $0x1F, v23  }
0x230: {  	v21 =	vnsel vm0, $0x1F, v21;
	v16 =	vld.idx.msk [tilespmem:v16+s5+$0x0], $0xffff;
	[tilespmem:$0x1FEE0] =	vst v56;
	v22 =	vmul.u32 $0x237, v17;
	v23 =	vmul.u32 $0x9, v19  }
0x231: {  	s7 =	sor.u32 $0x40, s16;
	v37 =	vadd.s32 $0x45C7, v25;
	v1 =	vadd.bf16 v39, v1;
	v47 =	vshll.u32 v21, $0x7;
	v27 =	vld.idx.msk [tilespmem:v31+s22+$0x0], $0xffff  }
0x232: {  	s11 =	sor.u32 $0x840, s16;
	v60 =	vadd.s32 $0x45C7, v24;
	v21 =	vadd.s32 v6, v47;
	v25 =	vld [tilespmem:s7+$0xAB80];
	[tilespmem:$0x1FEF0] =	vst v57;
	v48 =	vadd.s32 v22, v23  }
0x233: {  	s3 =	sor.u32 $0x1040, s16;
	v55 =	vor.u32 v13, v38;
	v58 =	vld [tilespmem:s11+$0xAB80];
	[tilespmem:$0x1FF00] =	vst v60;
	v22 =	vand.u32 $0xFFFFFF80, v21;
	v31 =	vadd.s32 $0x45C4, v48  }
0x234: {  	s12 =	sor.u32 $0x50, s16;
	v26 =	vadd.bf16 v63, v33;
	v0 =	vadd.bf16 v0, v49;
	v62 =	vld [tilespmem:s3+$0xAB80];
	v59 =	vor.u32 v7, v22  }
0x235: {  	s13 =	sor.u32 $0x850, s16;
	v44 =	vunpack.i.u.bf16.f32 v1;
	v35 =	vunpack.i.l.bf16.f32 v1;
	v61 =	vadd.bf16 v53, v52;
	v63 =	vld [tilespmem:s12+$0xAB80];
	[tilespmem:$0x1FF10] =	vst v55  }
0x236: {  	s4 =	sor.u32 $0x1050, s16;
	v39 =	vunpack.i.u.bf16.f32 v26;
	v42 =	vunpack.i.l.bf16.f32 v26;
	v36 =	vunpack.i.u.bf16.f32 v0;
	v1 =	vld [tilespmem:s13+$0xAB80]  }
0x237: {  	v40 =	vunpack.i.l.bf16.f32 v0;
	v29 =	vadd.bf16 v32, v29;
	v32 =	vunpack.i.l.bf16.f32 v18;
	v18 =	vld [tilespmem:s4+$0xAB80]  }
0x238: {  	v43 =	vunpack.i.u.bf16.f32 v61;
	v45 =	vunpack.i.l.bf16.f32 v61;
	v26 =	vadd.bf16 v30, v28;
	v31 =	vld.idx.msk [tilespmem:v31+s5+$0x0], $0xffff  }
0x239: {  	v30 =	vadd.s32 $0x45C5, v48;
	v38 =	vunpack.i.u.bf16.f32 v29;
	v41 =	vunpack.i.l.bf16.f32 v29;
	v28 =	vld.idx.msk [tilespmem:v59+s22+$0x0], $0xffff  }
0x23a: {  	v56 =	vunpack.i.u.bf16.f32 v26;
	v57 =	vunpack.i.l.bf16.f32 v26;
	v29 =	vadd.s32 v8, v47  }
0x23b: {  	v16 =	vadd.bf16 v27, v16;
	vm12 =	vgt.s32 v25, $0xFFFFFFE1;
	v29 =	vand.u32 $0xFFFFFF80, v29  }
0x23c: {  	s23 =	sor.u32 $0x60, s16;
	vm1 =	vgt.s32 v58, $0xFFFFFFE1;
	v29 =	vor.u32 v9, v29;
	v25 =	vnsel vm12, $0xFFFFFFE1, v25;
	[tilespmem:$0x1FF30] =	vst v56  }
0x23d: {  	s14 =	sor.u32 $0x860, s16;
	vm13 =	vgt.s32 v62, $0xFFFFFFE1;
	vm14 =	vgt.s32 v63, $0xFFFFFFE1;
	vm15 =	vgt.s32 v1, $0xFFFFFFE1;
	v0 =	vld [tilespmem:s23+$0xAB80];
	[tilespmem:$0x1FF20] =	vst v57  }
0x23e: {  	s6 =	sor.u32 $0x1060, s16;
	vm9 =	vgt.s32 v18, $0xFFFFFFE1;
	v59 =	vadd.s32 v10, v47;
	v26 =	vld [tilespmem:s14+$0xAB80];
	v28 =	vadd.bf16 v28, v31  }
0x23f: {  	v47 =	vadd.s32 v12, v47;
	v1 =	vnsel vm15, $0xFFFFFFE1, v1;
	v18 =	vnsel vm9, $0xFFFFFFE1, v18;
	v27 =	vld [tilespmem:s6+$0xAB80]  }
0x240: {  	v50 =	vand.u32 $0xFFFFFF80, v59;
	v47 =	vand.u32 $0xFFFFFF80, v47;
	v31 =	vunpack.i.l.bf16.f32 v28  }
0x241: {  	vm4 =	vlt.s32 v1, $0x1F;
	vm5 =	vlt.s32 v18, $0x1F;
	v28 =	vunpack.i.u.bf16.f32 v28;
	[tilespmem:s17+$0x11B80] =	vst v31  }
0x242: {  	v50 =	vor.u32 v11, v50;
	v1 =	vnsel vm4, $0x1F, v1;
	v18 =	vnsel vm5, $0x1F, v18;
	[tilespmem:s21+$0x11B80] =	vst v28  }
0x243: {  	v47 =	vor.u32 v13, v47;
	v1 =	vmul.u32 $0x9, v1;
	v46 =	vshll.u32 v18, $0x7;
	v30 =	vld.idx.msk [tilespmem:v30+s5+$0x0], $0xffff  }
0x244: {  	vm10 =	vgt.s32 v0, $0xFFFFFFE1;
	vm11 =	vgt.s32 v26, $0xFFFFFFE1;
	vm12 =	vgt.s32 v27, $0xFFFFFFE1;
	v29 =	vld.idx.msk [tilespmem:v29+s22+$0x0], $0xffff  }
0x245: {  	v0 =	vnsel vm10, $0xFFFFFFE1, v0;
	v31 =	vnsel vm1, $0xFFFFFFE1, v58;
	v58 =	vnsel vm13, $0xFFFFFFE1, v62  }
0x246: {  	vm13 =	vlt.s32 v25, $0x1F;
	v26 =	vnsel vm11, $0xFFFFFFE1, v26;
	v27 =	vnsel vm12, $0xFFFFFFE1, v27  }
0x247: {  	vm6 =	vlt.s32 v0, $0x1F;
	v28 =	vnsel vm14, $0xFFFFFFE1, v63;
	vm14 =	vlt.s32 v31, $0x1F  }
0x248: {  	vm2 =	vlt.s32 v58, $0x1F;
	v25 =	vnsel vm13, $0x1F, v25;
	vm15 =	vlt.s32 v26, $0x1F  }
0x249: {  	s10 =	simm.s32 $0x400;
	s8 =	simm.s32 $0x40;
	vm7 =	vlt.s32 v27, $0x1F;
	v29 =	vadd.bf16 v29, v30;
	v30 =	vadd.s32 $0x45C6, v48  }
0x24a: {  	s24 =	sand.u32 $0x380, s8;
	s16 =	sand.u32 $0x400, s10;
	v0 =	vnsel vm6, $0x1F, v0;
	vm3 =	vlt.s32 v28, $0x1F;
	v31 =	vnsel vm14, $0x1F, v31  }
0x24b: {  	s21 =	sor.u32 s24, s16;
	v49 =	vnsel vm2, $0x1F, v58;
	v26 =	vnsel vm15, $0x1F, v26;
	v60 =	vunpack.i.l.bf16.f32 v29  }
0x24c: {  	s17 =	sadd.s32 $0x11B80, s21;
	v25 =	vmul.u32 $0x237, v25;
	v27 =	vnsel vm7, $0x1F, v27;
	v19 =	vld [tilespmem:s21+$0xAB80];
	v29 =	vunpack.i.u.bf16.f32 v29;
	[tilespmem:s15+$0x11B80] =	vst v60  }
0x24d: {  	v0 =	vmul.u32 $0x237, v0;
	v55 =	vld [tilespmem:s21+$0xB380];
	v28 =	vnsel vm3, $0x1F, v28;
	v31 =	vmul.u32 $0x9, v31;
	[tilespmem:s17+$0x1870] =	vst v29  }
0x24e: {  	v53 =	vshll.u32 v49, $0x7;
	v26 =	vmul.u32 $0x9, v26;
	v5 =	vshll.u32 v27, $0x7;
	v51 =	vld.idx.msk [tilespmem:v30+s5+$0x0], $0xffff  }
0x24f: {  	v61 =	vmul.u32 $0x237, v28;
	v18 =	vadd.s32 v6, v53;
	v62 =	vadd.s32 v6, v5;
	v50 =	vld.idx.msk [tilespmem:v50+s22+$0x0], $0xffff  }
0x250: {  	v56 =	vld [tilespmem:s21+$0xBB80];
	v52 =	vadd.s32 v8, v5;
	v33 =	vadd.s32 v25, v31;
	v25 =	vadd.s32 v6, v46  }
0x251: {  	v20 =	vld [tilespmem:s21+$0xAB90];
	v18 =	vand.u32 $0xFFFFFF80, v18;
	v3 =	vadd.s32 v0, v26;
	v34 =	vand.u32 $0xFFFFFF80, v62  }
0x252: {  	v4 =	vadd.s32 v61, v1;
	v63 =	vand.u32 $0xFFFFFF80, v25;
	v57 =	vadd.s32 $0x45C4, v33  }
0x253: {  	v58 =	vor.u32 v7, v18;
	v34 =	vor.u32 v7, v34;
	v1 =	vadd.s32 v8, v53  }
0x254: {  	v48 =	vadd.s32 $0x45C7, v48;
	v59 =	vadd.s32 $0x45C4, v4;
	v54 =	vadd.bf16 v50, v51  }
0x255: {  	v27 =	vor.u32 v7, v63;
	vm4 =	vgt.s32 v19, $0xFFFFFFE1;
	vm5 =	vgt.s32 v55, $0xFFFFFFE1  }
0x256: {  	v62 =	vld [tilespmem:s21+$0xBB90];
	vm6 =	vgt.s32 v56, $0xFFFFFFE1;
	vm7 =	vgt.s32 v20, $0xFFFFFFE1;
	v50 =	vunpack.i.l.bf16.f32 v54  }
0x257: {  	v19 =	vnsel vm4, $0xFFFFFFE1, v19;
	v55 =	vnsel vm5, $0xFFFFFFE1, v55;
	v49 =	vunpack.i.u.bf16.f32 v54;
	[tilespmem:s17+$0x2070] =	vst v50  }
0x258: {  	v61 =	vld [tilespmem:s21+$0xB390];
	v56 =	vnsel vm6, $0xFFFFFFE1, v56;
	v20 =	vnsel vm7, $0xFFFFFFE1, v20;
	v54 =	vadd.s32 $0x45C5, v33;
	[tilespmem:s17+$0x2870] =	vst v49  }
0x259: {  	v63 =	vld [tilespmem:s21+$0xABA0];
	vm4 =	vlt.s32 v19, $0x1F;
	v51 =	vand.u32 $0xFFFFFF80, v1;
	v1 =	vand.u32 $0xFFFFFF80, v52;
	[tilespmem:$0x1FF40] =	vst v54  }
0x25a: {  	vm5 =	vlt.s32 v55, $0x1F;
	vm6 =	vlt.s32 v56, $0x1F;
	v54 =	vor.u32 v9, v1;
	v21 =	vld.idx.msk [tilespmem:v48+s5+$0x0], $0xffff  }
0x25b: {  	vm7 =	vlt.s32 v20, $0x1F;
	v60 =	vadd.s32 $0x45C4, v3;
	vm9 =	vgt.s32 v62, $0xFFFFFFE1;
	v25 =	vld.idx.msk [tilespmem:v47+s22+$0x0], $0xffff;
	[tilespmem:$0x1FF50] =	vst v54  }
0x25c: {  	v24 =	vnsel vm4, $0x1F, v19;
	v55 =	vnsel vm5, $0x1F, v55;
	v56 =	vnsel vm6, $0x1F, v56;
	v17 =	vld [tilespmem:s21+$0xBBA0]  }
0x25d: {  	v23 =	vnsel vm7, $0x1F, v20;
	vm8 =	vgt.s32 v61, $0xFFFFFFE1;
	v62 =	vnsel vm9, $0xFFFFFFE1, v62;
	v18 =	vld [tilespmem:s21+$0xB3A0]  }
0x25e: {  	v24 =	vmul.u32 $0x237, v24;
	v23 =	vmul.u32 $0x237, v23;
	vm10 =	vgt.s32 v63, $0xFFFFFFE1;
	v1 =	vld [tilespmem:s21+$0xABB0]  }
0x25f: {  	v61 =	vnsel vm8, $0xFFFFFFE1, v61;
	vm9 =	vlt.s32 v62, $0x1F;
	v63 =	vnsel vm10, $0xFFFFFFE1, v63;
	v59 =	vld.idx.msk [tilespmem:v59+s5+$0x0], $0xffff  }
0x260: {  	v52 =	vor.u32 v9, v51;
	v48 =	vadd.s32 v10, v53;
	v47 =	vadd.s32 v10, v5;
	v27 =	vld.idx.msk [tilespmem:v27+s22+$0x0], $0xffff  }
0x261: {  	v54 =	vand.u32 $0xFFFFFF80, v48;
	v48 =	vadd.s32 v10, v46;
	[tilespmem:s1+$0x13B80] =	vst v35;
	v60 =	vld.idx.msk [tilespmem:v60+s5+$0x0], $0xffff;
	vm12 =	vgt.s32 v17, $0xFFFFFFE1  }
0x262: {  	[tilespmem:s1+$0x14380] =	vst v44;
	v34 =	vld.idx.msk [tilespmem:v34+s22+$0x0], $0xffff;
	v51 =	vand.u32 $0xFFFFFF80, v48;
	vm11 =	vgt.s32 v18, $0xFFFFFFE1;
	v17 =	vnsel vm12, $0xFFFFFFE1, v17  }
0x263: {  	[tilespmem:s20+$0x2010] =	vst v45;
	v48 =	vand.u32 $0xFFFFFF80, v47;
	v47 =	vld [tilespmem:s21+$0xB3B0];
	v18 =	vnsel vm11, $0xFFFFFFE1, v18;
	vm12 =	vlt.s32 v17, $0x1F  }
0x264: {  	vm8 =	vlt.s32 v61, $0x1F;
	vm11 =	vlt.s32 v18, $0x1F;
	v35 =	vnsel vm12, $0x1F, v17;
	v17 =	vld [tilespmem:$0x1FED0];
	[tilespmem:s20+$0x2810] =	vst v43  }
0x265: {  	v62 =	vnsel vm9, $0x1F, v62;
	vm10 =	vlt.s32 v63, $0x1F;
	v20 =	vnsel vm11, $0x1F, v18;
	v18 =	vld [tilespmem:$0x1FEE0];
	[tilespmem:s20+$0x3870] =	vst v2  }
0x266: {  	v22 =	vnsel vm10, $0x1F, v63;
	v50 =	vadd.s32 v8, v46;
	v25 =	vadd.bf16 v25, v21;
	v21 =	vld [tilespmem:s21+$0xBBB0];
	[tilespmem:s20+$0x2020] =	vst v42  }
0x267: {  	v61 =	vnsel vm8, $0x1F, v61;
	v22 =	vmul.u32 $0x237, v22;
	v0 =	vand.u32 $0xFFFFFF80, v50;
	[tilespmem:s20+$0x2820] =	vst v39  }
0x268: {  	v49 =	vor.u32 v9, v0;
	vm13 =	vgt.s32 v1, $0xFFFFFFE1;
	vm14 =	vgt.s32 v47, $0xFFFFFFE1;
	[tilespmem:s20+$0x2030] =	vst v41  }
0x269: {  	v27 =	vadd.bf16 v27, v59;
	v1 =	vnsel vm13, $0xFFFFFFE1, v1;
	v0 =	vnsel vm14, $0xFFFFFFE1, v47;
	[tilespmem:s20+$0x2830] =	vst v38  }
0x26a: {  	v34 =	vadd.bf16 v34, v60;
	vm13 =	vlt.s32 v1, $0x1F;
	vm14 =	vlt.s32 v0, $0x1F;
	v2 =	vld [tilespmem:$0x1FEF0];
	[tilespmem:s20+$0x3040] =	vst v40  }
0x26b: {  	v1 =	vnsel vm13, $0x1F, v1;
	vm15 =	vgt.s32 v21, $0xFFFFFFE1;
	v0 =	vnsel vm14, $0x1F, v0;
	v40 =	vld [tilespmem:$0x1FF00];
	[tilespmem:s20+$0x3840] =	vst v36  }
0x26c: {  	v1 =	vmul.u32 $0x237, v1;
	v21 =	vnsel vm15, $0xFFFFFFE1, v21;
	v0 =	vmul.u32 $0x9, v0;
	v60 =	vld [tilespmem:$0x1FF20]  }
0x26d: {  	v43 =	vshll.u32 v62, $0x7;
	v20 =	vmul.u32 $0x9, v20;
	vm15 =	vlt.s32 v21, $0x1F;
	v19 =	vld.idx.msk [tilespmem:v18+s22+$0x0], $0xffff  }
0x26e: {  	v45 =	vshll.u32 v35, $0x7;
	v21 =	vnsel vm15, $0x1F, v21;
	v38 =	vadd.s32 v1, v0;
	v18 =	vld.idx.msk [tilespmem:v37+s5+$0x0], $0xffff  }
0x26f: {  	v37 =	vmul.u32 $0x9, v55;
	v55 =	vshll.u32 v56, $0x7;
	v56 =	vld.idx.msk [tilespmem:v57+s5+$0x0], $0xffff;
	v57 =	vmul.u32 $0x9, v61  }
0x270: {  	v58 =	vld.idx.msk [tilespmem:v58+s22+$0x0], $0xffff;
	v44 =	vshll.u32 v21, $0x7;
	v21 =	vadd.s32 v6, v43;
	v62 =	vadd.s32 $0x45C4, v38  }
0x271: {  	v59 =	vld [tilespmem:$0x1FF10];
	v35 =	vadd.s32 v6, v55;
	v42 =	vadd.s32 v24, v37;
	v39 =	vadd.s32 v23, v57  }
0x272: {  	[tilespmem:s20+$0x3050] =	vst v60;
	v57 =	vand.u32 $0xFFFFFF80, v35;
	v37 =	vadd.s32 v22, v20;
	v20 =	vld.idx.msk [tilespmem:v2+s22+$0x0], $0xffff;
	v61 =	vadd.s32 $0x45C4, v42  }
0x273: {  	v41 =	vand.u32 $0xFFFFFF80, v21;
	v2 =	vld [tilespmem:$0x1FF30];
	v1 =	vor.u32 v7, v57  }
0x274: {  	v30 =	vunpack.i.u.bf16.f32 v25;
	v41 =	vor.u32 v7, v41;
	v17 =	vld.idx.msk [tilespmem:v17+s5+$0x0], $0xffff  }
0x275: {  	v28 =	vunpack.i.u.bf16.f32 v34;
	v23 =	vadd.s32 v6, v44;
	v21 =	vld.idx.msk [tilespmem:v40+s5+$0x0], $0xffff;
	[tilespmem:s20+$0x3070] =	vst v32;
	v40 =	vadd.s32 $0x45C4, v39  }
0x276: {  	v34 =	vunpack.i.l.bf16.f32 v34;
	v62 =	vld.idx.msk [tilespmem:v62+s5+$0x0], $0xffff;
	[tilespmem:s17+$0x3870] =	vst v30;
	v35 =	vand.u32 $0xFFFFFF80, v23;
	v56 =	vadd.bf16 v58, v56  }
0x277: {  	[tilespmem:s23+$0x11B80] =	vst v34;
	v29 =	vor.u32 v7, v35;
	v35 =	vld.idx.msk [tilespmem:v61+s5+$0x0], $0xffff  }
0x278: {  	v24 =	vadd.s32 v6, v45;
	v0 =	vunpack.i.u.bf16.f32 v56;
	[tilespmem:s20+$0x3850] =	vst v2;
	v56 =	vunpack.i.l.bf16.f32 v56;
	v26 =	vld.idx.msk [tilespmem:v1+s22+$0x0], $0xffff  }
0x279: {  	v22 =	vand.u32 $0xFFFFFF80, v24;
	v30 =	vld.idx.msk [tilespmem:v41+s22+$0x0], $0xffff;
	[tilespmem:s7+$0x11B80] =	vst v56  }
0x27a: {  	v36 =	vadd.s32 $0x45C4, v37;
	v1 =	vunpack.i.u.bf16.f32 v27;
	v27 =	vunpack.i.l.bf16.f32 v27;
	v40 =	vld.idx.msk [tilespmem:v40+s5+$0x0], $0xffff;
	[tilespmem:s11+$0x11B80] =	vst v0  }
0x27b: {  	v63 =	vadd.s32 $0x45C5, v3;
	v50 =	vadd.s32 $0x45C5, v4;
	v23 =	vld.idx.msk [tilespmem:v14+s22+$0x0], $0xffff;
	v57 =	vor.u32 v7, v22;
	[tilespmem:s12+$0x11B80] =	vst v27  }
0x27c: {  	v47 =	vadd.s32 $0x45C6, v33;
	v33 =	vadd.s32 $0x45C7, v33;
	v60 =	vadd.s32 v8, v45;
	v24 =	vld.idx.msk [tilespmem:v59+s22+$0x0], $0xffff;
	[tilespmem:s13+$0x11B80] =	vst v1  }
0x27d: {  	v34 =	vadd.s32 v10, v45;
	v59 =	vadd.s32 v8, v43;
	v0 =	vld [tilespmem:$0x1FF40];
	v1 =	vadd.bf16 v26, v35  }
0x27e: {  	v22 =	vld.idx.msk [tilespmem:v15+s5+$0x0], $0xffff;
	v32 =	vand.u32 $0xFFFFFF80, v59;
	v59 =	vand.u32 $0xFFFFFF80, v60;
	v58 =	vadd.s32 v8, v55  }
0x27f: {  	v36 =	vld.idx.msk [tilespmem:v36+s5+$0x0], $0xffff;
	[tilespmem:s14+$0x11B80] =	vst v28;
	v30 =	vadd.bf16 v30, v40;
	v28 =	vunpack.i.u.bf16.f32 v1;
	v1 =	vunpack.i.l.bf16.f32 v1  }
0x280: {  	v31 =	vor.u32 v9, v32;
	v59 =	vor.u32 v9, v59;
	v32 =	vadd.s32 $0x45C5, v38;
	v41 =	vld.idx.msk [tilespmem:v57+s22+$0x0], $0xffff;
	[tilespmem:s21+$0x11B80] =	vst v1  }
0x281: {  	v58 =	vand.u32 $0xFFFFFF80, v58;
	v29 =	vld.idx.msk [tilespmem:v29+s22+$0x0], $0xffff;
	[tilespmem:s21+$0x12380] =	vst v28;
	v28 =	vunpack.i.u.bf16.f32 v30;
	v30 =	vunpack.i.l.bf16.f32 v30  }
0x282: {  	v58 =	vor.u32 v9, v58;
	v61 =	vadd.s32 v8, v44;
	v56 =	vadd.s32 $0x45C5, v42;
	v50 =	vld.idx.msk [tilespmem:v50+s5+$0x0], $0xffff;
	[tilespmem:s21+$0x11B90] =	vst v30  }
0x283: {  	v2 =	vand.u32 $0xFFFFFF80, v61;
	v61 =	vadd.s32 $0x45C5, v39;
	v27 =	vadd.s32 v10, v55;
	v40 =	vld.idx.msk [tilespmem:v52+s22+$0x0], $0xffff;
	[tilespmem:s21+$0x12390] =	vst v28  }
0x284: {  	v57 =	vadd.s32 $0x45C5, v37;
	v60 =	vor.u32 v9, v2;
	v26 =	vand.u32 $0xFFFFFF80, v27;
	v2 =	vld [tilespmem:$0x1FF50]  }
0x285: {  	v27 =	vadd.s32 v10, v43;
	v35 =	vadd.s32 v10, v44;
	v36 =	vadd.bf16 v41, v36;
	v0 =	vld.idx.msk [tilespmem:v0+s5+$0x0], $0xffff  }
0x286: {  	v52 =	vadd.s32 $0x45C6, v3;
	v27 =	vand.u32 $0xFFFFFF80, v27;
	v41 =	vld.idx.msk [tilespmem:v49+s22+$0x0], $0xffff;
	v49 =	vor.u32 v11, v51  }
0x287: {  	v51 =	vld.idx.msk [tilespmem:v63+s5+$0x0], $0xffff;
	v29 =	vadd.bf16 v29, v62;
	v28 =	vunpack.i.u.bf16.f32 v36;
	v36 =	vunpack.i.l.bf16.f32 v36  }
0x288: {  	v62 =	vadd.s32 $0x45C6, v42;
	v26 =	vor.u32 v11, v26;
	v27 =	vor.u32 v11, v27;
	v56 =	vld.idx.msk [tilespmem:v56+s5+$0x0], $0xffff;
	[tilespmem:s21+$0x11BA0] =	vst v36  }
0x289: {  	v36 =	vor.u32 v11, v48;
	v48 =	vld.idx.msk [tilespmem:v58+s22+$0x0], $0xffff;
	[tilespmem:s21+$0x123A0] =	vst v28;
	v28 =	vunpack.i.u.bf16.f32 v29;
	v29 =	vunpack.i.l.bf16.f32 v29  }
0x28a: {  	v1 =	vand.u32 $0xFFFFFF80, v34;
	v34 =	vand.u32 $0xFFFFFF80, v35;
	[tilespmem:s21+$0x11BB0] =	vst v29;
	v29 =	vld.idx.msk [tilespmem:v31+s22+$0x0], $0xffff;
	v0 =	vadd.bf16 v40, v0  }
0x28b: {  	v35 =	vor.u32 v11, v54;
	v30 =	vadd.s32 $0x45C6, v4;
	v1 =	vor.u32 v11, v1;
	v40 =	vld.idx.msk [tilespmem:v61+s5+$0x0], $0xffff  }
0x28c: {  	[tilespmem:s21+$0x123B0] =	vst v28;
	v31 =	vadd.bf16 v41, v50;
	v54 =	vld.idx.msk [tilespmem:v2+s22+$0x0], $0xffff;
	v28 =	vunpack.i.u.bf16.f32 v0;
	v0 =	vunpack.i.l.bf16.f32 v0  }
0x28d: {  	v58 =	vadd.s32 $0x45C6, v39;
	v41 =	vld.idx.msk [tilespmem:v57+s5+$0x0], $0xffff;
	v50 =	vadd.s32 $0x45C6, v38;
	v57 =	vor.u32 v11, v34;
	[tilespmem:s3+$0x11B80] =	vst v0  }
0x28e: {  	v0 =	vld.idx.msk [tilespmem:v59+s22+$0x0], $0xffff;
	v59 =	vadd.bf16 v48, v56;
	[tilespmem:s17+$0x1840] =	vst v28;
	v28 =	vunpack.i.u.bf16.f32 v31;
	v31 =	vunpack.i.l.bf16.f32 v31  }
0x28f: {  	v61 =	vadd.s32 $0x45C6, v37;
	v2 =	vadd.s32 v12, v53;
	v48 =	vld.idx.msk [tilespmem:v60+s22+$0x0], $0xffff;
	v60 =	vadd.s32 v12, v55;
	[tilespmem:s4+$0x11B80] =	vst v31  }
0x290: {  	v32 =	vld.idx.msk [tilespmem:v32+s5+$0x0], $0xffff;
	v31 =	vadd.s32 v12, v46;
	v46 =	vunpack.i.l.bf16.f32 v59;
	v29 =	vadd.bf16 v29, v40;
	[tilespmem:s17+$0x1850] =	vst v28  }
0x291: {  	v47 =	vld.idx.msk [tilespmem:v47+s5+$0x0], $0xffff;
	[tilespmem:s21+$0x12B80] =	vst v46;
	v63 =	vadd.bf16 v54, v51;
	v51 =	vand.u32 $0xFFFFFF80, v2;
	v2 =	vunpack.i.u.bf16.f32 v59  }
0x292: {  	v56 =	vadd.s32 v12, v45;
	v35 =	vld.idx.msk [tilespmem:v35+s22+$0x0], $0xffff;
	v59 =	vunpack.i.u.bf16.f32 v29;
	v29 =	vunpack.i.l.bf16.f32 v29;
	[tilespmem:s21+$0x13380] =	vst v2  }
0x293: {  	v56 =	vand.u32 $0xFFFFFF80, v56;
	v40 =	vadd.s32 $0x45C7, v3;
	v30 =	vld.idx.msk [tilespmem:v30+s5+$0x0], $0xffff;
	[tilespmem:s21+$0x12B90] =	vst v29;
	v34 =	vunpack.i.l.bf16.f32 v63  }
0x294: {  	v31 =	vand.u32 $0xFFFFFF80, v31;
	v45 =	vld.idx.msk [tilespmem:v49+s22+$0x0], $0xffff;
	v0 =	vadd.bf16 v0, v41;
	v28 =	vunpack.i.u.bf16.f32 v63;
	[tilespmem:s6+$0x11B80] =	vst v34  }
0x295: {  	v46 =	vand.u32 $0xFFFFFF80, v60;
	v29 =	vadd.s32 v12, v44;
	v32 =	vadd.bf16 v48, v32;
	v26 =	vld.idx.msk [tilespmem:v26+s22+$0x0], $0xffff;
	[tilespmem:s17+$0x1860] =	vst v28  }
0x296: {  	v63 =	vadd.s32 v12, v5;
	[tilespmem:s17+$0x1810] =	vst v59;
	v41 =	vunpack.i.u.bf16.f32 v0;
	v0 =	vunpack.i.l.bf16.f32 v0;
	v49 =	vld.idx.msk [tilespmem:v52+s5+$0x0], $0xffff  }
0x297: {  	v34 =	vand.u32 $0xFFFFFF80, v29;
	v29 =	vunpack.i.u.bf16.f32 v32;
	v32 =	vunpack.i.l.bf16.f32 v32;
	[tilespmem:s21+$0x12BA0] =	vst v0;
	v48 =	vld.idx.msk [tilespmem:v36+s22+$0x0], $0xffff  }
0x298: {  	v51 =	vor.u32 v13, v51;
	v60 =	vand.u32 $0xFFFFFF80, v63;
	v63 =	vld.idx.msk [tilespmem:v62+s5+$0x0], $0xffff;
	v35 =	vadd.bf16 v35, v47;
	[tilespmem:s21+$0x12BB0] =	vst v32  }
0x299: {  	v58 =	vld.idx.msk [tilespmem:v58+s5+$0x0], $0xffff;
	v28 =	vadd.s32 v12, v43;
	v43 =	vadd.s32 $0x45C7, v4;
	v32 =	vor.u32 v13, v46;
	[tilespmem:s17+$0x1820] =	vst v41  }
0x29a: {  	v59 =	vld.idx.msk [tilespmem:v27+s22+$0x0], $0xffff;
	v41 =	vor.u32 v13, v31;
	[tilespmem:s17+$0x1830] =	vst v29;
	v31 =	vunpack.i.l.bf16.f32 v35;
	v30 =	vadd.bf16 v45, v30  }
0x29b: {  	v28 =	vand.u32 $0xFFFFFF80, v28;
	v27 =	vunpack.i.u.bf16.f32 v35;
	v29 =	vadd.s32 $0x45C7, v42;
	v42 =	vld.idx.msk [tilespmem:v61+s5+$0x0], $0xffff;
	[tilespmem:s17+$0x2040] =	vst v31  }
0x29c: {  	v36 =	vor.u32 v13, v60;
	v44 =	vld.idx.msk [tilespmem:v1+s22+$0x0], $0xffff;
	[tilespmem:s17+$0x2840] =	vst v27;
	v31 =	vunpack.i.l.bf16.f32 v30;
	v61 =	vadd.bf16 v48, v49  }
0x29d: {  	v27 =	vor.u32 v13, v28;
	v45 =	vld.idx.msk [tilespmem:v57+s22+$0x0], $0xffff;
	v28 =	vor.u32 v13, v56;
	v60 =	vunpack.i.u.bf16.f32 v30;
	[tilespmem:s17+$0x2050] =	vst v31  }
0x29e: {  	v30 =	vadd.s32 $0x45C7, v39;
	v39 =	vld.idx.msk [tilespmem:v50+s5+$0x0], $0xffff;
	v62 =	vadd.bf16 v26, v63;
	[tilespmem:s17+$0x2850] =	vst v60;
	v35 =	vunpack.i.l.bf16.f32 v61  }
0x29f: {  	v33 =	vld.idx.msk [tilespmem:v33+s5+$0x0], $0xffff;
	v31 =	vadd.s32 $0x45C7, v37;
	v26 =	vadd.s32 $0x45C7, v38;
	v63 =	vunpack.i.u.bf16.f32 v61;
	[tilespmem:s17+$0x2060] =	vst v35  }
0x2a0: {  	s30 =	simm.s32 $0x8;
	p0 =	por !p0, !p0;
	v37 =	vadd.bf16 v59, v58;
	v38 =	vunpack.i.u.bf16.f32 v62;
	v46 =	vunpack.i.l.bf16.f32 v62;
	v35 =	vld.idx.msk [tilespmem:v51+s22+$0x0], $0xffff;
	[tilespmem:s17+$0x2860] =	vst v63  }
.LBB2_5:
0x2a1: {  	s3 =	simm.s32 $0x1  }
0x2a2: {  	[tilespmem:s21+$0x13B80] =	vst v46;
	v34 =	vor.u32 v13, v34;
	v0 =	vld.idx.msk [tilespmem:v43+s5+$0x0], $0xffff;
	v1 =	vadd.bf16 v19, v17;
	v17 =	vunpack.i.u.bf16.f32 v16;
	s3 =	simm.s32 @!p0 $0x0  }
0x2a3: {  	s8 =	sadd.s32 $0x40, s8;
	v19 =	vunpack.i.u.bf16.f32 v37;
	v37 =	vunpack.i.l.bf16.f32 v37;
	s3 =	sshll.u32 s3, $0xA;
	[tilespmem:s21+$0x14380] =	vst v38;
	v38 =	vadd.bf16 v44, v42;
	v41 =	vld.idx.msk [tilespmem:v41+s22+$0x0], $0xffff  }
0x2a4: {  	v18 =	vadd.bf16 v20, v18;
	v20 =	vadd.bf16 v23, v21;
	v21 =	vunpack.i.l.bf16.f32 v16;
	s3 =	sadd.s32 s3, s8;
	[tilespmem:s17+$0x2010] =	vst v37;
	v37 =	vld.idx.msk [tilespmem:v40+s5+$0x0], $0xffff  }
0x2a5: {  	v23 =	vadd.bf16 v45, v39;
	s13 =	sor.u32 $0x40, s3;
	s6 =	sor.u32 $0x840, s3;
	s16 =	sor.u32 $0x70, s3;
	[tilespmem:s17+$0x2810] =	vst v19;
	v16 =	vunpack.i.u.bf16.f32 v38;
	v19 =	vunpack.i.l.bf16.f32 v38;
	v36 =	vld.idx.msk [tilespmem:v36+s22+$0x0], $0xffff  }
0x2a6: {  	v22 =	vadd.bf16 v24, v22;
	v39 =	vunpack.i.u.bf16.f32 v1;
	s23 =	sor.u32 $0x1040, s3;
	s7 =	sor.u32 $0x50, s3;
	s24 =	sor.u32 $0x870, s3;
	v38 =	vld [tilespmem:s16+$0xAB80];
	[tilespmem:s17+$0x2020] =	vst v19;
	v19 =	vunpack.i.l.bf16.f32 v25  }
0x2a7: {  	s12 =	sor.u32 $0x850, s3;
	s4 =	sor.u32 $0x1050, s3;
	s15 =	sor.u32 $0x1070, s3;
	v25 =	vadd.bf16 v35, v33;
	v24 =	vld [tilespmem:s24+$0xAB80];
	[tilespmem:s17+$0x2820] =	vst v16;
	v16 =	vunpack.i.u.bf16.f32 v23;
	v23 =	vunpack.i.l.bf16.f32 v23  }
0x2a8: {  	v1 =	vunpack.i.l.bf16.f32 v1;
	s14 =	sor.u32 $0x60, s3;
	s11 =	sor.u32 $0x860, s3;
	s3 =	sor.u32 $0x1060, s3;
	v33 =	vld [tilespmem:s15+$0xAB80];
	[tilespmem:s17+$0x2030] =	vst v23;
	v23 =	vunpack.i.u.bf16.f32 v18;
	v18 =	vunpack.i.l.bf16.f32 v18  }
0x2a9: {  	v0 =	vadd.bf16 v41, v0;
	v35 =	vld [tilespmem:s13+$0xAB80];
	[tilespmem:s17+$0x2830] =	vst v16;
	v16 =	vunpack.i.u.bf16.f32 v25;
	v25 =	vunpack.i.l.bf16.f32 v25  }
0x2aa: {  	s30 =	sadd.s32 $0x8, s30;
	v42 =	vunpack.i.l.bf16.f32 v20;
	v43 =	vunpack.i.u.bf16.f32 v22;
	v41 =	vunpack.i.u.bf16.f32 v20;
	v40 =	vld [tilespmem:s6+$0xAB80];
	[tilespmem:s17+$0x3040] =	vst v25  }
0x2ab: {  	p1 =	slt.u32 s30, $0x78;
	v20 =	vunpack.i.u.bf16.f32 v0;
	v0 =	vunpack.i.l.bf16.f32 v0;
	v44 =	vld [tilespmem:s23+$0xAB80];
	[tilespmem:s17+$0x3840] =	vst v16;
	v16 =	vadd.bf16 v36, v37  }
0x2ac: {  	vm0 =	vgt.s32 v38, $0xFFFFFFE1;
	v36 =	vld [tilespmem:s7+$0xAB80];
	vm1 =	vgt.s32 v24, $0xFFFFFFE1;
	[tilespmem:s17+$0x3050] =	vst v0;
	v0 =	vunpack.i.l.bf16.f32 v22  }
0x2ad: {  	v25 =	vnsel vm0, $0xFFFFFFE1, v38;
	v22 =	vld [tilespmem:s12+$0xAB80];
	v24 =	vnsel vm1, $0xFFFFFFE1, v24;
	vm0 =	vgt.s32 v33, $0xFFFFFFE1;
	[tilespmem:s17+$0x3850] =	vst v20  }
0x2ae: {  	vm1 =	vlt.s32 v25, $0x1F;
	v37 =	vld [tilespmem:s4+$0xAB80];
	vm2 =	vlt.s32 v24, $0x1F;
	v20 =	vnsel vm0, $0xFFFFFFE1, v33;
	[tilespmem:s20+$0x3060] =	vst v21  }
0x2af: {  	v21 =	vnsel vm1, $0x1F, v25;
	v38 =	vld [tilespmem:s14+$0xAB80];
	v24 =	vnsel vm2, $0x1F, v24;
	vm0 =	vlt.s32 v20, $0x1F;
	[tilespmem:s20+$0x3860] =	vst v17  }
0x2b0: {  	v45 =	vld [tilespmem:s11+$0xAB80];
	v17 =	vnsel vm0, $0x1F, v20;
	v20 =	vmul.u32 $0x237, v21;
	v21 =	vmul.u32 $0x9, v24;
	[tilespmem:s17+$0x3070] =	vst v19  }
0x2b1: {  	vm0 =	vgt.s32 v35, $0xFFFFFFE1;
	v24 =	vld [tilespmem:s3+$0xAB80];
	v33 =	vshll.u32 v17, $0x7;
	[tilespmem:s1+$0x14B80] =	vst v1  }
0x2b2: {  	vm1 =	vgt.s32 v40, $0xFFFFFFE1;
	v25 =	vadd.s32 v20, v21;
	v1 =	vadd.s32 v6, v33;
	v17 =	vld.idx.msk [tilespmem:v29+s5+$0x0], $0xffff;
	[tilespmem:s1+$0x15380] =	vst v39;
	s1 =	smov.u32 s21  }
0x2b3: {  	v29 =	vadd.s32 $0x45C4, v25;
	v1 =	vand.u32 $0xFFFFFF80, v1;
	v19 =	vld.idx.msk [tilespmem:v32+s22+$0x0], $0xffff;
	[tilespmem:s20+$0x3010] =	vst v18  }
0x2b4: {  	vm2 =	vgt.s32 v44, $0xFFFFFFE1;
	vm3 =	vgt.s32 v36, $0xFFFFFFE1;
	v1 =	vor.u32 v7, v1;
	v18 =	vld.idx.msk [tilespmem:v30+s5+$0x0], $0xffff;
	[tilespmem:s20+$0x3810] =	vst v23  }
0x2b5: {  	vm4 =	vgt.s32 v22, $0xFFFFFFE1;
	vm5 =	vgt.s32 v37, $0xFFFFFFE1;
	vm6 =	vgt.s32 v38, $0xFFFFFFE1;
	v20 =	vld.idx.msk [tilespmem:v27+s22+$0x0], $0xffff;
	[tilespmem:s20+$0x3020] =	vst v42  }
0x2b6: {  	v27 =	vnsel vm0, $0xFFFFFFE1, v35;
	vm0 =	vgt.s32 v45, $0xFFFFFFE1;
	vm7 =	vgt.s32 v24, $0xFFFFFFE1;
	v21 =	vld.idx.msk [tilespmem:v31+s5+$0x0], $0xffff;
	[tilespmem:s20+$0x3820] =	vst v41  }
0x2b7: {  	v32 =	vnsel vm3, $0xFFFFFFE1, v36;
	v30 =	vnsel vm1, $0xFFFFFFE1, v40;
	v31 =	vnsel vm2, $0xFFFFFFE1, v44;
	v23 =	vld.idx.msk [tilespmem:v28+s22+$0x0], $0xffff;
	[tilespmem:s20+$0x3030] =	vst v0  }
0x2b8: {  	v35 =	vnsel vm6, $0xFFFFFFE1, v38;
	v0 =	vnsel vm4, $0xFFFFFFE1, v22;
	v28 =	vnsel vm5, $0xFFFFFFE1, v37;
	v29 =	vld.idx.msk [tilespmem:v29+s5+$0x0], $0xffff;
	[tilespmem:s20+$0x3830] =	vst v43;
	s20 =	smov.u32 s17  }
0x2b9: {  	vm1 =	vlt.s32 v27, $0x1F;
	v36 =	vnsel vm0, $0xFFFFFFE1, v45;
	v37 =	vnsel vm7, $0xFFFFFFE1, v24;
	v1 =	vld.idx.msk [tilespmem:v1+s22+$0x0], $0xffff  }
0x2ba: {  	vm3 =	vlt.s32 v32, $0x1F;
	vm0 =	vlt.s32 v30, $0x1F;
	vm2 =	vlt.s32 v31, $0x1F;
	v22 =	vld.idx.msk [tilespmem:v26+s5+$0x0], $0xffff  }
0x2bb: {  	vm6 =	vlt.s32 v35, $0x1F;
	vm4 =	vlt.s32 v0, $0x1F;
	vm5 =	vlt.s32 v28, $0x1F;
	v24 =	vld.idx.msk [tilespmem:v34+s22+$0x0], $0xffff  }
0x2bc: {  	vm7 =	vlt.s32 v37, $0x1F;
	v26 =	vnsel vm1, $0x1F, v27;
	vm1 =	vlt.s32 v36, $0x1F  }
0x2bd: {  	v27 =	vnsel vm0, $0x1F, v30;
	v30 =	vnsel vm2, $0x1F, v31  }
0x2be: {  	v31 =	vnsel vm3, $0x1F, v32;
	v32 =	vadd.s32 v8, v33  }
0x2bf: {  	v34 =	vadd.s32 $0x45C5, v25;
	v1 =	vadd.bf16 v1, v29;
	v29 =	vand.u32 $0xFFFFFF80, v32  }
0x2c0: {  	v0 =	vnsel vm4, $0x1F, v0;
	v28 =	vnsel vm5, $0x1F, v28;
	v32 =	vor.u32 v9, v29  }
0x2c1: {  	v35 =	vnsel vm6, $0x1F, v35;
	v36 =	vnsel vm1, $0x1F, v36;
	v29 =	vunpack.i.l.bf16.f32 v1  }
0x2c2: {  	v37 =	vnsel vm7, $0x1F, v37;
	v26 =	vmul.u32 $0x237, v26;
	v1 =	vunpack.i.u.bf16.f32 v1;
	[tilespmem:s16+$0x11B80] =	vst v29  }
0x2c3: {  	v27 =	vmul.u32 $0x9, v27;
	v38 =	vmul.u32 $0x237, v31;
	v29 =	vshll.u32 v30, $0x7;
	[tilespmem:s24+$0x11B80] =	vst v1  }
0x2c4: {  	v0 =	vmul.u32 $0x9, v0;
	v30 =	vshll.u32 v28, $0x7;
	v1 =	vmul.u32 $0x237, v35;
	v34 =	vld.idx.msk [tilespmem:v34+s5+$0x0], $0xffff  }
0x2c5: {  	v36 =	vmul.u32 $0x9, v36;
	v28 =	vshll.u32 v37, $0x7;
	v35 =	vadd.s32 v6, v29;
	v32 =	vld.idx.msk [tilespmem:v32+s22+$0x0], $0xffff  }
0x2c6: {  	v31 =	vadd.s32 v26, v27;
	v26 =	vadd.s32 v6, v30;
	v37 =	vadd.s32 v6, v28  }
0x2c7: {  	v27 =	vadd.s32 v38, v0;
	v35 =	vand.u32 $0xFFFFFF80, v35;
	v0 =	vand.u32 $0xFFFFFF80, v26  }
0x2c8: {  	v38 =	vadd.s32 $0x45C4, v31;
	v26 =	vadd.s32 v1, v36;
	v1 =	vand.u32 $0xFFFFFF80, v37  }
0x2c9: {  	v39 =	vadd.s32 $0x45C4, v27;
	v35 =	vor.u32 v7, v35  }
0x2ca: {  	v0 =	vor.u32 v7, v0;
	v36 =	vadd.s32 v10, v33  }
0x2cb: {  	s10 =	sadd.s32 $0x400, s10;
	v36 =	vand.u32 $0xFFFFFF80, v36;
	v32 =	vadd.bf16 v32, v34;
	v34 =	vadd.s32 $0x45C6, v25  }
0x2cc: {  	s17 =	sand.u32 $0x380, s8;
	s16 =	sand.u32 $0x400, s10;
	v44 =	vadd.s32 $0x45C4, v26;
	v1 =	vor.u32 v7, v1;
	v36 =	vor.u32 v11, v36  }
0x2cd: {  	s21 =	sor.u32 s17, s16;
	v37 =	vadd.s32 v8, v29;
	v40 =	vunpack.i.l.bf16.f32 v32;
	v50 =	vld.idx.msk [tilespmem:v38+s5+$0x0], $0xffff;
	v38 =	vadd.s32 v8, v30  }
0x2ce: {  	v42 =	vadd.s32 v8, v28;
	s17 =	sadd.s32 $0x11B80, s21;
	v37 =	vand.u32 $0xFFFFFF80, v37;
	v32 =	vunpack.i.u.bf16.f32 v32;
	v46 =	vld [tilespmem:s21+$0xAB80];
	[tilespmem:s15+$0x11B80] =	vst v40  }
0x2cf: {  	v41 =	vadd.s32 $0x45C5, v31;
	v43 =	vand.u32 $0xFFFFFF80, v42;
	v38 =	vand.u32 $0xFFFFFF80, v38;
	v47 =	vld [tilespmem:s21+$0xB380];
	[tilespmem:s17+$0x1870] =	vst v32  }
0x2d0: {  	v42 =	vor.u32 v9, v37;
	v40 =	vadd.s32 $0x45C5, v27;
	v38 =	vor.u32 v9, v38;
	v48 =	vld.idx.msk [tilespmem:v34+s5+$0x0], $0xffff  }
0x2d1: {  	v37 =	vadd.s32 $0x45C5, v26;
	v32 =	vadd.s32 v10, v29;
	v34 =	vor.u32 v9, v43;
	v49 =	vld.idx.msk [tilespmem:v36+s22+$0x0], $0xffff  }
0x2d2: {  	v45 =	vand.u32 $0xFFFFFF80, v32;
	v32 =	vadd.s32 v10, v30;
	v36 =	vadd.s32 v10, v28;
	v51 =	vld [tilespmem:s21+$0xBB80]  }
0x2d3: {  	v43 =	vand.u32 $0xFFFFFF80, v32;
	v36 =	vand.u32 $0xFFFFFF80, v36;
	vm0 =	vgt.s32 v46, $0xFFFFFFE1;
	v52 =	vld [tilespmem:s21+$0xAB90]  }
0x2d4: {  	v32 =	vadd.s32 $0x45C6, v31;
	v46 =	vnsel vm0, $0xFFFFFFE1, v46;
	vm1 =	vgt.s32 v47, $0xFFFFFFE1;
	v53 =	vld [tilespmem:s21+$0xB390]  }
0x2d5: {  	vm0 =	vlt.s32 v46, $0x1F;
	v47 =	vnsel vm1, $0xFFFFFFE1, v47;
	v54 =	vld [tilespmem:s21+$0xBB90]  }
0x2d6: {  	v33 =	vadd.s32 v12, v33;
	vm1 =	vlt.s32 v47, $0x1F;
	v55 =	vld [tilespmem:s21+$0xABA0]  }
0x2d7: {  	v33 =	vand.u32 $0xFFFFFF80, v33;
	v25 =	vadd.s32 $0x45C7, v25;
	v48 =	vadd.bf16 v49, v48;
	v56 =	vld [tilespmem:s21+$0xB3A0]  }
0x2d8: {  	v33 =	vor.u32 v13, v33;
	vm2 =	vgt.s32 v51, $0xFFFFFFE1;
	vm3 =	vgt.s32 v52, $0xFFFFFFE1;
	v49 =	vld [tilespmem:s21+$0xBBA0]  }
0x2d9: {  	v51 =	vnsel vm2, $0xFFFFFFE1, v51;
	v58 =	vunpack.i.l.bf16.f32 v48;
	vm2 =	vgt.s32 v53, $0xFFFFFFE1;
	v57 =	vld [tilespmem:s21+$0xABB0]  }
0x2da: {  	v48 =	vunpack.i.u.bf16.f32 v48;
	v52 =	vnsel vm3, $0xFFFFFFE1, v52;
	vm3 =	vgt.s32 v54, $0xFFFFFFE1;
	v59 =	vld [tilespmem:s21+$0xB3B0];
	[tilespmem:s17+$0x2070] =	vst v58  }
0x2db: {  	v53 =	vnsel vm2, $0xFFFFFFE1, v53;
	v54 =	vnsel vm3, $0xFFFFFFE1, v54;
	vm3 =	vgt.s32 v55, $0xFFFFFFE1;
	v58 =	vld [tilespmem:s21+$0xBBB0];
	[tilespmem:s17+$0x2870] =	vst v48  }
0x2dc: {  	vm2 =	vlt.s32 v51, $0x1F;
	v48 =	vnsel vm3, $0xFFFFFFE1, v55;
	vm4 =	vgt.s32 v56, $0xFFFFFFE1;
	v25 =	vld.idx.msk [tilespmem:v25+s5+$0x0], $0xffff  }
0x2dd: {  	vm3 =	vlt.s32 v52, $0x1F;
	v55 =	vnsel vm4, $0xFFFFFFE1, v56;
	vm4 =	vgt.s32 v49, $0xFFFFFFE1;
	v33 =	vld.idx.msk [tilespmem:v33+s22+$0x0], $0xffff  }
0x2de: {  	vm5 =	vlt.s32 v53, $0x1F;
	v49 =	vnsel vm4, $0xFFFFFFE1, v49;
	vm4 =	vgt.s32 v57, $0xFFFFFFE1;
	v56 =	vld.idx.msk [tilespmem:v35+s22+$0x0], $0xffff  }
0x2df: {  	vm6 =	vlt.s32 v54, $0x1F;
	v35 =	vnsel vm4, $0xFFFFFFE1, v57;
	vm4 =	vgt.s32 v59, $0xFFFFFFE1;
	v57 =	vld.idx.msk [tilespmem:v39+s5+$0x0], $0xffff  }
0x2e0: {  	vm7 =	vlt.s32 v48, $0x1F;
	v39 =	vnsel vm4, $0xFFFFFFE1, v59;
	vm4 =	vgt.s32 v58, $0xFFFFFFE1;
	v0 =	vld.idx.msk [tilespmem:v0+s22+$0x0], $0xffff  }
0x2e1: {  	vm8 =	vlt.s32 v55, $0x1F;
	vm9 =	vlt.s32 v49, $0x1F;
	v58 =	vnsel vm4, $0xFFFFFFE1, v58;
	v59 =	vld.idx.msk [tilespmem:v44+s5+$0x0], $0xffff  }
0x2e2: {  	vm4 =	vlt.s32 v35, $0x1F;
	vm10 =	vlt.s32 v39, $0x1F;
	vm11 =	vlt.s32 v58, $0x1F;
	v1 =	vld.idx.msk [tilespmem:v1+s22+$0x0], $0xffff  }
0x2e3: {  	v44 =	vnsel vm0, $0x1F, v46;
	v46 =	vnsel vm1, $0x1F, v47;
	v25 =	vadd.bf16 v33, v25  }
0x2e4: {  	v47 =	vnsel vm3, $0x1F, v52;
	v33 =	vnsel vm2, $0x1F, v51;
	v51 =	vnsel vm5, $0x1F, v53  }
0x2e5: {  	v48 =	vnsel vm7, $0x1F, v48;
	v52 =	vnsel vm6, $0x1F, v54;
	v53 =	vunpack.i.u.bf16.f32 v25  }
0x2e6: {  	v54 =	vnsel vm8, $0x1F, v55;
	v55 =	vnsel vm9, $0x1F, v49;
	v35 =	vnsel vm4, $0x1F, v35;
	[tilespmem:s17+$0x3870] =	vst v53  }
0x2e7: {  	v44 =	vmul.u32 $0x237, v44;
	v39 =	vnsel vm10, $0x1F, v39;
	v53 =	vnsel vm11, $0x1F, v58  }
0x2e8: {  	v49 =	vshll.u32 v33, $0x7;
	v33 =	vmul.u32 $0x237, v47;
	v58 =	vmul.u32 $0x9, v46  }
0x2e9: {  	v51 =	vmul.u32 $0x9, v51;
	v47 =	vshll.u32 v52, $0x7;
	v52 =	vmul.u32 $0x237, v48  }
0x2ea: {  	v54 =	vmul.u32 $0x9, v54;
	v48 =	vshll.u32 v55, $0x7;
	v35 =	vmul.u32 $0x237, v35  }
0x2eb: {  	v60 =	vmul.u32 $0x9, v39;
	v55 =	vadd.s32 v6, v49;
	v46 =	vshll.u32 v53, $0x7  }
0x2ec: {  	v61 =	vadd.s32 v6, v48;
	v53 =	vadd.s32 v6, v47;
	v62 =	vadd.s32 v6, v46  }
0x2ed: {  	v55 =	vand.u32 $0xFFFFFF80, v55;
	v39 =	vadd.s32 v33, v51;
	v44 =	vadd.s32 v44, v58  }
0x2ee: {  	v33 =	vadd.s32 v52, v54;
	v52 =	vand.u32 $0xFFFFFF80, v61;
	v51 =	vand.u32 $0xFFFFFF80, v53  }
0x2ef: {  	v35 =	vadd.s32 v35, v60;
	v53 =	vadd.s32 $0x45C4, v44;
	v54 =	vand.u32 $0xFFFFFF80, v62  }
0x2f0: {  	v55 =	vor.u32 v7, v55;
	v58 =	vadd.s32 $0x45C4, v39;
	v51 =	vor.u32 v7, v51  }
0x2f1: {  	v60 =	vadd.s32 $0x45C4, v33;
	v52 =	vor.u32 v7, v52;
	v61 =	vadd.s32 $0x45C4, v35  }
0x2f2: {  	v50 =	vadd.bf16 v56, v50;
	v0 =	vadd.bf16 v0, v57;
	v54 =	vor.u32 v7, v54  }
0x2f3: {  	v56 =	vadd.s32 v8, v49;
	v57 =	vadd.s32 v8, v47;
	v1 =	vadd.bf16 v1, v59  }
0x2f4: {  	v63 =	vunpack.i.u.bf16.f32 v50;
	v59 =	vadd.s32 v8, v48;
	v62 =	vadd.s32 v8, v46;
	v53 =	vld.idx.msk [tilespmem:v53+s5+$0x0], $0xffff  }
0x2f5: {  	v50 =	vunpack.i.l.bf16.f32 v50;
	v2 =	vunpack.i.u.bf16.f32 v0;
	v0 =	vunpack.i.l.bf16.f32 v0;
	v55 =	vld.idx.msk [tilespmem:v55+s22+$0x0], $0xffff  }
0x2f6: {  	v56 =	vand.u32 $0xFFFFFF80, v56;
	v58 =	vld.idx.msk [tilespmem:v58+s5+$0x0], $0xffff;
	[tilespmem:s13+$0x11B80] =	vst v50;
	v50 =	vunpack.i.u.bf16.f32 v1;
	v1 =	vunpack.i.l.bf16.f32 v1  }
0x2f7: {  	v57 =	vand.u32 $0xFFFFFF80, v57;
	v59 =	vand.u32 $0xFFFFFF80, v59;
	v62 =	vand.u32 $0xFFFFFF80, v62;
	v51 =	vld.idx.msk [tilespmem:v51+s22+$0x0], $0xffff;
	[tilespmem:s6+$0x11B80] =	vst v63  }
0x2f8: {  	v56 =	vor.u32 v9, v56;
	v3 =	vadd.s32 $0x45C5, v39;
	v63 =	vadd.s32 $0x45C5, v44;
	v60 =	vld.idx.msk [tilespmem:v60+s5+$0x0], $0xffff;
	[tilespmem:s7+$0x11B80] =	vst v0  }
0x2f9: {  	v59 =	vor.u32 v9, v59;
	v0 =	vor.u32 v9, v57;
	v57 =	vadd.s32 $0x45C5, v33;
	v52 =	vld.idx.msk [tilespmem:v52+s22+$0x0], $0xffff;
	[tilespmem:s12+$0x11B80] =	vst v2  }
0x2fa: {  	v4 =	vadd.s32 $0x45C5, v35;
	v62 =	vor.u32 v9, v62;
	v2 =	vadd.s32 v10, v49;
	v61 =	vld.idx.msk [tilespmem:v61+s5+$0x0], $0xffff;
	[tilespmem:s14+$0x11B80] =	vst v1  }
0x2fb: {  	v1 =	vadd.bf16 v55, v53;
	v2 =	vand.u32 $0xFFFFFF80, v2;
	v53 =	vadd.s32 v10, v47;
	v54 =	vld.idx.msk [tilespmem:v54+s22+$0x0], $0xffff;
	[tilespmem:s11+$0x11B80] =	vst v50  }
0x2fc: {  	v55 =	vadd.s32 v10, v46;
	v50 =	vand.u32 $0xFFFFFF80, v53;
	v53 =	vadd.s32 v10, v48;
	v41 =	vld.idx.msk [tilespmem:v41+s5+$0x0], $0xffff  }
0x2fd: {  	v5 =	vunpack.i.u.bf16.f32 v1;
	v1 =	vunpack.i.l.bf16.f32 v1;
	v51 =	vadd.bf16 v51, v58;
	v42 =	vld.idx.msk [tilespmem:v42+s22+$0x0], $0xffff  }
0x2fe: {  	v45 =	vor.u32 v11, v45;
	[tilespmem:s21+$0x11B80] =	vst v1;
	v1 =	vand.u32 $0xFFFFFF80, v53;
	v53 =	vand.u32 $0xFFFFFF80, v55;
	v40 =	vld.idx.msk [tilespmem:v40+s5+$0x0], $0xffff  }
0x2ff: {  	v52 =	vadd.bf16 v52, v60;
	[tilespmem:s21+$0x12380] =	vst v5;
	v5 =	vunpack.i.u.bf16.f32 v51;
	v51 =	vunpack.i.l.bf16.f32 v51;
	v38 =	vld.idx.msk [tilespmem:v38+s22+$0x0], $0xffff  }
0x300: {  	v43 =	vor.u32 v11, v43;
	v55 =	vadd.s32 $0x45C6, v26;
	[tilespmem:s21+$0x11B90] =	vst v51;
	v51 =	vadd.s32 $0x45C6, v27;
	v37 =	vld.idx.msk [tilespmem:v37+s5+$0x0], $0xffff  }
0x301: {  	v54 =	vadd.bf16 v54, v61;
	[tilespmem:s21+$0x12390] =	vst v5;
	v5 =	vunpack.i.u.bf16.f32 v52;
	v52 =	vunpack.i.l.bf16.f32 v52;
	v34 =	vld.idx.msk [tilespmem:v34+s22+$0x0], $0xffff  }
0x302: {  	v36 =	vor.u32 v11, v36;
	v2 =	vor.u32 v11, v2;
	v60 =	vadd.s32 $0x45C6, v44;
	v58 =	vld.idx.msk [tilespmem:v63+s5+$0x0], $0xffff;
	[tilespmem:s21+$0x11BA0] =	vst v52  }
0x303: {  	v41 =	vadd.bf16 v42, v41;
	v52 =	vld.idx.msk [tilespmem:v56+s22+$0x0], $0xffff;
	[tilespmem:s21+$0x123A0] =	vst v5;
	v5 =	vunpack.i.u.bf16.f32 v54;
	v54 =	vunpack.i.l.bf16.f32 v54  }
0x304: {  	v50 =	vor.u32 v11, v50;
	v42 =	vadd.s32 $0x45C6, v39;
	v56 =	vadd.s32 $0x45C6, v33;
	v3 =	vld.idx.msk [tilespmem:v3+s5+$0x0], $0xffff;
	[tilespmem:s21+$0x11BB0] =	vst v54  }
0x305: {  	v38 =	vadd.bf16 v38, v40;
	v0 =	vld.idx.msk [tilespmem:v0+s22+$0x0], $0xffff;
	[tilespmem:s21+$0x123B0] =	vst v5;
	v5 =	vunpack.i.u.bf16.f32 v41;
	v41 =	vunpack.i.l.bf16.f32 v41  }
0x306: {  	v1 =	vor.u32 v11, v1;
	v53 =	vor.u32 v11, v53;
	v54 =	vadd.s32 $0x45C6, v35;
	v40 =	vld.idx.msk [tilespmem:v57+s5+$0x0], $0xffff;
	[tilespmem:s23+$0x11B80] =	vst v41  }
0x307: {  	v34 =	vadd.bf16 v34, v37;
	v41 =	vld.idx.msk [tilespmem:v59+s22+$0x0], $0xffff;
	[tilespmem:s17+$0x1840] =	vst v5;
	v5 =	vunpack.i.u.bf16.f32 v38;
	v38 =	vunpack.i.l.bf16.f32 v38  }
0x308: {  	v29 =	vadd.s32 v12, v29;
	v30 =	vadd.s32 v12, v30;
	v37 =	vadd.s32 $0x45C7, v31;
	v4 =	vld.idx.msk [tilespmem:v4+s5+$0x0], $0xffff;
	[tilespmem:s4+$0x11B80] =	vst v38  }
0x309: {  	v31 =	vadd.bf16 v52, v58;
	v38 =	vld.idx.msk [tilespmem:v62+s22+$0x0], $0xffff;
	[tilespmem:s17+$0x1850] =	vst v5;
	v5 =	vunpack.i.u.bf16.f32 v34;
	v34 =	vunpack.i.l.bf16.f32 v34  }
0x30a: {  	v29 =	vand.u32 $0xFFFFFF80, v29;
	v28 =	vadd.s32 v12, v28;
	v49 =	vadd.s32 v12, v49;
	v32 =	vld.idx.msk [tilespmem:v32+s5+$0x0], $0xffff;
	[tilespmem:s3+$0x11B80] =	vst v34  }
0x30b: {  	v34 =	vunpack.i.u.bf16.f32 v31;
	v31 =	vunpack.i.l.bf16.f32 v31;
	v0 =	vadd.bf16 v0, v3;
	v3 =	vld.idx.msk [tilespmem:v45+s22+$0x0], $0xffff;
	[tilespmem:s17+$0x1860] =	vst v5  }
0x30c: {  	v30 =	vand.u32 $0xFFFFFF80, v30;
	v5 =	vadd.s32 v12, v47;
	[tilespmem:s21+$0x12B80] =	vst v31;
	v31 =	vadd.s32 v12, v48;
	v45 =	vld.idx.msk [tilespmem:v51+s5+$0x0], $0xffff  }
0x30d: {  	v40 =	vadd.bf16 v41, v40;
	[tilespmem:s21+$0x13380] =	vst v34;
	v34 =	vunpack.i.u.bf16.f32 v0;
	v0 =	vunpack.i.l.bf16.f32 v0;
	v47 =	vld.idx.msk [tilespmem:v43+s22+$0x0], $0xffff  }
0x30e: {  	v28 =	vand.u32 $0xFFFFFF80, v28;
	v48 =	vand.u32 $0xFFFFFF80, v49;
	[tilespmem:s21+$0x12B90] =	vst v0;
	v0 =	vadd.s32 v12, v46;
	v46 =	vld.idx.msk [tilespmem:v55+s5+$0x0], $0xffff  }
0x30f: {  	v41 =	vunpack.i.u.bf16.f32 v40;
	v4 =	vadd.bf16 v38, v4;
	[tilespmem:s17+$0x1810] =	vst v34;
	v34 =	vunpack.i.l.bf16.f32 v40;
	v38 =	vld.idx.msk [tilespmem:v36+s22+$0x0], $0xffff  }
0x310: {  	v5 =	vand.u32 $0xFFFFFF80, v5;
	v51 =	vand.u32 $0xFFFFFF80, v31;
	v49 =	vld.idx.msk [tilespmem:v60+s5+$0x0], $0xffff;
	[tilespmem:s21+$0x12BA0] =	vst v34;
	v34 =	vand.u32 $0xFFFFFF80, v0  }
0x311: {  	v3 =	vadd.bf16 v3, v32;
	v0 =	vld.idx.msk [tilespmem:v2+s22+$0x0], $0xffff;
	[tilespmem:s17+$0x1820] =	vst v41;
	v2 =	vunpack.i.u.bf16.f32 v4;
	v4 =	vunpack.i.l.bf16.f32 v4  }
0x312: {  	v43 =	vadd.s32 $0x45C7, v27;
	v41 =	vor.u32 v13, v30;
	v52 =	vld.idx.msk [tilespmem:v42+s5+$0x0], $0xffff;
	[tilespmem:s21+$0x12BB0] =	vst v4;
	v4 =	vor.u32 v13, v29  }
0x313: {  	v27 =	vadd.bf16 v47, v45;
	v50 =	vld.idx.msk [tilespmem:v50+s22+$0x0], $0xffff;
	[tilespmem:s17+$0x1830] =	vst v2;
	v2 =	vunpack.i.u.bf16.f32 v3;
	v3 =	vunpack.i.l.bf16.f32 v3  }
0x314: {  	v40 =	vadd.s32 $0x45C7, v26;
	v36 =	vor.u32 v13, v28;
	v29 =	vadd.s32 $0x45C7, v44;
	v42 =	vld.idx.msk [tilespmem:v56+s5+$0x0], $0xffff;
	[tilespmem:s17+$0x2040] =	vst v3  }
.Ltmp1:
0x315: {  	v3 =	vadd.bf16 v38, v46;
	v44 =	vld.idx.msk [tilespmem:v1+s22+$0x0], $0xffff;
	[tilespmem:s17+$0x2840] =	vst v2;
	v1 =	vunpack.i.u.bf16.f32 v27;
	v2 =	vunpack.i.l.bf16.f32 v27;
	(pc) =	sbr.rel @p1 .LBB2_5-.Ltmp1, $4  }
0x316: {  	v32 =	vor.u32 v13, v48;
	v30 =	vadd.s32 $0x45C7, v39;
	v27 =	vor.u32 v13, v5;
	v39 =	vld.idx.msk [tilespmem:v54+s5+$0x0], $0xffff;
	[tilespmem:s17+$0x2050] =	vst v2  }
0x317: {  	v0 =	vadd.bf16 v0, v49;
	v2 =	vunpack.i.l.bf16.f32 v3;
	v45 =	vld.idx.msk [tilespmem:v53+s22+$0x0], $0xffff;
	[tilespmem:s17+$0x2850] =	vst v1;
	v1 =	vunpack.i.u.bf16.f32 v3  }
0x318: {  	v31 =	vadd.s32 $0x45C7, v33;
	v28 =	vor.u32 v13, v51;
	v26 =	vadd.s32 $0x45C7, v35;
	v33 =	vld.idx.msk [tilespmem:v37+s5+$0x0], $0xffff;
	[tilespmem:s17+$0x2060] =	vst v2  }
0x319: {  	p0 =	por !p0, !p0;
	v38 =	vunpack.i.u.bf16.f32 v0;
	v46 =	vunpack.i.l.bf16.f32 v0;
	v37 =	vadd.bf16 v50, v52;
	v35 =	vld.idx.msk [tilespmem:v4+s22+$0x0], $0xffff;
	[tilespmem:s17+$0x2860] =	vst v1  }
0x31a: {  	[tilespmem:$0x1FE20] =	vst v12  }
0x31b: {  	[tilespmem:$0x1FE30] =	vst v11  }
0x31c: {  	[tilespmem:$0x1FE40] =	vst v10  }
0x31d: {  	[tilespmem:$0x1FE50] =	vst v9  }
0x31e: {  	[tilespmem:$0x1FE60] =	vst v8  }
0x31f: {  	[tilespmem:$0x1FE70] =	vst v7  }
0x320: {  	[tilespmem:$0x1FE80] =	vst v6  }
0x321: {  	[tilespmem:s21+$0x13B80] =	vst v46  }
0x322: {  	v60 =	vunpack.i.l.bf16.f32 v16;
	[tilespmem:s21+$0x14380] =	vst v38  }
0x323: {  	v62 =	vunpack.i.u.bf16.f32 v16;
	[tilespmem:s20+$0x3060] =	vst v60  }
0x324: {  	v63 =	vunpack.i.l.bf16.f32 v25;
	[tilespmem:s20+$0x3860] =	vst v62  }
0x325: {  	v2 =	vadd.bf16 v44, v42;
	v1 =	vunpack.i.l.bf16.f32 v37;
	[tilespmem:s17+$0x3070] =	vst v63  }
0x326: {  	v3 =	vunpack.i.u.bf16.f32 v37;
	[tilespmem:s17+$0x2010] =	vst v1  }
0x327: {  	v0 =	vld.idx.msk [tilespmem:v43+s5+$0x0], $0xffff;
	[tilespmem:s17+$0x2810] =	vst v3;
	v54 =	vunpack.i.l.bf16.f32 v2;
	v55 =	vadd.bf16 v45, v39  }
0x328: {  	v4 =	vld.idx.msk [tilespmem:v41+s22+$0x0], $0xffff;
	v2 =	vunpack.i.u.bf16.f32 v2;
	[tilespmem:s17+$0x2020] =	vst v54  }
0x329: {  	[tilespmem:s17+$0x2820] =	vst v2;
	v56 =	vunpack.i.l.bf16.f32 v55;
	v57 =	vadd.bf16 v35, v33  }
0x32a: {  	v3 =	vunpack.i.u.bf16.f32 v55;
	[tilespmem:s17+$0x2030] =	vst v56  }
0x32b: {  	v61 =	vadd.bf16 v19, v17;
	[tilespmem:s17+$0x2830] =	vst v3;
	v58 =	vunpack.i.l.bf16.f32 v57  }
0x32c: {  	v35 =	vadd.bf16 v20, v18;
	v2 =	vunpack.i.u.bf16.f32 v57;
	[tilespmem:s17+$0x3040] =	vst v58  }
0x32d: {  	v0 =	vadd.bf16 v4, v0;
	v4 =	vunpack.i.l.bf16.f32 v61;
	[tilespmem:s17+$0x3840] =	vst v2  }
0x32e: {  	v5 =	vunpack.i.l.bf16.f32 v35;
	[tilespmem:s1+$0x14B80] =	vst v4  }
0x32f: {  	[tilespmem:s20+$0x3010] =	vst v5;
	v59 =	vunpack.i.l.bf16.f32 v0  }
0x330: {  	v36 =	vld.idx.msk [tilespmem:v36+s22+$0x0], $0xffff;
	v0 =	vunpack.i.u.bf16.f32 v0;
	[tilespmem:s17+$0x3050] =	vst v59  }
0x331: {  	v33 =	vld.idx.msk [tilespmem:v40+s5+$0x0], $0xffff;
	[tilespmem:s17+$0x3850] =	vst v0;
	v0 =	vunpack.i.u.bf16.f32 v61  }
0x332: {  	v16 =	vld.idx.msk [tilespmem:v29+s5+$0x0], $0xffff;
	v4 =	vadd.bf16 v23, v21;
	[tilespmem:s1+$0x15380] =	vst v0  }
0x333: {  	v38 =	vld.idx.msk [tilespmem:v32+s22+$0x0], $0xffff;
	v37 =	vunpack.i.u.bf16.f32 v35;
	[tilespmem:$0x1FE90] =	vst v13  }
0x334: {  	v17 =	vadd.bf16 v24, v22;
	v5 =	vor.u32 v13, v34;
	v18 =	vunpack.i.l.bf16.f32 v4;
	v19 =	vld.idx.msk [tilespmem:v30+s5+$0x0], $0xffff;
	[tilespmem:s20+$0x3810] =	vst v37  }
0x335: {  	v39 =	vunpack.i.u.bf16.f32 v4;
	v4 =	vld.idx.msk [tilespmem:v27+s22+$0x0], $0xffff;
	[tilespmem:s20+$0x3020] =	vst v18  }
0x336: {  	v40 =	vunpack.i.l.bf16.f32 v17;
	v1 =	vadd.bf16 v36, v33;
	v18 =	vld.idx.msk [tilespmem:v31+s5+$0x0], $0xffff;
	[tilespmem:s20+$0x3820] =	vst v39  }
0x337: {  	v41 =	vunpack.i.u.bf16.f32 v17;
	v17 =	vld.idx.msk [tilespmem:v28+s22+$0x0], $0xffff;
	[tilespmem:s20+$0x3030] =	vst v40  }
0x338: {  	v43 =	vadd.bf16 v38, v16;
	v44 =	vunpack.i.l.bf16.f32 v1;
	[tilespmem:s20+$0x3830] =	vst v41;
	v42 =	vld.idx.msk [tilespmem:v26+s5+$0x0], $0xffff  }
0x339: {  	v1 =	vunpack.i.u.bf16.f32 v1;
	v5 =	vld.idx.msk [tilespmem:v5+s22+$0x0], $0xffff;
	[tilespmem:s17+$0x3060] =	vst v44  }
0x33a: {  	v46 =	vunpack.i.u.bf16.f32 v43;
	[tilespmem:s17+$0x3860] =	vst v1;
	v45 =	vadd.bf16 v4, v19  }
0x33b: {  	[tilespmem:s21+$0x15380] =	vst v46;
	v4 =	vunpack.i.l.bf16.f32 v43  }
0x33c: {  	v47 =	vadd.bf16 v17, v18;
	[tilespmem:s21+$0x14B80] =	vst v4;
	v4 =	vunpack.i.l.bf16.f32 v45  }
0x33d: {  	v48 =	vunpack.i.u.bf16.f32 v45;
	[tilespmem:s17+$0x3010] =	vst v4  }
0x33e: {  	v0 =	vadd.bf16 v5, v42;
	v49 =	vunpack.i.l.bf16.f32 v47;
	[tilespmem:s17+$0x3810] =	vst v48  }
0x33f: {  	v50 =	vunpack.i.u.bf16.f32 v47;
	[tilespmem:s17+$0x3020] =	vst v49  }
0x340: {  	v51 =	vunpack.i.l.bf16.f32 v0;
	[tilespmem:s17+$0x3820] =	vst v50  }
0x341: {  	v0 =	vunpack.i.u.bf16.f32 v0;
	[tilespmem:s17+$0x3030] =	vst v51  }
0x342: {  	[tilespmem:s17+$0x3830] =	vst v0  }
0x343: {  	s1 =	rddreg [dreg:$0x9]  }
0x344: {  	s3 =	simm.s32 $0x11B80;
	s1 =	sadd.s32 s2, s1  }
0x345: {  	[hbm4b:s1+s18] =	stream.strided.scatter [tilespmem:s3], [sflag:$0x4], $0x4000, s19, s18, $0x38;
	[tilespmem:$0x15B80] =	vst v63  }
0x346: {  	_ =	swait.ge [sflag:s26], $0x1800  }
0x347: {  	p0 =	seq.s32 s31, $0xF;
	s1 =	rddreg [dreg:$0xa];
	[sflag:s26] =	ssyncset.done $0x0  }
0x348: {  	s0 =	sadd.s32 @!p0 s0, s1;
	[sflag:s26] =	ssyncadd.s32 $0xFFFFE800  }
0x349: {  	s4 =	simm.s32 @!p0 $0xAB80;
	s0 =	sshrl.u32 @!p0 s0, $0x3;
	s1 =	rddreg [dreg:$0x1]  }
0x34a: {  	s3 =	simm.s32 @!p0 $0x40000;
	s0 =	sadd.s32 @!p0 s1, s0;
	s1 =	simm.s32 @!p0 $0x800  }
0x34b: {  	[tilespmem:s4], [sflag:$0x1] =	stream.strided.gather @!p0 [hbm4b:s0+s1], $0x1800, s3, s1, $0x38;
	[tilespmem:$0x15B80] =	vst v63  }
0x34c: {  	p0 =	por $0x0, $0x0;
	s0 =	simm.s32 $0x1  }
0x34d: {  	s0 =	simm.s32 @!p0 $0x0  }
0x34e: {  	_ =	swait.ge [sflag:s28], $0x4000;
	s0 =	sshll.u32 s0, $0xA  }
0x34f: {  	[sflag:s28] =	ssyncset.done $0x0;
	s6 =	sadd.s32 $0x0, s0  }
0x350: {  	[sflag:s28] =	ssyncadd.s32 $0xFFFFC000;
	s14 =	sor.u32 $0x70, s6  }
0x351: {  	s0 =	sor.u32 $0x870, s6;
	v52 =	vld [tilespmem:s14+$0xC380]  }
0x352: {  	s23 =	sor.u32 $0x1070, s6;
	v53 =	vld [tilespmem:s0+$0xC380]  }
0x353: {  	v54 =	vld [tilespmem:s23+$0xC380]  }
0x354: {  	v6 =	vld [tilespmem:$0x1FFA0];
	s13 =	sor.u32 $0x40, s6  }
0x355: {  	s12 =	sor.u32 $0x840, s6;
	v55 =	vld [tilespmem:s13+$0xC380]  }
0x356: {  	s24 =	sor.u32 $0x1040, s6;
	v4 =	vld [tilespmem:s12+$0xC380]  }
0x357: {  	s10 =	sor.u32 $0x50, s6;
	v5 =	vld [tilespmem:s24+$0xC380];
	vm0 =	vgt.s32 v52, $0xFFFFFFE1;
	vm1 =	vgt.s32 v53, $0xFFFFFFE1  }
0x358: {  	s7 =	sor.u32 $0x850, s6;
	v16 =	vld [tilespmem:s10+$0xC380];
	vm6 =	vgt.s32 v54, $0xFFFFFFE1;
	v0 =	vnsel vm0, $0xFFFFFFE1, v52;
	v1 =	vnsel vm1, $0xFFFFFFE1, v53  }
0x359: {  	s30 =	sor.u32 $0x1050, s6;
	v17 =	vld [tilespmem:s7+$0xC380];
	v2 =	vnsel vm6, $0xFFFFFFE1, v54;
	vm7 =	vlt.s32 v0, $0x1F;
	vm2 =	vlt.s32 v1, $0x1F  }
0x35a: {  	s8 =	sor.u32 $0x60, s6;
	v18 =	vld [tilespmem:s30+$0xC380];
	vm0 =	vlt.s32 v2, $0x1F;
	v0 =	vnsel vm7, $0x1F, v0;
	v1 =	vnsel vm2, $0x1F, v1  }
0x35b: {  	s11 =	sor.u32 $0x860, s6;
	s6 =	sor.u32 $0x1060, s6;
	v19 =	vld [tilespmem:s8+$0xC380];
	v2 =	vnsel vm0, $0x1F, v2;
	v0 =	vmul.u32 $0x237, v0;
	v1 =	vmul.u32 $0x9, v1  }
0x35c: {  	v21 =	vld [tilespmem:s6+$0xC380];
	v31 =	vshll.u32 v2, $0x7  }
0x35d: {  	v20 =	vld [tilespmem:s11+$0xC380];
	v56 =	vadd.s32 v6, v31;
	v29 =	vadd.s32 v0, v1  }
0x35e: {  	v8 =	vlaneseq.u32;
	v0 =	vand.u32 $0xFFFFFF80, v56;
	v1 =	vadd.s32 $0x45C0, v29  }
0x35f: {  	vm8 =	vgt.s32 v55, $0xFFFFFFE1;
	vm9 =	vgt.s32 v4, $0xFFFFFFE1;
	v0 =	vor.u32 v8, v0  }
0x360: {  	vm10 =	vgt.s32 v5, $0xFFFFFFE1;
	vm3 =	vgt.s32 v16, $0xFFFFFFE1;
	vm4 =	vgt.s32 v17, $0xFFFFFFE1  }
0x361: {  	vm5 =	vgt.s32 v18, $0xFFFFFFE1;
	vm11 =	vgt.s32 v19, $0xFFFFFFE1;
	vm12 =	vgt.s32 v21, $0xFFFFFFE1  }
0x362: {  	v11 =	vld [tilespmem:$0x1FFB0];
	v57 =	vnsel vm8, $0xFFFFFFE1, v55;
	vm6 =	vgt.s32 v20, $0xFFFFFFE1;
	v58 =	vnsel vm9, $0xFFFFFFE1, v4  }
0x363: {  	v4 =	vnsel vm10, $0xFFFFFFE1, v5;
	v5 =	vnsel vm3, $0xFFFFFFE1, v16;
	v16 =	vnsel vm4, $0xFFFFFFE1, v17;
	v1 =	vld.idx.msk [tilespmem:v1+s5+$0x0], $0xffff  }
0x364: {  	v17 =	vnsel vm5, $0xFFFFFFE1, v18;
	v18 =	vnsel vm11, $0xFFFFFFE1, v19;
	v19 =	vnsel vm6, $0xFFFFFFE1, v20;
	v0 =	vld.idx.msk [tilespmem:v0+s22+$0x0], $0xffff  }
0x365: {  	v12 =	vld [tilespmem:$0x1FFC0];
	v20 =	vnsel vm12, $0xFFFFFFE1, v21;
	vm13 =	vlt.s32 v57, $0x1F;
	vm14 =	vlt.s32 v58, $0x1F  }
0x366: {  	vm3 =	vlt.s32 v5, $0x1F;
	vm4 =	vlt.s32 v16, $0x1F;
	vm5 =	vlt.s32 v17, $0x1F  }
0x367: {  	vm15 =	vlt.s32 v18, $0x1F;
	vm2 =	vlt.s32 v4, $0x1F;
	vm7 =	vlt.s32 v19, $0x1F  }
0x368: {  	vm8 =	vlt.s32 v20, $0x1F;
	v3 =	vnsel vm14, $0x1F, v58;
	v21 =	vadd.s32 v11, v31  }
0x369: {  	v21 =	vand.u32 $0xFFFFFF80, v21;
	v59 =	vadd.s32 $0x45C1, v29;
	v0 =	vadd.bf16 v0, v1  }
0x36a: {  	v5 =	vnsel vm3, $0x1F, v5;
	v16 =	vnsel vm4, $0x1F, v16;
	v21 =	vor.u32 v12, v21  }
0x36b: {  	v17 =	vnsel vm5, $0x1F, v17;
	v18 =	vnsel vm15, $0x1F, v18;
	v22 =	vunpack.i.l.bf16.f32 v0  }
0x36c: {  	v2 =	vnsel vm13, $0x1F, v57;
	v4 =	vnsel vm2, $0x1F, v4;
	v0 =	vunpack.i.u.bf16.f32 v0;
	[tilespmem:s14+$0xDB80] =	vst v22  }
0x36d: {  	v19 =	vnsel vm7, $0x1F, v19;
	v20 =	vnsel vm8, $0x1F, v20;
	v3 =	vmul.u32 $0x9, v3;
	[tilespmem:s0+$0xDB80] =	vst v0  }
0x36e: {  	v5 =	vmul.u32 $0x237, v5;
	v23 =	vmul.u32 $0x9, v16;
	v16 =	vshll.u32 v17, $0x7;
	s14 =	simm.s32 $0x0;
	v1 =	vld.idx.msk [tilespmem:v59+s5+$0x0], $0xffff  }
0x36f: {  	v17 =	vmul.u32 $0x237, v18;
	v2 =	vmul.u32 $0x237, v2;
	v32 =	vshll.u32 v20, $0x7;
	s15 =	sand.u32 $0x400, s14;
	s0 =	sand.u32 $0x380, s14;
	v62 =	vld.idx.msk [tilespmem:v21+s22+$0x0], $0xffff  }
0x370: {  	v4 =	vshll.u32 v4, $0x7;
	v24 =	vadd.s32 v6, v16;
	v61 =	vadd.s32 v6, v32;
	v13 =	vld [tilespmem:$0x1FFD0];
	s0 =	sor.u32 s0, s15  }
0x371: {  	v60 =	vadd.s32 v6, v4;
	v18 =	vadd.s32 v2, v3;
	v2 =	vand.u32 $0xFFFFFF80, v61;
	v46 =	vld [tilespmem:s0+$0xC380]  }
0x372: {  	v44 =	vadd.s32 $0x45C2, v29;
	v20 =	vadd.s32 $0x45C0, v18;
	v30 =	vor.u32 v8, v2;
	v48 =	vld [tilespmem:s0+$0xCB80]  }
0x373: {  	v40 =	vadd.s32 $0x45C1, v18;
	v26 =	vadd.s32 $0x45C2, v18;
	v22 =	vmul.u32 $0x9, v19;
	v49 =	vld [tilespmem:s0+$0xD380]  }
0x374: {  	v19 =	vadd.s32 v5, v23;
	v5 =	vand.u32 $0xFFFFFF80, v24;
	v0 =	vand.u32 $0xFFFFFF80, v60;
	v50 =	vld [tilespmem:s0+$0xC390]  }
0x375: {  	v63 =	vadd.s32 $0x45C0, v19;
	v28 =	vor.u32 v8, v5;
	v5 =	vadd.s32 v11, v4;
	v51 =	vld [tilespmem:s0+$0xCB90]  }
0x376: {  	v36 =	vadd.s32 $0x45C1, v19;
	v17 =	vadd.s32 v17, v22;
	v0 =	vor.u32 v8, v0;
	v52 =	vld [tilespmem:s0+$0xD390]  }
0x377: {  	v21 =	vadd.s32 v11, v16;
	v45 =	vand.u32 $0xFFFFFF80, v5;
	v27 =	vadd.s32 $0x45C0, v17;
	v53 =	vld [tilespmem:s0+$0xC3A0]  }
0x378: {  	v21 =	vand.u32 $0xFFFFFF80, v21;
	v2 =	vor.u32 v12, v45;
	v34 =	vadd.s32 $0x45C1, v17;
	v54 =	vld [tilespmem:s0+$0xD3A0]  }
0x379: {  	v14 =	vld [tilespmem:$0x1FFE0];
	v35 =	vor.u32 v12, v21;
	v22 =	vadd.s32 v13, v31;
	v1 =	vadd.bf16 v62, v1  }
0x37a: {  	v47 =	vadd.s32 v13, v4;
	v21 =	vadd.s32 v13, v16;
	v22 =	vand.u32 $0xFFFFFF80, v22  }
0x37b: {  	v21 =	vand.u32 $0xFFFFFF80, v21;
	vm5 =	vgt.s32 v46, $0xFFFFFFE1;
	vm6 =	vgt.s32 v48, $0xFFFFFFE1  }
0x37c: {  	vm7 =	vgt.s32 v49, $0xFFFFFFE1;
	vm8 =	vgt.s32 v50, $0xFFFFFFE1;
	vm9 =	vgt.s32 v51, $0xFFFFFFE1  }
0x37d: {  	vm10 =	vgt.s32 v52, $0xFFFFFFE1;
	vm11 =	vgt.s32 v53, $0xFFFFFFE1;
	vm13 =	vgt.s32 v54, $0xFFFFFFE1  }
0x37e: {  	v5 =	vor.u32 v14, v22;
	v22 =	vadd.s32 v11, v32;
	v23 =	vunpack.i.l.bf16.f32 v1  }
0x37f: {  	v20 =	vld.idx.msk [tilespmem:v20+s5+$0x0], $0xffff;
	v1 =	vunpack.i.u.bf16.f32 v1;
	v39 =	vnsel vm6, $0xFFFFFFE1, v48;
	v41 =	vnsel vm8, $0xFFFFFFE1, v50  }
0x380: {  	v0 =	vld.idx.msk [tilespmem:v0+s22+$0x0], $0xffff;
	v38 =	vnsel vm9, $0xFFFFFFE1, v51;
	v43 =	vnsel vm10, $0xFFFFFFE1, v52;
	v45 =	vnsel vm13, $0xFFFFFFE1, v54  }
0x381: {  	v22 =	vand.u32 $0xFFFFFF80, v22;
	[tilespmem:s23+$0xDB80] =	vst v23;
	v23 =	vadd.s32 $0x45C2, v19;
	vm2 =	vlt.s32 v39, $0x1F  }
0x382: {  	vm1 =	vlt.s32 v41, $0x1F;
	vm4 =	vlt.s32 v43, $0x1F;
	v33 =	vor.u32 v12, v22  }
0x383: {  	v48 =	vld [tilespmem:s0+$0xCBB0];
	[tilespmem:s0+$0xF3F0] =	vst v1;
	v1 =	vand.u32 $0xFFFFFF80, v47;
	v22 =	vadd.s32 v13, v32;
	v39 =	vnsel vm2, $0x1F, v39  }
0x384: {  	v47 =	vld [tilespmem:s0+$0xC3B0];
	v41 =	vnsel vm1, $0x1F, v41;
	v43 =	vnsel vm4, $0x1F, v43;
	v24 =	vand.u32 $0xFFFFFF80, v22  }
0x385: {  	v3 =	vld.idx.msk [tilespmem:v44+s5+$0x0], $0xffff;
	v25 =	vor.u32 v14, v1;
	v22 =	vor.u32 v14, v21;
	v0 =	vadd.bf16 v0, v20  }
0x386: {  	v15 =	vld [tilespmem:$0x1FFF0];
	v1 =	vnsel vm7, $0xFFFFFFE1, v49;
	v44 =	vnsel vm11, $0xFFFFFFE1, v53;
	v57 =	vmul.u32 $0x9, v39  }
0x387: {  	v52 =	vld.idx.msk [tilespmem:v27+s5+$0x0], $0xffff;
	v58 =	vmul.u32 $0x237, v41;
	v37 =	vshll.u32 v43, $0x7;
	v20 =	vor.u32 v14, v24  }
0x388: {  	v49 =	vld [tilespmem:s0+$0xD3B0];
	vm3 =	vlt.s32 v1, $0x1F;
	v27 =	vadd.s32 v6, v37;
	v42 =	vunpack.i.u.bf16.f32 v0  }
0x389: {  	v0 =	vunpack.i.l.bf16.f32 v0;
	vm15 =	vgt.s32 v48, $0xFFFFFFE1;
	v1 =	vnsel vm3, $0x1F, v1  }
0x38a: {  	v5 =	vld.idx.msk [tilespmem:v5+s22+$0x0], $0xffff;
	v27 =	vand.u32 $0xFFFFFF80, v27;
	v48 =	vnsel vm15, $0xFFFFFFE1, v48;
	v39 =	vshll.u32 v1, $0x7  }
0x38b: {  	v50 =	vld.idx.msk [tilespmem:v63+s5+$0x0], $0xffff;
	vm14 =	vgt.s32 v47, $0xFFFFFFE1;
	vm10 =	vlt.s32 v48, $0x1F;
	v24 =	vadd.s32 v15, v4  }
0x38c: {  	v7 =	vld [tilespmem:$0x1FF90];
	v4 =	vnsel vm5, $0xFFFFFFE1, v46;
	v31 =	vadd.s32 v15, v31;
	vm5 =	vlt.s32 v38, $0x1F  }
0x38d: {  	[tilespmem:s13+$0xDB80] =	vst v0;
	v0 =	vld.idx.msk [tilespmem:v28+s22+$0x0], $0xffff;
	v47 =	vnsel vm14, $0xFFFFFFE1, v47;
	vm14 =	vlt.s32 v45, $0x1F;
	vm15 =	vgt.s32 v49, $0xFFFFFFE1  }
0x38e: {  	v54 =	vld.idx.msk [tilespmem:v30+s22+$0x0], $0xffff;
	v56 =	vnsel vm10, $0x1F, v48;
	vm0 =	vlt.s32 v4, $0x1F;
	vm9 =	vlt.s32 v47, $0x1F  }
0x38f: {  	v3 =	vadd.bf16 v5, v3;
	v5 =	vadd.s32 $0x45C3, v29;
	v29 =	vand.u32 $0xFFFFFF80, v31;
	v31 =	vld [tilespmem:s0+$0xCBA0]  }
0x390: {  	v49 =	vnsel vm15, $0xFFFFFFE1, v49;
	v38 =	vnsel vm5, $0x1F, v38;
	v45 =	vnsel vm14, $0x1F, v45  }
0x391: {  	v4 =	vnsel vm0, $0x1F, v4;
	v47 =	vnsel vm9, $0x1F, v47;
	v29 =	vor.u32 v7, v29  }
0x392: {  	v59 =	vmul.u32 $0x9, v38;
	v0 =	vadd.bf16 v0, v50;
	v55 =	vunpack.i.l.bf16.f32 v3  }
0x393: {  	s1 =	sadd.s32 $0xDB80, s0;
	v38 =	vshll.u32 v45, $0x7;
	v4 =	vmul.u32 $0x237, v4;
	v3 =	vunpack.i.u.bf16.f32 v3;
	[tilespmem:s0+$0xFBF0] =	vst v55  }
0x394: {  	[tilespmem:s1+$0x2870] =	vst v3;
	v3 =	vadd.bf16 v54, v52;
	v52 =	vunpack.i.u.bf16.f32 v0;
	vm12 =	vgt.s32 v31, $0xFFFFFFE1  }
0x395: {  	v0 =	vunpack.i.l.bf16.f32 v0;
	v31 =	vnsel vm12, $0xFFFFFFE1, v31;
	vm12 =	vlt.s32 v44, $0x1F  }
0x396: {  	v62 =	vld.idx.msk [tilespmem:v29+s22+$0x0], $0xffff;
	v29 =	vadd.s32 v6, v39;
	vm13 =	vlt.s32 v31, $0x1F;
	v44 =	vnsel vm12, $0x1F, v44  }
0x397: {  	v28 =	vand.u32 $0xFFFFFF80, v29;
	v29 =	vadd.s32 v58, v59;
	v31 =	vnsel vm13, $0x1F, v31  }
0x398: {  	[tilespmem:s12+$0xDB80] =	vst v42;
	v53 =	vor.u32 v8, v28;
	v28 =	vmul.u32 $0x9, v56;
	v55 =	vadd.s32 $0x45C0, v29  }
0x399: {  	v46 =	vld.idx.msk [tilespmem:v40+s5+$0x0], $0xffff;
	v61 =	vmul.u32 $0x9, v31;
	v31 =	vadd.s32 v4, v57;
	v4 =	vmul.u32 $0x237, v47  }
0x39a: {  	v5 =	vld.idx.msk [tilespmem:v5+s5+$0x0], $0xffff;
	[tilespmem:s10+$0xDB80] =	vst v0;
	v60 =	vmul.u32 $0x237, v44;
	v56 =	vadd.s32 v6, v38;
	v57 =	vor.u32 v8, v27  }
0x39b: {  	v2 =	vld.idx.msk [tilespmem:v2+s22+$0x0], $0xffff;
	[tilespmem:s7+$0xDB80] =	vst v52;
	v58 =	vand.u32 $0xFFFFFF80, v56;
	v63 =	vadd.s32 $0x45C0, v31;
	v27 =	vadd.s32 v4, v28  }
0x39c: {  	v35 =	vld.idx.msk [tilespmem:v35+s22+$0x0], $0xffff;
	v4 =	vor.u32 v8, v58;
	v58 =	vunpack.i.u.bf16.f32 v3;
	v3 =	vunpack.i.l.bf16.f32 v3  }
0x39d: {  	v21 =	vadd.s32 $0x45C2, v17;
	vm0 =	vlt.s32 v49, $0x1F;
	v30 =	vadd.s32 v60, v61;
	[tilespmem:s8+$0xDB80] =	vst v3;
	v3 =	vld.idx.msk [tilespmem:v36+s5+$0x0], $0xffff  }
0x39e: {  	v32 =	vadd.s32 v15, v32;
	v48 =	vnsel vm0, $0x1F, v49;
	v59 =	vadd.s32 $0x45C0, v30;
	v42 =	vld.idx.msk [tilespmem:v55+s5+$0x0], $0xffff  }
0x39f: {  	v40 =	vshll.u32 v48, $0x7;
	v28 =	vadd.bf16 v62, v5;
	v62 =	vadd.s32 $0x45C0, v27;
	v41 =	vld.idx.msk [tilespmem:v57+s22+$0x0], $0xffff  }
0x3a0: {  	v24 =	vand.u32 $0xFFFFFF80, v24;
	v32 =	vand.u32 $0xFFFFFF80, v32;
	v60 =	vadd.s32 v6, v40;
	v1 =	vld.idx.msk [tilespmem:v53+s22+$0x0], $0xffff  }
0x3a1: {  	v45 =	vadd.s32 v15, v16;
	v24 =	vor.u32 v7, v24;
	v5 =	vand.u32 $0xFFFFFF80, v60;
	v61 =	vld.idx.msk [tilespmem:v63+s5+$0x0], $0xffff  }
0x3a2: {  	v10 =	vor.u32 v7, v32;
	v56 =	vadd.s32 v11, v37;
	v5 =	vor.u32 v8, v5;
	v4 =	vld.idx.msk [tilespmem:v4+s22+$0x0], $0xffff  }
0x3a3: {  	s3 =	simm.s32 $0x1;
	p0 =	por !p0, !p0;
	v51 =	vadd.s32 v11, v40;
	v49 =	vand.u32 $0xFFFFFF80, v56;
	v52 =	vadd.s32 $0x45C2, v31;
	v48 =	vld.idx.msk [tilespmem:v59+s5+$0x0], $0xffff  }
0x3a4: {  	s3 =	simm.s32 @!p0 $0x0;
	[tilespmem:s11+$0xDB80] =	vst v58;
	v63 =	vadd.s32 v11, v39;
	v44 =	vld.idx.msk [tilespmem:v62+s5+$0x0], $0xffff;
	v62 =	vadd.s32 $0x45C1, v29;
	v41 =	vadd.bf16 v41, v42  }
0x3a5: {  	s3 =	sshll.u32 s3, $0xA;
	v53 =	vor.u32 v12, v49;
	v49 =	vadd.s32 $0x45C1, v30;
	v0 =	vld.idx.msk [tilespmem:v34+s5+$0x0], $0xffff;
	v47 =	vand.u32 $0xFFFFFF80, v63  }
0x3a6: {  	s3 =	sadd.s32 $0x40, s3;
	v33 =	vld.idx.msk [tilespmem:v33+s22+$0x0], $0xffff;
	v59 =	vadd.s32 $0x45C1, v31;
	v1 =	vadd.bf16 v1, v61;
	v54 =	vunpack.i.l.bf16.f32 v41  }
0x3a7: {  	s16 =	sor.u32 $0x70, s3;
	v57 =	vadd.s32 v11, v38;
	v47 =	vor.u32 v12, v47;
	v5 =	vld.idx.msk [tilespmem:v5+s22+$0x0], $0xffff;
	v41 =	vunpack.i.u.bf16.f32 v41;
	[tilespmem:s0+$0xDB90] =	vst v54  }
0x3a8: {  	v60 =	vand.u32 $0xFFFFFF80, v57;
	v63 =	vunpack.i.l.bf16.f32 v1;
	v4 =	vadd.bf16 v4, v48;
	[tilespmem:s0+$0xE390] =	vst v41;
	v48 =	vld [tilespmem:s16+$0xC380]  }
0x3a9: {  	v55 =	vadd.s32 $0x45C1, v27;
	v34 =	vor.u32 v12, v60;
	v1 =	vunpack.i.u.bf16.f32 v1;
	[tilespmem:s0+$0xDB80] =	vst v63;
	v36 =	vld.idx.msk [tilespmem:v62+s5+$0x0], $0xffff  }
0x3aa: {  	v57 =	vadd.bf16 v2, v46;
	v60 =	vadd.s32 v13, v37;
	[tilespmem:s0+$0xE380] =	vst v1;
	v42 =	vld.idx.msk [tilespmem:v53+s22+$0x0], $0xffff;
	v58 =	vunpack.i.l.bf16.f32 v4  }
0x3ab: {  	v3 =	vadd.bf16 v35, v3;
	v0 =	vadd.bf16 v33, v0;
	v50 =	vld.idx.msk [tilespmem:v59+s5+$0x0], $0xffff;
	v4 =	vunpack.i.u.bf16.f32 v4;
	[tilespmem:s0+$0xDBA0] =	vst v58  }
0x3ac: {  	v61 =	vand.u32 $0xFFFFFF80, v51;
	v5 =	vadd.bf16 v5, v44;
	v1 =	vunpack.i.l.bf16.f32 v57;
	v2 =	vld.idx.msk [tilespmem:v47+s22+$0x0], $0xffff;
	[tilespmem:s0+$0xE3A0] =	vst v4  }
0x3ad: {  	v56 =	vor.u32 v12, v61;
	v61 =	vadd.s32 v13, v38;
	v63 =	vunpack.i.u.bf16.f32 v57;
	[tilespmem:s24+$0xDB80] =	vst v1;
	v49 =	vld.idx.msk [tilespmem:v49+s5+$0x0], $0xffff  }
0x3ae: {  	v62 =	vadd.s32 v13, v40;
	v57 =	vadd.s32 $0x45C2, v30;
	v4 =	vunpack.i.l.bf16.f32 v5;
	[tilespmem:s0+$0xF3C0] =	vst v63;
	v34 =	vld.idx.msk [tilespmem:v34+s22+$0x0], $0xffff  }
0x3af: {  	v59 =	vadd.s32 v13, v39;
	v53 =	vand.u32 $0xFFFFFF80, v62;
	v5 =	vunpack.i.u.bf16.f32 v5;
	[tilespmem:s0+$0xDBB0] =	vst v4;
	v26 =	vld.idx.msk [tilespmem:v26+s5+$0x0], $0xffff  }
0x3b0: {  	v39 =	vadd.s32 v15, v39;
	v44 =	vand.u32 $0xFFFFFF80, v59;
	v58 =	vunpack.i.l.bf16.f32 v0;
	[tilespmem:s0+$0xE3B0] =	vst v5;
	v59 =	vld.idx.msk [tilespmem:v25+s22+$0x0], $0xffff  }
0x3b1: {  	v62 =	vadd.s32 $0x45C3, v18;
	v0 =	vunpack.i.u.bf16.f32 v0;
	v39 =	vand.u32 $0xFFFFFF80, v39;
	[tilespmem:s6+$0xDB80] =	vst v58;
	v41 =	vld.idx.msk [tilespmem:v55+s5+$0x0], $0xffff  }
0x3b2: {  	v63 =	vadd.s32 $0x45C3, v19;
	v4 =	vand.u32 $0xFFFFFF80, v60;
	v55 =	vunpack.i.l.bf16.f32 v3;
	v33 =	vld.idx.msk [tilespmem:v56+s22+$0x0], $0xffff;
	[tilespmem:s0+$0xF3E0] =	vst v0  }
0x3b3: {  	s15 =	sor.u32 $0x1070, s3;
	v5 =	vand.u32 $0xFFFFFF80, v61;
	v3 =	vunpack.i.u.bf16.f32 v3;
	[tilespmem:s30+$0xDB80] =	vst v55;
	v36 =	vadd.bf16 v42, v36;
	v35 =	vld.idx.msk [tilespmem:v21+s5+$0x0], $0xffff  }
0x3b4: {  	v56 =	vadd.s32 $0x45C2, v29;
	v21 =	vadd.s32 v15, v37;
	v37 =	vadd.s32 $0x45C3, v17;
	v17 =	vld [tilespmem:s15+$0xC380];
	[tilespmem:s0+$0xF3D0] =	vst v3  }
0x3b5: {  	v4 =	vor.u32 v14, v4;
	v2 =	vadd.bf16 v2, v50;
	v23 =	vld.idx.msk [tilespmem:v23+s5+$0x0], $0xffff;
	v51 =	vunpack.i.l.bf16.f32 v36  }
0x3b6: {  	s17 =	sor.u32 $0x870, s3;
	v54 =	vor.u32 v14, v44;
	v25 =	vadd.s32 $0x45C2, v27;
	v61 =	vld.idx.msk [tilespmem:v22+s22+$0x0], $0xffff;
	v36 =	vunpack.i.u.bf16.f32 v36;
	[tilespmem:s0+$0xEB90] =	vst v51  }
0x3b7: {  	v60 =	vunpack.i.l.bf16.f32 v2;
	v2 =	vunpack.i.u.bf16.f32 v2;
	[tilespmem:s0+$0xF390] =	vst v36;
	v34 =	vadd.bf16 v34, v49;
	v49 =	vld [tilespmem:s17+$0xC380]  }
0x3b8: {  	v16 =	vor.u32 v7, v39;
	v5 =	vor.u32 v14, v5;
	vm6 =	vgt.s32 v48, $0xFFFFFFE1;
	[tilespmem:s0+$0xF380] =	vst v2;
	v2 =	vld.idx.msk [tilespmem:v20+s22+$0x0], $0xffff  }
0x3b9: {  	v50 =	vadd.s32 v15, v38;
	[tilespmem:s0+$0xEB80] =	vst v60;
	v55 =	vld.idx.msk [tilespmem:v56+s5+$0x0], $0xffff;
	v19 =	vunpack.i.u.bf16.f32 v34;
	v34 =	vunpack.i.l.bf16.f32 v34  }
0x3ba: {  	v21 =	vand.u32 $0xFFFFFF80, v21;
	v22 =	vor.u32 v14, v53;
	v33 =	vadd.bf16 v33, v41;
	v4 =	vld.idx.msk [tilespmem:v4+s22+$0x0], $0xffff;
	[tilespmem:s0+$0xEBA0] =	vst v34  }
0x3bb: {  	v3 =	vadd.bf16 v59, v26;
	v20 =	vand.u32 $0xFFFFFF80, v45;
	v1 =	vld.idx.msk [tilespmem:v52+s5+$0x0], $0xffff;
	v52 =	vadd.s32 v15, v40;
	[tilespmem:s0+$0xF3A0] =	vst v19  }
0x3bc: {  	v53 =	vld.idx.msk [tilespmem:v54+s22+$0x0], $0xffff;
	v54 =	vand.u32 $0xFFFFFF80, v50;
	vm8 =	vgt.s32 v17, $0xFFFFFFE1;
	v50 =	vunpack.i.l.bf16.f32 v33;
	[tilespmem:$0x1FEA0] =	vst v16  }
0x3bd: {  	v26 =	vunpack.i.u.bf16.f32 v33;
	v0 =	vadd.bf16 v61, v23;
	v23 =	vadd.s32 $0x45C3, v31;
	[tilespmem:s0+$0xEBB0] =	vst v50;
	v31 =	vld.idx.msk [tilespmem:v57+s5+$0x0], $0xffff  }
0x3be: {  	v51 =	vunpack.i.u.bf16.f32 v3;
	v3 =	vunpack.i.l.bf16.f32 v3;
	v17 =	vnsel vm8, $0xFFFFFFE1, v17;
	[tilespmem:s0+$0xF3B0] =	vst v26;
	v5 =	vld.idx.msk [tilespmem:v5+s22+$0x0], $0xffff  }
0x3bf: {  	v20 =	vor.u32 v7, v20;
	v38 =	vand.u32 $0xFFFFFF80, v52;
	vm0 =	vlt.s32 v17, $0x1F;
	[tilespmem:s0+$0xFBC0] =	vst v3;
	v52 =	vld.idx.msk [tilespmem:v25+s5+$0x0], $0xffff  }
0x3c0: {  	v16 =	vadd.s32 $0x45C3, v30;
	v26 =	vunpack.i.u.bf16.f32 v0;
	v0 =	vunpack.i.l.bf16.f32 v0;
	[tilespmem:s1+$0x2840] =	vst v51;
	v56 =	vld.idx.msk [tilespmem:v22+s22+$0x0], $0xffff  }
0x3c1: {  	vm7 =	vgt.s32 v49, $0xFFFFFFE1;
	v17 =	vnsel vm0, $0x1F, v17;
	v22 =	vnsel vm6, $0xFFFFFFE1, v48;
	[tilespmem:s0+$0xFBD0] =	vst v0;
	v57 =	vld.idx.msk [tilespmem:v62+s5+$0x0], $0xffff  }
0x3c2: {  	v25 =	vnsel vm7, $0xFFFFFFE1, v49;
	v48 =	vshll.u32 v17, $0x7;
	v2 =	vadd.bf16 v2, v35;
	v58 =	vld.idx.msk [tilespmem:v24+s22+$0x0], $0xffff;
	[tilespmem:s1+$0x2850] =	vst v26  }
0x3c3: {  	v4 =	vadd.bf16 v4, v55;
	vm9 =	vlt.s32 v22, $0x1F;
	v17 =	vadd.s32 v6, v48;
	v59 =	vld.idx.msk [tilespmem:v63+s5+$0x0], $0xffff  }
0x3c4: {  	s20 =	sor.u32 $0x40, s3;
	vm10 =	vlt.s32 v25, $0x1F;
	v1 =	vadd.bf16 v53, v1;
	v60 =	vld.idx.msk [tilespmem:v20+s22+$0x0], $0xffff;
	[tilespmem:$0x1FEB0] =	vst v16;
	v16 =	vor.u32 v7, v54  }
0x3c5: {  	s4 =	sor.u32 $0x840, s3;
	v22 =	vnsel vm9, $0x1F, v22;
	v24 =	vnsel vm10, $0x1F, v25;
	v26 =	vadd.s32 $0x45C3, v29;
	v61 =	vld [tilespmem:s20+$0xC380];
	[tilespmem:$0x1FEC0] =	vst v16  }
0x3c6: {  	s6 =	sor.u32 $0x1040, s3;
	v25 =	vor.u32 v7, v21;
	v17 =	vand.u32 $0xFFFFFF80, v17;
	v46 =	vunpack.i.u.bf16.f32 v2;
	v62 =	vld [tilespmem:s4+$0xC380]  }
0x3c7: {  	s7 =	sor.u32 $0x50, s3;
	v47 =	vunpack.i.l.bf16.f32 v2;
	v22 =	vmul.u32 $0x237, v22;
	v24 =	vmul.u32 $0x9, v24;
	v53 =	vld [tilespmem:s6+$0xC380]  }
0x3c8: {  	s12 =	sor.u32 $0x850, s3;
	v41 =	vunpack.i.l.bf16.f32 v4;
	v17 =	vor.u32 v8, v17;
	v40 =	vunpack.i.u.bf16.f32 v1;
	v54 =	vld [tilespmem:s7+$0xC380]  }
0x3c9: {  	s21 =	sor.u32 $0x1050, s3;
	v43 =	vunpack.i.l.bf16.f32 v1;
	v63 =	vadd.bf16 v5, v31;
	v49 =	vadd.s32 v22, v24;
	v55 =	vld [tilespmem:s12+$0xC380]  }
0x3ca: {  	s23 =	sor.u32 $0x60, s3;
	v24 =	vadd.s32 $0x45C3, v27;
	v27 =	vunpack.i.u.bf16.f32 v4;
	v5 =	vld [tilespmem:s21+$0xC380];
	v3 =	vadd.bf16 v56, v52  }
0x3cb: {  	s24 =	sor.u32 $0x860, s3;
	v52 =	vld [tilespmem:s23+$0xC380];
	v56 =	vadd.s32 v11, v48;
	v29 =	vadd.s32 $0x45C0, v49;
	v0 =	vadd.bf16 v58, v57  }
0x3cc: {  	s3 =	sor.u32 $0x1060, s3;
	v33 =	vunpack.i.u.bf16.f32 v63;
	v35 =	vunpack.i.l.bf16.f32 v63;
	v57 =	vld [tilespmem:s24+$0xC380];
	v32 =	vunpack.i.u.bf16.f32 v3  }
0x3cd: {  	v58 =	vld [tilespmem:s3+$0xC380];
	v34 =	vunpack.i.l.bf16.f32 v3;
	v30 =	vunpack.i.l.bf16.f32 v0;
	v21 =	vadd.bf16 v60, v59  }
0x3ce: {  	vm11 =	vgt.s32 v61, $0xFFFFFFE1;
	vm12 =	vgt.s32 v62, $0xFFFFFFE1;
	vm13 =	vgt.s32 v53, $0xFFFFFFE1  }
0x3cf: {  	v51 =	vld.idx.msk [tilespmem:v17+s22+$0x0], $0xffff;
	vm2 =	vgt.s32 v54, $0xFFFFFFE1;
	vm1 =	vgt.s32 v55, $0xFFFFFFE1;
	vm14 =	vgt.s32 v5, $0xFFFFFFE1  }
0x3d0: {  	v31 =	vnsel vm11, $0xFFFFFFE1, v61;
	vm15 =	vgt.s32 v52, $0xFFFFFFE1;
	v4 =	vld.idx.msk [tilespmem:v29+s5+$0x0], $0xffff;
	v29 =	vunpack.i.u.bf16.f32 v0  }
0x3d1: {  	v0 =	vand.u32 $0xFFFFFF80, v56;
	v59 =	vnsel vm12, $0xFFFFFFE1, v62;
	v36 =	vnsel vm13, $0xFFFFFFE1, v53  }
0x3d2: {  	vm9 =	vlt.s32 v31, $0x1F;
	vm12 =	vgt.s32 v57, $0xFFFFFFE1;
	vm13 =	vgt.s32 v58, $0xFFFFFFE1  }
0x3d3: {  	v63 =	vnsel vm2, $0xFFFFFFE1, v54;
	v2 =	vnsel vm1, $0xFFFFFFE1, v55;
	v5 =	vnsel vm14, $0xFFFFFFE1, v5  }
0x3d4: {  	v3 =	vnsel vm15, $0xFFFFFFE1, v52;
	v56 =	vadd.s32 v13, v48;
	v0 =	vor.u32 v12, v0  }
0x3d5: {  	vm10 =	vlt.s32 v59, $0x1F;
	v1 =	vadd.bf16 v51, v4;
	v4 =	vadd.s32 $0x45C1, v49  }
0x3d6: {  	vm11 =	vlt.s32 v36, $0x1F;
	v31 =	vnsel vm9, $0x1F, v31;
	v39 =	vnsel vm12, $0xFFFFFFE1, v57  }
0x3d7: {  	v44 =	vnsel vm13, $0xFFFFFFE1, v58;
	v45 =	vand.u32 $0xFFFFFF80, v56;
	v60 =	vunpack.i.l.bf16.f32 v1  }
0x3d8: {  	vm14 =	vlt.s32 v63, $0x1F;
	v42 =	vnsel vm10, $0x1F, v59;
	v1 =	vunpack.i.u.bf16.f32 v1;
	[tilespmem:s16+$0xDB80] =	vst v60  }
0x3d9: {  	s10 =	simm.s32 $0x400;
	s8 =	simm.s32 $0x40;
	v61 =	vnsel vm11, $0x1F, v36;
	v31 =	vmul.u32 $0x237, v31;
	v62 =	vmul.u32 $0x9, v42;
	[tilespmem:s17+$0xDB80] =	vst v1  }
0x3da: {  	s30 =	sand.u32 $0x380, s8;
	vm1 =	vlt.s32 v2, $0x1F;
	vm15 =	vlt.s32 v5, $0x1F;
	v42 =	vshll.u32 v61, $0x7;
	s16 =	sand.u32 $0x400, s10;
	v4 =	vld.idx.msk [tilespmem:v4+s5+$0x0], $0xffff  }
0x3db: {  	vm3 =	vlt.s32 v3, $0x1F;
	v53 =	vadd.s32 v6, v42;
	v31 =	vadd.s32 v31, v62;
	s17 =	sor.u32 s30, s16;
	v0 =	vld.idx.msk [tilespmem:v0+s22+$0x0], $0xffff  }
0x3dc: {  	vm4 =	vlt.s32 v39, $0x1F;
	v54 =	vand.u32 $0xFFFFFF80, v53;
	v55 =	vadd.s32 $0x45C0, v31;
	v52 =	vld [tilespmem:s17+$0xC380]  }
0x3dd: {  	vm5 =	vlt.s32 v44, $0x1F;
	v5 =	vnsel vm15, $0x1F, v5;
	v36 =	vor.u32 v8, v54;
	v53 =	vld [tilespmem:s17+$0xCB80]  }
0x3de: {  	v59 =	vnsel vm4, $0x1F, v39;
	v60 =	vnsel vm5, $0x1F, v44;
	v44 =	vshll.u32 v5, $0x7;
	v56 =	vld [tilespmem:s17+$0xCB90]  }
0x3df: {  	v58 =	vnsel vm3, $0x1F, v3;
	v3 =	vmul.u32 $0x9, v59;
	v61 =	vadd.s32 v6, v44;
	v59 =	vld [tilespmem:s17+$0xD390]  }
0x3e0: {  	v2 =	vnsel vm1, $0x1F, v2;
	v1 =	vnsel vm14, $0x1F, v63;
	v62 =	vand.u32 $0xFFFFFF80, v61;
	v61 =	vld [tilespmem:s17+$0xC3A0]  }
0x3e1: {  	v9 =	vunpack.i.u.bf16.f32 v28;
	v2 =	vmul.u32 $0x9, v2;
	v1 =	vmul.u32 $0x237, v1;
	v50 =	vld.idx.msk [tilespmem:v55+s5+$0x0], $0xffff  }
0x3e2: {  	v19 =	vadd.s32 v15, v48;
	v22 =	vor.u32 v7, v38;
	v48 =	vadd.s32 $0x45C3, v49;
	v51 =	vld.idx.msk [tilespmem:v36+s22+$0x0], $0xffff  }
0x3e3: {  	v45 =	vor.u32 v14, v45;
	v55 =	vld [tilespmem:s17+$0xD380];
	v17 =	vor.u32 v8, v62;
	v38 =	vadd.s32 v1, v2  }
0x3e4: {  	v62 =	vadd.s32 $0x45C1, v31;
	v1 =	vadd.s32 v11, v42;
	v16 =	vadd.s32 $0x45C0, v38  }
0x3e5: {  	v18 =	vadd.s32 $0x45C1, v38;
	v0 =	vadd.bf16 v0, v4;
	v4 =	vadd.s32 $0x45C2, v49  }
0x3e6: {  	vm4 =	vgt.s32 v52, $0xFFFFFFE1;
	vm5 =	vgt.s32 v53, $0xFFFFFFE1;
	vm8 =	vgt.s32 v56, $0xFFFFFFE1  }
0x3e7: {  	vm9 =	vgt.s32 v59, $0xFFFFFFE1;
	vm10 =	vgt.s32 v61, $0xFFFFFFE1;
	v50 =	vadd.bf16 v51, v50  }
0x3e8: {  	v52 =	vnsel vm4, $0xFFFFFFE1, v52;
	vm6 =	vgt.s32 v55, $0xFFFFFFE1;
	v53 =	vnsel vm5, $0xFFFFFFE1, v53  }
0x3e9: {  	v56 =	vnsel vm8, $0xFFFFFFE1, v56;
	v59 =	vnsel vm9, $0xFFFFFFE1, v59;
	v61 =	vnsel vm10, $0xFFFFFFE1, v61  }
0x3ea: {  	v57 =	vunpack.i.l.bf16.f32 v0;
	v0 =	vunpack.i.u.bf16.f32 v0;
	v55 =	vnsel vm6, $0xFFFFFFE1, v55  }
0x3eb: {  	vm15 =	vlt.s32 v52, $0x1F;
	vm4 =	vlt.s32 v53, $0x1F;
	vm8 =	vlt.s32 v56, $0x1F  }
0x3ec: {  	v51 =	vld [tilespmem:s17+$0xD3A0];
	vm9 =	vlt.s32 v59, $0x1F;
	vm10 =	vlt.s32 v61, $0x1F;
	v52 =	vnsel vm15, $0x1F, v52  }
0x3ed: {  	v17 =	vld.idx.msk [tilespmem:v17+s22+$0x0], $0xffff;
	[tilespmem:s15+$0xDB80] =	vst v57;
	vm5 =	vlt.s32 v55, $0x1F;
	v53 =	vnsel vm4, $0x1F, v53;
	v56 =	vnsel vm8, $0x1F, v56  }
0x3ee: {  	v16 =	vld.idx.msk [tilespmem:v16+s5+$0x0], $0xffff;
	v59 =	vnsel vm9, $0x1F, v59;
	v61 =	vnsel vm10, $0x1F, v61;
	[tilespmem:s17+$0xF3F0] =	vst v0;
	v0 =	vmul.u32 $0x237, v58  }
0x3ef: {  	v58 =	vadd.s32 v11, v44;
	v55 =	vnsel vm5, $0x1F, v55;
	v52 =	vmul.u32 $0x237, v52;
	v4 =	vld.idx.msk [tilespmem:v4+s5+$0x0], $0xffff  }
0x3f0: {  	v56 =	vmul.u32 $0x9, v56;
	v5 =	vld.idx.msk [tilespmem:v45+s22+$0x0], $0xffff;
	v45 =	vshll.u32 v60, $0x7;
	v60 =	vand.u32 $0xFFFFFF80, v1  }
0x3f1: {  	v58 =	vand.u32 $0xFFFFFF80, v58;
	v1 =	vld [tilespmem:s17+$0xCBB0];
	v55 =	vshll.u32 v55, $0x7;
	v54 =	vadd.s32 v6, v45  }
0x3f2: {  	v36 =	vadd.s32 v0, v3;
	v3 =	vld [tilespmem:s17+$0xC390];
	v2 =	vadd.s32 v11, v45;
	v60 =	vor.u32 v12, v60  }
0x3f3: {  	v0 =	vld [tilespmem:s17+$0xD3B0];
	vm12 =	vgt.s32 v51, $0xFFFFFFE1;
	v58 =	vor.u32 v12, v58;
	v63 =	vand.u32 $0xFFFFFF80, v54  }
0x3f4: {  	v57 =	vadd.s32 $0x45C0, v36;
	v54 =	vand.u32 $0xFFFFFF80, v2;
	v51 =	vnsel vm12, $0xFFFFFFE1, v51  }
0x3f5: {  	v20 =	vor.u32 v8, v63;
	v63 =	vld [tilespmem:s17+$0xCBA0];
	vm12 =	vlt.s32 v51, $0x1F;
	v16 =	vadd.bf16 v17, v16  }
0x3f6: {  	v51 =	vnsel vm12, $0x1F, v51;
	v4 =	vadd.bf16 v5, v4;
	vm14 =	vgt.s32 v1, $0xFFFFFFE1  }
0x3f7: {  	v51 =	vshll.u32 v51, $0x7;
	vm7 =	vgt.s32 v3, $0xFFFFFFE1;
	v1 =	vnsel vm14, $0xFFFFFFE1, v1  }
0x3f8: {  	v5 =	vld [tilespmem:s17+$0xC3B0];
	v3 =	vnsel vm7, $0xFFFFFFE1, v3;
	vm7 =	vgt.s32 v0, $0xFFFFFFE1;
	vm14 =	vlt.s32 v1, $0x1F  }
0x3f9: {  	v17 =	vunpack.i.l.bf16.f32 v4;
	v49 =	vunpack.i.u.bf16.f32 v4;
	v4 =	vmul.u32 $0x9, v53  }
0x3fa: {  	v53 =	vunpack.i.l.bf16.f32 v16;
	vm11 =	vgt.s32 v63, $0xFFFFFFE1;
	vm6 =	vlt.s32 v3, $0x1F  }
0x3fb: {  	v0 =	vnsel vm7, $0xFFFFFFE1, v0;
	v2 =	vnsel vm14, $0x1F, v1;
	v63 =	vnsel vm11, $0xFFFFFFE1, v63  }
0x3fc: {  	[tilespmem:s0+$0xFBE0] =	vst v47;
	v3 =	vnsel vm6, $0x1F, v3;
	vm15 =	vlt.s32 v0, $0x1F;
	v2 =	vmul.u32 $0x9, v2  }
0x3fd: {  	[tilespmem:s1+$0x3870] =	vst v9;
	vm13 =	vgt.s32 v5, $0xFFFFFFE1;
	vm11 =	vlt.s32 v63, $0x1F;
	v1 =	vnsel vm15, $0x1F, v0  }
0x3fe: {  	[tilespmem:s0+$0xFB80] =	vst v43;
	v0 =	vunpack.i.u.bf16.f32 v50;
	v50 =	vunpack.i.l.bf16.f32 v50;
	v5 =	vnsel vm13, $0xFFFFFFE1, v5  }
0x3ff: {  	v63 =	vnsel vm11, $0x1F, v63;
	[tilespmem:s20+$0xDB80] =	vst v50;
	v50 =	vld.idx.msk [tilespmem:v57+s5+$0x0], $0xffff;
	v57 =	vmul.u32 $0x237, v3;
	v3 =	vshll.u32 v59, $0x7  }
0x400: {  	v20 =	vld.idx.msk [tilespmem:v20+s22+$0x0], $0xffff;
	[tilespmem:s7+$0xDB80] =	vst v53;
	v59 =	vmul.u32 $0x237, v61;
	v53 =	vshll.u32 v1, $0x7;
	vm13 =	vlt.s32 v5, $0x1F  }
0x401: {  	[tilespmem:s4+$0xDB80] =	vst v0;
	v61 =	vmul.u32 $0x9, v63;
	v0 =	vunpack.i.u.bf16.f32 v16;
	v63 =	vadd.s32 v6, v3  }
0x402: {  	v5 =	vnsel vm13, $0x1F, v5;
	v16 =	vld.idx.msk [tilespmem:v60+s22+$0x0], $0xffff;
	v60 =	vadd.s32 v6, v55;
	[tilespmem:s12+$0xDB80] =	vst v0;
	v0 =	vadd.s32 v52, v4  }
0x403: {  	[tilespmem:s1+$0x2860] =	vst v46;
	v62 =	vld.idx.msk [tilespmem:v62+s5+$0x0], $0xffff;
	v4 =	vadd.s32 v6, v51;
	v47 =	vadd.s32 v57, v56;
	v56 =	vadd.s32 $0x45C0, v0  }
0x404: {  	[tilespmem:s17+$0xFBF0] =	vst v17;
	v1 =	vand.u32 $0xFFFFFF80, v63;
	v52 =	vld.idx.msk [tilespmem:v37+s5+$0x0], $0xffff;
	v5 =	vmul.u32 $0x237, v5;
	v17 =	vadd.s32 $0x45C0, v47  }
0x405: {  	[tilespmem:s0+$0x10380] =	vst v40;
	s20 =	sadd.s32 $0xDB80, s17;
	v18 =	vld.idx.msk [tilespmem:v18+s5+$0x0], $0xffff;
	v60 =	vand.u32 $0xFFFFFF80, v60;
	v1 =	vor.u32 v8, v1;
	v20 =	vadd.bf16 v20, v50  }
0x406: {  	[tilespmem:s20+$0x2870] =	vst v49;
	v57 =	vld.idx.msk [tilespmem:v58+s22+$0x0], $0xffff;
	v46 =	vadd.s32 v59, v61;
	v4 =	vand.u32 $0xFFFFFF80, v4;
	v60 =	vor.u32 v8, v60  }
0x407: {  	[tilespmem:s0+$0xFB90] =	vst v41;
	v4 =	vor.u32 v8, v4;
	v37 =	vadd.s32 v5, v2;
	v2 =	vld.idx.msk [tilespmem:v48+s5+$0x0], $0xffff;
	v61 =	vunpack.i.l.bf16.f32 v20  }
0x408: {  	v58 =	vadd.s32 v6, v53;
	v5 =	vadd.s32 $0x45C0, v46;
	v20 =	vunpack.i.u.bf16.f32 v20;
	[tilespmem:s23+$0xDB80] =	vst v61;
	v48 =	vld.idx.msk [tilespmem:v56+s5+$0x0], $0xffff  }
0x409: {  	v49 =	vadd.s32 $0x45C0, v37;
	v17 =	vld.idx.msk [tilespmem:v17+s5+$0x0], $0xffff;
	[tilespmem:s24+$0xDB80] =	vst v20;
	v20 =	vand.u32 $0xFFFFFF80, v58  }
0x40a: {  	[tilespmem:s1+$0x2810] =	vst v27;
	v1 =	vld.idx.msk [tilespmem:v1+s22+$0x0], $0xffff;
	v20 =	vor.u32 v8, v20  }
0x40b: {  	v19 =	vand.u32 $0xFFFFFF80, v19;
	[tilespmem:s0+$0xFBA0] =	vst v35;
	v50 =	vld.idx.msk [tilespmem:v60+s22+$0x0], $0xffff  }
0x40c: {  	v19 =	vor.u32 v7, v19;
	[tilespmem:s1+$0x2820] =	vst v33;
	v18 =	vadd.bf16 v57, v18;
	v4 =	vld.idx.msk [tilespmem:v4+s22+$0x0], $0xffff  }
0x40d: {  	v54 =	vor.u32 v12, v54;
	v59 =	vadd.s32 v11, v55;
	v16 =	vadd.bf16 v16, v62;
	v5 =	vld.idx.msk [tilespmem:v5+s5+$0x0], $0xffff  }
0x40e: {  	[tilespmem:s0+$0xFBB0] =	vst v34;
	v43 =	vand.u32 $0xFFFFFF80, v59;
	v62 =	vadd.s32 v11, v53;
	v60 =	vunpack.i.l.bf16.f32 v18;
	v49 =	vld.idx.msk [tilespmem:v49+s5+$0x0], $0xffff  }
0x40f: {  	v57 =	vadd.s32 $0x45C1, v36;
	v63 =	vunpack.i.l.bf16.f32 v16;
	[tilespmem:s21+$0xDB80] =	vst v60;
	v60 =	vadd.s32 v11, v3;
	v20 =	vld.idx.msk [tilespmem:v20+s22+$0x0], $0xffff  }
0x410: {  	[tilespmem:s6+$0xDB80] =	vst v63;
	v63 =	vand.u32 $0xFFFFFF80, v60;
	v60 =	vadd.s32 $0x45C1, v47;
	v1 =	vadd.bf16 v1, v17  }
0x411: {  	[tilespmem:s1+$0x2830] =	vst v32;
	v40 =	vand.u32 $0xFFFFFF80, v62;
	v18 =	vunpack.i.u.bf16.f32 v18;
	v59 =	vor.u32 v12, v63  }
0x412: {  	v19 =	vld.idx.msk [tilespmem:v19+s22+$0x0], $0xffff;
	[tilespmem:s17+$0xF3D0] =	vst v18;
	v48 =	vadd.bf16 v50, v48;
	v4 =	vadd.bf16 v4, v5;
	v5 =	vunpack.i.l.bf16.f32 v1  }
0x413: {  	v40 =	vor.u32 v12, v40;
	v54 =	vld.idx.msk [tilespmem:v54+s22+$0x0], $0xffff;
	v1 =	vunpack.i.u.bf16.f32 v1;
	[tilespmem:s17+$0xDB90] =	vst v5  }
0x414: {  	v57 =	vld.idx.msk [tilespmem:v57+s5+$0x0], $0xffff;
	v17 =	vunpack.i.l.bf16.f32 v48;
	v48 =	vunpack.i.u.bf16.f32 v48;
	[tilespmem:s17+$0xE390] =	vst v1;
	v20 =	vadd.bf16 v20, v49  }
0x415: {  	v61 =	vadd.s32 v13, v42;
	[tilespmem:s17+$0xE380] =	vst v48;
	v62 =	vunpack.i.l.bf16.f32 v4;
	v4 =	vunpack.i.u.bf16.f32 v4;
	v41 =	vld.idx.msk [tilespmem:v60+s5+$0x0], $0xffff  }
0x416: {  	v43 =	vor.u32 v12, v43;
	v56 =	vand.u32 $0xFFFFFF80, v61;
	v59 =	vld.idx.msk [tilespmem:v59+s22+$0x0], $0xffff;
	[tilespmem:s17+$0xE3A0] =	vst v4;
	v4 =	vunpack.i.l.bf16.f32 v20  }
0x417: {  	v26 =	vld.idx.msk [tilespmem:v26+s5+$0x0], $0xffff;
	v58 =	vadd.s32 v13, v44;
	v50 =	vadd.s32 $0x45C1, v0;
	v20 =	vunpack.i.u.bf16.f32 v20;
	[tilespmem:s17+$0xDBB0] =	vst v4  }
0x418: {  	v25 =	vld.idx.msk [tilespmem:v25+s22+$0x0], $0xffff;
	v61 =	vadd.s32 v11, v51;
	v58 =	vand.u32 $0xFFFFFF80, v58;
	v48 =	vadd.s32 $0x45C1, v46;
	[tilespmem:s17+$0xE3B0] =	vst v20  }
0x419: {  	v27 =	vadd.bf16 v19, v2;
	[tilespmem:s17+$0xDB80] =	vst v17;
	v17 =	vand.u32 $0xFFFFFF80, v61;
	v2 =	vld.idx.msk [tilespmem:v40+s22+$0x0], $0xffff;
	v40 =	vadd.bf16 v54, v57  }
0x41a: {  	v32 =	vld.idx.msk [tilespmem:v10+s22+$0x0], $0xffff;
	v61 =	vor.u32 v14, v56;
	v56 =	vor.u32 v14, v58;
	[tilespmem:s17+$0xDBA0] =	vst v62;
	v62 =	vunpack.i.u.bf16.f32 v16  }
0x41b: {  	v43 =	vld.idx.msk [tilespmem:v43+s22+$0x0], $0xffff;
	[tilespmem:s17+$0xF3C0] =	vst v62;
	v20 =	vadd.s32 $0x45C2, v38;
	v41 =	vadd.bf16 v59, v41;
	v59 =	vunpack.i.l.bf16.f32 v40  }
0x41c: {  	v60 =	vadd.s32 $0x45C2, v31;
	v50 =	vld.idx.msk [tilespmem:v50+s5+$0x0], $0xffff;
	v40 =	vunpack.i.u.bf16.f32 v40;
	[tilespmem:s3+$0xDB80] =	vst v59  }
0x41d: {  	v63 =	vadd.s32 v13, v45;
	v48 =	vld.idx.msk [tilespmem:v48+s5+$0x0], $0xffff;
	[tilespmem:s17+$0xF3E0] =	vst v40  }
0x41e: {  	v17 =	vor.u32 v12, v17;
	v4 =	vand.u32 $0xFFFFFF80, v63;
	v63 =	vadd.s32 v13, v55;
	v8 =	vld [tilespmem:$0x1FEA0]  }
0x41f: {  	v16 =	vadd.s32 $0x45C2, v36;
	v35 =	vand.u32 $0xFFFFFF80, v63;
	v63 =	vld.idx.msk [tilespmem:v56+s22+$0x0], $0xffff  }
0x420: {  	v5 =	vadd.s32 $0x45C1, v37;
	v20 =	vld.idx.msk [tilespmem:v20+s5+$0x0], $0xffff;
	[tilespmem:s1+$0x3040] =	vst v30  }
0x421: {  	v39 =	vunpack.i.u.bf16.f32 v21;
	v19 =	vadd.s32 v15, v44;
	v1 =	vld.idx.msk [tilespmem:v60+s5+$0x0], $0xffff;
	[tilespmem:s1+$0x3840] =	vst v29  }
0x422: {  	v28 =	vunpack.i.l.bf16.f32 v28;
	v18 =	vadd.s32 v13, v51;
	v49 =	vld.idx.msk [tilespmem:v61+s22+$0x0], $0xffff;
	v33 =	vadd.bf16 v43, v50;
	[tilespmem:s1+$0x3850] =	vst v39  }
0x423: {  	v44 =	vadd.s32 v15, v45;
	v45 =	vunpack.i.u.bf16.f32 v27;
	v18 =	vand.u32 $0xFFFFFF80, v18;
	v17 =	vld.idx.msk [tilespmem:v17+s22+$0x0], $0xffff;
	[tilespmem:s1+$0x3070] =	vst v28  }
0x424: {  	v4 =	vor.u32 v14, v4;
	v57 =	vor.u32 v14, v18;
	v18 =	vld.idx.msk [tilespmem:v16+s5+$0x0], $0xffff;
	v16 =	vunpack.i.l.bf16.f32 v33;
	[tilespmem:s20+$0x3870] =	vst v45  }
0x425: {  	v5 =	vld.idx.msk [tilespmem:v5+s5+$0x0], $0xffff;
	[tilespmem:s17+$0xEB80] =	vst v16;
	v54 =	vadd.bf16 v63, v20;
	v20 =	vunpack.i.u.bf16.f32 v33  }
0x426: {  	[tilespmem:s17+$0xF380] =	vst v20;
	v43 =	vld.idx.msk [tilespmem:v8+s22+$0x0], $0xffff  }
0x427: {  	v10 =	vlaneseq.u32;
	v25 =	vadd.bf16 v25, v26;
	v8 =	vld [tilespmem:$0x1FEB0]  }
0x428: {  	v58 =	vadd.s32 v13, v3;
	v3 =	vadd.s32 v15, v3;
	v62 =	vadd.s32 $0x45C2, v0  }
0x429: {  	v42 =	vadd.s32 v15, v42;
	v3 =	vand.u32 $0xFFFFFF80, v3;
	v35 =	vor.u32 v14, v35;
	v4 =	vld.idx.msk [tilespmem:v4+s22+$0x0], $0xffff  }
0x42a: {  	v60 =	vadd.s32 v13, v53;
	v61 =	vand.u32 $0xFFFFFF80, v58;
	v58 =	vadd.s32 $0x45C2, v37  }
0x42b: {  	v34 =	vor.u32 v14, v61;
	v56 =	vld.idx.msk [tilespmem:v23+s5+$0x0], $0xffff;
	v23 =	vand.u32 $0xFFFFFF80, v60;
	v1 =	vadd.bf16 v49, v1  }
0x42c: {  	v17 =	vadd.bf16 v17, v48;
	v2 =	vadd.bf16 v2, v5;
	v5 =	vadd.s32 $0x45C2, v47  }
0x42d: {  	v30 =	vadd.s32 $0x45C2, v46;
	v29 =	vand.u32 $0xFFFFFF80, v19;
	v19 =	vadd.s32 v15, v53;
	v61 =	vld.idx.msk [tilespmem:v62+s5+$0x0], $0xffff  }
0x42e: {  	v16 =	vadd.s32 v15, v55;
	v4 =	vadd.bf16 v4, v18;
	v18 =	vunpack.i.l.bf16.f32 v41;
	v63 =	vld.idx.msk [tilespmem:v35+s22+$0x0], $0xffff  }
0x42f: {  	v55 =	vor.u32 v14, v23;
	v23 =	vadd.s32 v15, v51;
	v60 =	vand.u32 $0xFFFFFF80, v16;
	[tilespmem:s17+$0xEB90] =	vst v18;
	v16 =	vld.idx.msk [tilespmem:v8+s5+$0x0], $0xffff  }
0x430: {  	v51 =	vand.u32 $0xFFFFFF80, v19;
	v19 =	vunpack.i.u.bf16.f32 v41;
	v20 =	vand.u32 $0xFFFFFF80, v42;
	v8 =	vld [tilespmem:$0x1FEC0]  }
0x431: {  	v59 =	vadd.s32 $0x45C3, v31;
	v41 =	vor.u32 v7, v20;
	v20 =	vunpack.i.l.bf16.f32 v17;
	[tilespmem:s17+$0xF390] =	vst v19;
	v19 =	vld.idx.msk [tilespmem:v24+s5+$0x0], $0xffff  }
0x432: {  	v31 =	vadd.s32 $0x45C3, v47;
	v28 =	vand.u32 $0xFFFFFF80, v44;
	v39 =	vadd.s32 $0x45C3, v38;
	[tilespmem:s17+$0xEBA0] =	vst v20;
	v20 =	vld.idx.msk [tilespmem:v22+s22+$0x0], $0xffff  }
0x433: {  	v38 =	vadd.s32 $0x45C3, v36;
	v36 =	vadd.s32 $0x45C3, v0;
	v17 =	vunpack.i.u.bf16.f32 v17;
	v49 =	vld.idx.msk [tilespmem:v5+s5+$0x0], $0xffff  }
0x434: {  	v40 =	vor.u32 v7, v29;
	v33 =	vor.u32 v7, v60;
	[tilespmem:s17+$0xF3A0] =	vst v17;
	v17 =	vunpack.i.l.bf16.f32 v2;
	v48 =	vld.idx.msk [tilespmem:v34+s22+$0x0], $0xffff  }
0x435: {  	v60 =	vunpack.i.l.bf16.f32 v1;
	v2 =	vunpack.i.u.bf16.f32 v2;
	v24 =	vadd.bf16 v43, v56;
	[tilespmem:s17+$0xEBB0] =	vst v17;
	v43 =	vld.idx.msk [tilespmem:v30+s5+$0x0], $0xffff  }
0x436: {  	v62 =	vand.u32 $0xFFFFFF80, v23;
	v23 =	vadd.bf16 v32, v52;
	v35 =	vor.u32 v7, v28;
	[tilespmem:s17+$0xF3B0] =	vst v2;
	v45 =	vld.idx.msk [tilespmem:v57+s22+$0x0], $0xffff  }
0x437: {  	v32 =	vadd.s32 $0x45C3, v46;
	v29 =	vor.u32 v7, v62;
	v62 =	vunpack.i.l.bf16.f32 v54;
	[tilespmem:s17+$0xFBC0] =	vst v60;
	v42 =	vld.idx.msk [tilespmem:v58+s5+$0x0], $0xffff  }
0x438: {  	v28 =	vor.u32 v7, v51;
	v50 =	vadd.bf16 v63, v61;
	v61 =	vunpack.i.u.bf16.f32 v1;
	[tilespmem:s17+$0xFBD0] =	vst v62;
	v44 =	vld.idx.msk [tilespmem:v55+s22+$0x0], $0xffff  }
0x439: {  	v46 =	vunpack.i.u.bf16.f32 v4;
	v47 =	vunpack.i.l.bf16.f32 v4;
	v63 =	vunpack.i.u.bf16.f32 v54;
	[tilespmem:s20+$0x2840] =	vst v61;
	v18 =	vld.idx.msk [tilespmem:v8+s22+$0x0], $0xffff  }
0x43a: {  	p0 =	por !p0, !p0;
	s21 =	simm.s32 $0x8;
	v22 =	vunpack.i.l.bf16.f32 v21;
	v34 =	vor.u32 v7, v3;
	v30 =	vadd.s32 $0x45C3, v37;
	[tilespmem:s20+$0x2850] =	vst v63;
	v37 =	vld.idx.msk [tilespmem:v59+s5+$0x0], $0xffff;
	v17 =	vmovc v6  }
.LBB2_7:
0x43b: {  	s3 =	simm.s32 $0x1  }
0x43c: {  	v3 =	vld.idx.msk [tilespmem:v41+s22+$0x0], $0xffff;
	s3 =	simm.s32 @!p0 $0x0  }
0x43d: {  	[tilespmem:s17+$0xFBE0] =	vst v47;
	v4 =	vld.idx.msk [tilespmem:v39+s5+$0x0], $0xffff;
	s8 =	sadd.s32 $0x40, s8;
	s3 =	sshll.u32 s3, $0xA  }
0x43e: {  	[tilespmem:s20+$0x2860] =	vst v46;
	v5 =	vadd.bf16 v18, v16;
	v16 =	vadd.bf16 v20, v19;
	v20 =	vld.idx.msk [tilespmem:v40+s22+$0x0], $0xffff;
	s3 =	sadd.s32 s3, s8  }
0x43f: {  	v62 =	vld.idx.msk [tilespmem:v38+s5+$0x0], $0xffff;
	s16 =	sor.u32 $0x70, s3  }
0x440: {  	v63 =	vunpack.i.l.bf16.f32 v27;
	s24 =	sor.u32 $0x870, s3;
	v27 =	vld [tilespmem:s16+$0xC380]  }
0x441: {  	v2 =	vadd.bf16 v48, v49;
	s15 =	sor.u32 $0x1070, s3;
	v48 =	vld [tilespmem:s24+$0xC380]  }
0x442: {  	v0 =	vunpack.i.u.bf16.f32 v50;
	v26 =	vunpack.i.u.bf16.f32 v24;
	s14 =	sor.u32 $0x40, s3;
	v49 =	vunpack.i.l.bf16.f32 v24;
	v24 =	vld [tilespmem:s15+$0xC380]  }
0x443: {  	v1 =	vunpack.i.l.bf16.f32 v50;
	v50 =	vunpack.i.u.bf16.f32 v25;
	v51 =	vunpack.i.l.bf16.f32 v25;
	s13 =	sor.u32 $0x840, s3;
	v25 =	vld [tilespmem:s14+$0xC380]  }
0x444: {  	v18 =	vunpack.i.u.bf16.f32 v23;
	v23 =	vunpack.i.l.bf16.f32 v23;
	s4 =	sor.u32 $0x1050, s3;
	v54 =	vld [tilespmem:s13+$0xC380]  }
0x445: {  	v52 =	vunpack.i.u.bf16.f32 v5;
	v5 =	vunpack.i.l.bf16.f32 v5;
	v19 =	vadd.bf16 v45, v43;
	s12 =	sor.u32 $0x60, s3;
	v57 =	vld [tilespmem:s4+$0xC380]  }
0x446: {  	v53 =	vunpack.i.u.bf16.f32 v16;
	v21 =	vadd.bf16 v44, v42;
	s6 =	sor.u32 $0x860, s3;
	v3 =	vadd.bf16 v3, v37;
	v58 =	vld [tilespmem:s12+$0xC380]  }
0x447: {  	v59 =	vld [tilespmem:s6+$0xC380];
	[tilespmem:s1+$0x3060] =	vst v23;
	v61 =	vunpack.i.u.bf16.f32 v2;
	v47 =	vunpack.i.u.bf16.f32 v19;
	v19 =	vunpack.i.l.bf16.f32 v19  }
0x448: {  	s23 =	sor.u32 $0x1040, s3;
	v2 =	vunpack.i.l.bf16.f32 v2;
	[tilespmem:s17+$0xFBA0] =	vst v19;
	v19 =	vunpack.i.u.bf16.f32 v21;
	v21 =	vunpack.i.l.bf16.f32 v21  }
0x449: {  	s7 =	sor.u32 $0x50, s3;
	s11 =	sor.u32 $0x850, s3;
	s3 =	sor.u32 $0x1060, s3;
	v55 =	vunpack.i.u.bf16.f32 v3;
	v3 =	vunpack.i.l.bf16.f32 v3;
	[tilespmem:s17+$0xFBB0] =	vst v21;
	v21 =	vadd.bf16 v20, v4  }
0x44a: {  	v60 =	vld [tilespmem:s3+$0xC380];
	[tilespmem:s20+$0x2830] =	vst v19;
	v19 =	vunpack.i.l.bf16.f32 v16;
	vm0 =	vgt.s32 v27, $0xFFFFFFE1;
	vm1 =	vgt.s32 v48, $0xFFFFFFE1  }
0x44b: {  	v56 =	vunpack.i.u.bf16.f32 v21;
	vm6 =	vgt.s32 v24, $0xFFFFFFE1;
	vm8 =	vgt.s32 v25, $0xFFFFFFE1  }
0x44c: {  	[tilespmem:s17+$0xFB90] =	vst v2;
	v4 =	vld [tilespmem:s23+$0xC380];
	vm9 =	vgt.s32 v54, $0xFFFFFFE1;
	vm5 =	vgt.s32 v57, $0xFFFFFFE1;
	vm11 =	vgt.s32 v58, $0xFFFFFFE1  }
0x44d: {  	[tilespmem:s20+$0x2810] =	vst v61;
	v16 =	vld [tilespmem:s7+$0xC380];
	v27 =	vnsel vm0, $0xFFFFFFE1, v27;
	v38 =	vnsel vm1, $0xFFFFFFE1, v48;
	v24 =	vnsel vm6, $0xFFFFFFE1, v24  }
0x44e: {  	[tilespmem:s20+$0x3070] =	vst v63;
	v63 =	vnsel vm8, $0xFFFFFFE1, v25;
	vm6 =	vgt.s32 v59, $0xFFFFFFE1;
	v25 =	vld.idx.msk [tilespmem:v31+s5+$0x0], $0xffff;
	v31 =	vnsel vm9, $0xFFFFFFE1, v54  }
0x44f: {  	[tilespmem:s20+$0x2820] =	vst v47;
	v20 =	vld [tilespmem:s11+$0xC380];
	vm12 =	vgt.s32 v60, $0xFFFFFFE1;
	v47 =	vnsel vm5, $0xFFFFFFE1, v57;
	vm7 =	vlt.s32 v27, $0x1F  }
0x450: {  	[tilespmem:s20+$0x3040] =	vst v3;
	vm2 =	vlt.s32 v38, $0x1F;
	vm0 =	vlt.s32 v24, $0x1F;
	v3 =	vnsel vm6, $0xFFFFFFE1, v59  }
0x451: {  	v48 =	vnsel vm12, $0xFFFFFFE1, v60;
	vm13 =	vlt.s32 v63, $0x1F;
	vm14 =	vlt.s32 v31, $0x1F  }
0x452: {  	[tilespmem:s1+$0x3050] =	vst v22;
	vm5 =	vlt.s32 v47, $0x1F;
	v22 =	vnsel vm7, $0x1F, v27;
	v27 =	vnsel vm2, $0x1F, v38  }
0x453: {  	[tilespmem:s17+$0xFB80] =	vst v1;
	v24 =	vnsel vm0, $0x1F, v24;
	vm10 =	vgt.s32 v4, $0xFFFFFFE1;
	vm3 =	vgt.s32 v16, $0xFFFFFFE1  }
0x454: {  	[tilespmem:s1+$0x3830] =	vst v53;
	vm4 =	vgt.s32 v20, $0xFFFFFFE1;
	v22 =	vmul.u32 $0x237, v22;
	v27 =	vmul.u32 $0x9, v27  }
0x455: {  	[tilespmem:s1+$0x3860] =	vst v18;
	vm7 =	vlt.s32 v3, $0x1F;
	vm8 =	vlt.s32 v48, $0x1F;
	v44 =	vshll.u32 v24, $0x7  }
0x456: {  	[tilespmem:s1+$0x3030] =	vst v19;
	v4 =	vnsel vm10, $0xFFFFFFE1, v4;
	v18 =	vadd.s32 v17, v44;
	v27 =	vadd.s32 v22, v27  }
0x457: {  	[tilespmem:$0x1FE10] =	vst v62;
	v19 =	vld.idx.msk [tilespmem:v30+s5+$0x0], $0xffff;
	v45 =	vnsel vm3, $0xFFFFFFE1, v16;
	v18 =	vand.u32 $0xFFFFFF80, v18;
	v61 =	vadd.s32 $0x45C0, v27  }
0x458: {  	v46 =	vnsel vm4, $0xFFFFFFE1, v20;
	v16 =	vld.idx.msk [tilespmem:v32+s5+$0x0], $0xffff;
	[tilespmem:s1+$0x3020] =	vst v5;
	v5 =	vnsel vm11, $0xFFFFFFE1, v58;
	v62 =	vor.u32 v10, v18  }
0x459: {  	[tilespmem:s17+$0x10380] =	vst v0;
	v20 =	vld.idx.msk [tilespmem:v28+s22+$0x0], $0xffff;
	v3 =	vnsel vm7, $0x1F, v3;
	v32 =	vnsel vm8, $0x1F, v48;
	vm2 =	vlt.s32 v4, $0x1F  }
0x45a: {  	[tilespmem:s1+$0x3820] =	vst v52;
	vm3 =	vlt.s32 v45, $0x1F;
	vm4 =	vlt.s32 v46, $0x1F;
	vm15 =	vlt.s32 v5, $0x1F;
	v22 =	vld.idx.msk [tilespmem:v36+s5+$0x0], $0xffff  }
0x45b: {  	v3 =	vmul.u32 $0x9, v3;
	v59 =	vadd.s32 v13, v44;
	[tilespmem:s0+$0x10B80] =	vst v49;
	v49 =	vnsel vm13, $0x1F, v63;
	v18 =	vld.idx.msk [tilespmem:v29+s22+$0x0], $0xffff  }
0x45c: {  	v28 =	vnsel vm3, $0x1F, v45;
	v30 =	vnsel vm4, $0x1F, v46;
	v5 =	vnsel vm15, $0x1F, v5;
	v0 =	vld.idx.msk [tilespmem:v61+s5+$0x0], $0xffff  }
0x45d: {  	v29 =	vnsel vm14, $0x1F, v31;
	v28 =	vmul.u32 $0x237, v28;
	v30 =	vmul.u32 $0x9, v30;
	v1 =	vld.idx.msk [tilespmem:v62+s22+$0x0], $0xffff  }
0x45e: {  	[tilespmem:s20+$0x3850] =	vst v56;
	v2 =	vmul.u32 $0x237, v49;
	v5 =	vmul.u32 $0x237, v5;
	v29 =	vmul.u32 $0x9, v29  }
0x45f: {  	[tilespmem:s1+$0x3010] =	vst v51;
	v4 =	vnsel vm2, $0x1F, v4;
	v46 =	vshll.u32 v32, $0x7;
	v30 =	vadd.s32 v28, v30  }
0x460: {  	v24 =	vld.idx.msk [tilespmem:v33+s22+$0x0], $0xffff;
	[tilespmem:s0+$0x11380] =	vst v26;
	v28 =	vadd.s32 v5, v3;
	v29 =	vadd.s32 v2, v29;
	v5 =	vadd.s32 $0x45C0, v30  }
0x461: {  	v26 =	vld.idx.msk [tilespmem:v34+s22+$0x0], $0xffff;
	[tilespmem:s1+$0x3810] =	vst v50;
	v31 =	vnsel vm5, $0x1F, v47;
	v50 =	vadd.s32 v11, v44;
	v56 =	vadd.s32 $0x45C0, v29  }
0x462: {  	v51 =	vadd.s32 $0x45C1, v27;
	v33 =	vand.u32 $0xFFFFFF80, v50;
	v0 =	vadd.bf16 v1, v0  }
0x463: {  	v4 =	vshll.u32 v4, $0x7;
	v54 =	vadd.s32 v17, v46;
	v33 =	vor.u32 v12, v33  }
0x464: {  	v23 =	vld.idx.msk [tilespmem:v35+s22+$0x0], $0xffff;
	[tilespmem:s20+$0x3840] =	vst v55;
	v60 =	vadd.s32 $0x45C2, v27;
	v34 =	vand.u32 $0xFFFFFF80, v59;
	v52 =	vunpack.i.l.bf16.f32 v0  }
0x465: {  	v59 =	vadd.s32 v15, v44;
	v37 =	vshll.u32 v31, $0x7;
	v48 =	vld.idx.msk [tilespmem:v5+s5+$0x0], $0xffff;
	v0 =	vunpack.i.u.bf16.f32 v0;
	[tilespmem:s16+$0xDB80] =	vst v52  }
0x466: {  	s10 =	sadd.s32 $0x400, s10;
	v27 =	vadd.s32 $0x45C3, v27;
	v53 =	vadd.s32 v17, v4;
	v31 =	vadd.s32 v17, v37;
	v3 =	vld.idx.msk [tilespmem:v56+s5+$0x0], $0xffff;
	[tilespmem:s24+$0xDB80] =	vst v0  }
0x467: {  	s30 =	sand.u32 $0x380, s8;
	v34 =	vor.u32 v14, v34;
	v39 =	vadd.s32 v15, v4;
	v31 =	vand.u32 $0xFFFFFF80, v31;
	s24 =	sand.u32 $0x400, s10;
	v1 =	vld.idx.msk [tilespmem:v51+s5+$0x0], $0xffff  }
0x468: {  	s0 =	smov.u32 s17;
	v2 =	vand.u32 $0xFFFFFF80, v54;
	v47 =	vor.u32 v10, v31;
	v31 =	vadd.s32 v11, v4;
	v55 =	vld.idx.msk [tilespmem:v33+s22+$0x0], $0xffff;
	s17 =	sor.u32 s30, s24  }
0x469: {  	v57 =	vadd.s32 v11, v37;
	v45 =	vor.u32 v10, v2;
	v58 =	vand.u32 $0xFFFFFF80, v31;
	v5 =	vld [tilespmem:s17+$0xC380]  }
0x46a: {  	v31 =	vadd.s32 v11, v46;
	v62 =	vadd.s32 v13, v4;
	v0 =	vand.u32 $0xFFFFFF80, v53;
	v53 =	vld [tilespmem:s17+$0xCB80]  }
0x46b: {  	v31 =	vand.u32 $0xFFFFFF80, v31;
	v2 =	vor.u32 v12, v58;
	v0 =	vor.u32 v10, v0;
	v58 =	vld [tilespmem:s17+$0xD380]  }
0x46c: {  	v38 =	vadd.s32 v15, v37;
	v63 =	vand.u32 $0xFFFFFF80, v62;
	v40 =	vor.u32 v12, v31;
	v44 =	vld [tilespmem:s17+$0xC3A0]  }
0x46d: {  	v31 =	vadd.s32 v13, v37;
	v56 =	vadd.s32 v13, v46;
	v33 =	vand.u32 $0xFFFFFF80, v57;
	v62 =	vld [tilespmem:s17+$0xD3A0]  }
0x46e: {  	v31 =	vand.u32 $0xFFFFFF80, v31;
	v57 =	vand.u32 $0xFFFFFF80, v56;
	v41 =	vor.u32 v12, v33;
	v56 =	vld [tilespmem:s17+$0xC3B0]  }
0x46f: {  	v33 =	vor.u32 v14, v31;
	v31 =	vor.u32 v14, v57;
	v57 =	vld.idx.msk [tilespmem:v47+s22+$0x0], $0xffff;
	v1 =	vadd.bf16 v55, v1  }
0x470: {  	v49 =	vadd.s32 $0x45C0, v28;
	v43 =	vadd.s32 $0x45C1, v30;
	v50 =	vadd.s32 $0x45C1, v29;
	v0 =	vld.idx.msk [tilespmem:v0+s22+$0x0], $0xffff  }
0x471: {  	v36 =	vadd.s32 $0x45C2, v29;
	v55 =	vld [tilespmem:s17+$0xD390];
	vm5 =	vgt.s32 v5, $0xFFFFFFE1;
	v61 =	vunpack.i.l.bf16.f32 v1  }
0x472: {  	v35 =	vor.u32 v14, v63;
	v1 =	vunpack.i.u.bf16.f32 v1;
	v4 =	vnsel vm5, $0xFFFFFFE1, v5;
	v5 =	vld [tilespmem:s17+$0xCB90];
	[tilespmem:s15+$0xDB80] =	vst v61  }
0x473: {  	v37 =	vadd.s32 v15, v46;
	vm6 =	vgt.s32 v53, $0xFFFFFFE1;
	vm7 =	vgt.s32 v58, $0xFFFFFFE1;
	v61 =	vld [tilespmem:s17+$0xCBA0];
	[tilespmem:s17+$0xF3F0] =	vst v1  }
0x474: {  	vm11 =	vgt.s32 v44, $0xFFFFFFE1;
	vm13 =	vgt.s32 v62, $0xFFFFFFE1;
	vm14 =	vgt.s32 v56, $0xFFFFFFE1;
	v51 =	vld.idx.msk [tilespmem:v60+s5+$0x0], $0xffff  }
0x475: {  	v48 =	vadd.bf16 v57, v48;
	v44 =	vnsel vm11, $0xFFFFFFE1, v44;
	vm0 =	vlt.s32 v4, $0x1F;
	v52 =	vld.idx.msk [tilespmem:v34+s22+$0x0], $0xffff  }
0x476: {  	v1 =	vnsel vm7, $0xFFFFFFE1, v58;
	v4 =	vnsel vm0, $0x1F, v4;
	v0 =	vadd.bf16 v0, v3;
	v3 =	vld [tilespmem:s17+$0xC390]  }
0x477: {  	vm10 =	vgt.s32 v55, $0xFFFFFFE1;
	vm2 =	vlt.s32 v1, $0x1F;
	v4 =	vmul.u32 $0x237, v4  }
0x478: {  	v54 =	vunpack.i.u.bf16.f32 v0;
	v0 =	vunpack.i.l.bf16.f32 v0;
	vm9 =	vgt.s32 v5, $0xFFFFFFE1  }
0x479: {  	v1 =	vnsel vm2, $0x1F, v1;
	[tilespmem:s14+$0xDB80] =	vst v0;
	v0 =	vand.u32 $0xFFFFFF80, v59;
	v5 =	vnsel vm9, $0xFFFFFFE1, v5  }
0x47a: {  	vm12 =	vgt.s32 v61, $0xFFFFFFE1;
	v0 =	vor.u32 v7, v0;
	vm4 =	vlt.s32 v5, $0x1F  }
0x47b: {  	v60 =	vadd.bf16 v52, v51;
	v52 =	vnsel vm6, $0xFFFFFFE1, v53;
	vm8 =	vgt.s32 v3, $0xFFFFFFE1  }
0x47c: {  	v51 =	vnsel vm12, $0xFFFFFFE1, v61;
	v53 =	vnsel vm13, $0xFFFFFFE1, v62;
	v62 =	vnsel vm14, $0xFFFFFFE1, v56  }
0x47d: {  	vm12 =	vlt.s32 v44, $0x1F;
	v5 =	vnsel vm4, $0x1F, v5;
	v3 =	vnsel vm8, $0xFFFFFFE1, v3  }
0x47e: {  	[tilespmem:s13+$0xDB80] =	vst v54;
	vm1 =	vlt.s32 v52, $0x1F;
	vm13 =	vlt.s32 v51, $0x1F;
	vm14 =	vlt.s32 v53, $0x1F  }
0x47f: {  	v58 =	vld.idx.msk [tilespmem:v50+s5+$0x0], $0xffff;
	vm9 =	vlt.s32 v62, $0x1F;
	v44 =	vnsel vm12, $0x1F, v44;
	v63 =	vunpack.i.l.bf16.f32 v60  }
0x480: {  	v2 =	vld.idx.msk [tilespmem:v2+s22+$0x0], $0xffff;
	v46 =	vunpack.i.u.bf16.f32 v60;
	vm3 =	vlt.s32 v3, $0x1F;
	v59 =	vnsel vm1, $0x1F, v52  }
0x481: {  	s1 =	smov.u32 s20;
	s20 =	sadd.s32 $0xDB80, s17;
	v60 =	vld [tilespmem:s17+$0xCBB0];
	v51 =	vnsel vm13, $0x1F, v51;
	v53 =	vnsel vm14, $0x1F, v53;
	v47 =	vnsel vm9, $0x1F, v62;
	[tilespmem:s17+$0xFBF0] =	vst v63  }
0x482: {  	v61 =	vld [tilespmem:s17+$0xD3B0];
	v52 =	vshll.u32 v1, $0x7;
	[tilespmem:s20+$0x2870] =	vst v46;
	v46 =	vnsel vm10, $0xFFFFFFE1, v55;
	v3 =	vnsel vm3, $0x1F, v3  }
0x483: {  	v27 =	vld.idx.msk [tilespmem:v27+s5+$0x0], $0xffff;
	vm6 =	vlt.s32 v46, $0x1F;
	v1 =	vmul.u32 $0x237, v3;
	v3 =	vmul.u32 $0x9, v5  }
0x484: {  	v0 =	vld.idx.msk [tilespmem:v0+s22+$0x0], $0xffff;
	v5 =	vmul.u32 $0x237, v44;
	v44 =	vmul.u32 $0x9, v51;
	v51 =	vshll.u32 v53, $0x7  }
0x485: {  	v53 =	vmul.u32 $0x237, v47;
	v46 =	vnsel vm6, $0x1F, v46;
	v2 =	vadd.bf16 v2, v58  }
0x486: {  	v50 =	vshll.u32 v46, $0x7;
	v46 =	vadd.s32 v17, v52;
	vm15 =	vgt.s32 v60, $0xFFFFFFE1  }
0x487: {  	v62 =	vand.u32 $0xFFFFFF80, v46;
	v46 =	vadd.s32 v1, v3;
	v8 =	vunpack.i.u.bf16.f32 v2  }
0x488: {  	v2 =	vunpack.i.l.bf16.f32 v2;
	v63 =	vnsel vm15, $0xFFFFFFE1, v60;
	vm15 =	vgt.s32 v61, $0xFFFFFFE1  }
0x489: {  	vm10 =	vlt.s32 v63, $0x1F;
	v27 =	vadd.bf16 v0, v27;
	v60 =	vnsel vm15, $0xFFFFFFE1, v61  }
0x48a: {  	v54 =	vld.idx.msk [tilespmem:v45+s22+$0x0], $0xffff;
	v0 =	vmul.u32 $0x9, v59;
	v59 =	vadd.s32 v17, v51;
	vm0 =	vlt.s32 v60, $0x1F  }
0x48b: {  	v56 =	vld.idx.msk [tilespmem:v49+s5+$0x0], $0xffff;
	v49 =	vnsel vm10, $0x1F, v63;
	v61 =	vunpack.i.u.bf16.f32 v27;
	v45 =	vnsel vm0, $0x1F, v60  }
0x48c: {  	[tilespmem:s23+$0xDB80] =	vst v2;
	v55 =	vmul.u32 $0x9, v49;
	v47 =	vadd.s32 v4, v0;
	v0 =	vor.u32 v10, v62  }
0x48d: {  	[tilespmem:s17+$0xF3C0] =	vst v8;
	v62 =	vunpack.i.u.bf16.f32 v48;
	v49 =	vshll.u32 v45, $0x7;
	v45 =	vadd.s32 v17, v50  }
0x48e: {  	v48 =	vunpack.i.l.bf16.f32 v48;
	[tilespmem:s20+$0x3870] =	vst v61;
	v4 =	vadd.s32 $0x45C0, v47;
	v63 =	vand.u32 $0xFFFFFF80, v45  }
0x48f: {  	[tilespmem:s7+$0xDB80] =	vst v48;
	v45 =	vadd.s32 v5, v44;
	v44 =	vadd.s32 v53, v55;
	v53 =	vadd.s32 $0x45C0, v46  }
0x490: {  	v36 =	vld.idx.msk [tilespmem:v36+s5+$0x0], $0xffff;
	v61 =	vand.u32 $0xFFFFFF80, v59;
	[tilespmem:s11+$0xDB80] =	vst v62;
	v1 =	vor.u32 v10, v63  }
0x491: {  	v3 =	vor.u32 v10, v61;
	v43 =	vld.idx.msk [tilespmem:v43+s5+$0x0], $0xffff  }
0x492: {  	v60 =	vadd.s32 v17, v49;
	v55 =	vadd.s32 $0x45C0, v45;
	v0 =	vld.idx.msk [tilespmem:v0+s22+$0x0], $0xffff  }
0x493: {  	v5 =	vand.u32 $0xFFFFFF80, v60;
	v59 =	vadd.s32 $0x45C0, v44;
	v4 =	vld.idx.msk [tilespmem:v4+s5+$0x0], $0xffff  }
0x494: {  	v42 =	vadd.s32 $0x45C1, v28;
	v5 =	vor.u32 v10, v5;
	v53 =	vld.idx.msk [tilespmem:v53+s5+$0x0], $0xffff  }
0x495: {  	v32 =	vadd.s32 $0x45C2, v28;
	v54 =	vadd.bf16 v54, v56;
	v56 =	vadd.s32 v11, v52;
	v1 =	vld.idx.msk [tilespmem:v1+s22+$0x0], $0xffff  }
0x496: {  	v58 =	vadd.s32 v13, v52;
	v56 =	vand.u32 $0xFFFFFF80, v56;
	v57 =	vadd.s32 v11, v50;
	v3 =	vld.idx.msk [tilespmem:v3+s22+$0x0], $0xffff  }
0x497: {  	v56 =	vor.u32 v12, v56;
	v57 =	vand.u32 $0xFFFFFF80, v57;
	v48 =	vunpack.i.u.bf16.f32 v54;
	v55 =	vld.idx.msk [tilespmem:v55+s5+$0x0], $0xffff  }
0x498: {  	v54 =	vunpack.i.l.bf16.f32 v54;
	v62 =	vadd.s32 $0x45C1, v47;
	v59 =	vld.idx.msk [tilespmem:v59+s5+$0x0], $0xffff;
	v0 =	vadd.bf16 v0, v4  }
0x499: {  	v61 =	vadd.s32 v11, v49;
	[tilespmem:s12+$0xDB80] =	vst v54;
	v60 =	vadd.s32 v11, v51;
	v63 =	vadd.s32 $0x45C1, v46;
	v4 =	vld.idx.msk [tilespmem:v5+s22+$0x0], $0xffff  }
0x49a: {  	[tilespmem:s6+$0xDB80] =	vst v48;
	v2 =	vld.idx.msk [tilespmem:v41+s22+$0x0], $0xffff;
	v9 =	vunpack.i.u.bf16.f32 v0;
	v0 =	vunpack.i.l.bf16.f32 v0;
	v1 =	vadd.bf16 v1, v53  }
0x49b: {  	v54 =	vor.u32 v12, v57;
	v57 =	vadd.s32 $0x45C1, v45;
	v60 =	vand.u32 $0xFFFFFF80, v60;
	v41 =	vld.idx.msk [tilespmem:v42+s5+$0x0], $0xffff;
	[tilespmem:s17+$0xDB80] =	vst v0  }
0x49c: {  	v40 =	vld.idx.msk [tilespmem:v40+s22+$0x0], $0xffff;
	v3 =	vadd.bf16 v3, v55;
	[tilespmem:s17+$0xE380] =	vst v9;
	v9 =	vunpack.i.u.bf16.f32 v1;
	v1 =	vunpack.i.l.bf16.f32 v1  }
0x49d: {  	v61 =	vand.u32 $0xFFFFFF80, v61;
	v48 =	vadd.s32 $0x45C1, v44;
	v60 =	vor.u32 v12, v60;
	v42 =	vld.idx.msk [tilespmem:v62+s5+$0x0], $0xffff;
	[tilespmem:s17+$0xDB90] =	vst v1  }
0x49e: {  	v62 =	vld.idx.msk [tilespmem:v56+s22+$0x0], $0xffff;
	[tilespmem:s17+$0xE390] =	vst v9;
	v9 =	vunpack.i.u.bf16.f32 v3;
	v3 =	vunpack.i.l.bf16.f32 v3;
	v4 =	vadd.bf16 v4, v59  }
0x49f: {  	v34 =	vadd.s32 $0x45C2, v30;
	v58 =	vand.u32 $0xFFFFFF80, v58;
	v61 =	vor.u32 v12, v61;
	v56 =	vld.idx.msk [tilespmem:v63+s5+$0x0], $0xffff;
	[tilespmem:s17+$0xDBA0] =	vst v3  }
0x4a0: {  	v5 =	vadd.s32 v13, v49;
	v54 =	vld.idx.msk [tilespmem:v54+s22+$0x0], $0xffff;
	[tilespmem:s17+$0xE3A0] =	vst v9;
	v9 =	vunpack.i.u.bf16.f32 v4;
	v4 =	vunpack.i.l.bf16.f32 v4  }
0x4a1: {  	v2 =	vadd.bf16 v2, v43;
	v5 =	vand.u32 $0xFFFFFF80, v5;
	v63 =	vadd.s32 v15, v52;
	v52 =	vld.idx.msk [tilespmem:v57+s5+$0x0], $0xffff;
	[tilespmem:s17+$0xDBB0] =	vst v4  }
0x4a2: {  	v40 =	vadd.bf16 v40, v41;
	v4 =	vor.u32 v14, v5;
	v5 =	vand.u32 $0xFFFFFF80, v39;
	v39 =	vld.idx.msk [tilespmem:v60+s22+$0x0], $0xffff;
	[tilespmem:s17+$0xE3B0] =	vst v9  }
0x4a3: {  	v6 =	vadd.s32 v13, v50;
	v9 =	vunpack.i.u.bf16.f32 v2;
	v2 =	vunpack.i.l.bf16.f32 v2;
	v48 =	vld.idx.msk [tilespmem:v48+s5+$0x0], $0xffff  }
0x4a4: {  	v0 =	vadd.s32 $0x45C2, v47;
	v60 =	vadd.bf16 v62, v42;
	v42 =	vld.idx.msk [tilespmem:v61+s22+$0x0], $0xffff;
	[tilespmem:s4+$0xDB80] =	vst v2;
	v61 =	vunpack.i.u.bf16.f32 v40  }
0x4a5: {  	v40 =	vunpack.i.l.bf16.f32 v40;
	[tilespmem:s17+$0xF3D0] =	vst v9;
	v9 =	vand.u32 $0xFFFFFF80, v37;
	v37 =	vadd.s32 $0x45C3, v29;
	v29 =	vld [tilespmem:$0x1FF90]  }
0x4a6: {  	v8 =	vand.u32 $0xFFFFFF80, v38;
	v43 =	vand.u32 $0xFFFFFF80, v63;
	[tilespmem:s3+$0xDB80] =	vst v40;
	v63 =	vadd.bf16 v54, v56;
	v54 =	vld.idx.msk [tilespmem:v35+s22+$0x0], $0xffff  }
0x4a7: {  	v53 =	vor.u32 v14, v58;
	v59 =	vadd.s32 v15, v51;
	v38 =	vunpack.i.l.bf16.f32 v60;
	v34 =	vld.idx.msk [tilespmem:v34+s5+$0x0], $0xffff;
	[tilespmem:s17+$0xF3E0] =	vst v61  }
0x4a8: {  	v57 =	vadd.s32 v15, v50;
	v50 =	vand.u32 $0xFFFFFF80, v59;
	v62 =	vunpack.i.u.bf16.f32 v60;
	v61 =	vld.idx.msk [tilespmem:v33+s22+$0x0], $0xffff;
	[tilespmem:s17+$0xEB80] =	vst v38  }
0x4a9: {  	v55 =	vand.u32 $0xFFFFFF80, v57;
	[tilespmem:s17+$0xF380] =	vst v62;
	v57 =	vunpack.i.u.bf16.f32 v63;
	v59 =	vunpack.i.l.bf16.f32 v63;
	v63 =	vld.idx.msk [tilespmem:v31+s22+$0x0], $0xffff  }
0x4aa: {  	v6 =	vand.u32 $0xFFFFFF80, v6;
	v1 =	vadd.s32 $0x45C2, v46;
	v0 =	vld.idx.msk [tilespmem:v0+s5+$0x0], $0xffff  }
0x4ab: {  	v7 =	vadd.s32 v13, v51;
	v6 =	vor.u32 v14, v6;
	v60 =	vadd.bf16 v39, v52;
	v52 =	vld [tilespmem:$0x1FF90]  }
0x4ac: {  	v7 =	vand.u32 $0xFFFFFF80, v7;
	[tilespmem:s17+$0xF390] =	vst v57;
	v57 =	vld [tilespmem:$0x1FF90]  }
0x4ad: {  	v7 =	vor.u32 v14, v7;
	[tilespmem:s17+$0xEB90] =	vst v59;
	v59 =	vld.idx.msk [tilespmem:v53+s22+$0x0], $0xffff  }
0x4ae: {  	v49 =	vadd.s32 v15, v49;
	v41 =	vor.u32 v29, v5;
	v5 =	vld.idx.msk [tilespmem:v32+s5+$0x0], $0xffff  }
0x4af: {  	v56 =	vand.u32 $0xFFFFFF80, v49;
	v39 =	vadd.s32 $0x45C3, v30;
	v30 =	vunpack.i.l.bf16.f32 v60;
	v49 =	vld.idx.msk [tilespmem:v1+s5+$0x0], $0xffff  }
0x4b0: {  	v62 =	vadd.bf16 v42, v48;
	v29 =	vunpack.i.u.bf16.f32 v60;
	v48 =	vld.idx.msk [tilespmem:v6+s22+$0x0], $0xffff;
	[tilespmem:s17+$0xEBA0] =	vst v30  }
0x4b1: {  	v38 =	vadd.s32 $0x45C3, v28;
	v28 =	vadd.bf16 v54, v36;
	v30 =	vld [tilespmem:$0x1FF90];
	[tilespmem:s17+$0xF3A0] =	vst v29  }
0x4b2: {  	v3 =	vadd.s32 $0x45C2, v45;
	v32 =	vadd.s32 $0x45C3, v45;
	v45 =	vld.idx.msk [tilespmem:v7+s22+$0x0], $0xffff  }
0x4b3: {  	v58 =	vadd.s32 $0x45C2, v44;
	v7 =	vld [tilespmem:$0x1FF90];
	v6 =	vunpack.i.l.bf16.f32 v28  }
0x4b4: {  	v60 =	vunpack.i.u.bf16.f32 v28;
	v28 =	vld [tilespmem:$0x1FF90];
	v35 =	vor.u32 v57, v9;
	v9 =	vunpack.i.l.bf16.f32 v62;
	[tilespmem:s17+$0xFBC0] =	vst v6  }
0x4b5: {  	s21 =	sadd.s32 $0x8, s21;
	v24 =	vadd.bf16 v24, v22;
	[tilespmem:s17+$0xEBB0] =	vst v9;
	v9 =	vadd.bf16 v61, v34;
	v61 =	vld [tilespmem:$0x1FF90]  }
0x4b6: {  	p1 =	slt.u32 s21, $0x78;
	v25 =	vadd.bf16 v26, v25;
	v22 =	vunpack.i.l.bf16.f32 v21;
	[tilespmem:s20+$0x2840] =	vst v60;
	v5 =	vadd.bf16 v63, v5;
	v63 =	vld [tilespmem:$0x1FE10]  }
.Ltmp2:
0x4b7: {  	v31 =	vadd.s32 $0x45C3, v46;
	v40 =	vor.u32 v52, v8;
	v8 =	vunpack.i.u.bf16.f32 v62;
	v37 =	vld.idx.msk [tilespmem:v37+s5+$0x0], $0xffff;
	(pc) =	sbr.rel @p1 .LBB2_7-.Ltmp2, $4  }
0x4b8: {  	v36 =	vadd.s32 $0x45C3, v47;
	[tilespmem:s17+$0xF3B0] =	vst v8;
	v33 =	vor.u32 v30, v43;
	v43 =	vld.idx.msk [tilespmem:v3+s5+$0x0], $0xffff;
	v30 =	vadd.s32 $0x45C3, v44  }
0x4b9: {  	v42 =	vld.idx.msk [tilespmem:v58+s5+$0x0], $0xffff;
	v62 =	vunpack.i.u.bf16.f32 v9;
	v6 =	vunpack.i.l.bf16.f32 v9;
	v46 =	vunpack.i.u.bf16.f32 v5  }
0x4ba: {  	v44 =	vld.idx.msk [tilespmem:v4+s22+$0x0], $0xffff;
	v47 =	vunpack.i.l.bf16.f32 v5;
	v34 =	vor.u32 v28, v55;
	v28 =	vor.u32 v7, v56;
	[tilespmem:s17+$0xFBD0] =	vst v6  }
0x4bb: {  	p0 =	por !p0, !p0;
	[tilespmem:s20+$0x2850] =	vst v62;
	v29 =	vor.u32 v61, v50;
	v23 =	vadd.bf16 v23, v63;
	v50 =	vadd.bf16 v59, v0  }
0x4bc: {  	[tilespmem:s17+$0xFBE0] =	vst v47  }
0x4bd: {  	[tilespmem:s1+$0x3050] =	vst v22  }
0x4be: {  	v47 =	vunpack.i.l.bf16.f32 v25;
	[tilespmem:s20+$0x2860] =	vst v46  }
0x4bf: {  	v1 =	vadd.bf16 v48, v49;
	v49 =	vunpack.i.u.bf16.f32 v25;
	[tilespmem:s1+$0x3010] =	vst v47  }
0x4c0: {  	v0 =	vunpack.i.l.bf16.f32 v50;
	[tilespmem:s1+$0x3810] =	vst v49  }
0x4c1: {  	v2 =	vunpack.i.u.bf16.f32 v50;
	[tilespmem:s17+$0xFB80] =	vst v0  }
0x4c2: {  	v59 =	vld.idx.msk [tilespmem:v40+s22+$0x0], $0xffff;
	v40 =	vunpack.i.l.bf16.f32 v23;
	[tilespmem:s17+$0x10380] =	vst v2  }
0x4c3: {  	v3 =	vld.idx.msk [tilespmem:v41+s22+$0x0], $0xffff;
	v41 =	vunpack.i.u.bf16.f32 v23;
	[tilespmem:s1+$0x3060] =	vst v40  }
0x4c4: {  	v4 =	vadd.bf16 v45, v43;
	v43 =	vunpack.i.l.bf16.f32 v24;
	[tilespmem:s1+$0x3860] =	vst v41  }
0x4c5: {  	v51 =	vadd.bf16 v20, v19;
	v45 =	vunpack.i.u.bf16.f32 v24;
	[tilespmem:s0+$0x10B80] =	vst v43  }
0x4c6: {  	v57 =	vunpack.i.l.bf16.f32 v1;
	[tilespmem:s0+$0x11380] =	vst v45  }
0x4c7: {  	v53 =	vunpack.i.l.bf16.f32 v51;
	[tilespmem:s17+$0xFB90] =	vst v57  }
0x4c8: {  	v54 =	vunpack.i.u.bf16.f32 v51;
	[tilespmem:s1+$0x3030] =	vst v53  }
0x4c9: {  	v1 =	vunpack.i.u.bf16.f32 v1;
	[tilespmem:s1+$0x3830] =	vst v54  }
0x4ca: {  	v46 =	vadd.bf16 v18, v16;
	v5 =	vunpack.i.l.bf16.f32 v4;
	[tilespmem:s20+$0x2810] =	vst v1  }
0x4cb: {  	v6 =	vadd.bf16 v44, v42;
	v42 =	vunpack.i.l.bf16.f32 v27;
	[tilespmem:s17+$0xFBA0] =	vst v5  }
0x4cc: {  	v58 =	vld.idx.msk [tilespmem:v39+s5+$0x0], $0xffff;
	v7 =	vunpack.i.l.bf16.f32 v46;
	[tilespmem:s20+$0x3070] =	vst v42  }
0x4cd: {  	v48 =	vld.idx.msk [tilespmem:v35+s22+$0x0], $0xffff;
	v60 =	vunpack.i.u.bf16.f32 v4;
	[tilespmem:s1+$0x3020] =	vst v7  }
0x4ce: {  	v44 =	vld.idx.msk [tilespmem:v38+s5+$0x0], $0xffff;
	v1 =	vunpack.i.u.bf16.f32 v46;
	[tilespmem:s20+$0x2820] =	vst v60  }
0x4cf: {  	v50 =	vld.idx.msk [tilespmem:v36+s5+$0x0], $0xffff;
	v61 =	vunpack.i.l.bf16.f32 v6;
	v3 =	vadd.bf16 v3, v37;
	[tilespmem:s1+$0x3820] =	vst v1  }
0x4d0: {  	v8 =	vld.idx.msk [tilespmem:v33+s22+$0x0], $0xffff;
	v62 =	vunpack.i.u.bf16.f32 v6;
	[tilespmem:s17+$0xFBB0] =	vst v61  }
0x4d1: {  	v0 =	vadd.bf16 v59, v58;
	v52 =	vld.idx.msk [tilespmem:v31+s5+$0x0], $0xffff;
	v63 =	vunpack.i.l.bf16.f32 v3;
	[tilespmem:s20+$0x2830] =	vst v62  }
0x4d2: {  	v9 =	vld.idx.msk [tilespmem:v34+s22+$0x0], $0xffff;
	v37 =	vunpack.i.u.bf16.f32 v3;
	[tilespmem:s20+$0x3040] =	vst v63  }
0x4d3: {  	v55 =	vld.idx.msk [tilespmem:v32+s5+$0x0], $0xffff;
	v39 =	vunpack.i.u.bf16.f32 v0;
	[tilespmem:s20+$0x3840] =	vst v37;
	v2 =	vadd.bf16 v48, v44  }
0x4d4: {  	v56 =	vld.idx.msk [tilespmem:v29+s22+$0x0], $0xffff;
	v0 =	vunpack.i.l.bf16.f32 v0;
	[tilespmem:s20+$0x3850] =	vst v39  }
0x4d5: {  	v57 =	vld.idx.msk [tilespmem:v30+s5+$0x0], $0xffff;
	v6 =	vadd.bf16 v8, v50;
	[tilespmem:s20+$0x3050] =	vst v0;
	v58 =	vunpack.i.l.bf16.f32 v2  }
0x4d6: {  	v59 =	vld.idx.msk [tilespmem:v28+s22+$0x0], $0xffff;
	v2 =	vunpack.i.u.bf16.f32 v2;
	[tilespmem:s20+$0x3060] =	vst v58  }
0x4d7: {  	v3 =	vadd.bf16 v9, v52;
	v60 =	vunpack.i.l.bf16.f32 v6;
	[tilespmem:s20+$0x3860] =	vst v2  }
0x4d8: {  	v61 =	vunpack.i.u.bf16.f32 v6;
	[tilespmem:s17+$0x10B80] =	vst v60  }
0x4d9: {  	v4 =	vadd.bf16 v56, v55;
	[tilespmem:s17+$0x11380] =	vst v61;
	v62 =	vunpack.i.l.bf16.f32 v3  }
0x4da: {  	v63 =	vunpack.i.u.bf16.f32 v3;
	[tilespmem:s20+$0x3010] =	vst v62  }
0x4db: {  	v0 =	vadd.bf16 v59, v57;
	v6 =	vunpack.i.l.bf16.f32 v4;
	[tilespmem:s20+$0x3810] =	vst v63  }
0x4dc: {  	v7 =	vunpack.i.u.bf16.f32 v4;
	[tilespmem:s20+$0x3020] =	vst v6  }
0x4dd: {  	[tilespmem:s20+$0x3820] =	vst v7;
	v32 =	vunpack.i.l.bf16.f32 v0  }
0x4de: {  	v0 =	vunpack.i.u.bf16.f32 v0;
	[tilespmem:s20+$0x3030] =	vst v32  }
0x4df: {  	[tilespmem:s20+$0x3830] =	vst v0  }
0x4e0: {  	s0 =	rddreg [dreg:$0xb]  }
0x4e1: {  	s20 =	simm.s32 $0xDB80;
	s0 =	sadd.s32 s2, s0  }
0x4e2: {  	[hbm4b:s0+s18] =	stream.strided.scatter [tilespmem:s20], [sflag:$0x3], $0x4000, s19, s18, $0x38;
	[tilespmem:$0x15B80] =	vst v63  }
0x4e3: {  	p0 =	por $0x0, $0x0;
	s0 =	simm.s32 $0x1  }
0x4e4: {  	s0 =	simm.s32 @!p0 $0x0  }
0x4e5: {  	_ =	swait.ge [sflag:s29], $0x4000;
	s0 =	sshll.u32 s0, $0xA  }
0x4e6: {  	[sflag:s29] =	ssyncset.done $0x0;
	s6 =	sadd.s32 $0x0, s0  }
0x4e7: {  	[sflag:s29] =	ssyncadd.s32 $0xFFFFC000;
	s21 =	sor.u32 $0x70, s6  }
0x4e8: {  	s0 =	sor.u32 $0x870, s6;
	v33 =	vld [tilespmem:s21+$0xC380]  }
0x4e9: {  	s14 =	sor.u32 $0x1070, s6;
	v34 =	vld [tilespmem:s0+$0xC380]  }
0x4ea: {  	v35 =	vld [tilespmem:s14+$0xC380];
	_ =	sdelay $0x1  }
0x4eb: {  	v41 =	vld [tilespmem:$0x1FE80]  }
0x4ec: {  	v52 =	vld [tilespmem:$0x1FE70];
	s12 =	sor.u32 $0x40, s6  }
0x4ed: {  	s10 =	sor.u32 $0x840, s6;
	v36 =	vld [tilespmem:s12+$0xC380];
	vm0 =	vgt.s32 v33, $0xFFFFFFE1;
	vm1 =	vgt.s32 v34, $0xFFFFFFE1  }
0x4ee: {  	s3 =	sor.u32 $0x1040, s6;
	v37 =	vld [tilespmem:s10+$0xC380];
	vm6 =	vgt.s32 v35, $0xFFFFFFE1;
	v0 =	vnsel vm0, $0xFFFFFFE1, v33;
	v1 =	vnsel vm1, $0xFFFFFFE1, v34  }
0x4ef: {  	s7 =	sor.u32 $0x50, s6;
	v38 =	vld [tilespmem:s3+$0xC380];
	v2 =	vnsel vm6, $0xFFFFFFE1, v35;
	vm7 =	vlt.s32 v0, $0x1F;
	vm2 =	vlt.s32 v1, $0x1F  }
0x4f0: {  	s8 =	sor.u32 $0x850, s6;
	v44 =	vld [tilespmem:s7+$0xC380];
	vm0 =	vlt.s32 v2, $0x1F;
	v0 =	vnsel vm7, $0x1F, v0;
	v1 =	vnsel vm2, $0x1F, v1  }
0x4f1: {  	s4 =	sor.u32 $0x1050, s6;
	v45 =	vld [tilespmem:s8+$0xC380];
	v2 =	vnsel vm0, $0x1F, v2;
	v0 =	vmul.u32 $0x237, v0;
	v1 =	vmul.u32 $0x9, v1  }
0x4f2: {  	s11 =	sor.u32 $0x60, s6;
	v8 =	vld [tilespmem:s4+$0xC380];
	v2 =	vshll.u32 v2, $0x7  }
0x4f3: {  	s13 =	sor.u32 $0x860, s6;
	v9 =	vld [tilespmem:s11+$0xC380];
	v46 =	vadd.s32 v41, v2;
	v27 =	vadd.s32 v0, v1  }
0x4f4: {  	s6 =	sor.u32 $0x1060, s6;
	v16 =	vld [tilespmem:s13+$0xC380];
	v0 =	vand.u32 $0xFFFFFF80, v46;
	v1 =	vadd.s32 $0x45C4, v27  }
0x4f5: {  	v17 =	vld [tilespmem:s6+$0xC380];
	v0 =	vor.u32 v52, v0;
	_ =	sdelay $0x1  }
0x4f6: {  	vm8 =	vgt.s32 v36, $0xFFFFFFE1  }
0x4f7: {  	v10 =	vld [tilespmem:$0x1FE60];
	vm9 =	vgt.s32 v37, $0xFFFFFFE1;
	vm10 =	vgt.s32 v38, $0xFFFFFFE1;
	vm3 =	vgt.s32 v44, $0xFFFFFFE1  }
0x4f8: {  	vm4 =	vgt.s32 v45, $0xFFFFFFE1;
	vm5 =	vgt.s32 v8, $0xFFFFFFE1;
	vm11 =	vgt.s32 v9, $0xFFFFFFE1;
	v1 =	vld.idx.msk [tilespmem:v1+s5+$0x0], $0xffff  }
0x4f9: {  	vm12 =	vgt.s32 v17, $0xFFFFFFE1;
	v3 =	vnsel vm8, $0xFFFFFFE1, v36;
	vm6 =	vgt.s32 v16, $0xFFFFFFE1;
	v0 =	vld.idx.msk [tilespmem:v0+s22+$0x0], $0xffff  }
0x4fa: {  	v14 =	vld [tilespmem:$0x1FE50];
	v4 =	vnsel vm9, $0xFFFFFFE1, v37;
	v5 =	vnsel vm10, $0xFFFFFFE1, v38;
	v6 =	vnsel vm3, $0xFFFFFFE1, v44  }
0x4fb: {  	v7 =	vnsel vm4, $0xFFFFFFE1, v45;
	v8 =	vnsel vm5, $0xFFFFFFE1, v8;
	v9 =	vnsel vm11, $0xFFFFFFE1, v9  }
0x4fc: {  	v17 =	vnsel vm12, $0xFFFFFFE1, v17;
	v16 =	vnsel vm6, $0xFFFFFFE1, v16;
	vm13 =	vlt.s32 v3, $0x1F  }
0x4fd: {  	vm14 =	vlt.s32 v4, $0x1F;
	vm3 =	vlt.s32 v6, $0x1F;
	v18 =	vadd.s32 v10, v2  }
0x4fe: {  	v18 =	vand.u32 $0xFFFFFF80, v18;
	v47 =	vadd.s32 $0x45C5, v27;
	v0 =	vadd.bf16 v0, v1  }
0x4ff: {  	vm4 =	vlt.s32 v7, $0x1F;
	vm5 =	vlt.s32 v8, $0x1F;
	v18 =	vor.u32 v14, v18  }
0x500: {  	vm15 =	vlt.s32 v9, $0x1F;
	vm8 =	vlt.s32 v17, $0x1F;
	v19 =	vunpack.i.l.bf16.f32 v0  }
0x501: {  	vm2 =	vlt.s32 v5, $0x1F;
	vm7 =	vlt.s32 v16, $0x1F;
	v0 =	vunpack.i.u.bf16.f32 v0;
	[tilespmem:s21+$0x11B80] =	vst v19  }
0x502: {  	v3 =	vnsel vm13, $0x1F, v3;
	v4 =	vnsel vm14, $0x1F, v4;
	v6 =	vnsel vm3, $0x1F, v6;
	[tilespmem:s0+$0x11B80] =	vst v0  }
0x503: {  	v7 =	vnsel vm4, $0x1F, v7;
	v8 =	vnsel vm5, $0x1F, v8;
	v9 =	vnsel vm15, $0x1F, v9;
	v1 =	vld.idx.msk [tilespmem:v47+s5+$0x0], $0xffff  }
0x504: {  	s23 =	simm.s32 $0x0;
	v17 =	vnsel vm8, $0x1F, v17;
	v5 =	vnsel vm2, $0x1F, v5;
	v16 =	vnsel vm7, $0x1F, v16;
	v54 =	vld.idx.msk [tilespmem:v18+s22+$0x0], $0xffff  }
0x505: {  	s24 =	sand.u32 $0x400, s23;
	v3 =	vmul.u32 $0x237, v3;
	v4 =	vmul.u32 $0x9, v4;
	v48 =	vmul.u32 $0x237, v6;
	s0 =	sand.u32 $0x380, s23;
	v15 =	vld [tilespmem:$0x1FE40]  }
0x506: {  	v49 =	vmul.u32 $0x9, v7;
	v50 =	vmul.u32 $0x237, v9;
	v21 =	vshll.u32 v17, $0x7;
	v11 =	vld [tilespmem:$0x1FE30];
	s1 =	sor.u32 s0, s24  }
0x507: {  	v20 =	vshll.u32 v5, $0x7;
	v51 =	vmul.u32 $0x9, v16;
	v23 =	vadd.s32 v10, v21;
	v25 =	vld [tilespmem:s1+$0xC380]  }
0x508: {  	v22 =	vadd.s32 v3, v4;
	v57 =	vadd.s32 v10, v20;
	v23 =	vand.u32 $0xFFFFFF80, v23;
	v59 =	vld [tilespmem:s1+$0xCB80]  }
0x509: {  	v16 =	vadd.s32 v50, v51;
	v58 =	vadd.s32 $0x45C6, v27;
	v5 =	vand.u32 $0xFFFFFF80, v57;
	v28 =	vld [tilespmem:s1+$0xD380]  }
0x50a: {  	v31 =	vor.u32 v14, v23;
	v27 =	vadd.s32 $0x45C7, v27;
	v17 =	vadd.s32 $0x45C4, v16;
	v29 =	vld [tilespmem:s1+$0xC390]  }
0x50b: {  	v37 =	vor.u32 v14, v5;
	v19 =	vshll.u32 v8, $0x7;
	v8 =	vadd.s32 v41, v20;
	v61 =	vld [tilespmem:s1+$0xCB90]  }
0x50c: {  	v32 =	vadd.s32 $0x45C5, v16;
	v9 =	vadd.s32 v41, v19;
	v53 =	vand.u32 $0xFFFFFF80, v8;
	v62 =	vld [tilespmem:s1+$0xD390]  }
0x50d: {  	v8 =	vadd.s32 v41, v21;
	v0 =	vadd.s32 $0x45C4, v22;
	v18 =	vadd.s32 v48, v49;
	v63 =	vld [tilespmem:s1+$0xC3A0]  }
0x50e: {  	v55 =	vand.u32 $0xFFFFFF80, v9;
	v3 =	vor.u32 v52, v53;
	v56 =	vand.u32 $0xFFFFFF80, v8;
	v49 =	vld [tilespmem:s1+$0xD3A0]  }
0x50f: {  	v9 =	vadd.s32 v10, v19;
	v7 =	vadd.s32 $0x45C4, v18;
	v26 =	vor.u32 v52, v55;
	v50 =	vld [tilespmem:s1+$0xC3B0]  }
0x510: {  	v6 =	vor.u32 v52, v56;
	v9 =	vand.u32 $0xFFFFFF80, v9;
	v53 =	vld [tilespmem:s1+$0xCBB0];
	v8 =	vadd.s32 v15, v2  }
0x511: {  	v1 =	vadd.bf16 v54, v1;
	v60 =	vadd.s32 v15, v20;
	v8 =	vand.u32 $0xFFFFFF80, v8  }
0x512: {  	vm12 =	vgt.s32 v25, $0xFFFFFFE1;
	vm13 =	vgt.s32 v59, $0xFFFFFFE1;
	vm15 =	vgt.s32 v28, $0xFFFFFFE1  }
0x513: {  	vm4 =	vgt.s32 v29, $0xFFFFFFE1;
	vm5 =	vgt.s32 v61, $0xFFFFFFE1;
	vm6 =	vgt.s32 v62, $0xFFFFFFE1  }
0x514: {  	vm7 =	vgt.s32 v63, $0xFFFFFFE1;
	vm9 =	vgt.s32 v49, $0xFFFFFFE1;
	vm10 =	vgt.s32 v50, $0xFFFFFFE1  }
0x515: {  	vm11 =	vgt.s32 v53, $0xFFFFFFE1;
	v8 =	vor.u32 v11, v8;
	v24 =	vunpack.i.l.bf16.f32 v1  }
0x516: {  	v1 =	vunpack.i.u.bf16.f32 v1;
	v30 =	vnsel vm12, $0xFFFFFFE1, v25;
	v5 =	vnsel vm13, $0xFFFFFFE1, v59  }
0x517: {  	v28 =	vnsel vm15, $0xFFFFFFE1, v28;
	v29 =	vnsel vm4, $0xFFFFFFE1, v29;
	v34 =	vnsel vm6, $0xFFFFFFE1, v62  }
0x518: {  	v36 =	vnsel vm7, $0xFFFFFFE1, v63;
	v38 =	vnsel vm9, $0xFFFFFFE1, v49;
	v40 =	vnsel vm10, $0xFFFFFFE1, v50  }
0x519: {  	v0 =	vld.idx.msk [tilespmem:v0+s5+$0x0], $0xffff;
	v43 =	vnsel vm11, $0xFFFFFFE1, v53;
	vm14 =	vlt.s32 v30, $0x1F;
	vm0 =	vlt.s32 v5, $0x1F  }
0x51a: {  	s0 =	sadd.s32 $0x11B80, s1;
	v54 =	vld [tilespmem:s1+$0xD3B0];
	[tilespmem:s14+$0x11B80] =	vst v24;
	vm2 =	vlt.s32 v28, $0x1F;
	vm3 =	vlt.s32 v29, $0x1F;
	vm6 =	vlt.s32 v36, $0x1F  }
0x51b: {  	v3 =	vld.idx.msk [tilespmem:v3+s22+$0x0], $0xffff;
	vm15 =	vlt.s32 v40, $0x1F;
	vm9 =	vlt.s32 v43, $0x1F;
	[tilespmem:s0+$0x1870] =	vst v1;
	v1 =	vand.u32 $0xFFFFFF80, v60  }
0x51c: {  	v30 =	vnsel vm14, $0x1F, v30;
	vm14 =	vlt.s32 v38, $0x1F;
	v5 =	vnsel vm0, $0x1F, v5;
	v4 =	vld.idx.msk [tilespmem:v58+s5+$0x0], $0xffff  }
0x51d: {  	v28 =	vnsel vm2, $0x1F, v28;
	v29 =	vnsel vm3, $0x1F, v29;
	v55 =	vnsel vm6, $0x1F, v36;
	v12 =	vld [tilespmem:$0x1FE20]  }
0x51e: {  	v40 =	vnsel vm15, $0x1F, v40;
	v43 =	vnsel vm9, $0x1F, v43;
	v25 =	vor.u32 v11, v1;
	v8 =	vld.idx.msk [tilespmem:v8+s22+$0x0], $0xffff  }
0x51f: {  	v13 =	vld [tilespmem:$0x1FE90];
	v1 =	vnsel vm5, $0xFFFFFFE1, v61;
	vm5 =	vlt.s32 v34, $0x1F;
	vm12 =	vgt.s32 v54, $0xFFFFFFE1  }
0x520: {  	v56 =	vnsel vm14, $0x1F, v38;
	v30 =	vmul.u32 $0x237, v30;
	v5 =	vmul.u32 $0x9, v5  }
0x521: {  	v6 =	vld.idx.msk [tilespmem:v6+s22+$0x0], $0xffff;
	v36 =	vshll.u32 v28, $0x7;
	v28 =	vmul.u32 $0x237, v29;
	v57 =	vmul.u32 $0x237, v55  }
0x522: {  	v58 =	vmul.u32 $0x237, v40;
	v61 =	vld.idx.msk [tilespmem:v26+s22+$0x0], $0xffff;
	v26 =	vmul.u32 $0x9, v43;
	v2 =	vadd.s32 v12, v2  }
0x523: {  	v63 =	vld.idx.msk [tilespmem:v17+s5+$0x0], $0xffff;
	v0 =	vadd.bf16 v3, v0;
	v2 =	vand.u32 $0xFFFFFF80, v2;
	v4 =	vadd.bf16 v8, v4  }
0x524: {  	vm4 =	vlt.s32 v1, $0x1F;
	v44 =	vnsel vm12, $0xFFFFFFE1, v54;
	v8 =	vld [tilespmem:s1+$0xCBA0];
	v2 =	vor.u32 v13, v2  }
0x525: {  	v34 =	vnsel vm5, $0x1F, v34;
	v1 =	vnsel vm4, $0x1F, v1;
	v51 =	vunpack.i.l.bf16.f32 v4  }
0x526: {  	v29 =	vadd.s32 v41, v36;
	v1 =	vmul.u32 $0x9, v1;
	v4 =	vunpack.i.u.bf16.f32 v4;
	[tilespmem:s0+$0x2070] =	vst v51  }
0x527: {  	vm10 =	vlt.s32 v44, $0x1F;
	v38 =	vshll.u32 v34, $0x7;
	v34 =	vshll.u32 v56, $0x7;
	[tilespmem:s0+$0x2870] =	vst v4  }
0x528: {  	v29 =	vand.u32 $0xFFFFFF80, v29;
	v6 =	vadd.bf16 v6, v63;
	v28 =	vadd.s32 v28, v1;
	v42 =	vld.idx.msk [tilespmem:v27+s5+$0x0], $0xffff  }
0x529: {  	v60 =	vor.u32 v52, v29;
	v62 =	vadd.s32 $0x45C4, v28;
	vm8 =	vgt.s32 v8, $0xFFFFFFE1;
	v2 =	vld.idx.msk [tilespmem:v2+s22+$0x0], $0xffff  }
0x52a: {  	v27 =	vadd.s32 v30, v5;
	v30 =	vadd.s32 v41, v38;
	v8 =	vnsel vm8, $0xFFFFFFE1, v8  }
0x52b: {  	v59 =	vadd.s32 $0x45C4, v27;
	v29 =	vand.u32 $0xFFFFFF80, v30;
	vm13 =	vlt.s32 v8, $0x1F  }
0x52c: {  	v44 =	vnsel vm10, $0x1F, v44;
	v51 =	vor.u32 v52, v29;
	v8 =	vnsel vm13, $0x1F, v8  }
0x52d: {  	v7 =	vld.idx.msk [tilespmem:v7+s5+$0x0], $0xffff;
	v17 =	vadd.s32 v41, v34;
	v40 =	vshll.u32 v44, $0x7;
	v8 =	vmul.u32 $0x9, v8  }
0x52e: {  	v1 =	vld.idx.msk [tilespmem:v60+s22+$0x0], $0xffff;
	v29 =	vadd.s32 v58, v26;
	v58 =	vunpack.i.u.bf16.f32 v0;
	v26 =	vadd.bf16 v2, v42  }
0x52f: {  	v3 =	vld.idx.msk [tilespmem:v62+s5+$0x0], $0xffff;
	v56 =	vadd.s32 $0x45C4, v29;
	v30 =	vadd.s32 v57, v8;
	v8 =	vand.u32 $0xFFFFFF80, v17  }
0x530: {  	v17 =	vadd.s32 v41, v40;
	v54 =	vor.u32 v52, v8;
	v8 =	vld.idx.msk [tilespmem:v59+s5+$0x0], $0xffff;
	v59 =	vunpack.i.u.bf16.f32 v26  }
0x531: {  	v0 =	vunpack.i.l.bf16.f32 v0;
	v4 =	vld.idx.msk [tilespmem:v51+s22+$0x0], $0xffff;
	v53 =	vadd.s32 $0x45C4, v30;
	v55 =	vand.u32 $0xFFFFFF80, v17;
	[tilespmem:$0x1FDA0] =	vst v59  }
0x532: {  	v57 =	vor.u32 v52, v55;
	v55 =	vunpack.i.u.bf16.f32 v6;
	v6 =	vunpack.i.l.bf16.f32 v6;
	[tilespmem:s12+$0x11B80] =	vst v0  }
0x533: {  	v39 =	vadd.s32 $0x45C5, v22;
	v33 =	vor.u32 v14, v9;
	v9 =	vadd.s32 v15, v19;
	[tilespmem:s11+$0x11B80] =	vst v6  }
0x534: {  	v23 =	vadd.s32 $0x45C6, v22;
	v9 =	vand.u32 $0xFFFFFF80, v9;
	v24 =	vadd.s32 v15, v21;
	v0 =	vld.idx.msk [tilespmem:v56+s5+$0x0], $0xffff;
	[tilespmem:s13+$0x11B80] =	vst v55  }
0x535: {  	v35 =	vadd.s32 $0x45C5, v18;
	v9 =	vor.u32 v11, v9;
	v48 =	vand.u32 $0xFFFFFF80, v24;
	v32 =	vld.idx.msk [tilespmem:v32+s5+$0x0], $0xffff  }
0x536: {  	v50 =	vadd.s32 v15, v38;
	v7 =	vadd.bf16 v61, v7;
	v61 =	vadd.s32 v10, v38;
	v31 =	vld.idx.msk [tilespmem:v31+s22+$0x0], $0xffff  }
0x537: {  	v63 =	vadd.s32 v10, v40;
	v60 =	vadd.s32 v10, v36;
	v59 =	vadd.s32 $0x45C5, v27;
	v44 =	vld.idx.msk [tilespmem:v53+s5+$0x0], $0xffff  }
0x538: {  	[tilespmem:s10+$0x11B80] =	vst v58;
	v3 =	vadd.bf16 v4, v3;
	v5 =	vld.idx.msk [tilespmem:v54+s22+$0x0], $0xffff;
	v53 =	vunpack.i.u.bf16.f32 v7;
	v7 =	vunpack.i.l.bf16.f32 v7  }
0x539: {  	v56 =	vand.u32 $0xFFFFFF80, v61;
	v61 =	vadd.s32 $0x45C5, v28;
	v1 =	vadd.bf16 v1, v8;
	v8 =	vld.idx.msk [tilespmem:v37+s22+$0x0], $0xffff;
	[tilespmem:s7+$0x11B80] =	vst v7  }
0x53a: {  	v58 =	vand.u32 $0xFFFFFF80, v63;
	v54 =	vand.u32 $0xFFFFFF80, v60;
	v2 =	vld.idx.msk [tilespmem:v57+s22+$0x0], $0xffff;
	v63 =	vunpack.i.l.bf16.f32 v3;
	[tilespmem:s8+$0x11B80] =	vst v53  }
0x53b: {  	v62 =	vadd.s32 v10, v34;
	v7 =	vld.idx.msk [tilespmem:v39+s5+$0x0], $0xffff;
	v60 =	vor.u32 v14, v54;
	v3 =	vunpack.i.u.bf16.f32 v3;
	[tilespmem:s1+$0x11B90] =	vst v63  }
0x53c: {  	v43 =	vor.u32 v14, v56;
	v57 =	vand.u32 $0xFFFFFF80, v62;
	v53 =	vunpack.i.l.bf16.f32 v1;
	[tilespmem:s1+$0x12390] =	vst v3;
	v6 =	vld.idx.msk [tilespmem:v35+s5+$0x0], $0xffff  }
0x53d: {  	v62 =	vadd.s32 $0x45C5, v30;
	v1 =	vunpack.i.u.bf16.f32 v1;
	v54 =	vld.idx.msk [tilespmem:v33+s22+$0x0], $0xffff;
	[tilespmem:s1+$0x11B80] =	vst v53;
	v5 =	vadd.bf16 v5, v44  }
0x53e: {  	v24 =	vadd.s32 $0x45C6, v18;
	v46 =	vand.u32 $0xFFFFFF80, v50;
	v55 =	vor.u32 v14, v57;
	[tilespmem:s1+$0x12380] =	vst v1;
	v3 =	vld.idx.msk [tilespmem:v61+s5+$0x0], $0xffff  }
0x53f: {  	v57 =	vadd.s32 $0x45C5, v29;
	v1 =	vld.idx.msk [tilespmem:v59+s5+$0x0], $0xffff;
	v0 =	vadd.bf16 v2, v0;
	v51 =	vunpack.i.l.bf16.f32 v5  }
0x540: {  	v20 =	vadd.s32 v12, v20;
	v39 =	vor.u32 v14, v58;
	v53 =	vld.idx.msk [tilespmem:v60+s22+$0x0], $0xffff;
	v5 =	vunpack.i.u.bf16.f32 v5;
	[tilespmem:s1+$0x11BA0] =	vst v51  }
0x541: {  	v50 =	vadd.s32 $0x45C6, v28;
	v7 =	vadd.bf16 v8, v7;
	v8 =	vld.idx.msk [tilespmem:v43+s22+$0x0], $0xffff;
	[tilespmem:s1+$0x123A0] =	vst v5;
	v60 =	vunpack.i.l.bf16.f32 v0  }
0x542: {  	v42 =	vadd.s32 $0x45C6, v16;
	v17 =	vor.u32 v11, v48;
	v0 =	vunpack.i.u.bf16.f32 v0;
	[tilespmem:s1+$0x11BB0] =	vst v60;
	v5 =	vld.idx.msk [tilespmem:v62+s5+$0x0], $0xffff  }
0x543: {  	v56 =	vadd.s32 v15, v36;
	v4 =	vadd.bf16 v54, v6;
	[tilespmem:s1+$0x123B0] =	vst v0;
	v62 =	vunpack.i.l.bf16.f32 v7;
	v63 =	vld.idx.msk [tilespmem:v55+s22+$0x0], $0xffff  }
0x544: {  	v49 =	vand.u32 $0xFFFFFF80, v56;
	v58 =	vadd.s32 v15, v34;
	v7 =	vunpack.i.u.bf16.f32 v7;
	[tilespmem:s3+$0x11B80] =	vst v62;
	v51 =	vld.idx.msk [tilespmem:v57+s5+$0x0], $0xffff  }
0x545: {  	v59 =	vadd.s32 v15, v40;
	v31 =	vadd.bf16 v31, v32;
	v55 =	vunpack.i.l.bf16.f32 v4;
	v56 =	vld.idx.msk [tilespmem:v39+s22+$0x0], $0xffff;
	[tilespmem:s0+$0x1840] =	vst v7  }
0x546: {  	v37 =	vand.u32 $0xFFFFFF80, v58;
	v61 =	vand.u32 $0xFFFFFF80, v59;
	v4 =	vunpack.i.u.bf16.f32 v4;
	[tilespmem:s4+$0x11B80] =	vst v55;
	v7 =	vld.idx.msk [tilespmem:v23+s5+$0x0], $0xffff  }
0x547: {  	v43 =	vadd.s32 $0x45C6, v27;
	v58 =	vunpack.i.l.bf16.f32 v31;
	v1 =	vadd.bf16 v53, v1;
	[tilespmem:s0+$0x1850] =	vst v4;
	v59 =	vld.idx.msk [tilespmem:v25+s22+$0x0], $0xffff  }
0x548: {  	v49 =	vor.u32 v11, v49;
	[tilespmem:s6+$0x11B80] =	vst v58;
	v53 =	vadd.s32 $0x45C7, v22;
	v22 =	vunpack.i.u.bf16.f32 v31;
	v60 =	vld.idx.msk [tilespmem:v24+s5+$0x0], $0xffff  }
0x549: {  	v35 =	vor.u32 v11, v61;
	v3 =	vadd.bf16 v8, v3;
	[tilespmem:s0+$0x1860] =	vst v22;
	v24 =	vunpack.i.l.bf16.f32 v1;
	v8 =	vld.idx.msk [tilespmem:v9+s22+$0x0], $0xffff  }
0x54a: {  	v54 =	vor.u32 v11, v46;
	v9 =	vand.u32 $0xFFFFFF80, v20;
	v1 =	vunpack.i.u.bf16.f32 v1;
	v20 =	vld.idx.msk [tilespmem:v42+s5+$0x0], $0xffff;
	[tilespmem:s1+$0x12B80] =	vst v24  }
0x54b: {  	v57 =	vadd.s32 $0x45C6, v30;
	v61 =	vunpack.i.l.bf16.f32 v3;
	v62 =	vld.idx.msk [tilespmem:v17+s22+$0x0], $0xffff;
	[tilespmem:s1+$0x13380] =	vst v1;
	v5 =	vadd.bf16 v63, v5  }
0x54c: {  	v37 =	vor.u32 v11, v37;
	v3 =	vunpack.i.u.bf16.f32 v3;
	[tilespmem:s1+$0x12B90] =	vst v61;
	v63 =	vld.idx.msk [tilespmem:v43+s5+$0x0], $0xffff  }
0x54d: {  	p0 =	por !p0, !p0;
	s3 =	simm.s32 $0x1;
	[tilespmem:s0+$0x1810] =	vst v3;
	v31 =	vld.idx.msk [tilespmem:v49+s22+$0x0], $0xffff;
	v47 =	vunpack.i.l.bf16.f32 v5  }
0x54e: {  	s3 =	simm.s32 @!p0 $0x0;
	v23 =	vadd.s32 $0x45C6, v29;
	v0 =	vadd.bf16 v56, v51;
	v5 =	vunpack.i.u.bf16.f32 v5;
	v49 =	vld.idx.msk [tilespmem:v50+s5+$0x0], $0xffff;
	[tilespmem:s1+$0x12BA0] =	vst v47  }
0x54f: {  	s3 =	sshll.u32 s3, $0xA;
	v51 =	vld.idx.msk [tilespmem:v54+s22+$0x0], $0xffff;
	[tilespmem:s0+$0x1820] =	vst v5  }
0x550: {  	v19 =	vadd.s32 v12, v19;
	s30 =	sadd.s32 $0x40, s3;
	v50 =	vunpack.i.l.bf16.f32 v0;
	v5 =	vld.idx.msk [tilespmem:v57+s5+$0x0], $0xffff  }
0x551: {  	v21 =	vadd.s32 v12, v21;
	v24 =	vadd.s32 v12, v38;
	s6 =	sor.u32 $0x70, s30;
	v0 =	vunpack.i.u.bf16.f32 v0;
	[tilespmem:s1+$0x12BB0] =	vst v50;
	v57 =	vld.idx.msk [tilespmem:v37+s22+$0x0], $0xffff  }
0x552: {  	v17 =	vadd.s32 $0x45C7, v28;
	v54 =	vand.u32 $0xFFFFFF80, v24;
	[tilespmem:s0+$0x1830] =	vst v0;
	v37 =	vadd.s32 $0x45C7, v16;
	v16 =	vld [tilespmem:s6+$0xC380]  }
0x553: {  	v19 =	vand.u32 $0xFFFFFF80, v19;
	s7 =	sor.u32 $0x870, s30;
	v4 =	vadd.bf16 v59, v7;
	v59 =	vld.idx.msk [tilespmem:v23+s5+$0x0], $0xffff;
	[tilespmem:$0x1FDB0] =	vst v17;
	v17 =	vor.u32 v13, v54  }
0x554: {  	v25 =	vadd.s32 v12, v34;
	v2 =	vadd.bf16 v8, v60;
	v8 =	vld [tilespmem:s7+$0xC380];
	[tilespmem:$0x1FDC0] =	vst v17;
	v17 =	vadd.s32 $0x45C7, v30  }
0x555: {  	v55 =	vand.u32 $0xFFFFFF80, v25;
	v56 =	vadd.s32 $0x45C7, v18;
	v18 =	vunpack.i.l.bf16.f32 v4;
	[tilespmem:$0x1FDD0] =	vst v17  }
0x556: {  	v21 =	vand.u32 $0xFFFFFF80, v21;
	v48 =	vadd.s32 v12, v40;
	s15 =	sor.u32 $0x1070, s30;
	v17 =	vor.u32 v13, v55;
	[tilespmem:s0+$0x2040] =	vst v18  }
0x557: {  	v9 =	vor.u32 v13, v9;
	v4 =	vunpack.i.u.bf16.f32 v4;
	v23 =	vadd.s32 $0x45C7, v27;
	v27 =	vld [tilespmem:s15+$0xC380];
	[tilespmem:$0x1FDE0] =	vst v17  }
0x558: {  	v32 =	vand.u32 $0xFFFFFF80, v48;
	v58 =	vor.u32 v13, v19;
	v17 =	vadd.s32 $0x45C7, v29;
	[tilespmem:s0+$0x2840] =	vst v4  }
0x559: {  	v22 =	vadd.s32 v12, v36;
	v36 =	vor.u32 v13, v21;
	v60 =	vunpack.i.l.bf16.f32 v2;
	v28 =	vld.idx.msk [tilespmem:v35+s22+$0x0], $0xffff;
	[tilespmem:$0x1FDF0] =	vst v17  }
0x55a: {  	v22 =	vand.u32 $0xFFFFFF80, v22;
	v6 =	vadd.bf16 v62, v20;
	v17 =	vor.u32 v13, v32;
	[tilespmem:s0+$0x2050] =	vst v60  }
0x55b: {  	v25 =	vor.u32 v13, v22;
	v1 =	vadd.bf16 v31, v63;
	v61 =	vld.idx.msk [tilespmem:v53+s5+$0x0], $0xffff;
	[tilespmem:$0x1FE00] =	vst v17  }
0x55c: {  	s11 =	sor.u32 $0x40, s30;
	v2 =	vunpack.i.u.bf16.f32 v2;
	v44 =	vunpack.i.u.bf16.f32 v6;
	v54 =	vadd.bf16 v51, v49;
	v62 =	vld.idx.msk [tilespmem:v9+s22+$0x0], $0xffff  }
0x55d: {  	s12 =	sor.u32 $0x840, s30;
	v45 =	vunpack.i.l.bf16.f32 v6;
	v43 =	vunpack.i.u.bf16.f32 v1;
	v46 =	vunpack.i.l.bf16.f32 v1;
	v30 =	vld [tilespmem:s11+$0xC380]  }
0x55e: {  	s3 =	sor.u32 $0x1040, s30;
	v40 =	vunpack.i.u.bf16.f32 v54;
	v42 =	vunpack.i.l.bf16.f32 v54;
	vm5 =	vgt.s32 v16, $0xFFFFFFE1;
	v31 =	vld [tilespmem:s12+$0xC380]  }
0x55f: {  	s13 =	sor.u32 $0x50, s30;
	v0 =	vadd.bf16 v57, v5;
	v16 =	vnsel vm5, $0xFFFFFFE1, v16;
	vm6 =	vgt.s32 v8, $0xFFFFFFE1;
	v53 =	vld [tilespmem:s3+$0xC380]  }
0x560: {  	s23 =	sor.u32 $0x1050, s30;
	vm8 =	vlt.s32 v16, $0x1F;
	v8 =	vnsel vm6, $0xFFFFFFE1, v8;
	vm7 =	vgt.s32 v27, $0xFFFFFFE1;
	v55 =	vld [tilespmem:s13+$0xC380]  }
0x561: {  	v16 =	vnsel vm8, $0x1F, v16;
	vm9 =	vlt.s32 v8, $0x1F;
	[tilespmem:s0+$0x2850] =	vst v2;
	v27 =	vnsel vm7, $0xFFFFFFE1, v27;
	v57 =	vld [tilespmem:s23+$0xC380]  }
0x562: {  	v16 =	vmul.u32 $0x237, v16;
	v8 =	vnsel vm9, $0x1F, v8;
	v63 =	vld.idx.msk [tilespmem:v56+s5+$0x0], $0xffff;
	vm0 =	vlt.s32 v27, $0x1F  }
0x563: {  	s14 =	sor.u32 $0x850, s30;
	v9 =	vld.idx.msk [tilespmem:v58+s22+$0x0], $0xffff;
	v8 =	vmul.u32 $0x9, v8;
	v7 =	vadd.bf16 v28, v59;
	v27 =	vnsel vm0, $0x1F, v27  }
0x564: {  	s24 =	sor.u32 $0x60, s30;
	v38 =	vunpack.i.u.bf16.f32 v0;
	v24 =	vunpack.i.l.bf16.f32 v0;
	v56 =	vld [tilespmem:s14+$0xC380];
	v47 =	vshll.u32 v27, $0x7  }
0x565: {  	v59 =	vld [tilespmem:s24+$0xC380];
	v49 =	vadd.s32 v16, v8;
	v29 =	vunpack.i.u.bf16.f32 v7;
	v39 =	vunpack.i.l.bf16.f32 v7  }
0x566: {  	v8 =	vadd.s32 v41, v47;
	v58 =	vadd.s32 $0x45C4, v49;
	v51 =	vadd.s32 $0x45C5, v49  }
0x567: {  	v8 =	vand.u32 $0xFFFFFF80, v8;
	v60 =	vadd.bf16 v62, v61;
	vm10 =	vgt.s32 v30, $0xFFFFFFE1  }
0x568: {  	s10 =	simm.s32 $0x400;
	vm11 =	vgt.s32 v31, $0xFFFFFFE1;
	vm12 =	vgt.s32 v53, $0xFFFFFFE1;
	vm13 =	vgt.s32 v55, $0xFFFFFFE1  }
0x569: {  	s16 =	sand.u32 $0x400, s10;
	s8 =	simm.s32 $0x40;
	vm15 =	vgt.s32 v57, $0xFFFFFFE1;
	v8 =	vor.u32 v52, v8;
	v16 =	vadd.bf16 v9, v63  }
0x56a: {  	s21 =	sor.u32 $0x860, s30;
	s4 =	sor.u32 $0x1060, s30;
	s30 =	sand.u32 $0x380, s8;
	vm14 =	vgt.s32 v56, $0xFFFFFFE1;
	v48 =	vnsel vm10, $0xFFFFFFE1, v30;
	vm9 =	vgt.s32 v59, $0xFFFFFFE1  }
0x56b: {  	s20 =	sor.u32 s30, s16;
	v50 =	vnsel vm11, $0xFFFFFFE1, v31;
	v3 =	vnsel vm13, $0xFFFFFFE1, v55;
	v5 =	vnsel vm15, $0xFFFFFFE1, v57  }
0x56c: {  	v7 =	vld [tilespmem:s20+$0xCB80];
	v31 =	vadd.s32 v10, v47;
	v27 =	vunpack.i.u.bf16.f32 v60;
	v28 =	vunpack.i.l.bf16.f32 v60  }
0x56d: {  	v61 =	vld [tilespmem:s21+$0xC380];
	v9 =	vnsel vm14, $0xFFFFFFE1, v56;
	v30 =	vnsel vm9, $0xFFFFFFE1, v59;
	v31 =	vand.u32 $0xFFFFFF80, v31  }
0x56e: {  	v62 =	vld [tilespmem:s4+$0xC380];
	vm0 =	vlt.s32 v48, $0x1F;
	vm3 =	vlt.s32 v3, $0x1F;
	vm5 =	vlt.s32 v5, $0x1F  }
0x56f: {  	v31 =	vor.u32 v14, v31;
	vm4 =	vlt.s32 v9, $0x1F;
	vm13 =	vlt.s32 v30, $0x1F  }
0x570: {  	v54 =	vnsel vm0, $0x1F, v48;
	v3 =	vnsel vm3, $0x1F, v3;
	v5 =	vnsel vm5, $0x1F, v5  }
0x571: {  	vm5 =	vgt.s32 v7, $0xFFFFFFE1;
	v30 =	vnsel vm13, $0x1F, v30;
	v3 =	vmul.u32 $0x237, v3  }
0x572: {  	v63 =	vld.idx.msk [tilespmem:v58+s5+$0x0], $0xffff;
	v32 =	vshll.u32 v5, $0x7;
	v7 =	vnsel vm5, $0xFFFFFFE1, v7;
	vm10 =	vgt.s32 v61, $0xFFFFFFE1  }
0x573: {  	v5 =	vld [tilespmem:s20+$0xD3B0];
	vm11 =	vgt.s32 v62, $0xFFFFFFE1;
	v58 =	vmul.u32 $0x237, v30;
	v59 =	vadd.s32 v41, v32  }
0x574: {  	v34 =	vld.idx.msk [tilespmem:v8+s22+$0x0], $0xffff;
	v8 =	vnsel vm12, $0xFFFFFFE1, v53;
	v2 =	vnsel vm10, $0xFFFFFFE1, v61;
	v0 =	vnsel vm11, $0xFFFFFFE1, v62  }
0x575: {  	vm12 =	vlt.s32 v50, $0x1F;
	vm2 =	vlt.s32 v8, $0x1F;
	vm14 =	vlt.s32 v2, $0x1F  }
0x576: {  	vm15 =	vlt.s32 v0, $0x1F;
	v55 =	vnsel vm12, $0x1F, v50;
	v56 =	vnsel vm2, $0x1F, v8  }
0x577: {  	v8 =	vnsel vm4, $0x1F, v9;
	v2 =	vnsel vm14, $0x1F, v2;
	v0 =	vnsel vm15, $0x1F, v0  }
0x578: {  	v6 =	vmul.u32 $0x9, v55;
	v33 =	vshll.u32 v56, $0x7;
	v57 =	vmul.u32 $0x9, v8  }
0x579: {  	v8 =	vadd.s32 v15, v47;
	v2 =	vmul.u32 $0x9, v2;
	vm5 =	vgt.s32 v5, $0xFFFFFFE1  }
0x57a: {  	v47 =	vadd.s32 v12, v47;
	v8 =	vand.u32 $0xFFFFFF80, v8;
	v30 =	vadd.s32 v41, v33  }
0x57b: {  	v55 =	vld [tilespmem:s20+$0xC390];
	v1 =	vadd.bf16 v34, v63;
	v8 =	vor.u32 v11, v8;
	v34 =	vshll.u32 v0, $0x7  }
0x57c: {  	v61 =	vand.u32 $0xFFFFFF80, v30;
	v63 =	vand.u32 $0xFFFFFF80, v59;
	v30 =	vadd.s32 v58, v2  }
0x57d: {  	v2 =	vadd.s32 v10, v33;
	v62 =	vadd.s32 v41, v34;
	v18 =	vor.u32 v52, v61  }
0x57e: {  	v59 =	vld [tilespmem:s20+$0xCB90];
	v19 =	vor.u32 v52, v63;
	v20 =	vadd.s32 $0x45C4, v30;
	v48 =	vand.u32 $0xFFFFFF80, v2  }
0x57f: {  	v61 =	vld [tilespmem:s20+$0xC3A0];
	v2 =	vadd.s32 v15, v34;
	v53 =	vunpack.i.l.bf16.f32 v1;
	v1 =	vunpack.i.u.bf16.f32 v1  }
0x580: {  	v63 =	vld [tilespmem:s20+$0xD3A0];
	v0 =	vand.u32 $0xFFFFFF80, v62;
	v56 =	vor.u32 v14, v48;
	vm8 =	vgt.s32 v55, $0xFFFFFFE1;
	[tilespmem:s6+$0x11B80] =	vst v53  }
0x581: {  	v48 =	vld [tilespmem:s20+$0xD390];
	v2 =	vand.u32 $0xFFFFFF80, v2;
	v21 =	vor.u32 v52, v0;
	v55 =	vnsel vm8, $0xFFFFFFE1, v55;
	[tilespmem:s7+$0x11B80] =	vst v1  }
0x582: {  	v0 =	vnsel vm5, $0xFFFFFFE1, v5;
	v1 =	vmul.u32 $0x237, v54;
	v9 =	vld.idx.msk [tilespmem:v31+s22+$0x0], $0xffff;
	v31 =	vadd.s32 v3, v57  }
0x583: {  	v4 =	vld.idx.msk [tilespmem:v51+s5+$0x0], $0xffff;
	v3 =	vadd.s32 v10, v32;
	v51 =	vadd.s32 v10, v34;
	vm9 =	vgt.s32 v59, $0xFFFFFFE1  }
0x584: {  	v54 =	vld [tilespmem:s20+$0xD380];
	v35 =	vadd.s32 v1, v6;
	v50 =	vand.u32 $0xFFFFFF80, v3;
	v58 =	vand.u32 $0xFFFFFF80, v51  }
0x585: {  	v53 =	vadd.s32 $0x45C5, v31;
	v59 =	vnsel vm9, $0xFFFFFFE1, v59;
	vm11 =	vgt.s32 v61, $0xFFFFFFE1  }
0x586: {  	vm13 =	vgt.s32 v63, $0xFFFFFFE1;
	v17 =	vadd.s32 $0x45C4, v35;
	v22 =	vor.u32 v14, v50  }
0x587: {  	[tilespmem:s1+$0x13B80] =	vst v46;
	v6 =	vld [tilespmem:s20+$0xC380];
	v50 =	vor.u32 v14, v58;
	vm10 =	vgt.s32 v48, $0xFFFFFFE1;
	v61 =	vnsel vm11, $0xFFFFFFE1, v61  }
0x588: {  	[tilespmem:s1+$0x14380] =	vst v43;
	v1 =	vld [tilespmem:s20+$0xC3B0];
	v63 =	vnsel vm13, $0xFFFFFFE1, v63;
	vm8 =	vlt.s32 v59, $0x1F;
	v48 =	vnsel vm10, $0xFFFFFFE1, v48  }
0x589: {  	v43 =	vld.idx.msk [tilespmem:v23+s5+$0x0], $0xffff;
	v59 =	vnsel vm8, $0x1F, v59;
	vm10 =	vlt.s32 v61, $0x1F;
	vm7 =	vgt.s32 v54, $0xFFFFFFE1  }
0x58a: {  	v58 =	vld [tilespmem:s20+$0xCBA0];
	vm9 =	vlt.s32 v48, $0x1F;
	v61 =	vnsel vm10, $0x1F, v61;
	v23 =	vmul.u32 $0x9, v59  }
0x58b: {  	v4 =	vadd.bf16 v9, v4;
	v9 =	vadd.s32 $0x45C6, v49;
	v54 =	vnsel vm7, $0xFFFFFFE1, v54  }
0x58c: {  	vm7 =	vlt.s32 v55, $0x1F;
	v48 =	vnsel vm9, $0x1F, v48;
	v49 =	vadd.s32 $0x45C7, v49  }
0x58d: {  	vm4 =	vgt.s32 v6, $0xFFFFFFE1;
	vm14 =	vgt.s32 v1, $0xFFFFFFE1;
	v60 =	vunpack.i.l.bf16.f32 v4  }
0x58e: {  	s17 =	sadd.s32 $0x11B80, s20;
	v5 =	vnsel vm7, $0x1F, v55;
	v55 =	vand.u32 $0xFFFFFF80, v47;
	v4 =	vunpack.i.u.bf16.f32 v4;
	[tilespmem:s15+$0x11B80] =	vst v60  }
0x58f: {  	v6 =	vnsel vm4, $0xFFFFFFE1, v6;
	vm12 =	vgt.s32 v58, $0xFFFFFFE1;
	v1 =	vnsel vm14, $0xFFFFFFE1, v1;
	[tilespmem:s17+$0x1870] =	vst v4  }
0x590: {  	[tilespmem:s0+$0x2860] =	vst v44;
	vm4 =	vlt.s32 v7, $0x1F;
	v44 =	vor.u32 v13, v55;
	v5 =	vmul.u32 $0x237, v5;
	v4 =	vld.idx.msk [tilespmem:v9+s5+$0x0], $0xffff  }
0x591: {  	v60 =	vadd.s32 v15, v33;
	vm6 =	vlt.s32 v6, $0x1F;
	v58 =	vnsel vm12, $0xFFFFFFE1, v58;
	v8 =	vld.idx.msk [tilespmem:v8+s22+$0x0], $0xffff  }
0x592: {  	v3 =	vnsel vm4, $0x1F, v7;
	vm12 =	vlt.s32 v63, $0x1F;
	vm13 =	vlt.s32 v1, $0x1F  }
0x593: {  	v60 =	vand.u32 $0xFFFFFF80, v60;
	v6 =	vnsel vm6, $0x1F, v6;
	vm6 =	vlt.s32 v54, $0x1F  }
0x594: {  	v18 =	vld.idx.msk [tilespmem:v18+s22+$0x0], $0xffff;
	vm11 =	vlt.s32 v58, $0x1F;
	v63 =	vnsel vm12, $0x1F, v63;
	v1 =	vnsel vm13, $0x1F, v1  }
0x595: {  	v17 =	vld.idx.msk [tilespmem:v17+s5+$0x0], $0xffff;
	v3 =	vmul.u32 $0x9, v3;
	v46 =	vadd.s32 v5, v23;
	v9 =	vadd.s32 $0x45C4, v31  }
0x596: {  	v54 =	vnsel vm6, $0x1F, v54;
	v47 =	vnsel vm11, $0x1F, v58;
	v4 =	vadd.bf16 v8, v4  }
0x597: {  	v6 =	vmul.u32 $0x237, v6;
	v1 =	vmul.u32 $0x237, v1;
	v23 =	vadd.s32 $0x45C4, v46;
	v8 =	vld [tilespmem:s20+$0xCBB0]  }
0x598: {  	[tilespmem:s0+$0x2060] =	vst v45;
	v55 =	vshll.u32 v54, $0x7;
	v54 =	vshll.u32 v48, $0x7;
	v58 =	vunpack.i.l.bf16.f32 v4  }
0x599: {  	v47 =	vmul.u32 $0x9, v47;
	v45 =	vadd.s32 v6, v3;
	v6 =	vld.idx.msk [tilespmem:v19+s22+$0x0], $0xffff;
	v4 =	vunpack.i.u.bf16.f32 v4;
	[tilespmem:s17+$0x2070] =	vst v58  }
0x59a: {  	v17 =	vadd.bf16 v18, v17;
	v59 =	vadd.s32 $0x45C4, v45;
	v9 =	vld.idx.msk [tilespmem:v9+s5+$0x0], $0xffff;
	[tilespmem:s17+$0x2870] =	vst v4;
	v4 =	vmul.u32 $0x237, v61  }
0x59b: {  	v61 =	vadd.s32 v41, v55;
	v58 =	vadd.s32 v41, v54;
	v48 =	vld.idx.msk [tilespmem:v49+s5+$0x0], $0xffff;
	v49 =	vshll.u32 v63, $0x7  }
0x59c: {  	v63 =	vand.u32 $0xFFFFFF80, v61;
	v19 =	vand.u32 $0xFFFFFF80, v58;
	v61 =	vld [tilespmem:$0x1FDA0];
	[tilespmem:s0+$0x2010] =	vst v42;
	vm15 =	vgt.s32 v8, $0xFFFFFFE1  }
0x59d: {  	v3 =	vld.idx.msk [tilespmem:v44+s22+$0x0], $0xffff;
	[tilespmem:s0+$0x2810] =	vst v40;
	v5 =	vor.u32 v52, v63;
	v44 =	vadd.s32 v4, v47;
	v8 =	vnsel vm15, $0xFFFFFFE1, v8  }
0x59e: {  	[tilespmem:s0+$0x2020] =	vst v24;
	v4 =	vadd.s32 v41, v49;
	v19 =	vor.u32 v52, v19;
	vm14 =	vlt.s32 v8, $0x1F  }
0x59f: {  	v37 =	vld.idx.msk [tilespmem:v37+s5+$0x0], $0xffff;
	[tilespmem:s0+$0x2820] =	vst v38;
	v6 =	vadd.bf16 v6, v9;
	vm15 =	vlt.s32 v0, $0x1F;
	v8 =	vnsel vm14, $0x1F, v8  }
0x5a0: {  	v20 =	vld.idx.msk [tilespmem:v20+s5+$0x0], $0xffff;
	[tilespmem:s0+$0x2030] =	vst v39;
	v63 =	vand.u32 $0xFFFFFF80, v4;
	v0 =	vnsel vm15, $0x1F, v0;
	v8 =	vmul.u32 $0x9, v8  }
0x5a1: {  	v4 =	vadd.s32 $0x45C4, v44;
	v58 =	vshll.u32 v0, $0x7;
	v0 =	vor.u32 v52, v63;
	[tilespmem:s0+$0x3870] =	vst v61;
	v61 =	vld.idx.msk [tilespmem:v21+s22+$0x0], $0xffff  }
0x5a2: {  	v41 =	vadd.s32 v41, v58;
	v47 =	vadd.s32 v1, v8;
	v8 =	vld.idx.msk [tilespmem:v59+s5+$0x0], $0xffff;
	v59 =	vor.u32 v11, v60  }
0x5a3: {  	[tilespmem:s0+$0x2830] =	vst v29;
	v5 =	vld.idx.msk [tilespmem:v5+s22+$0x0], $0xffff;
	v1 =	vand.u32 $0xFFFFFF80, v41;
	v41 =	vor.u32 v11, v2;
	v60 =	vadd.s32 $0x45C4, v47  }
0x5a4: {  	[tilespmem:s0+$0x3040] =	vst v28;
	v2 =	vld.idx.msk [tilespmem:v19+s22+$0x0], $0xffff;
	v19 =	vunpack.i.u.bf16.f32 v17;
	v17 =	vunpack.i.l.bf16.f32 v17;
	v1 =	vor.u32 v52, v1  }
0x5a5: {  	v57 =	vadd.s32 $0x45C5, v35;
	v23 =	vld.idx.msk [tilespmem:v23+s5+$0x0], $0xffff;
	v38 =	vadd.s32 v10, v54;
	v52 =	vadd.s32 v10, v55;
	[tilespmem:s11+$0x11B80] =	vst v17  }
0x5a6: {  	v4 =	vld.idx.msk [tilespmem:v4+s5+$0x0], $0xffff;
	[tilespmem:s12+$0x11B80] =	vst v19;
	v19 =	vunpack.i.u.bf16.f32 v6;
	v6 =	vunpack.i.l.bf16.f32 v6;
	v9 =	vadd.bf16 v61, v20  }
0x5a7: {  	v21 =	vadd.bf16 v3, v48;
	v63 =	vadd.s32 v10, v58;
	v0 =	vld.idx.msk [tilespmem:v0+s22+$0x0], $0xffff;
	v3 =	vand.u32 $0xFFFFFF80, v52;
	[tilespmem:s13+$0x11B80] =	vst v6  }
0x5a8: {  	[tilespmem:s14+$0x11B80] =	vst v19;
	v52 =	vunpack.i.u.bf16.f32 v9;
	v9 =	vunpack.i.l.bf16.f32 v9;
	v5 =	vadd.bf16 v5, v8;
	v17 =	vld.idx.msk [tilespmem:v60+s5+$0x0], $0xffff  }
0x5a9: {  	v51 =	vadd.s32 $0x45C5, v30;
	v61 =	vadd.s32 v10, v49;
	v3 =	vor.u32 v14, v3;
	v1 =	vld.idx.msk [tilespmem:v1+s22+$0x0], $0xffff;
	[tilespmem:s24+$0x11B80] =	vst v9  }
0x5aa: {  	v48 =	vld.idx.msk [tilespmem:v57+s5+$0x0], $0xffff;
	v57 =	vadd.s32 $0x45C5, v46;
	v2 =	vadd.bf16 v2, v23;
	[tilespmem:s21+$0x11B80] =	vst v52;
	v23 =	vunpack.i.l.bf16.f32 v5  }
0x5ab: {  	v19 =	vand.u32 $0xFFFFFF80, v38;
	v38 =	vld.idx.msk [tilespmem:v56+s22+$0x0], $0xffff;
	v56 =	vand.u32 $0xFFFFFF80, v63;
	v5 =	vunpack.i.u.bf16.f32 v5;
	[tilespmem:s20+$0x11B80] =	vst v23  }
0x5ac: {  	v36 =	vld.idx.msk [tilespmem:v36+s22+$0x0], $0xffff;
	v8 =	vadd.s32 $0x45C5, v45;
	v60 =	vunpack.i.l.bf16.f32 v2;
	v0 =	vadd.bf16 v0, v4;
	[tilespmem:s20+$0x12380] =	vst v5  }
0x5ad: {  	v40 =	vld.idx.msk [tilespmem:v53+s5+$0x0], $0xffff;
	v19 =	vor.u32 v14, v19;
	v9 =	vand.u32 $0xFFFFFF80, v61;
	v2 =	vunpack.i.u.bf16.f32 v2;
	[tilespmem:s20+$0x11B90] =	vst v60  }
0x5ae: {  	v61 =	vadd.s32 v15, v55;
	v52 =	vld.idx.msk [tilespmem:v22+s22+$0x0], $0xffff;
	[tilespmem:s20+$0x12390] =	vst v2;
	v53 =	vunpack.i.l.bf16.f32 v0;
	v1 =	vadd.bf16 v1, v17  }
0x5af: {  	v39 =	vor.u32 v14, v56;
	v4 =	vld.idx.msk [tilespmem:v50+s22+$0x0], $0xffff;
	v50 =	vand.u32 $0xFFFFFF80, v61;
	v0 =	vunpack.i.u.bf16.f32 v0;
	[tilespmem:s20+$0x11BA0] =	vst v53  }
0x5b0: {  	v51 =	vld.idx.msk [tilespmem:v51+s5+$0x0], $0xffff;
	v38 =	vadd.bf16 v38, v48;
	[tilespmem:s20+$0x123A0] =	vst v0;
	v17 =	vadd.s32 v15, v54;
	v61 =	vunpack.i.l.bf16.f32 v1  }
0x5b1: {  	v9 =	vor.u32 v14, v9;
	v3 =	vld.idx.msk [tilespmem:v3+s22+$0x0], $0xffff;
	v17 =	vand.u32 $0xFFFFFF80, v17;
	v1 =	vunpack.i.u.bf16.f32 v1;
	[tilespmem:s20+$0x11BB0] =	vst v61  }
0x5b2: {  	v23 =	vadd.s32 $0x45C5, v44;
	v56 =	vld.idx.msk [tilespmem:v57+s5+$0x0], $0xffff;
	v28 =	vor.u32 v11, v17;
	v17 =	vunpack.i.l.bf16.f32 v38;
	[tilespmem:s20+$0x123B0] =	vst v1  }
0x5b3: {  	v8 =	vld.idx.msk [tilespmem:v8+s5+$0x0], $0xffff;
	[tilespmem:s3+$0x11B80] =	vst v17;
	v17 =	vunpack.i.u.bf16.f32 v38  }
0x5b4: {  	v63 =	vadd.s32 $0x45C5, v47;
	v19 =	vld.idx.msk [tilespmem:v19+s22+$0x0], $0xffff;
	[tilespmem:s17+$0x1840] =	vst v17  }
0x5b5: {  	v10 =	vld [tilespmem:$0x1FDB0]  }
0x5b6: {  	v7 =	vadd.s32 $0x45C6, v35;
	v9 =	vld.idx.msk [tilespmem:v9+s22+$0x0], $0xffff;
	v40 =	vadd.bf16 v52, v40  }
0x5b7: {  	v23 =	vld.idx.msk [tilespmem:v23+s5+$0x0], $0xffff  }
0x5b8: {  	v1 =	vld.idx.msk [tilespmem:v25+s22+$0x0], $0xffff;
	v17 =	vunpack.i.l.bf16.f32 v40  }
0x5b9: {  	v26 =	vunpack.i.l.bf16.f32 v26;
	v5 =	vld.idx.msk [tilespmem:v63+s5+$0x0], $0xffff;
	[tilespmem:s23+$0x11B80] =	vst v17  }
0x5ba: {  	v62 =	vadd.s32 v15, v32;
	v18 =	vadd.s32 $0x45C6, v31;
	v4 =	vadd.bf16 v4, v51;
	v63 =	vld.idx.msk [tilespmem:v39+s22+$0x0], $0xffff;
	[tilespmem:s0+$0x3840] =	vst v27  }
0x5bb: {  	v62 =	vand.u32 $0xFFFFFF80, v62;
	v17 =	vunpack.i.u.bf16.f32 v40;
	v7 =	vld.idx.msk [tilespmem:v7+s5+$0x0], $0xffff;
	[tilespmem:s0+$0x3070] =	vst v26  }
0x5bc: {  	v62 =	vor.u32 v11, v62;
	v2 =	vadd.bf16 v19, v56;
	v19 =	vld.idx.msk [tilespmem:v59+s22+$0x0], $0xffff;
	v26 =	vunpack.i.l.bf16.f32 v4;
	[tilespmem:s17+$0x1850] =	vst v17  }
0x5bd: {  	v42 =	vadd.s32 $0x45C6, v30;
	v25 =	vor.u32 v11, v50;
	[tilespmem:s4+$0x11B80] =	vst v26;
	v50 =	vld.idx.msk [tilespmem:v10+s5+$0x0], $0xffff  }
0x5be: {  	v29 =	vadd.s32 $0x45C6, v45;
	v60 =	vadd.s32 v15, v58;
	v4 =	vunpack.i.u.bf16.f32 v4;
	v10 =	vld [tilespmem:$0x1FDC0]  }
0x5bf: {  	v20 =	vunpack.i.u.bf16.f32 v21;
	v57 =	vadd.s32 v15, v49;
	v3 =	vadd.bf16 v3, v8;
	v27 =	vld.idx.msk [tilespmem:v18+s5+$0x0], $0xffff;
	[tilespmem:s17+$0x1860] =	vst v4  }
0x5c0: {  	v6 =	vand.u32 $0xFFFFFF80, v57;
	v17 =	vadd.s32 v12, v33;
	v18 =	vadd.s32 v12, v55;
	v4 =	vld [tilespmem:$0x1FDD0]  }
0x5c1: {  	v9 =	vadd.bf16 v9, v23;
	v39 =	vld.idx.msk [tilespmem:v62+s22+$0x0], $0xffff;
	v62 =	vand.u32 $0xFFFFFF80, v18;
	v18 =	vunpack.i.l.bf16.f32 v3;
	[tilespmem:s17+$0x3870] =	vst v20  }
0x5c2: {  	v23 =	vand.u32 $0xFFFFFF80, v17;
	v17 =	vadd.s32 v12, v32;
	v3 =	vunpack.i.u.bf16.f32 v3;
	v42 =	vld.idx.msk [tilespmem:v42+s5+$0x0], $0xffff;
	[tilespmem:s20+$0x12B80] =	vst v18  }
0x5c3: {  	v0 =	vand.u32 $0xFFFFFF80, v60;
	v57 =	vand.u32 $0xFFFFFF80, v17;
	v5 =	vadd.bf16 v63, v5;
	v63 =	vld.idx.msk [tilespmem:v41+s22+$0x0], $0xffff;
	[tilespmem:s20+$0x13380] =	vst v3  }
0x5c4: {  	v60 =	vadd.s32 v12, v58;
	v38 =	vor.u32 v13, v57;
	v57 =	vunpack.i.l.bf16.f32 v9;
	v3 =	vld [tilespmem:$0x1FDE0]  }
0x5c5: {  	v58 =	vunpack.i.u.bf16.f32 v9;
	v7 =	vadd.bf16 v19, v7;
	v19 =	vunpack.i.l.bf16.f32 v2;
	v9 =	vld.idx.msk [tilespmem:v29+s5+$0x0], $0xffff  }
0x5c6: {  	v24 =	vadd.s32 v12, v34;
	v48 =	vadd.s32 $0x45C6, v46;
	[tilespmem:s20+$0x12B90] =	vst v19;
	v22 =	vld.idx.msk [tilespmem:v10+s22+$0x0], $0xffff  }
0x5c7: {  	v6 =	vor.u32 v11, v6;
	v0 =	vor.u32 v11, v0;
	v2 =	vunpack.i.u.bf16.f32 v2;
	v10 =	vld [tilespmem:$0x1FDF0]  }
0x5c8: {  	v51 =	vadd.s32 $0x45C6, v47;
	v61 =	vand.u32 $0xFFFFFF80, v24;
	v24 =	vadd.bf16 v36, v37;
	[tilespmem:s17+$0x1810] =	vst v2;
	v17 =	vld.idx.msk [tilespmem:v4+s5+$0x0], $0xffff  }
0x5c9: {  	v37 =	vadd.s32 $0x45C7, v30;
	v8 =	vadd.s32 $0x45C6, v44;
	v59 =	vadd.s32 v12, v49;
	v2 =	vld [tilespmem:$0x1FE00]  }
0x5ca: {  	v36 =	vadd.s32 $0x45C7, v45;
	v30 =	vadd.s32 $0x45C7, v47;
	v4 =	vand.u32 $0xFFFFFF80, v59;
	v59 =	vld.idx.msk [tilespmem:v25+s22+$0x0], $0xffff  }
0x5cb: {  	v56 =	vand.u32 $0xFFFFFF80, v60;
	v40 =	vadd.s32 $0x45C7, v35;
	v26 =	vadd.s32 v12, v54;
	v45 =	vld.idx.msk [tilespmem:v48+s5+$0x0], $0xffff  }
0x5cc: {  	v35 =	vor.u32 v13, v61;
	v26 =	vand.u32 $0xFFFFFF80, v26;
	v32 =	vadd.s32 $0x45C7, v46;
	[tilespmem:s20+$0x12BA0] =	vst v57;
	v48 =	vld.idx.msk [tilespmem:v28+s22+$0x0], $0xffff  }
0x5cd: {  	v27 =	vadd.bf16 v39, v27;
	v41 =	vor.u32 v13, v23;
	v23 =	vunpack.i.l.bf16.f32 v5;
	v18 =	vld.idx.msk [tilespmem:v3+s22+$0x0], $0xffff;
	[tilespmem:s17+$0x1820] =	vst v58  }
0x5ce: {  	v39 =	vadd.s32 $0x45C7, v31;
	v31 =	vadd.s32 $0x45C7, v44;
	v5 =	vunpack.i.u.bf16.f32 v5;
	[tilespmem:s20+$0x12BB0] =	vst v23;
	v44 =	vld.idx.msk [tilespmem:v8+s5+$0x0], $0xffff  }
0x5cf: {  	v33 =	vor.u32 v13, v26;
	v60 =	vunpack.i.l.bf16.f32 v7;
	v52 =	vadd.bf16 v63, v42;
	[tilespmem:s17+$0x1830] =	vst v5;
	v46 =	vld.idx.msk [tilespmem:v6+s22+$0x0], $0xffff  }
0x5d0: {  	v34 =	vor.u32 v13, v62;
	v61 =	vunpack.i.u.bf16.f32 v7;
	v62 =	vunpack.i.l.bf16.f32 v27;
	[tilespmem:s17+$0x2040] =	vst v60;
	v42 =	vld.idx.msk [tilespmem:v51+s5+$0x0], $0xffff  }
0x5d1: {  	v29 =	vor.u32 v13, v56;
	v63 =	vunpack.i.u.bf16.f32 v27;
	v47 =	vunpack.i.l.bf16.f32 v52;
	[tilespmem:s17+$0x2840] =	vst v61;
	v26 =	vld.idx.msk [tilespmem:v0+s22+$0x0], $0xffff  }
0x5d2: {  	v25 =	vadd.bf16 v1, v43;
	[tilespmem:s17+$0x2050] =	vst v62;
	v43 =	vunpack.i.u.bf16.f32 v52;
	v28 =	vor.u32 v13, v4;
	v19 =	vld.idx.msk [tilespmem:v10+s5+$0x0], $0xffff  }
0x5d3: {  	p0 =	por !p0, !p0;
	s21 =	simm.s32 $0x8;
	[tilespmem:s17+$0x2850] =	vst v63;
	v23 =	vadd.bf16 v22, v50;
	v22 =	vunpack.i.u.bf16.f32 v16;
	v27 =	vadd.bf16 v59, v9;
	v20 =	vld.idx.msk [tilespmem:v2+s22+$0x0], $0xffff  }
.LBB2_9:
0x5d4: {  	s3 =	simm.s32 $0x1  }
0x5d5: {  	v0 =	vld.idx.msk [tilespmem:v40+s5+$0x0], $0xffff;
	s3 =	simm.s32 @!p0 $0x0  }
0x5d6: {  	v7 =	vld.idx.msk [tilespmem:v41+s22+$0x0], $0xffff;
	s8 =	sadd.s32 $0x40, s8;
	s3 =	sshll.u32 s3, $0xA  }
0x5d7: {  	v61 =	vld.idx.msk [tilespmem:v39+s5+$0x0], $0xffff;
	s3 =	sadd.s32 s3, s8  }
0x5d8: {  	v1 =	vadd.bf16 v18, v17;
	v18 =	vld.idx.msk [tilespmem:v38+s22+$0x0], $0xffff;
	s15 =	sor.u32 $0x70, s3  }
0x5d9: {  	v2 =	vadd.bf16 v20, v19;
	s16 =	sor.u32 $0x870, s3;
	v19 =	vld [tilespmem:s15+$0xC380]  }
0x5da: {  	v3 =	vunpack.i.l.bf16.f32 v16;
	v8 =	vunpack.i.l.bf16.f32 v21;
	s14 =	sor.u32 $0x1070, s3;
	v21 =	vld [tilespmem:s16+$0xC380]  }
0x5db: {  	v4 =	vunpack.i.u.bf16.f32 v27;
	v63 =	vunpack.i.u.bf16.f32 v25;
	v20 =	vunpack.i.l.bf16.f32 v25;
	s12 =	sor.u32 $0x40, s3;
	v25 =	vld [tilespmem:s14+$0xC380]  }
0x5dc: {  	v5 =	vunpack.i.l.bf16.f32 v27;
	v9 =	vunpack.i.u.bf16.f32 v24;
	v6 =	vadd.bf16 v48, v45;
	s23 =	sor.u32 $0x840, s3;
	v48 =	vld [tilespmem:s12+$0xC380]  }
0x5dd: {  	v17 =	vunpack.i.l.bf16.f32 v24;
	v27 =	vunpack.i.u.bf16.f32 v23;
	v38 =	vunpack.i.u.bf16.f32 v1;
	s4 =	sor.u32 $0x1040, s3;
	v50 =	vld [tilespmem:s23+$0xC380]  }
0x5de: {  	v1 =	vunpack.i.l.bf16.f32 v1;
	v51 =	vunpack.i.u.bf16.f32 v2;
	v2 =	vunpack.i.l.bf16.f32 v2;
	s6 =	sor.u32 $0x50, s3;
	v52 =	vld [tilespmem:s4+$0xC380]  }
0x5df: {  	[tilespmem:s17+$0x2060] =	vst v47;
	v16 =	vadd.bf16 v46, v44;
	s11 =	sor.u32 $0x850, s3;
	v24 =	vadd.bf16 v26, v42;
	v26 =	vunpack.i.l.bf16.f32 v23;
	v54 =	vld [tilespmem:s6+$0xC380]  }
0x5e0: {  	[tilespmem:s17+$0x2860] =	vst v43;
	s30 =	sor.u32 $0x1050, s3;
	v0 =	vadd.bf16 v7, v0;
	v55 =	vld [tilespmem:s11+$0xC380];
	v62 =	vunpack.i.u.bf16.f32 v6;
	v6 =	vunpack.i.l.bf16.f32 v6  }
0x5e1: {  	[tilespmem:s20+$0x13B80] =	vst v5;
	v60 =	vld [tilespmem:s30+$0xC380];
	v47 =	vunpack.i.u.bf16.f32 v16;
	v16 =	vunpack.i.l.bf16.f32 v16;
	v49 =	vunpack.i.u.bf16.f32 v24  }
0x5e2: {  	[tilespmem:s17+$0x2020] =	vst v16;
	v16 =	vunpack.i.l.bf16.f32 v24;
	v53 =	vunpack.i.u.bf16.f32 v0;
	v0 =	vunpack.i.l.bf16.f32 v0  }
0x5e3: {  	[tilespmem:s17+$0x2030] =	vst v16;
	v16 =	vadd.bf16 v18, v61;
	vm0 =	vgt.s32 v19, $0xFFFFFFE1;
	vm1 =	vgt.s32 v21, $0xFFFFFFE1  }
0x5e4: {  	[tilespmem:s20+$0x14380] =	vst v4;
	s7 =	sor.u32 $0x860, s3;
	vm6 =	vgt.s32 v25, $0xFFFFFFE1;
	vm8 =	vgt.s32 v48, $0xFFFFFFE1;
	vm9 =	vgt.s32 v50, $0xFFFFFFE1  }
0x5e5: {  	[tilespmem:s17+$0x2810] =	vst v62;
	v62 =	vld [tilespmem:s7+$0xC380];
	vm10 =	vgt.s32 v52, $0xFFFFFFE1;
	vm3 =	vgt.s32 v54, $0xFFFFFFE1;
	vm4 =	vgt.s32 v55, $0xFFFFFFE1  }
0x5e6: {  	[tilespmem:s1+$0x14B80] =	vst v20;
	vm5 =	vgt.s32 v60, $0xFFFFFFE1;
	v18 =	vnsel vm0, $0xFFFFFFE1, v19;
	v19 =	vnsel vm1, $0xFFFFFFE1, v21  }
0x5e7: {  	s13 =	sor.u32 $0x60, s3;
	v23 =	vld.idx.msk [tilespmem:v36+s5+$0x0], $0xffff;
	[tilespmem:s1+$0x15380] =	vst v63;
	v21 =	vnsel vm6, $0xFFFFFFE1, v25;
	v63 =	vnsel vm8, $0xFFFFFFE1, v48;
	v7 =	vnsel vm9, $0xFFFFFFE1, v50  }
0x5e8: {  	[tilespmem:s17+$0x3040] =	vst v0;
	v61 =	vld [tilespmem:s13+$0xC380];
	v5 =	vnsel vm3, $0xFFFFFFE1, v54;
	v0 =	vnsel vm4, $0xFFFFFFE1, v55;
	v4 =	vnsel vm5, $0xFFFFFFE1, v60  }
0x5e9: {  	vm7 =	vlt.s32 v18, $0x1F;
	vm2 =	vlt.s32 v19, $0x1F;
	vm0 =	vlt.s32 v21, $0x1F  }
0x5ea: {  	s3 =	sor.u32 $0x1060, s3;
	[tilespmem:s0+$0x3060] =	vst v17;
	vm6 =	vgt.s32 v62, $0xFFFFFFE1;
	vm13 =	vlt.s32 v63, $0x1F;
	vm14 =	vlt.s32 v7, $0x1F  }
0x5eb: {  	s10 =	sadd.s32 $0x400, s10;
	v17 =	vld [tilespmem:s3+$0xC380];
	vm3 =	vlt.s32 v5, $0x1F;
	vm4 =	vlt.s32 v0, $0x1F;
	vm5 =	vlt.s32 v4, $0x1F  }
0x5ec: {  	v10 =	vld [tilespmem:$0x1FE80];
	s24 =	sand.u32 $0x380, s8;
	s1 =	smov.u32 s20;
	s20 =	sand.u32 $0x400, s10;
	[tilespmem:s0+$0x3860] =	vst v9;
	v18 =	vnsel vm7, $0x1F, v18;
	v19 =	vnsel vm2, $0x1F, v19;
	v21 =	vnsel vm0, $0x1F, v21  }
0x5ed: {  	[tilespmem:s0+$0x3850] =	vst v22;
	s20 =	sor.u32 s24, s20;
	v22 =	vld.idx.msk [tilespmem:v37+s5+$0x0], $0xffff;
	vm11 =	vgt.s32 v61, $0xFFFFFFE1;
	v37 =	vnsel vm6, $0xFFFFFFE1, v62;
	v41 =	vnsel vm13, $0x1F, v63  }
0x5ee: {  	v58 =	vld [tilespmem:s20+$0xC380];
	v42 =	vnsel vm14, $0x1F, v7;
	v5 =	vnsel vm3, $0x1F, v5;
	v0 =	vnsel vm4, $0x1F, v0  }
0x5ef: {  	[tilespmem:s0+$0x3020] =	vst v1;
	v24 =	vld.idx.msk [tilespmem:v35+s22+$0x0], $0xffff;
	v4 =	vnsel vm5, $0x1F, v4;
	v18 =	vmul.u32 $0x237, v18;
	v19 =	vmul.u32 $0x9, v19  }
0x5f0: {  	[tilespmem:s0+$0x3030] =	vst v2;
	v46 =	vshll.u32 v21, $0x7;
	vm12 =	vgt.s32 v17, $0xFFFFFFE1;
	v36 =	vnsel vm11, $0xFFFFFFE1, v61  }
0x5f1: {  	v59 =	vld [tilespmem:$0x1FE70];
	[tilespmem:s17+$0x2010] =	vst v6;
	vm7 =	vlt.s32 v37, $0x1F;
	v2 =	vmul.u32 $0x237, v41;
	v6 =	vmul.u32 $0x9, v42  }
0x5f2: {  	[tilespmem:s0+$0x3010] =	vst v26;
	v60 =	vld [tilespmem:$0x1FE60];
	v5 =	vmul.u32 $0x237, v5;
	v0 =	vmul.u32 $0x9, v0;
	v9 =	vadd.s32 v10, v46  }
0x5f3: {  	[tilespmem:s0+$0x3050] =	vst v3;
	v26 =	vld.idx.msk [tilespmem:v32+s5+$0x0], $0xffff;
	v39 =	vnsel vm12, $0xFFFFFFE1, v17;
	vm15 =	vlt.s32 v36, $0x1F;
	v3 =	vnsel vm7, $0x1F, v37  }
0x5f4: {  	[tilespmem:s0+$0x3810] =	vst v27;
	v25 =	vld.idx.msk [tilespmem:v34+s22+$0x0], $0xffff;
	v56 =	vadd.s32 v15, v46;
	vm12 =	vgt.s32 v58, $0xFFFFFFE1;
	v24 =	vadd.bf16 v24, v22  }
0x5f5: {  	[tilespmem:s0+$0x3820] =	vst v38;
	v27 =	vld.idx.msk [tilespmem:v33+s22+$0x0], $0xffff;
	v22 =	vunpack.i.u.bf16.f32 v16;
	v21 =	vadd.s32 v18, v19;
	v9 =	vand.u32 $0xFFFFFF80, v9  }
0x5f6: {  	[tilespmem:s17+$0x2820] =	vst v47;
	v19 =	vnsel vm10, $0xFFFFFFE1, v52;
	vm8 =	vlt.s32 v39, $0x1F;
	v1 =	vnsel vm15, $0x1F, v36  }
0x5f7: {  	[tilespmem:s17+$0x3070] =	vst v8;
	v18 =	vld.idx.msk [tilespmem:v28+s22+$0x0], $0xffff;
	v28 =	vadd.s32 v60, v46;
	v3 =	vmul.u32 $0x9, v3;
	v8 =	vadd.s32 $0x45C4, v21  }
0x5f8: {  	v33 =	vadd.s32 v2, v6;
	v35 =	vand.u32 $0xFFFFFF80, v56;
	v9 =	vor.u32 v59, v9  }
0x5f9: {  	[tilespmem:s0+$0x3830] =	vst v51;
	v58 =	vnsel vm12, $0xFFFFFFE1, v58;
	v46 =	vadd.s32 v12, v46;
	v25 =	vadd.bf16 v25, v23  }
0x5fa: {  	[tilespmem:s17+$0x2830] =	vst v49;
	v23 =	vadd.bf16 v27, v26;
	vm2 =	vlt.s32 v19, $0x1F;
	v28 =	vand.u32 $0xFFFFFF80, v28  }
0x5fb: {  	v20 =	vld.idx.msk [tilespmem:v29+s22+$0x0], $0xffff;
	v29 =	vnsel vm8, $0x1F, v39;
	v1 =	vmul.u32 $0x237, v1;
	v52 =	vadd.s32 $0x45C4, v33  }
0x5fc: {  	v35 =	vor.u32 v11, v35;
	v38 =	vadd.s32 $0x45C6, v33;
	vm14 =	vlt.s32 v58, $0x1F;
	v8 =	vld.idx.msk [tilespmem:v8+s5+$0x0], $0xffff  }
0x5fd: {  	v46 =	vand.u32 $0xFFFFFF80, v46;
	v43 =	vnsel vm2, $0x1F, v19;
	v28 =	vor.u32 v14, v28;
	v9 =	vld.idx.msk [tilespmem:v9+s22+$0x0], $0xffff  }
0x5fe: {  	v19 =	vld.idx.msk [tilespmem:v30+s5+$0x0], $0xffff;
	v30 =	vshll.u32 v4, $0x7;
	v32 =	vshll.u32 v29, $0x7;
	v29 =	vadd.s32 v5, v0  }
0x5ff: {  	v17 =	vld.idx.msk [tilespmem:v31+s5+$0x0], $0xffff;
	v46 =	vor.u32 v13, v46;
	v31 =	vshll.u32 v43, $0x7;
	v47 =	vadd.s32 v10, v30  }
0x600: {  	v49 =	vadd.s32 v10, v32;
	v4 =	vadd.s32 $0x45C4, v29;
	v55 =	vadd.s32 v60, v32  }
0x601: {  	[tilespmem:s17+$0x3840] =	vst v53;
	v56 =	vld [tilespmem:s20+$0xD3B0];
	v62 =	vadd.s32 v15, v32;
	v45 =	vadd.s32 v10, v31;
	v53 =	vand.u32 $0xFFFFFF80, v49  }
0x602: {  	v34 =	vand.u32 $0xFFFFFF80, v55;
	v49 =	vld [tilespmem:s20+$0xD380];
	v8 =	vadd.bf16 v9, v8;
	v9 =	vadd.s32 $0x45C5, v21  }
0x603: {  	v51 =	vand.u32 $0xFFFFFF80, v47;
	v40 =	vor.u32 v14, v34;
	v34 =	vand.u32 $0xFFFFFF80, v62;
	v62 =	vld [tilespmem:s20+$0xC3A0]  }
0x604: {  	v54 =	vadd.s32 v60, v31;
	v0 =	vor.u32 v59, v51;
	v51 =	vld [tilespmem:s20+$0xC3B0];
	v44 =	vunpack.i.l.bf16.f32 v8  }
0x605: {  	v48 =	vand.u32 $0xFFFFFF80, v45;
	v7 =	vand.u32 $0xFFFFFF80, v54;
	v54 =	vld [tilespmem:s20+$0xCBB0];
	v8 =	vunpack.i.u.bf16.f32 v8;
	[tilespmem:s15+$0x11B80] =	vst v44  }
0x606: {  	v43 =	vadd.s32 $0x45C5, v29;
	v37 =	vadd.s32 $0x45C6, v29;
	v2 =	vor.u32 v59, v48;
	v4 =	vld.idx.msk [tilespmem:v4+s5+$0x0], $0xffff;
	[tilespmem:s16+$0x11B80] =	vst v8  }
0x607: {  	v45 =	vadd.s32 $0x45C5, v33;
	vm12 =	vgt.s32 v56, $0xFFFFFFE1;
	vm15 =	vgt.s32 v49, $0xFFFFFFE1;
	v8 =	vld.idx.msk [tilespmem:v9+s5+$0x0], $0xffff  }
0x608: {  	v34 =	vor.u32 v11, v34;
	v49 =	vnsel vm15, $0xFFFFFFE1, v49;
	vm7 =	vgt.s32 v62, $0xFFFFFFE1;
	v50 =	vld.idx.msk [tilespmem:v28+s22+$0x0], $0xffff  }
0x609: {  	vm10 =	vgt.s32 v51, $0xFFFFFFE1;
	v0 =	vld.idx.msk [tilespmem:v0+s22+$0x0], $0xffff;
	v44 =	vor.u32 v14, v7;
	v9 =	vadd.s32 v60, v30  }
0x60a: {  	v7 =	vld [tilespmem:s20+$0xCB80];
	v28 =	vadd.s32 v1, v3;
	v3 =	vor.u32 v59, v53;
	v9 =	vand.u32 $0xFFFFFF80, v9  }
0x60b: {  	v2 =	vld.idx.msk [tilespmem:v2+s22+$0x0], $0xffff;
	v5 =	vadd.s32 $0x45C4, v28;
	v41 =	vor.u32 v14, v9;
	v9 =	vadd.s32 v15, v31  }
0x60c: {  	vm11 =	vgt.s32 v54, $0xFFFFFFE1;
	vm1 =	vlt.s32 v49, $0x1F;
	v1 =	vld.idx.msk [tilespmem:v52+s5+$0x0], $0xffff;
	v61 =	vand.u32 $0xFFFFFF80, v9  }
0x60d: {  	v39 =	vor.u32 v11, v61;
	v61 =	vld [tilespmem:s20+$0xCB90];
	v6 =	vadd.bf16 v50, v8;
	v8 =	vadd.s32 $0x45C6, v21  }
0x60e: {  	v49 =	vnsel vm1, $0x1F, v49;
	v0 =	vadd.bf16 v0, v4;
	v42 =	vadd.s32 $0x45C5, v28;
	v50 =	vld [tilespmem:s20+$0xCBA0]  }
0x60f: {  	v9 =	vadd.s32 v15, v30;
	vm13 =	vgt.s32 v7, $0xFFFFFFE1;
	v3 =	vld.idx.msk [tilespmem:v3+s22+$0x0], $0xffff;
	v57 =	vunpack.i.l.bf16.f32 v6  }
0x610: {  	s0 =	smov.u32 s17;
	s17 =	sadd.s32 $0x11B80, s20;
	v9 =	vand.u32 $0xFFFFFF80, v9;
	v7 =	vnsel vm13, $0xFFFFFFE1, v7;
	v5 =	vld.idx.msk [tilespmem:v5+s5+$0x0], $0xffff;
	v6 =	vunpack.i.u.bf16.f32 v6;
	[tilespmem:s14+$0x11B80] =	vst v57  }
0x611: {  	v55 =	vadd.bf16 v2, v1;
	v1 =	vnsel vm14, $0x1F, v58;
	vm0 =	vlt.s32 v7, $0x1F;
	v57 =	vld [tilespmem:s20+$0xC390];
	[tilespmem:s17+$0x1870] =	vst v6  }
0x612: {  	v21 =	vadd.s32 $0x45C7, v21;
	v58 =	vnsel vm10, $0xFFFFFFE1, v51;
	v51 =	vshll.u32 v49, $0x7;
	v8 =	vld.idx.msk [tilespmem:v8+s5+$0x0], $0xffff  }
0x613: {  	vm15 =	vlt.s32 v58, $0x1F;
	v7 =	vnsel vm0, $0x1F, v7;
	v1 =	vmul.u32 $0x237, v1;
	v63 =	vld.idx.msk [tilespmem:v35+s22+$0x0], $0xffff  }
0x614: {  	v49 =	vadd.s32 v10, v51;
	v53 =	vunpack.i.u.bf16.f32 v55;
	v35 =	vor.u32 v11, v9;
	v9 =	vld [tilespmem:s20+$0xD390]  }
0x615: {  	v7 =	vmul.u32 $0x9, v7;
	v55 =	vunpack.i.l.bf16.f32 v55;
	vm5 =	vgt.s32 v61, $0xFFFFFFE1  }
0x616: {  	v2 =	vnsel vm5, $0xFFFFFFE1, v61;
	vm8 =	vgt.s32 v50, $0xFFFFFFE1;
	vm4 =	vgt.s32 v57, $0xFFFFFFE1  }
0x617: {  	v61 =	vnsel vm11, $0xFFFFFFE1, v54;
	v3 =	vadd.bf16 v3, v5;
	v6 =	vnsel vm4, $0xFFFFFFE1, v57  }
0x618: {  	v57 =	vnsel vm8, $0xFFFFFFE1, v50;
	vm4 =	vlt.s32 v2, $0x1F;
	v8 =	vadd.bf16 v63, v8  }
0x619: {  	vm6 =	vgt.s32 v9, $0xFFFFFFE1;
	vm2 =	vlt.s32 v6, $0x1F;
	vm13 =	vlt.s32 v57, $0x1F  }
0x61a: {  	v2 =	vnsel vm4, $0x1F, v2;
	v9 =	vnsel vm6, $0xFFFFFFE1, v9;
	v6 =	vnsel vm2, $0x1F, v6  }
0x61b: {  	v63 =	vld [tilespmem:s20+$0xD3A0];
	v2 =	vmul.u32 $0x9, v2;
	v52 =	vunpack.i.l.bf16.f32 v8;
	v8 =	vunpack.i.u.bf16.f32 v8  }
0x61c: {  	vm5 =	vlt.s32 v9, $0x1F;
	v6 =	vmul.u32 $0x237, v6;
	[tilespmem:s17+$0x2870] =	vst v8;
	v8 =	vnsel vm7, $0xFFFFFFE1, v62  }
0x61d: {  	[tilespmem:s17+$0x2070] =	vst v52;
	v52 =	vnsel vm12, $0xFFFFFFE1, v56;
	v9 =	vnsel vm5, $0x1F, v9;
	v62 =	vnsel vm13, $0x1F, v57  }
0x61e: {  	v56 =	vnsel vm15, $0x1F, v58;
	v58 =	vand.u32 $0xFFFFFF80, v49;
	v21 =	vld.idx.msk [tilespmem:v21+s5+$0x0], $0xffff;
	vm6 =	vlt.s32 v8, $0x1F  }
0x61f: {  	v46 =	vld.idx.msk [tilespmem:v46+s22+$0x0], $0xffff;
	vm10 =	vlt.s32 v52, $0x1F;
	v54 =	vshll.u32 v9, $0x7;
	v9 =	vmul.u32 $0x9, v62  }
0x620: {  	v49 =	vadd.s32 v6, v2;
	vm9 =	vgt.s32 v63, $0xFFFFFFE1;
	v8 =	vnsel vm6, $0x1F, v8  }
0x621: {  	v62 =	vadd.s32 v10, v54;
	v48 =	vnsel vm9, $0xFFFFFFE1, v63;
	vm9 =	vlt.s32 v61, $0x1F  }
0x622: {  	v8 =	vmul.u32 $0x237, v8;
	v62 =	vand.u32 $0xFFFFFF80, v62;
	vm14 =	vlt.s32 v48, $0x1F  }
0x623: {  	v57 =	vnsel vm9, $0x1F, v61;
	v61 =	vnsel vm10, $0x1F, v52;
	v2 =	vor.u32 v59, v62  }
0x624: {  	v48 =	vnsel vm14, $0x1F, v48;
	v52 =	vshll.u32 v61, $0x7;
	v21 =	vadd.bf16 v46, v21  }
0x625: {  	v47 =	vadd.s32 v8, v9;
	v8 =	vor.u32 v59, v58;
	v9 =	vadd.s32 $0x45C4, v49  }
0x626: {  	v50 =	vshll.u32 v48, $0x7;
	v46 =	vmul.u32 $0x237, v56;
	v63 =	vunpack.i.u.bf16.f32 v21  }
0x627: {  	v56 =	vmul.u32 $0x9, v57;
	v48 =	vadd.s32 v1, v7;
	[tilespmem:s17+$0x3870] =	vst v63;
	v63 =	vadd.s32 v10, v50  }
0x628: {  	v61 =	vadd.s32 v10, v52;
	v1 =	vand.u32 $0xFFFFFF80, v63;
	v63 =	vadd.s32 $0x45C4, v48  }
0x629: {  	v7 =	vand.u32 $0xFFFFFF80, v61;
	v46 =	vadd.s32 v46, v56;
	v56 =	vadd.s32 $0x45C4, v47  }
0x62a: {  	[tilespmem:s12+$0x11B80] =	vst v55;
	v55 =	vunpack.i.u.bf16.f32 v3;
	v4 =	vadd.s32 v60, v54;
	v7 =	vor.u32 v59, v7;
	v2 =	vld.idx.msk [tilespmem:v2+s22+$0x0], $0xffff  }
0x62b: {  	v3 =	vunpack.i.l.bf16.f32 v3;
	v4 =	vand.u32 $0xFFFFFF80, v4;
	v57 =	vadd.s32 $0x45C4, v46;
	v8 =	vld.idx.msk [tilespmem:v8+s22+$0x0], $0xffff  }
0x62c: {  	v58 =	vadd.s32 v60, v51;
	v5 =	vadd.s32 v60, v50;
	v9 =	vld.idx.msk [tilespmem:v9+s5+$0x0], $0xffff;
	v1 =	vor.u32 v59, v1  }
0x62d: {  	[tilespmem:s13+$0x11B80] =	vst v3;
	v59 =	vadd.s32 v60, v52;
	v60 =	vunpack.i.u.bf16.f32 v0;
	v0 =	vunpack.i.l.bf16.f32 v0;
	v6 =	vld.idx.msk [tilespmem:v63+s5+$0x0], $0xffff  }
0x62e: {  	v36 =	vadd.s32 $0x45C6, v28;
	v31 =	vadd.s32 v12, v31;
	[tilespmem:s6+$0x11B80] =	vst v0;
	v0 =	vor.u32 v14, v4;
	v4 =	vld.idx.msk [tilespmem:v56+s5+$0x0], $0xffff  }
0x62f: {  	v30 =	vadd.s32 v12, v30;
	[tilespmem:s7+$0x11B80] =	vst v55;
	v58 =	vand.u32 $0xFFFFFF80, v58;
	v55 =	vadd.s32 v15, v52;
	v7 =	vld.idx.msk [tilespmem:v7+s22+$0x0], $0xffff  }
0x630: {  	[tilespmem:s23+$0x11B80] =	vst v53;
	v53 =	vadd.s32 $0x45C5, v48;
	v58 =	vor.u32 v14, v58;
	v5 =	vand.u32 $0xFFFFFF80, v5;
	v57 =	vld.idx.msk [tilespmem:v57+s5+$0x0], $0xffff  }
0x631: {  	v61 =	vadd.s32 $0x45C5, v49;
	v55 =	vand.u32 $0xFFFFFF80, v55;
	v5 =	vor.u32 v14, v5;
	v1 =	vld.idx.msk [tilespmem:v1+s22+$0x0], $0xffff  }
0x632: {  	v59 =	vand.u32 $0xFFFFFF80, v59;
	[tilespmem:s11+$0x11B80] =	vst v60;
	v60 =	vadd.s32 v15, v51;
	v6 =	vadd.bf16 v8, v6  }
0x633: {  	v45 =	vld.idx.msk [tilespmem:v45+s5+$0x0], $0xffff;
	v59 =	vor.u32 v14, v59;
	v3 =	vand.u32 $0xFFFFFF80, v60;
	v60 =	vadd.s32 v15, v54  }
0x634: {  	v2 =	vadd.bf16 v2, v9;
	v9 =	vld.idx.msk [tilespmem:v44+s22+$0x0], $0xffff;
	v10 =	vunpack.i.u.bf16.f32 v6;
	v6 =	vunpack.i.l.bf16.f32 v6  }
0x635: {  	v62 =	vadd.s32 $0x45C5, v46;
	v54 =	vadd.s32 v12, v54;
	v44 =	vld.idx.msk [tilespmem:v43+s5+$0x0], $0xffff;
	v7 =	vadd.bf16 v7, v57;
	[tilespmem:s20+$0x11B80] =	vst v6  }
0x636: {  	v57 =	vld.idx.msk [tilespmem:v40+s22+$0x0], $0xffff;
	v1 =	vadd.bf16 v1, v4;
	[tilespmem:s20+$0x12380] =	vst v10;
	v10 =	vunpack.i.u.bf16.f32 v2;
	v2 =	vunpack.i.l.bf16.f32 v2  }
0x637: {  	v56 =	vadd.s32 $0x45C5, v47;
	v63 =	vadd.s32 v15, v50;
	v3 =	vor.u32 v11, v3;
	v4 =	vld.idx.msk [tilespmem:v41+s22+$0x0], $0xffff;
	[tilespmem:s20+$0x11B90] =	vst v2  }
0x638: {  	v63 =	vand.u32 $0xFFFFFF80, v63;
	v41 =	vld.idx.msk [tilespmem:v42+s5+$0x0], $0xffff;
	[tilespmem:s20+$0x12390] =	vst v10;
	v10 =	vunpack.i.u.bf16.f32 v1;
	v1 =	vunpack.i.l.bf16.f32 v1  }
0x639: {  	v43 =	vadd.s32 $0x45C6, v46;
	v63 =	vor.u32 v11, v63;
	v40 =	vadd.s32 $0x45C7, v33;
	v53 =	vld.idx.msk [tilespmem:v53+s5+$0x0], $0xffff;
	[tilespmem:s20+$0x11BA0] =	vst v1  }
0x63a: {  	v9 =	vadd.bf16 v9, v45;
	v58 =	vld.idx.msk [tilespmem:v58+s22+$0x0], $0xffff;
	[tilespmem:s20+$0x123A0] =	vst v10;
	v10 =	vunpack.i.u.bf16.f32 v7;
	v7 =	vunpack.i.l.bf16.f32 v7  }
0x63b: {  	v8 =	vand.u32 $0xFFFFFF80, v60;
	v60 =	vadd.s32 $0x45C6, v48;
	v45 =	vld.idx.msk [tilespmem:v61+s5+$0x0], $0xffff;
	v61 =	vadd.s32 v12, v51;
	[tilespmem:s20+$0x11BB0] =	vst v7  }
0x63c: {  	v0 =	vld.idx.msk [tilespmem:v0+s22+$0x0], $0xffff;
	[tilespmem:s20+$0x123B0] =	vst v10;
	v10 =	vunpack.i.u.bf16.f32 v9;
	v9 =	vunpack.i.l.bf16.f32 v9;
	v4 =	vadd.bf16 v4, v44  }
0x63d: {  	v7 =	vand.u32 $0xFFFFFF80, v31;
	v31 =	vadd.s32 v12, v32;
	v51 =	vld.idx.msk [tilespmem:v56+s5+$0x0], $0xffff;
	[tilespmem:s4+$0x11B80] =	vst v9;
	v9 =	vand.u32 $0xFFFFFF80, v30  }
0x63e: {  	v5 =	vld.idx.msk [tilespmem:v5+s22+$0x0], $0xffff;
	v30 =	vadd.bf16 v57, v41;
	[tilespmem:s17+$0x1840] =	vst v10;
	v10 =	vunpack.i.u.bf16.f32 v4;
	v4 =	vunpack.i.l.bf16.f32 v4  }
0x63f: {  	v8 =	vor.u32 v11, v8;
	v6 =	vadd.s32 $0x45C6, v49;
	v42 =	vld.idx.msk [tilespmem:v62+s5+$0x0], $0xffff;
	v57 =	vand.u32 $0xFFFFFF80, v31;
	[tilespmem:s30+$0x11B80] =	vst v4  }
0x640: {  	v31 =	vadd.bf16 v58, v53;
	v58 =	vld.idx.msk [tilespmem:v59+s22+$0x0], $0xffff;
	[tilespmem:s17+$0x1850] =	vst v10;
	v10 =	vunpack.i.u.bf16.f32 v30;
	v30 =	vunpack.i.l.bf16.f32 v30  }
0x641: {  	v2 =	vadd.s32 $0x45C6, v47;
	v1 =	vor.u32 v11, v55;
	v32 =	vand.u32 $0xFFFFFF80, v61;
	v59 =	vld.idx.msk [tilespmem:v38+s5+$0x0], $0xffff;
	[tilespmem:s3+$0x11B80] =	vst v30  }
0x642: {  	v61 =	vld.idx.msk [tilespmem:v39+s22+$0x0], $0xffff;
	v0 =	vadd.bf16 v0, v45;
	v30 =	vunpack.i.u.bf16.f32 v31;
	v31 =	vunpack.i.l.bf16.f32 v31;
	[tilespmem:s17+$0x1860] =	vst v10  }
0x643: {  	v55 =	vadd.s32 v12, v50;
	v56 =	vadd.s32 v12, v52;
	v39 =	vadd.s32 $0x45C7, v29;
	v62 =	vld.idx.msk [tilespmem:v37+s5+$0x0], $0xffff;
	[tilespmem:s20+$0x12B80] =	vst v31  }
0x644: {  	v5 =	vadd.bf16 v5, v51;
	[tilespmem:s20+$0x13380] =	vst v30;
	v29 =	vunpack.i.u.bf16.f32 v0;
	v0 =	vunpack.i.l.bf16.f32 v0;
	v30 =	vld.idx.msk [tilespmem:v35+s22+$0x0], $0xffff  }
0x645: {  	v44 =	vand.u32 $0xFFFFFF80, v54;
	v52 =	vand.u32 $0xFFFFFF80, v55;
	v38 =	vor.u32 v13, v9;
	[tilespmem:s20+$0x12B90] =	vst v0;
	v0 =	vld.idx.msk [tilespmem:v36+s5+$0x0], $0xffff  }
0x646: {  	[tilespmem:s17+$0x1810] =	vst v29;
	v54 =	vunpack.i.u.bf16.f32 v5;
	v5 =	vunpack.i.l.bf16.f32 v5;
	v55 =	vld.idx.msk [tilespmem:v34+s22+$0x0], $0xffff;
	v9 =	vadd.bf16 v58, v42  }
0x647: {  	v41 =	vor.u32 v13, v7;
	v10 =	vand.u32 $0xFFFFFF80, v56;
	v35 =	vor.u32 v13, v57;
	v56 =	vld.idx.msk [tilespmem:v60+s5+$0x0], $0xffff;
	[tilespmem:s20+$0x12BA0] =	vst v5  }
0x648: {  	s21 =	sadd.s32 $0x8, s21;
	v3 =	vld.idx.msk [tilespmem:v3+s22+$0x0], $0xffff;
	[tilespmem:s17+$0x1820] =	vst v54;
	v57 =	vunpack.i.u.bf16.f32 v9;
	v58 =	vunpack.i.l.bf16.f32 v9;
	v9 =	vadd.bf16 v61, v59  }
0x649: {  	p1 =	slt.u32 s21, $0x78;
	v33 =	vor.u32 v13, v44;
	v37 =	vadd.s32 $0x45C7, v28;
	v28 =	vor.u32 v13, v52;
	v45 =	vld.idx.msk [tilespmem:v6+s5+$0x0], $0xffff;
	[tilespmem:s20+$0x12BB0] =	vst v58  }
.Ltmp3:
0x64a: {  	v36 =	vadd.s32 $0x45C7, v48;
	v48 =	vld.idx.msk [tilespmem:v8+s22+$0x0], $0xffff;
	[tilespmem:s17+$0x1830] =	vst v57;
	v61 =	vadd.bf16 v30, v62;
	v60 =	vunpack.i.l.bf16.f32 v9;
	(pc) =	sbr.rel @p1 .LBB2_9-.Ltmp3, $4  }
0x64b: {  	v31 =	vadd.s32 $0x45C7, v47;
	v34 =	vor.u32 v13, v32;
	v44 =	vld.idx.msk [tilespmem:v2+s5+$0x0], $0xffff;
	v59 =	vunpack.i.u.bf16.f32 v9;
	[tilespmem:s17+$0x2040] =	vst v60  }
0x64c: {  	v30 =	vadd.s32 $0x45C7, v46;
	v46 =	vld.idx.msk [tilespmem:v63+s22+$0x0], $0xffff;
	v0 =	vadd.bf16 v55, v0;
	[tilespmem:s17+$0x2840] =	vst v59;
	v63 =	vunpack.i.l.bf16.f32 v61  }
0x64d: {  	v32 =	vadd.s32 $0x45C7, v49;
	v29 =	vor.u32 v13, v10;
	v42 =	vld.idx.msk [tilespmem:v43+s5+$0x0], $0xffff;
	v62 =	vunpack.i.u.bf16.f32 v61;
	[tilespmem:s17+$0x2050] =	vst v63  }
0x64e: {  	p0 =	por !p0, !p0;
	v27 =	vadd.bf16 v3, v56;
	v26 =	vld.idx.msk [tilespmem:v1+s22+$0x0], $0xffff;
	[tilespmem:s17+$0x2850] =	vst v62;
	v43 =	vunpack.i.u.bf16.f32 v0;
	v47 =	vunpack.i.l.bf16.f32 v0  }
0x64f: {  	_ =	sdelay $0x1  }
0x650: {  	[tilespmem:s17+$0x2060] =	vst v47  }
0x651: {  	v2 =	vadd.bf16 v48, v45;
	[tilespmem:s17+$0x2860] =	vst v43;
	v1 =	vunpack.i.l.bf16.f32 v27  }
0x652: {  	v0 =	vld.idx.msk [tilespmem:v40+s5+$0x0], $0xffff;
	v3 =	vunpack.i.u.bf16.f32 v27;
	[tilespmem:s20+$0x13B80] =	vst v1  }
0x653: {  	v4 =	vld.idx.msk [tilespmem:v41+s22+$0x0], $0xffff;
	[tilespmem:s20+$0x14380] =	vst v3;
	v1 =	vunpack.i.l.bf16.f32 v2;
	v3 =	vadd.bf16 v46, v44  }
0x654: {  	v2 =	vunpack.i.u.bf16.f32 v2;
	[tilespmem:s17+$0x2010] =	vst v1  }
0x655: {  	[tilespmem:s17+$0x2810] =	vst v2;
	v1 =	vunpack.i.l.bf16.f32 v3  }
0x656: {  	v3 =	vunpack.i.u.bf16.f32 v3;
	[tilespmem:s17+$0x2020] =	vst v1  }
0x657: {  	v2 =	vadd.bf16 v26, v42;
	[tilespmem:s17+$0x2820] =	vst v3;
	v3 =	vunpack.i.u.bf16.f32 v25  }
0x658: {  	v0 =	vadd.bf16 v4, v0;
	v4 =	vunpack.i.l.bf16.f32 v23;
	[tilespmem:s1+$0x15380] =	vst v3  }
0x659: {  	v1 =	vunpack.i.l.bf16.f32 v2;
	[tilespmem:s0+$0x3010] =	vst v4  }
0x65a: {  	v2 =	vunpack.i.u.bf16.f32 v2;
	[tilespmem:s17+$0x2030] =	vst v1  }
0x65b: {  	[tilespmem:s17+$0x2830] =	vst v2;
	v1 =	vunpack.i.l.bf16.f32 v0  }
0x65c: {  	v0 =	vunpack.i.u.bf16.f32 v0;
	[tilespmem:s17+$0x3040] =	vst v1  }
0x65d: {  	v2 =	vunpack.i.l.bf16.f32 v25;
	[tilespmem:s17+$0x3840] =	vst v0  }
0x65e: {  	v5 =	vld.idx.msk [tilespmem:v37+s5+$0x0], $0xffff;
	v1 =	vunpack.i.l.bf16.f32 v16;
	[tilespmem:s1+$0x14B80] =	vst v2  }
0x65f: {  	v6 =	vld.idx.msk [tilespmem:v35+s22+$0x0], $0xffff;
	v0 =	vunpack.i.l.bf16.f32 v24;
	[tilespmem:s0+$0x3050] =	vst v1  }
0x660: {  	v8 =	vld.idx.msk [tilespmem:v36+s5+$0x0], $0xffff;
	v1 =	vunpack.i.u.bf16.f32 v24;
	[tilespmem:s0+$0x3060] =	vst v0  }
0x661: {  	v2 =	vadd.bf16 v18, v17;
	v0 =	vunpack.i.l.bf16.f32 v21;
	[tilespmem:s0+$0x3860] =	vst v1;
	v1 =	vld.idx.msk [tilespmem:v39+s5+$0x0], $0xffff  }
0x662: {  	v3 =	vunpack.i.u.bf16.f32 v23;
	[tilespmem:s17+$0x3070] =	vst v0;
	v0 =	vld.idx.msk [tilespmem:v38+s22+$0x0], $0xffff  }
0x663: {  	v4 =	vadd.bf16 v20, v19;
	[tilespmem:s0+$0x3810] =	vst v3;
	v3 =	vld.idx.msk [tilespmem:v34+s22+$0x0], $0xffff;
	v7 =	vunpack.i.l.bf16.f32 v2  }
0x664: {  	v2 =	vunpack.i.u.bf16.f32 v2;
	[tilespmem:s0+$0x3020] =	vst v7  }
0x665: {  	[tilespmem:s0+$0x3820] =	vst v2;
	v2 =	vunpack.i.u.bf16.f32 v4  }
0x666: {  	v7 =	vunpack.i.l.bf16.f32 v4;
	v4 =	vld.idx.msk [tilespmem:v33+s22+$0x0], $0xffff;
	[tilespmem:s0+$0x3830] =	vst v2;
	v2 =	vadd.bf16 v6, v5  }
0x667: {  	[tilespmem:s0+$0x3850] =	vst v22;
	v0 =	vadd.bf16 v0, v1;
	v1 =	vld.idx.msk [tilespmem:v32+s5+$0x0], $0xffff  }
0x668: {  	[tilespmem:s0+$0x3030] =	vst v7;
	v7 =	vld.idx.msk [tilespmem:v31+s5+$0x0], $0xffff;
	v3 =	vadd.bf16 v3, v8;
	v8 =	vunpack.i.l.bf16.f32 v2  }
0x669: {  	v6 =	vld.idx.msk [tilespmem:v28+s22+$0x0], $0xffff;
	[tilespmem:s17+$0x3060] =	vst v8;
	v5 =	vunpack.i.l.bf16.f32 v0  }
0x66a: {  	v0 =	vunpack.i.u.bf16.f32 v0;
	[tilespmem:s17+$0x3050] =	vst v5;
	v5 =	vld.idx.msk [tilespmem:v30+s5+$0x0], $0xffff  }
0x66b: {  	v2 =	vunpack.i.u.bf16.f32 v2;
	[tilespmem:s17+$0x3850] =	vst v0;
	v0 =	vld.idx.msk [tilespmem:v29+s22+$0x0], $0xffff  }
0x66c: {  	[tilespmem:s17+$0x3860] =	vst v2;
	v2 =	vunpack.i.u.bf16.f32 v3;
	v1 =	vadd.bf16 v4, v1  }
0x66d: {  	[tilespmem:s20+$0x15380] =	vst v2;
	v4 =	vunpack.i.l.bf16.f32 v3  }
0x66e: {  	v3 =	vadd.bf16 v6, v7;
	[tilespmem:s20+$0x14B80] =	vst v4;
	v4 =	vunpack.i.l.bf16.f32 v1  }
0x66f: {  	v1 =	vunpack.i.u.bf16.f32 v1;
	[tilespmem:s17+$0x3010] =	vst v4  }
0x670: {  	v2 =	vunpack.i.l.bf16.f32 v3;
	v0 =	vadd.bf16 v0, v5;
	[tilespmem:s17+$0x3810] =	vst v1  }
0x671: {  	v1 =	vunpack.i.u.bf16.f32 v3;
	[tilespmem:s17+$0x3020] =	vst v2  }
0x672: {  	[tilespmem:s17+$0x3820] =	vst v1;
	v2 =	vunpack.i.l.bf16.f32 v0  }
0x673: {  	v0 =	vunpack.i.u.bf16.f32 v0;
	[tilespmem:s17+$0x3030] =	vst v2  }
0x674: {  	s31 =	sadd.s32 $0x1, s31;
	[tilespmem:s17+$0x3830] =	vst v0  }
0x675: {  	p0 =	sne.s32 s31, $0x10;
	v1 =	vld [tilespmem:$0x1FFA0]  }
.Ltmp4:
0x676: {  	v0 =	vld [tilespmem:$0x1FFB0];
	(pc) =	sbr.rel @p0 .LBB2_2-.Ltmp4, $4  }
0x677: {  	v3 =	vld [tilespmem:$0x1FFC0]  }
0x678: {  	s0 =	rddreg [dreg:$0xc];
	v4 =	vld [tilespmem:$0x1FFD0]  }
0x679: {  	s30 =	simm.s32 $0x11B80;
	v51 =	vld [tilespmem:$0x1FFE0];
	s0 =	sadd.s32 s2, s0  }
0x67a: {  	v2 =	vlaneseq.u32;
	v7 =	vld [tilespmem:$0x1FFF0];
	[hbm4b:s0+s18] =	stream.strided.scatter [tilespmem:s30], [sflag:$0x4], $0x4000, s19, s18, $0x38  }
0x67b: {  	_ =	swait.ge [sflag:s28], $0x4000  }
0x67c: {  	[sflag:s28] =	ssyncset.done $0x0  }
0x67d: {  	[sflag:s28] =	ssyncadd.s32 $0xFFFFC000  }
0x67e: {  	_ =	swait.ge [sflag:s29], $0x4000  }
0x67f: {  	s1 =	rddreg [dreg:$0xe]  }
0x680: {  	s0 =	rddreg [dreg:$0xd];
	s1 =	sadd.s32 $0x1, s1  }
0x681: {  	p0 =	sne.s32 s1, s0  }
.Ltmp5:
0x682: {  	_ = 	snop;
	(pc) =	sbr.rel @p0 .LBB2_1-.Ltmp5, $3  }
0x683: {  	_ =	sdelay $0x1  }
0x684: {  	[sflag:s29] =	ssyncset.done $0x0  }
0x685: {  	[sflag:s29] =	ssyncadd.s32 $0xFFFFC000  }
0x686: {  	_ =	sfence.sel $0x180000  }
0x687: {  	[bflag:$0x0] =	sbarrier.arrive $0xFFFF  }
0x688: {  	_ =	strace $0x90000047  }
0x689: {  	s0 =	stileid.u32;
	[bflag:$0x2] =	sbarrier.arrive $0xFFFF  }
0x68a: {  	p0 =	sne.s32 s0, $0x0;
	s0 =	rddreg [dreg:$0x3]  }
0x68b: {  	s0 =	sadd.s32 @!p0 $0x100000, s0  }
0x68c: {  	[sflag:s0] =	ssyncadd.tile.s32 @!p0 $0x1;
	_ =	shalt  }
.Lfunc_end2:
_tile_overlayer_lowered:
.L_overlay_start_2:
0x68d: {  	(tag) =	ssettag $0x2  }
0x68e: {  	s0 =	rddreg [dreg:$0x0];
	s2 =	stileid.u32  }
0x68f: {  	s1 =	rddreg [dreg:$0x1];
	p0 =	sne.s32 s2, $0x0  }
0x690: {  	s3 =	rddreg [dreg:$0x2];
	[bflag:$0x3] =	sbarrier.arrive $0xFFFF;
	s2 =	simm.s32 @!p0 $0x1C05  }
0x691: {  	[timem:s3], [sflag:s2] =	dma.local @!p0 [hbm:s0], s1  }
0x692: {  	s0 =	simm.s32 @!p0 $0x5  }
0x693: {  	_ =	swait.ge @!p0 [sflag:s0], s1  }
0x694: {  	s1 =	ssub.s32 @!p0 $0x0, s1;
	[sflag:s0] =	ssyncset.done @!p0 $0x0  }
0x695: {  	[sflag:s0] =	ssyncadd.s32 @!p0 s1  }
0x696: {  	[bflag:$0x3] =	sbarrier.arrive $0xFFFF  }
0x697: {  	_ =	shalt  }

</sc_bundles>
